<compile_context>
chip_gen: v7x
topology: tpu7x:2x2x1
jax: 0.10.2.dev20260603
libtpu: 0.0.44.dev20260713+nightly
codegen_flags: <defaults>
</compile_context>

<pallas_src>
import functools

import numpy as np
import jax
import jax.numpy as jnp
from jax import lax
from jax.experimental import pallas as pl
from jax.experimental.pallas import tpu as pltpu
from jax.experimental.pallas import tpu_sc as plsc

N = 10000
E = 320000
G = 100
NC, NS, LANES = 2, 16, 16
NW = NC * NS
CH = 125
CPT = E // NW // CH
NBUF = 4
NACC = 10240
RPT = NACC // NS
NP = 10240
PRT = NP // NW
GP = 128
QR = NACC // 4

_MESH = plsc.VectorSubcoreMesh(
    core_axis_name="c", subcore_axis_name="s", num_cores=NC, num_subcores=NS
)

_SC_PARAMS = pltpu.CompilerParams(use_tc_tiling_on_sc=False,
                                  needs_layout_passes=False)
_TC_PARAMS = pltpu.CompilerParams(vmem_limit_bytes=100 * 1024 * 1024)


def _dotT(a, b):
    return lax.dot_general(a, b, (((1,), (1,)), ((), ())),
                           preferred_element_type=jnp.float32)


def _dotN(a, b):
    return lax.dot_general(a, b, (((1,), (0,)), ((), ())),
                           preferred_element_type=jnp.float32)


def _edge_agg(table, edges3d, zeros, width):

    @functools.partial(
        pl.kernel,
        out_type=jax.ShapeDtypeStruct((NC, NACC, width), jnp.float32),
        mesh=_MESH,
        scratch_types=[
            pltpu.VMEM((CPT, CH), jnp.int32),
            pltpu.VMEM((CPT, CH), jnp.int32),
        ] + [pltpu.VMEM((CH, width), jnp.float32) for _ in range(NBUF)]
          + [pltpu.VMEM_SHARED((NACC, width), jnp.float32)]
          + [pltpu.SemaphoreType.DMA for _ in range(NBUF)],
        compiler_params=_SC_PARAMS,
    )
    def k(table_h, edges_h, zeros_h, out_h, src_v, dst_v, *rest):
        bufs = rest[:NBUF]
        acc = rest[NBUF]
        gsem = rest[NBUF + 1:]
        c = lax.axis_index("c")
        s = lax.axis_index("s")
        wid = c * NS + s
        pltpu.sync_copy(zeros_h.at[pl.ds(s * RPT, RPT)],
                        acc.at[pl.ds(s * RPT, RPT)])
        pltpu.sync_copy(edges_h.at[0, pl.ds(wid * CPT, CPT)], src_v)
        pltpu.sync_copy(edges_h.at[1, pl.ds(wid * CPT, CPT)], dst_v)
        for b in range(NBUF):
            pltpu.async_copy(table_h.at[src_v.at[b]], bufs[b], gsem[b])
        plsc.subcore_barrier()

        @pl.loop(0, CPT, step=NBUF)
        def _(g):
            for b in range(NBUF):
                j = g + b
                pltpu.make_async_copy(table_h.at[src_v.at[j]], bufs[b],
                                      gsem[b]).wait()
                pltpu.sync_copy(bufs[b], acc.at[dst_v.at[j]], add=True)
                nxt = j + NBUF

                @pl.when(nxt < CPT)
                def _():
                    pltpu.async_copy(table_h.at[src_v.at[nxt]], bufs[b],
                                     gsem[b])

        plsc.subcore_barrier()
        pltpu.sync_copy(acc.at[pl.ds(s * RPT, RPT)],
                        out_h.at[c, pl.ds(s * RPT, RPT)])

    return k(table, edges3d, zeros)


def _pool_sum(zsum_p, gid3d, zeros_pool):

    @functools.partial(
        pl.kernel,
        out_type=jax.ShapeDtypeStruct((NC, GP, 64), jnp.float32),
        mesh=_MESH,
        scratch_types=[
            pltpu.VMEM((1, PRT // 80, 80), jnp.int32),
            pltpu.VMEM((PRT, 64), jnp.float32),
            pltpu.VMEM_SHARED((GP, 64), jnp.float32),
        ],
        compiler_params=_SC_PARAMS,
    )
    def k(zsum_h, gid_h, zeros_h, outp_h, gv, zbuf, pacc):
        c = lax.axis_index("c")
        s = lax.axis_index("s")
        wid = c * NS + s

        @pl.when(s == 0)
        def _():
            pltpu.sync_copy(zeros_h, pacc)

        pltpu.sync_copy(gid_h.at[pl.ds(wid, 1)], gv)
        pltpu.sync_copy(zsum_h.at[pl.ds(wid * PRT, PRT)], zbuf)
        plsc.subcore_barrier()
        for j in range(PRT // 80):
            pltpu.sync_copy(zbuf.at[pl.ds(j * 80, 80)], pacc.at[gv.at[0, j]],
                            add=True)
        plsc.subcore_barrier()

        @pl.when(s == 0)
        def _():
            pltpu.sync_copy(pacc, outp_h.at[c])

    return k(zsum_p, gid3d, zeros_pool)


def _pool_kin(kin_p, gid3d):

    @functools.partial(
        pl.kernel,
        out_type=jax.ShapeDtypeStruct((NW, GP, 16), jnp.float32),
        mesh=_MESH,
        scratch_types=[
            pltpu.VMEM((1, PRT // 80, 80), jnp.int32),
            pltpu.VMEM((PRT, 16), jnp.float32),
            pltpu.VMEM((GP, 16), jnp.float32),
        ],
        compiler_params=_SC_PARAMS,
    )
    def k(kin_h, gid_h, outk_h, gv, kbuf, kout):
        c = lax.axis_index("c")
        s = lax.axis_index("s")
        wid = c * NS + s
        pltpu.sync_copy(gid_h.at[pl.ds(wid, 1)], gv)
        pltpu.sync_copy(kin_h.at[pl.ds(wid * PRT, PRT)], kbuf)

        lanes = lax.iota(jnp.int32, LANES)
        neg = jnp.full((LANES,), -jnp.inf, jnp.float32)

        @pl.loop(0, GP)
        def _(i):
            plsc.store_scatter(kout, [jnp.full((LANES,), i, jnp.int32),
                                      lanes], neg)

        @pl.loop(0, PRT)
        def _(r):
            gvec = plsc.load_gather(
                gv, [jnp.zeros((LANES,), jnp.int32),
                     jnp.full((LANES,), r // 80, jnp.int32),
                     jnp.full((LANES,), r % 80, jnp.int32)])
            v = plsc.load_gather(kbuf, [jnp.full((LANES,), r, jnp.int32),
                                        lanes])
            cur = plsc.load_gather(kout, [gvec, lanes])
            plsc.store_scatter(kout, [gvec, lanes], jnp.maximum(cur, v))

        pltpu.sync_copy(kout, outk_h.at[wid])

    return k(kin_p, gid3d)


def _k1_body(x_ref, w0_ref, wp_ref, a_ref, z_ref):
    xv = x_ref[...]
    y = _dotT(xv, w0_ref[...])
    z = _dotT(xv, wp_ref[...])
    n = xv.shape[0]
    one = jnp.ones((n, 1), jnp.float32)
    zpad = jnp.zeros((n, 15), jnp.float32)
    a_ref[...] = jnp.concatenate([y, one, zpad], axis=1)
    z_ref[...] = jnp.concatenate([z, one, zpad], axis=1)


def _pack4(v):
    return jnp.concatenate([v[q * QR:(q + 1) * QR] for q in range(4)], axis=1)


def _k3_first_body(a_ref, p_ref, zin_ref, w1_ref, w2_ref, wo_ref, c_ref,
                   an_ref, zo_ref, rd_ref):
    psum = p_ref[0] + p_ref[1]
    cv = c_ref[...]
    rdeg_full = 1.0 / jnp.maximum(psum[:, 32:33], 1.0)
    agg = psum[:N]
    s1 = jnp.maximum(a_ref[:, :32] + agg[:, :32] * rdeg_full[:N] + cv[0:1, :],
                     0.0)
    t2 = jnp.maximum(_dotT(s1, w1_ref[...]) + cv[1:2, :], 0.0)
    t3 = jnp.maximum(_dotT(t2, w2_ref[...]) + cv[2:3, :], 0.0)
    h = jnp.maximum(t3 * cv[3:4, :] + cv[4:5, :], 0.0)
    o = _dotT(h, wo_ref[...])
    a32p = jnp.concatenate(
        [o[:, :32], jnp.zeros((NACC - N, 32), jnp.float32)], axis=0)
    an_ref[...] = _pack4(a32p)
    zo_ref[...] = zin_ref[...] + jnp.concatenate(
        [o[:, 32:80], jnp.zeros((N, 16), jnp.float32)], axis=1)
    rd_ref[...] = _pack4(rdeg_full)


def _packed_head(a_ref, p_ref, rd_ref, c_ref, w1_ref, w2_ref):
    cv = c_ref[...]
    agg = p_ref[0] + p_ref[1]
    rd = rd_ref[...]
    rdrep = jnp.concatenate(
        [jnp.broadcast_to(rd[:, q:q + 1], (QR, 32)) for q in range(4)], axis=1)
    s1 = jnp.maximum(a_ref[...] + agg * rdrep + cv[0:1, :], 0.0)
    t2 = jnp.maximum(_dotN(s1, w1_ref[...]) + cv[1:2, :], 0.0)
    t3 = jnp.maximum(_dotN(t2, w2_ref[...]) + cv[2:3, :], 0.0)
    return jnp.maximum(t3 * cv[3:4, :] + cv[4:5, :], 0.0)


def _k3_mid_body(a_ref, p_ref, rd_ref, zin_ref, w1_ref, w2_ref, wo_ref,
                 c_ref, an_ref, zo_ref):
    h = _packed_head(a_ref, p_ref, rd_ref, c_ref, w1_ref, w2_ref)
    o = _dotN(h, wo_ref[...])
    an_ref[...] = jnp.concatenate(
        [o[:, q * 80:q * 80 + 32] for q in range(4)], axis=1)
    zn = jnp.concatenate(
        [o[:, q * 80 + 32:q * 80 + 80] for q in range(4)], axis=0)[:N]
    zo_ref[...] = zin_ref[...] + jnp.concatenate(
        [zn, jnp.zeros((N, 16), jnp.float32)], axis=1)


def _k3_last_body(a_ref, p_ref, rd_ref, zin_ref, w1_ref, w2_ref, wo_ref,
                  c_ref, zo_ref):
    h = _packed_head(a_ref, p_ref, rd_ref, c_ref, w1_ref, w2_ref)
    o = _dotN(h, wo_ref[...])
    zn = jnp.concatenate(
        [o[:, q * 48:(q + 1) * 48] for q in range(4)], axis=0)[:N]
    zo_ref[:N] = zin_ref[...] + jnp.concatenate(
        [zn, jnp.zeros((N, 16), jnp.float32)], axis=1)
    zo_ref[N:] = jnp.zeros((NP - N, 64), jnp.float32)


def _k5_body(pp_ref, kp_ref, sb_ref, fw0_ref, c0_ref, fw1_ref, fb1_ref,
             out_ref):
    p = pp_ref[0] + pp_ref[1]
    counts = jnp.maximum(p[:, 48:49], 1.0)
    score = p[:, :48] / counts + sb_ref[...]
    km = jnp.max(kp_ref[...], axis=0)
    km = jnp.where(jnp.isfinite(km), km, 0.0)
    hc = jnp.concatenate([score, km], axis=1)
    sh = jnp.maximum(_dotT(hc, fw0_ref[...]) + c0_ref[...], 0.0)
    out_ref[...] = _dotT(sh, fw1_ref[...]) + fb1_ref[...]


def _tc(body, out_shape, *args):
    return pl.pallas_call(body, out_shape=out_shape,
                          compiler_params=_TC_PARAMS)(*args)


def _sds(shape):
    return jax.ShapeDtypeStruct(shape, jnp.float32)


def kernel(x, kinematics, params, edge_index, graph_ids):
    f32 = jnp.float32
    gin = params["gin"]

    def fold(l):
        lp = gin[l]
        g1, bb1 = lp["mlp_bn_g"][0], lp["mlp_bn_b"][0]
        g2, bb2 = lp["mlp_bn_g"][1], lp["mlp_bn_b"][1]
        ga, ba = lp["apply_bn_g"], lp["apply_bn_b"]
        w0 = lp["W"][0] * g1[:, None]
        c1 = lp["b"][0] * g1 + bb1
        w1 = lp["W"][1] * g2[:, None]
        c2 = lp["b"][1] * g2 + bb2
        w2 = lp["W"][2] * ga[:, None]
        c3 = lp["b"][2] * ga + ba
        return w0, w1, w2, c1, c2, c3, lp["out_bn_g"], lp["out_bn_b"]

    folded = [fold(l) for l in range(4)]

    a, zsum = _tc(_k1_body, (_sds((N, 48)), _sds((N, 64))),
                  x, folded[0][0], params["pred_W"][0])

    kin_p = jnp.concatenate(
        [kinematics, jnp.asarray(np.zeros((NP - N, 16), np.float32))], axis=0)
    gid3d = jnp.concatenate(
        [graph_ids.astype(jnp.int32),
         jnp.asarray(np.full((NP - N,), G, np.int32))]).reshape(
             NW, PRT // 80, 80)
    kin_part = _pool_kin(kin_p, gid3d)

    edges3d = edge_index.reshape(2, NW * CPT, CH)
    edges_pk = ((edge_index % QR) * 4 + edge_index // QR).reshape(
        2, NW * CPT, CH)
    zeros48 = jnp.asarray(np.zeros((NACC, 48), np.float32))
    zeros32 = jnp.asarray(np.zeros((NACC, 32), np.float32))
    eye4 = jnp.asarray(np.eye(4, dtype=np.float32))

    rdeg = None
    for l in range(4):
        _, w1, w2, c1, c2, c3, go, bo = folded[l]
        if l < 3:
            wo = jnp.concatenate([folded[l + 1][0], params["pred_W"][l + 1]],
                                 axis=0)
        else:
            wo = params["pred_W"][4]
        cvec = jnp.stack([c1, c2, c3, go, bo])
        if l == 0:
            p = _edge_agg(a, edges3d, zeros48, 48)
            a, zsum, rdeg = _tc(
                _k3_first_body,
                (_sds((QR, 128)), _sds((N, 64)), _sds((QR, 4))),
                a, p, zsum, w1, w2, wo, cvec)
        else:
            p = _edge_agg(a.reshape(NACC, 32), edges_pk, zeros32, 32)
            p = p.reshape(2, QR, 128)
            w1b = jnp.kron(eye4, w1.T)
            w2b = jnp.kron(eye4, w2.T)
            wob = jnp.kron(eye4, wo.T)
            cvt = jnp.tile(cvec, (1, 4))
            if l < 3:
                a, zsum = _tc(
                    _k3_mid_body,
                    (_sds((QR, 128)), _sds((N, 64))),
                    a, p, rdeg, zsum, w1b, w2b, wob, cvt)
            else:
                zsum_p = _tc(
                    _k3_last_body,
                    _sds((NP, 64)),
                    a, p, rdeg, zsum, w1b, w2b, wob, cvt)

    pooled_p = _pool_sum(zsum_p, gid3d,
                         jnp.asarray(np.zeros((GP, 64), np.float32)))

    sumb = sum(params["pred_b"]).reshape(1, 48)
    fg = params["final_bn_g"][0]
    fw0 = params["final_W"][0] * fg[:, None]
    c0 = (params["final_b"][0] * fg + params["final_bn_b"][0]).reshape(1, 64)
    out = _tc(_k5_body, _sds((GP, 10)),
              pooled_p, kin_part, sumb, fw0, c0,
              params["final_W"][1], params["final_b"][1].reshape(1, 10))
    return out[:G]

# --- scband reference (transcript-rebuilt; emitter-appended) ---
"""Pipeline reference for scband-hetero-gin-2276332667317 (READ-ONLY COPY).

The authoritative reference and input builder live on the scoring server;
editing this copy changes nothing except your own understanding.
"""

import jax, jax.numpy as jnp
import numpy as np

NUM_NODES = 10000
NUM_EDGES = 320000
NUM_GRAPHS = 100
INPUT_DIM = 128
HIDDEN_DIM = 32
OUTPUT_DIM = 10
INPUT_DIM2 = 16
HIDDEN_DIM2 = 64
NUM_LAYERS = 5
NUM_MLP_LAYERS = 3
N_FINAL_MLP = 2


def _linear_params(key, in_d, out_d):
    k1, k2 = jax.random.split(key)
    lim = 1.0 / np.sqrt(in_d)
    W = jax.random.uniform(k1, (out_d, in_d), jnp.float32, -lim, lim)
    b = jax.random.uniform(k2, (out_d,), jnp.float32, -lim, lim)
    return W, b


def _make_params(key):
    params = {"gin": [], "pred_W": [], "pred_b": [], "final_W": [], "final_b": [], "final_bn_g": [], "final_bn_b": []}
    c = [0]
    def nk():
        c[0] += 1
        return jax.random.fold_in(key, c[0])
    for layer in range(NUM_LAYERS - 1):
        in_d = INPUT_DIM if layer == 0 else HIDDEN_DIM
        dims = [in_d] + [HIDDEN_DIM] * NUM_MLP_LAYERS
        Ws, bs = [], []
        for i in range(NUM_MLP_LAYERS):
            W, b = _linear_params(nk(), dims[i], dims[i + 1])
            Ws.append(W)
            bs.append(b)
        lp = {
            "W": Ws, "b": bs,
            "mlp_bn_g": [jnp.ones((HIDDEN_DIM,), jnp.float32) for _ in range(NUM_MLP_LAYERS - 1)],
            "mlp_bn_b": [jnp.zeros((HIDDEN_DIM,), jnp.float32) for _ in range(NUM_MLP_LAYERS - 1)],
            "apply_bn_g": jnp.ones((HIDDEN_DIM,), jnp.float32),
            "apply_bn_b": jnp.zeros((HIDDEN_DIM,), jnp.float32),
            "out_bn_g": jnp.ones((HIDDEN_DIM,), jnp.float32),
            "out_bn_b": jnp.zeros((HIDDEN_DIM,), jnp.float32),
        }
        params["gin"].append(lp)
    for layer in range(NUM_LAYERS):
        in_d = INPUT_DIM if layer == 0 else HIDDEN_DIM
        W, b = _linear_params(nk(), in_d, HIDDEN_DIM2 - INPUT_DIM2)
        params["pred_W"].append(W)
        params["pred_b"].append(b)
    fdims = [HIDDEN_DIM2] * N_FINAL_MLP + [OUTPUT_DIM]
    for i in range(N_FINAL_MLP):
        W, b = _linear_params(nk(), fdims[i], fdims[i + 1])
        params["final_W"].append(W)
        params["final_b"].append(b)
        if i < N_FINAL_MLP - 1:
            params["final_bn_g"].append(jnp.ones((fdims[i + 1],), jnp.float32))
            params["final_bn_b"].append(jnp.zeros((fdims[i + 1],), jnp.float32))
    return params


def _bn(h, g, b):
    # eval-mode BatchNorm1d with running_mean=0, running_var=1
    return g * h + b


def _mlp(h, Ws, bs, gs, betas):
    n = len(Ws)
    for i in range(n - 1):
        h = h @ Ws[i].T + bs[i]
        h = jax.nn.relu(_bn(h, gs[i], betas[i]))
    return h @ Ws[-1].T + bs[-1]


def _forward(x, kinematics, params, edge_index, graph_ids):
    src = edge_index[0]
    dst = edge_index[1]
    N = x.shape[0]
    deg = jnp.zeros((N,), jnp.float32).at[dst].add(1.0)
    deg = jnp.maximum(deg, 1.0)[:, None]
    h = x
    hidden_rep = [h]
    for lp in params["gin"]:
        # GINConv with mean neighbor pooling, eps=0 (learn_eps=False)
        agg = jnp.zeros((N, h.shape[1]), h.dtype).at[dst].add(h[src]) / deg
        rst = h + agg
        h2 = _mlp(rst, lp["W"], lp["b"], lp["mlp_bn_g"], lp["mlp_bn_b"])
        h2 = jax.nn.relu(_bn(h2, lp["apply_bn_g"], lp["apply_bn_b"]))  # ApplyNodeFunc BN+ReLU
        h2 = jax.nn.relu(_bn(h2, lp["out_bn_g"], lp["out_bn_b"]))  # outer BN+ReLU
        h = h2
        hidden_rep.append(h)
    counts = jax.ops.segment_sum(jnp.ones((N,), jnp.float32), graph_ids, NUM_GRAPHS)
    counts = jnp.maximum(counts, 1.0)[:, None]
    score = 0.0
    for i, hi in enumerate(hidden_rep):
        pooled = jax.ops.segment_sum(hi, graph_ids, NUM_GRAPHS) / counts  # AvgPooling
        score = score + pooled @ params["pred_W"][i].T + params["pred_b"][i]
    kin = jax.ops.segment_max(kinematics, graph_ids, NUM_GRAPHS)  # per-graph max over nodes
    kin = jnp.where(jnp.isfinite(kin), kin, 0.0)
    hcat = jnp.concatenate([score, kin], axis=-1)
    out = _mlp(hcat, params["final_W"], params["final_b"], params["final_bn_g"], params["final_bn_b"])
    # final dropout is identity in eval mode
    return out


def setup_inputs(seed: int = 0):
    key = jax.random.key(seed)
    k1, k2, k3, k4 = jax.random.split(key, 4)
    x = jax.random.normal(k1, (NUM_NODES, INPUT_DIM), jnp.float32)
    edge_index = jax.random.randint(k2, (2, NUM_EDGES), 0, NUM_NODES)
    kinematics = jax.random.normal(k3, (NUM_NODES, INPUT_DIM2), jnp.float32)
    graph_ids = jnp.sort(jax.random.randint(k4, (NUM_NODES,), 0, NUM_GRAPHS))
    params = _make_params(jax.random.fold_in(key, 7))
    return {"x": x, "kinematics": kinematics, "params": params, "edge_index": edge_index, "graph_ids": graph_ids}


def reference(x, kinematics, params, edge_index, graph_ids):
    return _forward(x, kinematics, params, edge_index, graph_ids)

if __name__ == "__main__":
    import jax
    _d = setup_inputs()
    print(jax.jit(kernel)(*tuple(_d.values())))

</pallas_src>

<mosaic_0001>
#map = affine_map<(d0, d1) -> (0, 0)>
#map1 = affine_map<(d0, d1) -> (0, 0, 0)>
module attributes {stable_mosaic.version = 14 : i64} {
  func.func @k(%arg0: i32, %arg1: i32, %arg2: memref<10240x32xf32, #tpu.memory_space<hbm>>, %arg3: memref<2x2560x125xi32, #tpu.memory_space<hbm>>, %arg4: memref<10240x32xf32, #tpu.memory_space<hbm>>, %arg5: memref<2x10240x32xf32, #tpu.memory_space<hbm>>, %arg6: memref<80x125xi32, #tpu.memory_space<vmem>>, %arg7: memref<80x125xi32, #tpu.memory_space<vmem>>, %arg8: memref<125x32xf32, #tpu.memory_space<vmem>>, %arg9: memref<125x32xf32, #tpu.memory_space<vmem>>, %arg10: memref<125x32xf32, #tpu.memory_space<vmem>>, %arg11: memref<125x32xf32, #tpu.memory_space<vmem>>, %arg12: memref<10240x32xf32, #tpu.memory_space<vmem_shared>>, %arg13: memref<!tpu.dma_semaphore, #tpu.memory_space<semaphore_mem>>, %arg14: memref<!tpu.dma_semaphore, #tpu.memory_space<semaphore_mem>>, %arg15: memref<!tpu.dma_semaphore, #tpu.memory_space<semaphore_mem>>, %arg16: memref<!tpu.dma_semaphore, #tpu.memory_space<semaphore_mem>>) attributes {dimension_semantics = [#tpu.dimension_semantics<core_parallel>, #tpu.dimension_semantics<subcore_parallel>], iteration_bounds = array<i64: 2, 16>, scalar_prefetch = 0 : i64, scratch_operands = 11 : i64, tpu.core_type = #tpu.core_type<sc_vector_subcore>, window_params = [{transform_indices = #map}, {transform_indices = #map1}, {transform_indices = #map}, {transform_indices = #map1}]} {
    %mul3A = arith.constant 16 : i32
    %mul3A_0 = arith.muli %arg0, %mul3A : i32
    %add3A = arith.addi %mul3A_0, %arg1 : i32
    %mul3A_1 = arith.constant 640 : i32
    %mul3A_2 = arith.muli %arg1, %mul3A_1 : i32
    %mul3A_3 = arith.constant 640 : i32
    %mul3A_4 = arith.muli %arg1, %mul3A_3 : i32
    "tpu.region"() ({
      %run_scoped3A_46 = tpu.sem_alloc : memref<!tpu.dma_semaphore, #tpu.memory_space<semaphore_mem>>
      %dma_start3A_47 = arith.constant 0 : i32
      %dma_start3A_48 = tpu.memref_slice %arg12[%mul3A_4, %dma_start3A_47] : memref<10240x32xf32, #tpu.memory_space<vmem_shared>> -> memref<640x32xf32, #tpu.memory_space<vmem_shared>>
      %dma_start3A_49 = arith.constant 0 : i32
      %dma_start3A_50 = tpu.memref_slice %arg4[%mul3A_2, %dma_start3A_49] : memref<10240x32xf32, #tpu.memory_space<hbm>> -> memref<640x32xf32, #tpu.memory_space<hbm>>
      tpu.enqueue_dma source(%dma_start3A_50 : memref<640x32xf32, #tpu.memory_space<hbm>>) target(%dma_start3A_48 : memref<640x32xf32, #tpu.memory_space<vmem_shared>>) target_semaphore(%run_scoped3A_46 : memref<!tpu.dma_semaphore, #tpu.memory_space<semaphore_mem>>)
      %dma_wait3A = arith.constant 0 : i32
      %dma_wait3A_51 = tpu.memref_slice %arg12[%mul3A_4, %dma_wait3A] : memref<10240x32xf32, #tpu.memory_space<vmem_shared>> -> memref<640x32xf32, #tpu.memory_space<vmem_shared>>
      %dma_wait3A_52 = arith.constant 0 : i32
      %dma_wait3A_53 = tpu.memref_slice %arg4[%mul3A_2, %dma_wait3A_52] : memref<10240x32xf32, #tpu.memory_space<hbm>> -> memref<640x32xf32, #tpu.memory_space<hbm>>
      tpu.wait_dma2 semaphore(%run_scoped3A_46 : memref<!tpu.dma_semaphore, #tpu.memory_space<semaphore_mem>>) src(%dma_wait3A_53 : memref<640x32xf32, #tpu.memory_space<hbm>>) dst(%dma_wait3A_51 : memref<640x32xf32, #tpu.memory_space<vmem_shared>>)
      tpu.yield
    }) : () -> ()
    %mul3A_5 = arith.constant 80 : i32
    %mul3A_6 = arith.muli %add3A, %mul3A_5 : i32
    %run_scoped3A = arith.constant 0 : i32
    "tpu.region"() ({
      %run_scoped3A_46 = tpu.sem_alloc : memref<!tpu.dma_semaphore, #tpu.memory_space<semaphore_mem>>
      %dma_start3A_47 = arith.constant 0 : i32
      %dma_start3A_48 = tpu.memref_slice %arg3[%run_scoped3A, %mul3A_6, %dma_start3A_47] : memref<2x2560x125xi32, #tpu.memory_space<hbm>> -> memref<1x80x125xi32, #tpu.memory_space<hbm>>
      %dma_start3A_49 = tpu.memref_squeeze %dma_start3A_48 : memref<1x80x125xi32, #tpu.memory_space<hbm>> -> memref<80x125xi32, #tpu.memory_space<hbm>>
      %dma_start3A_50 = arith.constant 0 : i32
      %dma_start3A_51 = tpu.memref_slice %arg3[%run_scoped3A, %mul3A_6, %dma_start3A_50] : memref<2x2560x125xi32, #tpu.memory_space<hbm>> -> memref<1x80x125xi32, #tpu.memory_space<hbm>>
      %dma_start3A_52 = tpu.memref_squeeze %dma_start3A_51 : memref<1x80x125xi32, #tpu.memory_space<hbm>> -> memref<80x125xi32, #tpu.memory_space<hbm>>
      tpu.enqueue_dma source(%dma_start3A_52 : memref<80x125xi32, #tpu.memory_space<hbm>>) target(%arg6 : memref<80x125xi32, #tpu.memory_space<vmem>>) target_semaphore(%run_scoped3A_46 : memref<!tpu.dma_semaphore, #tpu.memory_space<semaphore_mem>>)
      %dma_wait3A = arith.constant 0 : i32
      %dma_wait3A_53 = tpu.memref_slice %arg3[%run_scoped3A, %mul3A_6, %dma_wait3A] : memref<2x2560x125xi32, #tpu.memory_space<hbm>> -> memref<1x80x125xi32, #tpu.memory_space<hbm>>
      %dma_wait3A_54 = tpu.memref_squeeze %dma_wait3A_53 : memref<1x80x125xi32, #tpu.memory_space<hbm>> -> memref<80x125xi32, #tpu.memory_space<hbm>>
      %dma_wait3A_55 = arith.constant 0 : i32
      %dma_wait3A_56 = tpu.memref_slice %arg3[%run_scoped3A, %mul3A_6, %dma_wait3A_55] : memref<2x2560x125xi32, #tpu.memory_space<hbm>> -> memref<1x80x125xi32, #tpu.memory_space<hbm>>
      %dma_wait3A_57 = tpu.memref_squeeze %dma_wait3A_56 : memref<1x80x125xi32, #tpu.memory_space<hbm>> -> memref<80x125xi32, #tpu.memory_space<hbm>>
      tpu.wait_dma2 semaphore(%run_scoped3A_46 : memref<!tpu.dma_semaphore, #tpu.memory_space<semaphore_mem>>) src(%dma_wait3A_57 : memref<80x125xi32, #tpu.memory_space<hbm>>) dst(%arg6 : memref<80x125xi32, #tpu.memory_space<vmem>>)
      tpu.yield
    }) : () -> ()
    %mul3A_7 = arith.constant 80 : i32
    %mul3A_8 = arith.muli %add3A, %mul3A_7 : i32
    %run_scoped3A_9 = arith.constant 1 : i32
    "tpu.region"() ({
      %run_scoped3A_46 = tpu.sem_alloc : memref<!tpu.dma_semaphore, #tpu.memory_space<semaphore_mem>>
      %dma_start3A_47 = arith.constant 0 : i32
      %dma_start3A_48 = tpu.memref_slice %arg3[%run_scoped3A_9, %mul3A_8, %dma_start3A_47] : memref<2x2560x125xi32, #tpu.memory_space<hbm>> -> memref<1x80x125xi32, #tpu.memory_space<hbm>>
      %dma_start3A_49 = tpu.memref_squeeze %dma_start3A_48 : memref<1x80x125xi32, #tpu.memory_space<hbm>> -> memref<80x125xi32, #tpu.memory_space<hbm>>
      %dma_start3A_50 = arith.constant 0 : i32
      %dma_start3A_51 = tpu.memref_slice %arg3[%run_scoped3A_9, %mul3A_8, %dma_start3A_50] : memref<2x2560x125xi32, #tpu.memory_space<hbm>> -> memref<1x80x125xi32, #tpu.memory_space<hbm>>
      %dma_start3A_52 = tpu.memref_squeeze %dma_start3A_51 : memref<1x80x125xi32, #tpu.memory_space<hbm>> -> memref<80x125xi32, #tpu.memory_space<hbm>>
      tpu.enqueue_dma source(%dma_start3A_52 : memref<80x125xi32, #tpu.memory_space<hbm>>) target(%arg7 : memref<80x125xi32, #tpu.memory_space<vmem>>) target_semaphore(%run_scoped3A_46 : memref<!tpu.dma_semaphore, #tpu.memory_space<semaphore_mem>>)
      %dma_wait3A = arith.constant 0 : i32
      %dma_wait3A_53 = tpu.memref_slice %arg3[%run_scoped3A_9, %mul3A_8, %dma_wait3A] : memref<2x2560x125xi32, #tpu.memory_space<hbm>> -> memref<1x80x125xi32, #tpu.memory_space<hbm>>
      %dma_wait3A_54 = tpu.memref_squeeze %dma_wait3A_53 : memref<1x80x125xi32, #tpu.memory_space<hbm>> -> memref<80x125xi32, #tpu.memory_space<hbm>>
      %dma_wait3A_55 = arith.constant 0 : i32
      %dma_wait3A_56 = tpu.memref_slice %arg3[%run_scoped3A_9, %mul3A_8, %dma_wait3A_55] : memref<2x2560x125xi32, #tpu.memory_space<hbm>> -> memref<1x80x125xi32, #tpu.memory_space<hbm>>
      %dma_wait3A_57 = tpu.memref_squeeze %dma_wait3A_56 : memref<1x80x125xi32, #tpu.memory_space<hbm>> -> memref<80x125xi32, #tpu.memory_space<hbm>>
      tpu.wait_dma2 semaphore(%run_scoped3A_46 : memref<!tpu.dma_semaphore, #tpu.memory_space<semaphore_mem>>) src(%dma_wait3A_57 : memref<80x125xi32, #tpu.memory_space<hbm>>) dst(%arg7 : memref<80x125xi32, #tpu.memory_space<vmem>>)
      tpu.yield
    }) : () -> ()
    %dma_start3A = arith.constant 0 : i32
    %dma_start3A_10 = arith.constant 0 : i32
    %dma_start3A_11 = tpu.memref_slice %arg6[%dma_start3A, %dma_start3A_10] : memref<80x125xi32, #tpu.memory_space<vmem>> -> memref<1x125xi32, #tpu.memory_space<vmem>>
    %dma_start3A_12 = tpu.memref_squeeze %dma_start3A_11 : memref<1x125xi32, #tpu.memory_space<vmem>> -> memref<125xi32, #tpu.memory_space<vmem>>
    %dma_start3A_13 = arith.constant 0 : i32
    %dma_start3A_14 = arith.constant 0 : i32
    %dma_start3A_15 = tpu.memref_slice %arg2[%dma_start3A_13, %dma_start3A_14] : memref<10240x32xf32, #tpu.memory_space<hbm>> -> memref<10240x32xf32, #tpu.memory_space<hbm>>
    tpu.enqueue_indirect_dma source(%dma_start3A_15 : memref<10240x32xf32, #tpu.memory_space<hbm>>) target(%arg8 : memref<125x32xf32, #tpu.memory_space<vmem>>) offsets(%dma_start3A_12 : memref<125xi32, #tpu.memory_space<vmem>>) semaphore(%arg13 : memref<!tpu.dma_semaphore, #tpu.memory_space<semaphore_mem>>)
    %dma_start3A_16 = arith.constant 1 : i32
    %dma_start3A_17 = arith.constant 0 : i32
    %dma_start3A_18 = tpu.memref_slice %arg6[%dma_start3A_16, %dma_start3A_17] : memref<80x125xi32, #tpu.memory_space<vmem>> -> memref<1x125xi32, #tpu.memory_space<vmem>>
    %dma_start3A_19 = tpu.memref_squeeze %dma_start3A_18 : memref<1x125xi32, #tpu.memory_space<vmem>> -> memref<125xi32, #tpu.memory_space<vmem>>
    %dma_start3A_20 = arith.constant 0 : i32
    %dma_start3A_21 = arith.constant 0 : i32
    %dma_start3A_22 = tpu.memref_slice %arg2[%dma_start3A_20, %dma_start3A_21] : memref<10240x32xf32, #tpu.memory_space<hbm>> -> memref<10240x32xf32, #tpu.memory_space<hbm>>
    tpu.enqueue_indirect_dma source(%dma_start3A_22 : memref<10240x32xf32, #tpu.memory_space<hbm>>) target(%arg9 : memref<125x32xf32, #tpu.memory_space<vmem>>) offsets(%dma_start3A_19 : memref<125xi32, #tpu.memory_space<vmem>>) semaphore(%arg14 : memref<!tpu.dma_semaphore, #tpu.memory_space<semaphore_mem>>)
    %dma_start3A_23 = arith.constant 2 : i32
    %dma_start3A_24 = arith.constant 0 : i32
    %dma_start3A_25 = tpu.memref_slice %arg6[%dma_start3A_23, %dma_start3A_24] : memref<80x125xi32, #tpu.memory_space<vmem>> -> memref<1x125xi32, #tpu.memory_space<vmem>>
    %dma_start3A_26 = tpu.memref_squeeze %dma_start3A_25 : memref<1x125xi32, #tpu.memory_space<vmem>> -> memref<125xi32, #tpu.memory_space<vmem>>
    %dma_start3A_27 = arith.constant 0 : i32
    %dma_start3A_28 = arith.constant 0 : i32
    %dma_start3A_29 = tpu.memref_slice %arg2[%dma_start3A_27, %dma_start3A_28] : memref<10240x32xf32, #tpu.memory_space<hbm>> -> memref<10240x32xf32, #tpu.memory_space<hbm>>
    tpu.enqueue_indirect_dma source(%dma_start3A_29 : memref<10240x32xf32, #tpu.memory_space<hbm>>) target(%arg10 : memref<125x32xf32, #tpu.memory_space<vmem>>) offsets(%dma_start3A_26 : memref<125xi32, #tpu.memory_space<vmem>>) semaphore(%arg15 : memref<!tpu.dma_semaphore, #tpu.memory_space<semaphore_mem>>)
    %dma_start3A_30 = arith.constant 3 : i32
    %dma_start3A_31 = arith.constant 0 : i32
    %dma_start3A_32 = tpu.memref_slice %arg6[%dma_start3A_30, %dma_start3A_31] : memref<80x125xi32, #tpu.memory_space<vmem>> -> memref<1x125xi32, #tpu.memory_space<vmem>>
    %dma_start3A_33 = tpu.memref_squeeze %dma_start3A_32 : memref<1x125xi32, #tpu.memory_space<vmem>> -> memref<125xi32, #tpu.memory_space<vmem>>
    %dma_start3A_34 = arith.constant 0 : i32
    %dma_start3A_35 = arith.constant 0 : i32
    %dma_start3A_36 = tpu.memref_slice %arg2[%dma_start3A_34, %dma_start3A_35] : memref<10240x32xf32, #tpu.memory_space<hbm>> -> memref<10240x32xf32, #tpu.memory_space<hbm>>
    tpu.enqueue_indirect_dma source(%dma_start3A_36 : memref<10240x32xf32, #tpu.memory_space<hbm>>) target(%arg11 : memref<125x32xf32, #tpu.memory_space<vmem>>) offsets(%dma_start3A_33 : memref<125xi32, #tpu.memory_space<vmem>>) semaphore(%arg16 : memref<!tpu.dma_semaphore, #tpu.memory_space<semaphore_mem>>)
    %barrier3A = arith.constant 0 : index
    tpu.barrier barrier_id(%barrier3A)
    %scan3A = arith.constant 0 : i32
    %scan3A_37 = arith.constant 20 : i32
    %scan3A_38 = arith.addi %scan3A, %scan3A_37 : i32
    %scan3A_39 = arith.constant 1 : i32
    scf.for %scan3A_46 = %scan3A to %scan3A_38 step %scan3A_39  : i32 {
      %mul3A_47 = arith.constant 4 : i32
      %mul3A_48 = arith.muli %scan3A_46, %mul3A_47 : i32
      %add3A_49 = arith.constant 0 : i32
      %add3A_50 = arith.addi %add3A_49, %mul3A_48 : i32
      %add3A_51 = arith.constant 0 : i32
      %add3A_52 = arith.addi %add3A_50, %add3A_51 : i32
      %dma_wait3A = arith.constant 0 : i32
      %dma_wait3A_53 = tpu.memref_slice %arg6[%add3A_52, %dma_wait3A] : memref<80x125xi32, #tpu.memory_space<vmem>> -> memref<1x125xi32, #tpu.memory_space<vmem>>
      %dma_wait3A_54 = tpu.memref_squeeze %dma_wait3A_53 : memref<1x125xi32, #tpu.memory_space<vmem>> -> memref<125xi32, #tpu.memory_space<vmem>>
      %dma_wait3A_55 = arith.constant 0 : i32
      %dma_wait3A_56 = arith.constant 0 : i32
      %dma_wait3A_57 = tpu.memref_slice %arg2[%dma_wait3A_55, %dma_wait3A_56] : memref<10240x32xf32, #tpu.memory_space<hbm>> -> memref<10240x32xf32, #tpu.memory_space<hbm>>
      tpu.wait_indirect_dma semaphore(%arg13 : memref<!tpu.dma_semaphore, #tpu.memory_space<semaphore_mem>>) src(%dma_wait3A_57 : memref<10240x32xf32, #tpu.memory_space<hbm>>) dst(%arg8 : memref<125x32xf32, #tpu.memory_space<vmem>>)
      "tpu.region"() ({
        %run_scoped3A_107 = tpu.sem_alloc : memref<!tpu.dma_semaphore, #tpu.memory_space<semaphore_mem>>
        %dma_start3A_108 = arith.constant 0 : i32
        %dma_start3A_109 = tpu.memref_slice %arg7[%add3A_52, %dma_start3A_108] : memref<80x125xi32, #tpu.memory_space<vmem>> -> memref<1x125xi32, #tpu.memory_space<vmem>>
        %dma_start3A_110 = tpu.memref_squeeze %dma_start3A_109 : memref<1x125xi32, #tpu.memory_space<vmem>> -> memref<125xi32, #tpu.memory_space<vmem>>
        %dma_start3A_111 = arith.constant 0 : i32
        %dma_start3A_112 = arith.constant 0 : i32
        %dma_start3A_113 = tpu.memref_slice %arg12[%dma_start3A_111, %dma_start3A_112] : memref<10240x32xf32, #tpu.memory_space<vmem_shared>> -> memref<10240x32xf32, #tpu.memory_space<vmem_shared>>
        tpu.enqueue_indirect_dma source(%arg8 : memref<125x32xf32, #tpu.memory_space<vmem>>) target(%dma_start3A_113 : memref<10240x32xf32, #tpu.memory_space<vmem_shared>>) offsets(%dma_start3A_110 : memref<125xi32, #tpu.memory_space<vmem>>) semaphore(%run_scoped3A_107 : memref<!tpu.dma_semaphore, #tpu.memory_space<semaphore_mem>>) {add = true}
        %dma_wait3A_114 = arith.constant 0 : i32
        %dma_wait3A_115 = tpu.memref_slice %arg7[%add3A_52, %dma_wait3A_114] : memref<80x125xi32, #tpu.memory_space<vmem>> -> memref<1x125xi32, #tpu.memory_space<vmem>>
        %dma_wait3A_116 = tpu.memref_squeeze %dma_wait3A_115 : memref<1x125xi32, #tpu.memory_space<vmem>> -> memref<125xi32, #tpu.memory_space<vmem>>
        %dma_wait3A_117 = arith.constant 0 : i32
        %dma_wait3A_118 = arith.constant 0 : i32
        %dma_wait3A_119 = tpu.memref_slice %arg12[%dma_wait3A_117, %dma_wait3A_118] : memref<10240x32xf32, #tpu.memory_space<vmem_shared>> -> memref<10240x32xf32, #tpu.memory_space<vmem_shared>>
        tpu.wait_indirect_dma semaphore(%run_scoped3A_107 : memref<!tpu.dma_semaphore, #tpu.memory_space<semaphore_mem>>) src(%arg8 : memref<125x32xf32, #tpu.memory_space<vmem>>) dst(%dma_wait3A_119 : memref<10240x32xf32, #tpu.memory_space<vmem_shared>>)
        tpu.yield
      }) : () -> ()
      %add3A_58 = arith.constant 4 : i32
      %add3A_59 = arith.addi %add3A_52, %add3A_58 : i32
      %lt3A = arith.constant 80 : i32
      %lt3A_60 = arith.cmpi slt, %add3A_59, %lt3A : i32
      %convert_element_type3A = arith.extui %lt3A_60 : i1 to i32
      %cond3A = arith.constant 0 : i32
      %cond3A_61 = arith.cmpi ne, %convert_element_type3A, %cond3A : i32
      scf.if %cond3A_61 {
        %dma_start3A_107 = arith.constant 0 : i32
        %dma_start3A_108 = tpu.memref_slice %arg6[%add3A_59, %dma_start3A_107] : memref<80x125xi32, #tpu.memory_space<vmem>> -> memref<1x125xi32, #tpu.memory_space<vmem>>
        %dma_start3A_109 = tpu.memref_squeeze %dma_start3A_108 : memref<1x125xi32, #tpu.memory_space<vmem>> -> memref<125xi32, #tpu.memory_space<vmem>>
        %dma_start3A_110 = arith.constant 0 : i32
        %dma_start3A_111 = arith.constant 0 : i32
        %dma_start3A_112 = tpu.memref_slice %arg2[%dma_start3A_110, %dma_start3A_111] : memref<10240x32xf32, #tpu.memory_space<hbm>> -> memref<10240x32xf32, #tpu.memory_space<hbm>>
        tpu.enqueue_indirect_dma source(%dma_start3A_112 : memref<10240x32xf32, #tpu.memory_space<hbm>>) target(%arg8 : memref<125x32xf32, #tpu.memory_space<vmem>>) offsets(%dma_start3A_109 : memref<125xi32, #tpu.memory_space<vmem>>) semaphore(%arg13 : memref<!tpu.dma_semaphore, #tpu.memory_space<semaphore_mem>>)
      } else {
      }
      %add3A_62 = arith.constant 1 : i32
      %add3A_63 = arith.addi %add3A_50, %add3A_62 : i32
      %dma_wait3A_64 = arith.constant 0 : i32
      %dma_wait3A_65 = tpu.memref_slice %arg6[%add3A_63, %dma_wait3A_64] : memref<80x125xi32, #tpu.memory_space<vmem>> -> memref<1x125xi32, #tpu.memory_space<vmem>>
      %dma_wait3A_66 = tpu.memref_squeeze %dma_wait3A_65 : memref<1x125xi32, #tpu.memory_space<vmem>> -> memref<125xi32, #tpu.memory_space<vmem>>
      %dma_wait3A_67 = arith.constant 0 : i32
      %dma_wait3A_68 = arith.constant 0 : i32
      %dma_wait3A_69 = tpu.memref_slice %arg2[%dma_wait3A_67, %dma_wait3A_68] : memref<10240x32xf32, #tpu.memory_space<hbm>> -> memref<10240x32xf32, #tpu.memory_space<hbm>>
      tpu.wait_indirect_dma semaphore(%arg14 : memref<!tpu.dma_semaphore, #tpu.memory_space<semaphore_mem>>) src(%dma_wait3A_69 : memref<10240x32xf32, #tpu.memory_space<hbm>>) dst(%arg9 : memref<125x32xf32, #tpu.memory_space<vmem>>)
      "tpu.region"() ({
        %run_scoped3A_107 = tpu.sem_alloc : memref<!tpu.dma_semaphore, #tpu.memory_space<semaphore_mem>>
        %dma_start3A_108 = arith.constant 0 : i32
        %dma_start3A_109 = tpu.memref_slice %arg7[%add3A_63, %dma_start3A_108] : memref<80x125xi32, #tpu.memory_space<vmem>> -> memref<1x125xi32, #tpu.memory_space<vmem>>
        %dma_start3A_110 = tpu.memref_squeeze %dma_start3A_109 : memref<1x125xi32, #tpu.memory_space<vmem>> -> memref<125xi32, #tpu.memory_space<vmem>>
        %dma_start3A_111 = arith.constant 0 : i32
        %dma_start3A_112 = arith.constant 0 : i32
        %dma_start3A_113 = tpu.memref_slice %arg12[%dma_start3A_111, %dma_start3A_112] : memref<10240x32xf32, #tpu.memory_space<vmem_shared>> -> memref<10240x32xf32, #tpu.memory_space<vmem_shared>>
        tpu.enqueue_indirect_dma source(%arg9 : memref<125x32xf32, #tpu.memory_space<vmem>>) target(%dma_start3A_113 : memref<10240x32xf32, #tpu.memory_space<vmem_shared>>) offsets(%dma_start3A_110 : memref<125xi32, #tpu.memory_space<vmem>>) semaphore(%run_scoped3A_107 : memref<!tpu.dma_semaphore, #tpu.memory_space<semaphore_mem>>) {add = true}
        %dma_wait3A_114 = arith.constant 0 : i32
        %dma_wait3A_115 = tpu.memref_slice %arg7[%add3A_63, %dma_wait3A_114] : memref<80x125xi32, #tpu.memory_space<vmem>> -> memref<1x125xi32, #tpu.memory_space<vmem>>
        %dma_wait3A_116 = tpu.memref_squeeze %dma_wait3A_115 : memref<1x125xi32, #tpu.memory_space<vmem>> -> memref<125xi32, #tpu.memory_space<vmem>>
        %dma_wait3A_117 = arith.constant 0 : i32
        %dma_wait3A_118 = arith.constant 0 : i32
        %dma_wait3A_119 = tpu.memref_slice %arg12[%dma_wait3A_117, %dma_wait3A_118] : memref<10240x32xf32, #tpu.memory_space<vmem_shared>> -> memref<10240x32xf32, #tpu.memory_space<vmem_shared>>
        tpu.wait_indirect_dma semaphore(%run_scoped3A_107 : memref<!tpu.dma_semaphore, #tpu.memory_space<semaphore_mem>>) src(%arg9 : memref<125x32xf32, #tpu.memory_space<vmem>>) dst(%dma_wait3A_119 : memref<10240x32xf32, #tpu.memory_space<vmem_shared>>)
        tpu.yield
      }) : () -> ()
      %add3A_70 = arith.constant 4 : i32
      %add3A_71 = arith.addi %add3A_63, %add3A_70 : i32
      %lt3A_72 = arith.constant 80 : i32
      %lt3A_73 = arith.cmpi slt, %add3A_71, %lt3A_72 : i32
      %convert_element_type3A_74 = arith.extui %lt3A_73 : i1 to i32
      %cond3A_75 = arith.constant 0 : i32
      %cond3A_76 = arith.cmpi ne, %convert_element_type3A_74, %cond3A_75 : i32
      scf.if %cond3A_76 {
        %dma_start3A_107 = arith.constant 0 : i32
        %dma_start3A_108 = tpu.memref_slice %arg6[%add3A_71, %dma_start3A_107] : memref<80x125xi32, #tpu.memory_space<vmem>> -> memref<1x125xi32, #tpu.memory_space<vmem>>
        %dma_start3A_109 = tpu.memref_squeeze %dma_start3A_108 : memref<1x125xi32, #tpu.memory_space<vmem>> -> memref<125xi32, #tpu.memory_space<vmem>>
        %dma_start3A_110 = arith.constant 0 : i32
        %dma_start3A_111 = arith.constant 0 : i32
        %dma_start3A_112 = tpu.memref_slice %arg2[%dma_start3A_110, %dma_start3A_111] : memref<10240x32xf32, #tpu.memory_space<hbm>> -> memref<10240x32xf32, #tpu.memory_space<hbm>>
        tpu.enqueue_indirect_dma source(%dma_start3A_112 : memref<10240x32xf32, #tpu.memory_space<hbm>>) target(%arg9 : memref<125x32xf32, #tpu.memory_space<vmem>>) offsets(%dma_start3A_109 : memref<125xi32, #tpu.memory_space<vmem>>) semaphore(%arg14 : memref<!tpu.dma_semaphore, #tpu.memory_space<semaphore_mem>>)
      } else {
      }
      %add3A_77 = arith.constant 2 : i32
      %add3A_78 = arith.addi %add3A_50, %add3A_77 : i32
      %dma_wait3A_79 = arith.constant 0 : i32
      %dma_wait3A_80 = tpu.memref_slice %arg6[%add3A_78, %dma_wait3A_79] : memref<80x125xi32, #tpu.memory_space<vmem>> -> memref<1x125xi32, #tpu.memory_space<vmem>>
      %dma_wait3A_81 = tpu.memref_squeeze %dma_wait3A_80 : memref<1x125xi32, #tpu.memory_space<vmem>> -> memref<125xi32, #tpu.memory_space<vmem>>
      %dma_wait3A_82 = arith.constant 0 : i32
      %dma_wait3A_83 = arith.constant 0 : i32
      %dma_wait3A_84 = tpu.memref_slice %arg2[%dma_wait3A_82, %dma_wait3A_83] : memref<10240x32xf32, #tpu.memory_space<hbm>> -> memref<10240x32xf32, #tpu.memory_space<hbm>>
      tpu.wait_indirect_dma semaphore(%arg15 : memref<!tpu.dma_semaphore, #tpu.memory_space<semaphore_mem>>) src(%dma_wait3A_84 : memref<10240x32xf32, #tpu.memory_space<hbm>>) dst(%arg10 : memref<125x32xf32, #tpu.memory_space<vmem>>)
      "tpu.region"() ({
        %run_scoped3A_107 = tpu.sem_alloc : memref<!tpu.dma_semaphore, #tpu.memory_space<semaphore_mem>>
        %dma_start3A_108 = arith.constant 0 : i32
        %dma_start3A_109 = tpu.memref_slice %arg7[%add3A_78, %dma_start3A_108] : memref<80x125xi32, #tpu.memory_space<vmem>> -> memref<1x125xi32, #tpu.memory_space<vmem>>
        %dma_start3A_110 = tpu.memref_squeeze %dma_start3A_109 : memref<1x125xi32, #tpu.memory_space<vmem>> -> memref<125xi32, #tpu.memory_space<vmem>>
        %dma_start3A_111 = arith.constant 0 : i32
        %dma_start3A_112 = arith.constant 0 : i32
        %dma_start3A_113 = tpu.memref_slice %arg12[%dma_start3A_111, %dma_start3A_112] : memref<10240x32xf32, #tpu.memory_space<vmem_shared>> -> memref<10240x32xf32, #tpu.memory_space<vmem_shared>>
        tpu.enqueue_indirect_dma source(%arg10 : memref<125x32xf32, #tpu.memory_space<vmem>>) target(%dma_start3A_113 : memref<10240x32xf32, #tpu.memory_space<vmem_shared>>) offsets(%dma_start3A_110 : memref<125xi32, #tpu.memory_space<vmem>>) semaphore(%run_scoped3A_107 : memref<!tpu.dma_semaphore, #tpu.memory_space<semaphore_mem>>) {add = true}
        %dma_wait3A_114 = arith.constant 0 : i32
        %dma_wait3A_115 = tpu.memref_slice %arg7[%add3A_78, %dma_wait3A_114] : memref<80x125xi32, #tpu.memory_space<vmem>> -> memref<1x125xi32, #tpu.memory_space<vmem>>
        %dma_wait3A_116 = tpu.memref_squeeze %dma_wait3A_115 : memref<1x125xi32, #tpu.memory_space<vmem>> -> memref<125xi32, #tpu.memory_space<vmem>>
        %dma_wait3A_117 = arith.constant 0 : i32
        %dma_wait3A_118 = arith.constant 0 : i32
        %dma_wait3A_119 = tpu.memref_slice %arg12[%dma_wait3A_117, %dma_wait3A_118] : memref<10240x32xf32, #tpu.memory_space<vmem_shared>> -> memref<10240x32xf32, #tpu.memory_space<vmem_shared>>
        tpu.wait_indirect_dma semaphore(%run_scoped3A_107 : memref<!tpu.dma_semaphore, #tpu.memory_space<semaphore_mem>>) src(%arg10 : memref<125x32xf32, #tpu.memory_space<vmem>>) dst(%dma_wait3A_119 : memref<10240x32xf32, #tpu.memory_space<vmem_shared>>)
        tpu.yield
      }) : () -> ()
      %add3A_85 = arith.constant 4 : i32
      %add3A_86 = arith.addi %add3A_78, %add3A_85 : i32
      %lt3A_87 = arith.constant 80 : i32
      %lt3A_88 = arith.cmpi slt, %add3A_86, %lt3A_87 : i32
      %convert_element_type3A_89 = arith.extui %lt3A_88 : i1 to i32
      %cond3A_90 = arith.constant 0 : i32
      %cond3A_91 = arith.cmpi ne, %convert_element_type3A_89, %cond3A_90 : i32
      scf.if %cond3A_91 {
        %dma_start3A_107 = arith.constant 0 : i32
        %dma_start3A_108 = tpu.memref_slice %arg6[%add3A_86, %dma_start3A_107] : memref<80x125xi32, #tpu.memory_space<vmem>> -> memref<1x125xi32, #tpu.memory_space<vmem>>
        %dma_start3A_109 = tpu.memref_squeeze %dma_start3A_108 : memref<1x125xi32, #tpu.memory_space<vmem>> -> memref<125xi32, #tpu.memory_space<vmem>>
        %dma_start3A_110 = arith.constant 0 : i32
        %dma_start3A_111 = arith.constant 0 : i32
        %dma_start3A_112 = tpu.memref_slice %arg2[%dma_start3A_110, %dma_start3A_111] : memref<10240x32xf32, #tpu.memory_space<hbm>> -> memref<10240x32xf32, #tpu.memory_space<hbm>>
        tpu.enqueue_indirect_dma source(%dma_start3A_112 : memref<10240x32xf32, #tpu.memory_space<hbm>>) target(%arg10 : memref<125x32xf32, #tpu.memory_space<vmem>>) offsets(%dma_start3A_109 : memref<125xi32, #tpu.memory_space<vmem>>) semaphore(%arg15 : memref<!tpu.dma_semaphore, #tpu.memory_space<semaphore_mem>>)
      } else {
      }
      %add3A_92 = arith.constant 3 : i32
      %add3A_93 = arith.addi %add3A_50, %add3A_92 : i32
      %dma_wait3A_94 = arith.constant 0 : i32
      %dma_wait3A_95 = tpu.memref_slice %arg6[%add3A_93, %dma_wait3A_94] : memref<80x125xi32, #tpu.memory_space<vmem>> -> memref<1x125xi32, #tpu.memory_space<vmem>>
      %dma_wait3A_96 = tpu.memref_squeeze %dma_wait3A_95 : memref<1x125xi32, #tpu.memory_space<vmem>> -> memref<125xi32, #tpu.memory_space<vmem>>
      %dma_wait3A_97 = arith.constant 0 : i32
      %dma_wait3A_98 = arith.constant 0 : i32
      %dma_wait3A_99 = tpu.memref_slice %arg2[%dma_wait3A_97, %dma_wait3A_98] : memref<10240x32xf32, #tpu.memory_space<hbm>> -> memref<10240x32xf32, #tpu.memory_space<hbm>>
      tpu.wait_indirect_dma semaphore(%arg16 : memref<!tpu.dma_semaphore, #tpu.memory_space<semaphore_mem>>) src(%dma_wait3A_99 : memref<10240x32xf32, #tpu.memory_space<hbm>>) dst(%arg11 : memref<125x32xf32, #tpu.memory_space<vmem>>)
      "tpu.region"() ({
        %run_scoped3A_107 = tpu.sem_alloc : memref<!tpu.dma_semaphore, #tpu.memory_space<semaphore_mem>>
        %dma_start3A_108 = arith.constant 0 : i32
        %dma_start3A_109 = tpu.memref_slice %arg7[%add3A_93, %dma_start3A_108] : memref<80x125xi32, #tpu.memory_space<vmem>> -> memref<1x125xi32, #tpu.memory_space<vmem>>
        %dma_start3A_110 = tpu.memref_squeeze %dma_start3A_109 : memref<1x125xi32, #tpu.memory_space<vmem>> -> memref<125xi32, #tpu.memory_space<vmem>>
        %dma_start3A_111 = arith.constant 0 : i32
        %dma_start3A_112 = arith.constant 0 : i32
        %dma_start3A_113 = tpu.memref_slice %arg12[%dma_start3A_111, %dma_start3A_112] : memref<10240x32xf32, #tpu.memory_space<vmem_shared>> -> memref<10240x32xf32, #tpu.memory_space<vmem_shared>>
        tpu.enqueue_indirect_dma source(%arg11 : memref<125x32xf32, #tpu.memory_space<vmem>>) target(%dma_start3A_113 : memref<10240x32xf32, #tpu.memory_space<vmem_shared>>) offsets(%dma_start3A_110 : memref<125xi32, #tpu.memory_space<vmem>>) semaphore(%run_scoped3A_107 : memref<!tpu.dma_semaphore, #tpu.memory_space<semaphore_mem>>) {add = true}
        %dma_wait3A_114 = arith.constant 0 : i32
        %dma_wait3A_115 = tpu.memref_slice %arg7[%add3A_93, %dma_wait3A_114] : memref<80x125xi32, #tpu.memory_space<vmem>> -> memref<1x125xi32, #tpu.memory_space<vmem>>
        %dma_wait3A_116 = tpu.memref_squeeze %dma_wait3A_115 : memref<1x125xi32, #tpu.memory_space<vmem>> -> memref<125xi32, #tpu.memory_space<vmem>>
        %dma_wait3A_117 = arith.constant 0 : i32
        %dma_wait3A_118 = arith.constant 0 : i32
        %dma_wait3A_119 = tpu.memref_slice %arg12[%dma_wait3A_117, %dma_wait3A_118] : memref<10240x32xf32, #tpu.memory_space<vmem_shared>> -> memref<10240x32xf32, #tpu.memory_space<vmem_shared>>
        tpu.wait_indirect_dma semaphore(%run_scoped3A_107 : memref<!tpu.dma_semaphore, #tpu.memory_space<semaphore_mem>>) src(%arg11 : memref<125x32xf32, #tpu.memory_space<vmem>>) dst(%dma_wait3A_119 : memref<10240x32xf32, #tpu.memory_space<vmem_shared>>)
        tpu.yield
      }) : () -> ()
      %add3A_100 = arith.constant 4 : i32
      %add3A_101 = arith.addi %add3A_93, %add3A_100 : i32
      %lt3A_102 = arith.constant 80 : i32
      %lt3A_103 = arith.cmpi slt, %add3A_101, %lt3A_102 : i32
      %convert_element_type3A_104 = arith.extui %lt3A_103 : i1 to i32
      %cond3A_105 = arith.constant 0 : i32
      %cond3A_106 = arith.cmpi ne, %convert_element_type3A_104, %cond3A_105 : i32
      scf.if %cond3A_106 {
        %dma_start3A_107 = arith.constant 0 : i32
        %dma_start3A_108 = tpu.memref_slice %arg6[%add3A_101, %dma_start3A_107] : memref<80x125xi32, #tpu.memory_space<vmem>> -> memref<1x125xi32, #tpu.memory_space<vmem>>
        %dma_start3A_109 = tpu.memref_squeeze %dma_start3A_108 : memref<1x125xi32, #tpu.memory_space<vmem>> -> memref<125xi32, #tpu.memory_space<vmem>>
        %dma_start3A_110 = arith.constant 0 : i32
        %dma_start3A_111 = arith.constant 0 : i32
        %dma_start3A_112 = tpu.memref_slice %arg2[%dma_start3A_110, %dma_start3A_111] : memref<10240x32xf32, #tpu.memory_space<hbm>> -> memref<10240x32xf32, #tpu.memory_space<hbm>>
        tpu.enqueue_indirect_dma source(%dma_start3A_112 : memref<10240x32xf32, #tpu.memory_space<hbm>>) target(%arg11 : memref<125x32xf32, #tpu.memory_space<vmem>>) offsets(%dma_start3A_109 : memref<125xi32, #tpu.memory_space<vmem>>) semaphore(%arg16 : memref<!tpu.dma_semaphore, #tpu.memory_space<semaphore_mem>>)
      } else {
      }
    }
    %scan3A_40 = arith.constant 20 : i32
    %barrier3A_41 = arith.constant 0 : index
    tpu.barrier barrier_id(%barrier3A_41)
    %mul3A_42 = arith.constant 640 : i32
    %mul3A_43 = arith.muli %arg1, %mul3A_42 : i32
    %mul3A_44 = arith.constant 640 : i32
    %mul3A_45 = arith.muli %arg1, %mul3A_44 : i32
    "tpu.region"() ({
      %run_scoped3A_46 = tpu.sem_alloc : memref<!tpu.dma_semaphore, #tpu.memory_space<semaphore_mem>>
      %dma_start3A_47 = arith.constant 0 : i32
      %dma_start3A_48 = tpu.memref_slice %arg5[%arg0, %mul3A_45, %dma_start3A_47] : memref<2x10240x32xf32, #tpu.memory_space<hbm>> -> memref<1x640x32xf32, #tpu.memory_space<hbm>>
      %dma_start3A_49 = tpu.memref_squeeze %dma_start3A_48 : memref<1x640x32xf32, #tpu.memory_space<hbm>> -> memref<640x32xf32, #tpu.memory_space<hbm>>
      %dma_start3A_50 = arith.constant 0 : i32
      %dma_start3A_51 = tpu.memref_slice %arg12[%mul3A_43, %dma_start3A_50] : memref<10240x32xf32, #tpu.memory_space<vmem_shared>> -> memref<640x32xf32, #tpu.memory_space<vmem_shared>>
      tpu.enqueue_dma source(%dma_start3A_51 : memref<640x32xf32, #tpu.memory_space<vmem_shared>>) target(%dma_start3A_49 : memref<640x32xf32, #tpu.memory_space<hbm>>) target_semaphore(%run_scoped3A_46 : memref<!tpu.dma_semaphore, #tpu.memory_space<semaphore_mem>>)
      %dma_wait3A = arith.constant 0 : i32
      %dma_wait3A_52 = tpu.memref_slice %arg5[%arg0, %mul3A_45, %dma_wait3A] : memref<2x10240x32xf32, #tpu.memory_space<hbm>> -> memref<1x640x32xf32, #tpu.memory_space<hbm>>
      %dma_wait3A_53 = tpu.memref_squeeze %dma_wait3A_52 : memref<1x640x32xf32, #tpu.memory_space<hbm>> -> memref<640x32xf32, #tpu.memory_space<hbm>>
      %dma_wait3A_54 = arith.constant 0 : i32
      %dma_wait3A_55 = tpu.memref_slice %arg12[%mul3A_43, %dma_wait3A_54] : memref<10240x32xf32, #tpu.memory_space<vmem_shared>> -> memref<640x32xf32, #tpu.memory_space<vmem_shared>>
      tpu.wait_dma2 semaphore(%run_scoped3A_46 : memref<!tpu.dma_semaphore, #tpu.memory_space<semaphore_mem>>) src(%dma_wait3A_55 : memref<640x32xf32, #tpu.memory_space<vmem_shared>>) dst(%dma_wait3A_53 : memref<640x32xf32, #tpu.memory_space<hbm>>)
      tpu.yield
    }) : () -> ()
    return
  }
}

#map = affine_map<(d0, d1) -> (0, 0)>
#map1 = affine_map<(d0, d1) -> (0, 0, 0)>
module attributes {stable_mosaic.version = 14 : i64} {
  func.func @k(%arg0: i32, %arg1: i32, %arg2: memref<10000x48xf32, #tpu.memory_space<hbm>>, %arg3: memref<2x2560x125xi32, #tpu.memory_space<hbm>>, %arg4: memref<10240x48xf32, #tpu.memory_space<hbm>>, %arg5: memref<2x10240x48xf32, #tpu.memory_space<hbm>>, %arg6: memref<80x125xi32, #tpu.memory_space<vmem>>, %arg7: memref<80x125xi32, #tpu.memory_space<vmem>>, %arg8: memref<125x48xf32, #tpu.memory_space<vmem>>, %arg9: memref<125x48xf32, #tpu.memory_space<vmem>>, %arg10: memref<125x48xf32, #tpu.memory_space<vmem>>, %arg11: memref<125x48xf32, #tpu.memory_space<vmem>>, %arg12: memref<10240x48xf32, #tpu.memory_space<vmem_shared>>, %arg13: memref<!tpu.dma_semaphore, #tpu.memory_space<semaphore_mem>>, %arg14: memref<!tpu.dma_semaphore, #tpu.memory_space<semaphore_mem>>, %arg15: memref<!tpu.dma_semaphore, #tpu.memory_space<semaphore_mem>>, %arg16: memref<!tpu.dma_semaphore, #tpu.memory_space<semaphore_mem>>) attributes {dimension_semantics = [#tpu.dimension_semantics<core_parallel>, #tpu.dimension_semantics<subcore_parallel>], iteration_bounds = array<i64: 2, 16>, scalar_prefetch = 0 : i64, scratch_operands = 11 : i64, tpu.core_type = #tpu.core_type<sc_vector_subcore>, window_params = [{transform_indices = #map}, {transform_indices = #map1}, {transform_indices = #map}, {transform_indices = #map1}]} {
    %mul3A = arith.constant 16 : i32
    %mul3A_0 = arith.muli %arg0, %mul3A : i32
    %add3A = arith.addi %mul3A_0, %arg1 : i32
    %mul3A_1 = arith.constant 640 : i32
    %mul3A_2 = arith.muli %arg1, %mul3A_1 : i32
    %mul3A_3 = arith.constant 640 : i32
    %mul3A_4 = arith.muli %arg1, %mul3A_3 : i32
    "tpu.region"() ({
      %run_scoped3A_46 = tpu.sem_alloc : memref<!tpu.dma_semaphore, #tpu.memory_space<semaphore_mem>>
      %dma_start3A_47 = arith.constant 0 : i32
      %dma_start3A_48 = tpu.memref_slice %arg12[%mul3A_4, %dma_start3A_47] : memref<10240x48xf32, #tpu.memory_space<vmem_shared>> -> memref<640x48xf32, #tpu.memory_space<vmem_shared>>
      %dma_start3A_49 = arith.constant 0 : i32
      %dma_start3A_50 = tpu.memref_slice %arg4[%mul3A_2, %dma_start3A_49] : memref<10240x48xf32, #tpu.memory_space<hbm>> -> memref<640x48xf32, #tpu.memory_space<hbm>>
      tpu.enqueue_dma source(%dma_start3A_50 : memref<640x48xf32, #tpu.memory_space<hbm>>) target(%dma_start3A_48 : memref<640x48xf32, #tpu.memory_space<vmem_shared>>) target_semaphore(%run_scoped3A_46 : memref<!tpu.dma_semaphore, #tpu.memory_space<semaphore_mem>>)
      %dma_wait3A = arith.constant 0 : i32
      %dma_wait3A_51 = tpu.memref_slice %arg12[%mul3A_4, %dma_wait3A] : memref<10240x48xf32, #tpu.memory_space<vmem_shared>> -> memref<640x48xf32, #tpu.memory_space<vmem_shared>>
      %dma_wait3A_52 = arith.constant 0 : i32
      %dma_wait3A_53 = tpu.memref_slice %arg4[%mul3A_2, %dma_wait3A_52] : memref<10240x48xf32, #tpu.memory_space<hbm>> -> memref<640x48xf32, #tpu.memory_space<hbm>>
      tpu.wait_dma2 semaphore(%run_scoped3A_46 : memref<!tpu.dma_semaphore, #tpu.memory_space<semaphore_mem>>) src(%dma_wait3A_53 : memref<640x48xf32, #tpu.memory_space<hbm>>) dst(%dma_wait3A_51 : memref<640x48xf32, #tpu.memory_space<vmem_shared>>)
      tpu.yield
    }) : () -> ()
    %mul3A_5 = arith.constant 80 : i32
    %mul3A_6 = arith.muli %add3A, %mul3A_5 : i32
    %run_scoped3A = arith.constant 0 : i32
    "tpu.region"() ({
      %run_scoped3A_46 = tpu.sem_alloc : memref<!tpu.dma_semaphore, #tpu.memory_space<semaphore_mem>>
      %dma_start3A_47 = arith.constant 0 : i32
      %dma_start3A_48 = tpu.memref_slice %arg3[%run_scoped3A, %mul3A_6, %dma_start3A_47] : memref<2x2560x125xi32, #tpu.memory_space<hbm>> -> memref<1x80x125xi32, #tpu.memory_space<hbm>>
      %dma_start3A_49 = tpu.memref_squeeze %dma_start3A_48 : memref<1x80x125xi32, #tpu.memory_space<hbm>> -> memref<80x125xi32, #tpu.memory_space<hbm>>
      %dma_start3A_50 = arith.constant 0 : i32
      %dma_start3A_51 = tpu.memref_slice %arg3[%run_scoped3A, %mul3A_6, %dma_start3A_50] : memref<2x2560x125xi32, #tpu.memory_space<hbm>> -> memref<1x80x125xi32, #tpu.memory_space<hbm>>
      %dma_start3A_52 = tpu.memref_squeeze %dma_start3A_51 : memref<1x80x125xi32, #tpu.memory_space<hbm>> -> memref<80x125xi32, #tpu.memory_space<hbm>>
      tpu.enqueue_dma source(%dma_start3A_52 : memref<80x125xi32, #tpu.memory_space<hbm>>) target(%arg6 : memref<80x125xi32, #tpu.memory_space<vmem>>) target_semaphore(%run_scoped3A_46 : memref<!tpu.dma_semaphore, #tpu.memory_space<semaphore_mem>>)
      %dma_wait3A = arith.constant 0 : i32
      %dma_wait3A_53 = tpu.memref_slice %arg3[%run_scoped3A, %mul3A_6, %dma_wait3A] : memref<2x2560x125xi32, #tpu.memory_space<hbm>> -> memref<1x80x125xi32, #tpu.memory_space<hbm>>
      %dma_wait3A_54 = tpu.memref_squeeze %dma_wait3A_53 : memref<1x80x125xi32, #tpu.memory_space<hbm>> -> memref<80x125xi32, #tpu.memory_space<hbm>>
      %dma_wait3A_55 = arith.constant 0 : i32
      %dma_wait3A_56 = tpu.memref_slice %arg3[%run_scoped3A, %mul3A_6, %dma_wait3A_55] : memref<2x2560x125xi32, #tpu.memory_space<hbm>> -> memref<1x80x125xi32, #tpu.memory_space<hbm>>
      %dma_wait3A_57 = tpu.memref_squeeze %dma_wait3A_56 : memref<1x80x125xi32, #tpu.memory_space<hbm>> -> memref<80x125xi32, #tpu.memory_space<hbm>>
      tpu.wait_dma2 semaphore(%run_scoped3A_46 : memref<!tpu.dma_semaphore, #tpu.memory_space<semaphore_mem>>) src(%dma_wait3A_57 : memref<80x125xi32, #tpu.memory_space<hbm>>) dst(%arg6 : memref<80x125xi32, #tpu.memory_space<vmem>>)
      tpu.yield
    }) : () -> ()
    %mul3A_7 = arith.constant 80 : i32
    %mul3A_8 = arith.muli %add3A, %mul3A_7 : i32
    %run_scoped3A_9 = arith.constant 1 : i32
    "tpu.region"() ({
      %run_scoped3A_46 = tpu.sem_alloc : memref<!tpu.dma_semaphore, #tpu.memory_space<semaphore_mem>>
      %dma_start3A_47 = arith.constant 0 : i32
      %dma_start3A_48 = tpu.memref_slice %arg3[%run_scoped3A_9, %mul3A_8, %dma_start3A_47] : memref<2x2560x125xi32, #tpu.memory_space<hbm>> -> memref<1x80x125xi32, #tpu.memory_space<hbm>>
      %dma_start3A_49 = tpu.memref_squeeze %dma_start3A_48 : memref<1x80x125xi32, #tpu.memory_space<hbm>> -> memref<80x125xi32, #tpu.memory_space<hbm>>
      %dma_start3A_50 = arith.constant 0 : i32
      %dma_start3A_51 = tpu.memref_slice %arg3[%run_scoped3A_9, %mul3A_8, %dma_start3A_50] : memref<2x2560x125xi32, #tpu.memory_space<hbm>> -> memref<1x80x125xi32, #tpu.memory_space<hbm>>
      %dma_start3A_52 = tpu.memref_squeeze %dma_start3A_51 : memref<1x80x125xi32, #tpu.memory_space<hbm>> -> memref<80x125xi32, #tpu.memory_space<hbm>>
      tpu.enqueue_dma source(%dma_start3A_52 : memref<80x125xi32, #tpu.memory_space<hbm>>) target(%arg7 : memref<80x125xi32, #tpu.memory_space<vmem>>) target_semaphore(%run_scoped3A_46 : memref<!tpu.dma_semaphore, #tpu.memory_space<semaphore_mem>>)
      %dma_wait3A = arith.constant 0 : i32
      %dma_wait3A_53 = tpu.memref_slice %arg3[%run_scoped3A_9, %mul3A_8, %dma_wait3A] : memref<2x2560x125xi32, #tpu.memory_space<hbm>> -> memref<1x80x125xi32, #tpu.memory_space<hbm>>
      %dma_wait3A_54 = tpu.memref_squeeze %dma_wait3A_53 : memref<1x80x125xi32, #tpu.memory_space<hbm>> -> memref<80x125xi32, #tpu.memory_space<hbm>>
      %dma_wait3A_55 = arith.constant 0 : i32
      %dma_wait3A_56 = tpu.memref_slice %arg3[%run_scoped3A_9, %mul3A_8, %dma_wait3A_55] : memref<2x2560x125xi32, #tpu.memory_space<hbm>> -> memref<1x80x125xi32, #tpu.memory_space<hbm>>
      %dma_wait3A_57 = tpu.memref_squeeze %dma_wait3A_56 : memref<1x80x125xi32, #tpu.memory_space<hbm>> -> memref<80x125xi32, #tpu.memory_space<hbm>>
      tpu.wait_dma2 semaphore(%run_scoped3A_46 : memref<!tpu.dma_semaphore, #tpu.memory_space<semaphore_mem>>) src(%dma_wait3A_57 : memref<80x125xi32, #tpu.memory_space<hbm>>) dst(%arg7 : memref<80x125xi32, #tpu.memory_space<vmem>>)
      tpu.yield
    }) : () -> ()
    %dma_start3A = arith.constant 0 : i32
    %dma_start3A_10 = arith.constant 0 : i32
    %dma_start3A_11 = tpu.memref_slice %arg6[%dma_start3A, %dma_start3A_10] : memref<80x125xi32, #tpu.memory_space<vmem>> -> memref<1x125xi32, #tpu.memory_space<vmem>>
    %dma_start3A_12 = tpu.memref_squeeze %dma_start3A_11 : memref<1x125xi32, #tpu.memory_space<vmem>> -> memref<125xi32, #tpu.memory_space<vmem>>
    %dma_start3A_13 = arith.constant 0 : i32
    %dma_start3A_14 = arith.constant 0 : i32
    %dma_start3A_15 = tpu.memref_slice %arg2[%dma_start3A_13, %dma_start3A_14] : memref<10000x48xf32, #tpu.memory_space<hbm>> -> memref<10000x48xf32, #tpu.memory_space<hbm>>
    tpu.enqueue_indirect_dma source(%dma_start3A_15 : memref<10000x48xf32, #tpu.memory_space<hbm>>) target(%arg8 : memref<125x48xf32, #tpu.memory_space<vmem>>) offsets(%dma_start3A_12 : memref<125xi32, #tpu.memory_space<vmem>>) semaphore(%arg13 : memref<!tpu.dma_semaphore, #tpu.memory_space<semaphore_mem>>)
    %dma_start3A_16 = arith.constant 1 : i32
    %dma_start3A_17 = arith.constant 0 : i32
    %dma_start3A_18 = tpu.memref_slice %arg6[%dma_start3A_16, %dma_start3A_17] : memref<80x125xi32, #tpu.memory_space<vmem>> -> memref<1x125xi32, #tpu.memory_space<vmem>>
    %dma_start3A_19 = tpu.memref_squeeze %dma_start3A_18 : memref<1x125xi32, #tpu.memory_space<vmem>> -> memref<125xi32, #tpu.memory_space<vmem>>
    %dma_start3A_20 = arith.constant 0 : i32
    %dma_start3A_21 = arith.constant 0 : i32
    %dma_start3A_22 = tpu.memref_slice %arg2[%dma_start3A_20, %dma_start3A_21] : memref<10000x48xf32, #tpu.memory_space<hbm>> -> memref<10000x48xf32, #tpu.memory_space<hbm>>
    tpu.enqueue_indirect_dma source(%dma_start3A_22 : memref<10000x48xf32, #tpu.memory_space<hbm>>) target(%arg9 : memref<125x48xf32, #tpu.memory_space<vmem>>) offsets(%dma_start3A_19 : memref<125xi32, #tpu.memory_space<vmem>>) semaphore(%arg14 : memref<!tpu.dma_semaphore, #tpu.memory_space<semaphore_mem>>)
    %dma_start3A_23 = arith.constant 2 : i32
    %dma_start3A_24 = arith.constant 0 : i32
    %dma_start3A_25 = tpu.memref_slice %arg6[%dma_start3A_23, %dma_start3A_24] : memref<80x125xi32, #tpu.memory_space<vmem>> -> memref<1x125xi32, #tpu.memory_space<vmem>>
    %dma_start3A_26 = tpu.memref_squeeze %dma_start3A_25 : memref<1x125xi32, #tpu.memory_space<vmem>> -> memref<125xi32, #tpu.memory_space<vmem>>
    %dma_start3A_27 = arith.constant 0 : i32
    %dma_start3A_28 = arith.constant 0 : i32
    %dma_start3A_29 = tpu.memref_slice %arg2[%dma_start3A_27, %dma_start3A_28] : memref<10000x48xf32, #tpu.memory_space<hbm>> -> memref<10000x48xf32, #tpu.memory_space<hbm>>
    tpu.enqueue_indirect_dma source(%dma_start3A_29 : memref<10000x48xf32, #tpu.memory_space<hbm>>) target(%arg10 : memref<125x48xf32, #tpu.memory_space<vmem>>) offsets(%dma_start3A_26 : memref<125xi32, #tpu.memory_space<vmem>>) semaphore(%arg15 : memref<!tpu.dma_semaphore, #tpu.memory_space<semaphore_mem>>)
    %dma_start3A_30 = arith.constant 3 : i32
    %dma_start3A_31 = arith.constant 0 : i32
    %dma_start3A_32 = tpu.memref_slice %arg6[%dma_start3A_30, %dma_start3A_31] : memref<80x125xi32, #tpu.memory_space<vmem>> -> memref<1x125xi32, #tpu.memory_space<vmem>>
    %dma_start3A_33 = tpu.memref_squeeze %dma_start3A_32 : memref<1x125xi32, #tpu.memory_space<vmem>> -> memref<125xi32, #tpu.memory_space<vmem>>
    %dma_start3A_34 = arith.constant 0 : i32
    %dma_start3A_35 = arith.constant 0 : i32
    %dma_start3A_36 = tpu.memref_slice %arg2[%dma_start3A_34, %dma_start3A_35] : memref<10000x48xf32, #tpu.memory_space<hbm>> -> memref<10000x48xf32, #tpu.memory_space<hbm>>
    tpu.enqueue_indirect_dma source(%dma_start3A_36 : memref<10000x48xf32, #tpu.memory_space<hbm>>) target(%arg11 : memref<125x48xf32, #tpu.memory_space<vmem>>) offsets(%dma_start3A_33 : memref<125xi32, #tpu.memory_space<vmem>>) semaphore(%arg16 : memref<!tpu.dma_semaphore, #tpu.memory_space<semaphore_mem>>)
    %barrier3A = arith.constant 0 : index
    tpu.barrier barrier_id(%barrier3A)
    %scan3A = arith.constant 0 : i32
    %scan3A_37 = arith.constant 20 : i32
    %scan3A_38 = arith.addi %scan3A, %scan3A_37 : i32
    %scan3A_39 = arith.constant 1 : i32
    scf.for %scan3A_46 = %scan3A to %scan3A_38 step %scan3A_39  : i32 {
      %mul3A_47 = arith.constant 4 : i32
      %mul3A_48 = arith.muli %scan3A_46, %mul3A_47 : i32
      %add3A_49 = arith.constant 0 : i32
      %add3A_50 = arith.addi %add3A_49, %mul3A_48 : i32
      %add3A_51 = arith.constant 0 : i32
      %add3A_52 = arith.addi %add3A_50, %add3A_51 : i32
      %dma_wait3A = arith.constant 0 : i32
      %dma_wait3A_53 = tpu.memref_slice %arg6[%add3A_52, %dma_wait3A] : memref<80x125xi32, #tpu.memory_space<vmem>> -> memref<1x125xi32, #tpu.memory_space<vmem>>
      %dma_wait3A_54 = tpu.memref_squeeze %dma_wait3A_53 : memref<1x125xi32, #tpu.memory_space<vmem>> -> memref<125xi32, #tpu.memory_space<vmem>>
      %dma_wait3A_55 = arith.constant 0 : i32
      %dma_wait3A_56 = arith.constant 0 : i32
      %dma_wait3A_57 = tpu.memref_slice %arg2[%dma_wait3A_55, %dma_wait3A_56] : memref<10000x48xf32, #tpu.memory_space<hbm>> -> memref<10000x48xf32, #tpu.memory_space<hbm>>
      tpu.wait_indirect_dma semaphore(%arg13 : memref<!tpu.dma_semaphore, #tpu.memory_space<semaphore_mem>>) src(%dma_wait3A_57 : memref<10000x48xf32, #tpu.memory_space<hbm>>) dst(%arg8 : memref<125x48xf32, #tpu.memory_space<vmem>>)
      "tpu.region"() ({
        %run_scoped3A_107 = tpu.sem_alloc : memref<!tpu.dma_semaphore, #tpu.memory_space<semaphore_mem>>
        %dma_start3A_108 = arith.constant 0 : i32
        %dma_start3A_109 = tpu.memref_slice %arg7[%add3A_52, %dma_start3A_108] : memref<80x125xi32, #tpu.memory_space<vmem>> -> memref<1x125xi32, #tpu.memory_space<vmem>>
        %dma_start3A_110 = tpu.memref_squeeze %dma_start3A_109 : memref<1x125xi32, #tpu.memory_space<vmem>> -> memref<125xi32, #tpu.memory_space<vmem>>
        %dma_start3A_111 = arith.constant 0 : i32
        %dma_start3A_112 = arith.constant 0 : i32
        %dma_start3A_113 = tpu.memref_slice %arg12[%dma_start3A_111, %dma_start3A_112] : memref<10240x48xf32, #tpu.memory_space<vmem_shared>> -> memref<10240x48xf32, #tpu.memory_space<vmem_shared>>
        tpu.enqueue_indirect_dma source(%arg8 : memref<125x48xf32, #tpu.memory_space<vmem>>) target(%dma_start3A_113 : memref<10240x48xf32, #tpu.memory_space<vmem_shared>>) offsets(%dma_start3A_110 : memref<125xi32, #tpu.memory_space<vmem>>) semaphore(%run_scoped3A_107 : memref<!tpu.dma_semaphore, #tpu.memory_space<semaphore_mem>>) {add = true}
        %dma_wait3A_114 = arith.constant 0 : i32
        %dma_wait3A_115 = tpu.memref_slice %arg7[%add3A_52, %dma_wait3A_114] : memref<80x125xi32, #tpu.memory_space<vmem>> -> memref<1x125xi32, #tpu.memory_space<vmem>>
        %dma_wait3A_116 = tpu.memref_squeeze %dma_wait3A_115 : memref<1x125xi32, #tpu.memory_space<vmem>> -> memref<125xi32, #tpu.memory_space<vmem>>
        %dma_wait3A_117 = arith.constant 0 : i32
        %dma_wait3A_118 = arith.constant 0 : i32
        %dma_wait3A_119 = tpu.memref_slice %arg12[%dma_wait3A_117, %dma_wait3A_118] : memref<10240x48xf32, #tpu.memory_space<vmem_shared>> -> memref<10240x48xf32, #tpu.memory_space<vmem_shared>>
        tpu.wait_indirect_dma semaphore(%run_scoped3A_107 : memref<!tpu.dma_semaphore, #tpu.memory_space<semaphore_mem>>) src(%arg8 : memref<125x48xf32, #tpu.memory_space<vmem>>) dst(%dma_wait3A_119 : memref<10240x48xf32, #tpu.memory_space<vmem_shared>>)
        tpu.yield
      }) : () -> ()
      %add3A_58 = arith.constant 4 : i32
      %add3A_59 = arith.addi %add3A_52, %add3A_58 : i32
      %lt3A = arith.constant 80 : i32
      %lt3A_60 = arith.cmpi slt, %add3A_59, %lt3A : i32
      %convert_element_type3A = arith.extui %lt3A_60 : i1 to i32
      %cond3A = arith.constant 0 : i32
      %cond3A_61 = arith.cmpi ne, %convert_element_type3A, %cond3A : i32
      scf.if %cond3A_61 {
        %dma_start3A_107 = arith.constant 0 : i32
        %dma_start3A_108 = tpu.memref_slice %arg6[%add3A_59, %dma_start3A_107] : memref<80x125xi32, #tpu.memory_space<vmem>> -> memref<1x125xi32, #tpu.memory_space<vmem>>
        %dma_start3A_109 = tpu.memref_squeeze %dma_start3A_108 : memref<1x125xi32, #tpu.memory_space<vmem>> -> memref<125xi32, #tpu.memory_space<vmem>>
        %dma_start3A_110 = arith.constant 0 : i32
        %dma_start3A_111 = arith.constant 0 : i32
        %dma_start3A_112 = tpu.memref_slice %arg2[%dma_start3A_110, %dma_start3A_111] : memref<10000x48xf32, #tpu.memory_space<hbm>> -> memref<10000x48xf32, #tpu.memory_space<hbm>>
        tpu.enqueue_indirect_dma source(%dma_start3A_112 : memref<10000x48xf32, #tpu.memory_space<hbm>>) target(%arg8 : memref<125x48xf32, #tpu.memory_space<vmem>>) offsets(%dma_start3A_109 : memref<125xi32, #tpu.memory_space<vmem>>) semaphore(%arg13 : memref<!tpu.dma_semaphore, #tpu.memory_space<semaphore_mem>>)
      } else {
      }
      %add3A_62 = arith.constant 1 : i32
      %add3A_63 = arith.addi %add3A_50, %add3A_62 : i32
      %dma_wait3A_64 = arith.constant 0 : i32
      %dma_wait3A_65 = tpu.memref_slice %arg6[%add3A_63, %dma_wait3A_64] : memref<80x125xi32, #tpu.memory_space<vmem>> -> memref<1x125xi32, #tpu.memory_space<vmem>>
      %dma_wait3A_66 = tpu.memref_squeeze %dma_wait3A_65 : memref<1x125xi32, #tpu.memory_space<vmem>> -> memref<125xi32, #tpu.memory_space<vmem>>
      %dma_wait3A_67 = arith.constant 0 : i32
      %dma_wait3A_68 = arith.constant 0 : i32
      %dma_wait3A_69 = tpu.memref_slice %arg2[%dma_wait3A_67, %dma_wait3A_68] : memref<10000x48xf32, #tpu.memory_space<hbm>> -> memref<10000x48xf32, #tpu.memory_space<hbm>>
      tpu.wait_indirect_dma semaphore(%arg14 : memref<!tpu.dma_semaphore, #tpu.memory_space<semaphore_mem>>) src(%dma_wait3A_69 : memref<10000x48xf32, #tpu.memory_space<hbm>>) dst(%arg9 : memref<125x48xf32, #tpu.memory_space<vmem>>)
      "tpu.region"() ({
        %run_scoped3A_107 = tpu.sem_alloc : memref<!tpu.dma_semaphore, #tpu.memory_space<semaphore_mem>>
        %dma_start3A_108 = arith.constant 0 : i32
        %dma_start3A_109 = tpu.memref_slice %arg7[%add3A_63, %dma_start3A_108] : memref<80x125xi32, #tpu.memory_space<vmem>> -> memref<1x125xi32, #tpu.memory_space<vmem>>
        %dma_start3A_110 = tpu.memref_squeeze %dma_start3A_109 : memref<1x125xi32, #tpu.memory_space<vmem>> -> memref<125xi32, #tpu.memory_space<vmem>>
        %dma_start3A_111 = arith.constant 0 : i32
        %dma_start3A_112 = arith.constant 0 : i32
        %dma_start3A_113 = tpu.memref_slice %arg12[%dma_start3A_111, %dma_start3A_112] : memref<10240x48xf32, #tpu.memory_space<vmem_shared>> -> memref<10240x48xf32, #tpu.memory_space<vmem_shared>>
        tpu.enqueue_indirect_dma source(%arg9 : memref<125x48xf32, #tpu.memory_space<vmem>>) target(%dma_start3A_113 : memref<10240x48xf32, #tpu.memory_space<vmem_shared>>) offsets(%dma_start3A_110 : memref<125xi32, #tpu.memory_space<vmem>>) semaphore(%run_scoped3A_107 : memref<!tpu.dma_semaphore, #tpu.memory_space<semaphore_mem>>) {add = true}
        %dma_wait3A_114 = arith.constant 0 : i32
        %dma_wait3A_115 = tpu.memref_slice %arg7[%add3A_63, %dma_wait3A_114] : memref<80x125xi32, #tpu.memory_space<vmem>> -> memref<1x125xi32, #tpu.memory_space<vmem>>
        %dma_wait3A_116 = tpu.memref_squeeze %dma_wait3A_115 : memref<1x125xi32, #tpu.memory_space<vmem>> -> memref<125xi32, #tpu.memory_space<vmem>>
        %dma_wait3A_117 = arith.constant 0 : i32
        %dma_wait3A_118 = arith.constant 0 : i32
        %dma_wait3A_119 = tpu.memref_slice %arg12[%dma_wait3A_117, %dma_wait3A_118] : memref<10240x48xf32, #tpu.memory_space<vmem_shared>> -> memref<10240x48xf32, #tpu.memory_space<vmem_shared>>
        tpu.wait_indirect_dma semaphore(%run_scoped3A_107 : memref<!tpu.dma_semaphore, #tpu.memory_space<semaphore_mem>>) src(%arg9 : memref<125x48xf32, #tpu.memory_space<vmem>>) dst(%dma_wait3A_119 : memref<10240x48xf32, #tpu.memory_space<vmem_shared>>)
        tpu.yield
      }) : () -> ()
      %add3A_70 = arith.constant 4 : i32
      %add3A_71 = arith.addi %add3A_63, %add3A_70 : i32
      %lt3A_72 = arith.constant 80 : i32
      %lt3A_73 = arith.cmpi slt, %add3A_71, %lt3A_72 : i32
      %convert_element_type3A_74 = arith.extui %lt3A_73 : i1 to i32
      %cond3A_75 = arith.constant 0 : i32
      %cond3A_76 = arith.cmpi ne, %convert_element_type3A_74, %cond3A_75 : i32
      scf.if %cond3A_76 {
        %dma_start3A_107 = arith.constant 0 : i32
        %dma_start3A_108 = tpu.memref_slice %arg6[%add3A_71, %dma_start3A_107] : memref<80x125xi32, #tpu.memory_space<vmem>> -> memref<1x125xi32, #tpu.memory_space<vmem>>
        %dma_start3A_109 = tpu.memref_squeeze %dma_start3A_108 : memref<1x125xi32, #tpu.memory_space<vmem>> -> memref<125xi32, #tpu.memory_space<vmem>>
        %dma_start3A_110 = arith.constant 0 : i32
        %dma_start3A_111 = arith.constant 0 : i32
        %dma_start3A_112 = tpu.memref_slice %arg2[%dma_start3A_110, %dma_start3A_111] : memref<10000x48xf32, #tpu.memory_space<hbm>> -> memref<10000x48xf32, #tpu.memory_space<hbm>>
        tpu.enqueue_indirect_dma source(%dma_start3A_112 : memref<10000x48xf32, #tpu.memory_space<hbm>>) target(%arg9 : memref<125x48xf32, #tpu.memory_space<vmem>>) offsets(%dma_start3A_109 : memref<125xi32, #tpu.memory_space<vmem>>) semaphore(%arg14 : memref<!tpu.dma_semaphore, #tpu.memory_space<semaphore_mem>>)
      } else {
      }
      %add3A_77 = arith.constant 2 : i32
      %add3A_78 = arith.addi %add3A_50, %add3A_77 : i32
      %dma_wait3A_79 = arith.constant 0 : i32
      %dma_wait3A_80 = tpu.memref_slice %arg6[%add3A_78, %dma_wait3A_79] : memref<80x125xi32, #tpu.memory_space<vmem>> -> memref<1x125xi32, #tpu.memory_space<vmem>>
      %dma_wait3A_81 = tpu.memref_squeeze %dma_wait3A_80 : memref<1x125xi32, #tpu.memory_space<vmem>> -> memref<125xi32, #tpu.memory_space<vmem>>
      %dma_wait3A_82 = arith.constant 0 : i32
      %dma_wait3A_83 = arith.constant 0 : i32
      %dma_wait3A_84 = tpu.memref_slice %arg2[%dma_wait3A_82, %dma_wait3A_83] : memref<10000x48xf32, #tpu.memory_space<hbm>> -> memref<10000x48xf32, #tpu.memory_space<hbm>>
      tpu.wait_indirect_dma semaphore(%arg15 : memref<!tpu.dma_semaphore, #tpu.memory_space<semaphore_mem>>) src(%dma_wait3A_84 : memref<10000x48xf32, #tpu.memory_space<hbm>>) dst(%arg10 : memref<125x48xf32, #tpu.memory_space<vmem>>)
      "tpu.region"() ({
        %run_scoped3A_107 = tpu.sem_alloc : memref<!tpu.dma_semaphore, #tpu.memory_space<semaphore_mem>>
        %dma_start3A_108 = arith.constant 0 : i32
        %dma_start3A_109 = tpu.memref_slice %arg7[%add3A_78, %dma_start3A_108] : memref<80x125xi32, #tpu.memory_space<vmem>> -> memref<1x125xi32, #tpu.memory_space<vmem>>
        %dma_start3A_110 = tpu.memref_squeeze %dma_start3A_109 : memref<1x125xi32, #tpu.memory_space<vmem>> -> memref<125xi32, #tpu.memory_space<vmem>>
        %dma_start3A_111 = arith.constant 0 : i32
        %dma_start3A_112 = arith.constant 0 : i32
        %dma_start3A_113 = tpu.memref_slice %arg12[%dma_start3A_111, %dma_start3A_112] : memref<10240x48xf32, #tpu.memory_space<vmem_shared>> -> memref<10240x48xf32, #tpu.memory_space<vmem_shared>>
        tpu.enqueue_indirect_dma source(%arg10 : memref<125x48xf32, #tpu.memory_space<vmem>>) target(%dma_start3A_113 : memref<10240x48xf32, #tpu.memory_space<vmem_shared>>) offsets(%dma_start3A_110 : memref<125xi32, #tpu.memory_space<vmem>>) semaphore(%run_scoped3A_107 : memref<!tpu.dma_semaphore, #tpu.memory_space<semaphore_mem>>) {add = true}
        %dma_wait3A_114 = arith.constant 0 : i32
        %dma_wait3A_115 = tpu.memref_slice %arg7[%add3A_78, %dma_wait3A_114] : memref<80x125xi32, #tpu.memory_space<vmem>> -> memref<1x125xi32, #tpu.memory_space<vmem>>
        %dma_wait3A_116 = tpu.memref_squeeze %dma_wait3A_115 : memref<1x125xi32, #tpu.memory_space<vmem>> -> memref<125xi32, #tpu.memory_space<vmem>>
        %dma_wait3A_117 = arith.constant 0 : i32
        %dma_wait3A_118 = arith.constant 0 : i32
        %dma_wait3A_119 = tpu.memref_slice %arg12[%dma_wait3A_117, %dma_wait3A_118] : memref<10240x48xf32, #tpu.memory_space<vmem_shared>> -> memref<10240x48xf32, #tpu.memory_space<vmem_shared>>
        tpu.wait_indirect_dma semaphore(%run_scoped3A_107 : memref<!tpu.dma_semaphore, #tpu.memory_space<semaphore_mem>>) src(%arg10 : memref<125x48xf32, #tpu.memory_space<vmem>>) dst(%dma_wait3A_119 : memref<10240x48xf32, #tpu.memory_space<vmem_shared>>)
        tpu.yield
      }) : () -> ()
      %add3A_85 = arith.constant 4 : i32
      %add3A_86 = arith.addi %add3A_78, %add3A_85 : i32
      %lt3A_87 = arith.constant 80 : i32
      %lt3A_88 = arith.cmpi slt, %add3A_86, %lt3A_87 : i32
      %convert_element_type3A_89 = arith.extui %lt3A_88 : i1 to i32
      %cond3A_90 = arith.constant 0 : i32
      %cond3A_91 = arith.cmpi ne, %convert_element_type3A_89, %cond3A_90 : i32
      scf.if %cond3A_91 {
        %dma_start3A_107 = arith.constant 0 : i32
        %dma_start3A_108 = tpu.memref_slice %arg6[%add3A_86, %dma_start3A_107] : memref<80x125xi32, #tpu.memory_space<vmem>> -> memref<1x125xi32, #tpu.memory_space<vmem>>
        %dma_start3A_109 = tpu.memref_squeeze %dma_start3A_108 : memref<1x125xi32, #tpu.memory_space<vmem>> -> memref<125xi32, #tpu.memory_space<vmem>>
        %dma_start3A_110 = arith.constant 0 : i32
        %dma_start3A_111 = arith.constant 0 : i32
        %dma_start3A_112 = tpu.memref_slice %arg2[%dma_start3A_110, %dma_start3A_111] : memref<10000x48xf32, #tpu.memory_space<hbm>> -> memref<10000x48xf32, #tpu.memory_space<hbm>>
        tpu.enqueue_indirect_dma source(%dma_start3A_112 : memref<10000x48xf32, #tpu.memory_space<hbm>>) target(%arg10 : memref<125x48xf32, #tpu.memory_space<vmem>>) offsets(%dma_start3A_109 : memref<125xi32, #tpu.memory_space<vmem>>) semaphore(%arg15 : memref<!tpu.dma_semaphore, #tpu.memory_space<semaphore_mem>>)
      } else {
      }
      %add3A_92 = arith.constant 3 : i32
      %add3A_93 = arith.addi %add3A_50, %add3A_92 : i32
      %dma_wait3A_94 = arith.constant 0 : i32
      %dma_wait3A_95 = tpu.memref_slice %arg6[%add3A_93, %dma_wait3A_94] : memref<80x125xi32, #tpu.memory_space<vmem>> -> memref<1x125xi32, #tpu.memory_space<vmem>>
      %dma_wait3A_96 = tpu.memref_squeeze %dma_wait3A_95 : memref<1x125xi32, #tpu.memory_space<vmem>> -> memref<125xi32, #tpu.memory_space<vmem>>
      %dma_wait3A_97 = arith.constant 0 : i32
      %dma_wait3A_98 = arith.constant 0 : i32
      %dma_wait3A_99 = tpu.memref_slice %arg2[%dma_wait3A_97, %dma_wait3A_98] : memref<10000x48xf32, #tpu.memory_space<hbm>> -> memref<10000x48xf32, #tpu.memory_space<hbm>>
      tpu.wait_indirect_dma semaphore(%arg16 : memref<!tpu.dma_semaphore, #tpu.memory_space<semaphore_mem>>) src(%dma_wait3A_99 : memref<10000x48xf32, #tpu.memory_space<hbm>>) dst(%arg11 : memref<125x48xf32, #tpu.memory_space<vmem>>)
      "tpu.region"() ({
        %run_scoped3A_107 = tpu.sem_alloc : memref<!tpu.dma_semaphore, #tpu.memory_space<semaphore_mem>>
        %dma_start3A_108 = arith.constant 0 : i32
        %dma_start3A_109 = tpu.memref_slice %arg7[%add3A_93, %dma_start3A_108] : memref<80x125xi32, #tpu.memory_space<vmem>> -> memref<1x125xi32, #tpu.memory_space<vmem>>
        %dma_start3A_110 = tpu.memref_squeeze %dma_start3A_109 : memref<1x125xi32, #tpu.memory_space<vmem>> -> memref<125xi32, #tpu.memory_space<vmem>>
        %dma_start3A_111 = arith.constant 0 : i32
        %dma_start3A_112 = arith.constant 0 : i32
        %dma_start3A_113 = tpu.memref_slice %arg12[%dma_start3A_111, %dma_start3A_112] : memref<10240x48xf32, #tpu.memory_space<vmem_shared>> -> memref<10240x48xf32, #tpu.memory_space<vmem_shared>>
        tpu.enqueue_indirect_dma source(%arg11 : memref<125x48xf32, #tpu.memory_space<vmem>>) target(%dma_start3A_113 : memref<10240x48xf32, #tpu.memory_space<vmem_shared>>) offsets(%dma_start3A_110 : memref<125xi32, #tpu.memory_space<vmem>>) semaphore(%run_scoped3A_107 : memref<!tpu.dma_semaphore, #tpu.memory_space<semaphore_mem>>) {add = true}
        %dma_wait3A_114 = arith.constant 0 : i32
        %dma_wait3A_115 = tpu.memref_slice %arg7[%add3A_93, %dma_wait3A_114] : memref<80x125xi32, #tpu.memory_space<vmem>> -> memref<1x125xi32, #tpu.memory_space<vmem>>
        %dma_wait3A_116 = tpu.memref_squeeze %dma_wait3A_115 : memref<1x125xi32, #tpu.memory_space<vmem>> -> memref<125xi32, #tpu.memory_space<vmem>>
        %dma_wait3A_117 = arith.constant 0 : i32
        %dma_wait3A_118 = arith.constant 0 : i32
        %dma_wait3A_119 = tpu.memref_slice %arg12[%dma_wait3A_117, %dma_wait3A_118] : memref<10240x48xf32, #tpu.memory_space<vmem_shared>> -> memref<10240x48xf32, #tpu.memory_space<vmem_shared>>
        tpu.wait_indirect_dma semaphore(%run_scoped3A_107 : memref<!tpu.dma_semaphore, #tpu.memory_space<semaphore_mem>>) src(%arg11 : memref<125x48xf32, #tpu.memory_space<vmem>>) dst(%dma_wait3A_119 : memref<10240x48xf32, #tpu.memory_space<vmem_shared>>)
        tpu.yield
      }) : () -> ()
      %add3A_100 = arith.constant 4 : i32
      %add3A_101 = arith.addi %add3A_93, %add3A_100 : i32
      %lt3A_102 = arith.constant 80 : i32
      %lt3A_103 = arith.cmpi slt, %add3A_101, %lt3A_102 : i32
      %convert_element_type3A_104 = arith.extui %lt3A_103 : i1 to i32
      %cond3A_105 = arith.constant 0 : i32
      %cond3A_106 = arith.cmpi ne, %convert_element_type3A_104, %cond3A_105 : i32
      scf.if %cond3A_106 {
        %dma_start3A_107 = arith.constant 0 : i32
        %dma_start3A_108 = tpu.memref_slice %arg6[%add3A_101, %dma_start3A_107] : memref<80x125xi32, #tpu.memory_space<vmem>> -> memref<1x125xi32, #tpu.memory_space<vmem>>
        %dma_start3A_109 = tpu.memref_squeeze %dma_start3A_108 : memref<1x125xi32, #tpu.memory_space<vmem>> -> memref<125xi32, #tpu.memory_space<vmem>>
        %dma_start3A_110 = arith.constant 0 : i32
        %dma_start3A_111 = arith.constant 0 : i32
        %dma_start3A_112 = tpu.memref_slice %arg2[%dma_start3A_110, %dma_start3A_111] : memref<10000x48xf32, #tpu.memory_space<hbm>> -> memref<10000x48xf32, #tpu.memory_space<hbm>>
        tpu.enqueue_indirect_dma source(%dma_start3A_112 : memref<10000x48xf32, #tpu.memory_space<hbm>>) target(%arg11 : memref<125x48xf32, #tpu.memory_space<vmem>>) offsets(%dma_start3A_109 : memref<125xi32, #tpu.memory_space<vmem>>) semaphore(%arg16 : memref<!tpu.dma_semaphore, #tpu.memory_space<semaphore_mem>>)
      } else {
      }
    }
    %scan3A_40 = arith.constant 20 : i32
    %barrier3A_41 = arith.constant 0 : index
    tpu.barrier barrier_id(%barrier3A_41)
    %mul3A_42 = arith.constant 640 : i32
    %mul3A_43 = arith.muli %arg1, %mul3A_42 : i32
    %mul3A_44 = arith.constant 640 : i32
    %mul3A_45 = arith.muli %arg1, %mul3A_44 : i32
    "tpu.region"() ({
      %run_scoped3A_46 = tpu.sem_alloc : memref<!tpu.dma_semaphore, #tpu.memory_space<semaphore_mem>>
      %dma_start3A_47 = arith.constant 0 : i32
      %dma_start3A_48 = tpu.memref_slice %arg5[%arg0, %mul3A_45, %dma_start3A_47] : memref<2x10240x48xf32, #tpu.memory_space<hbm>> -> memref<1x640x48xf32, #tpu.memory_space<hbm>>
      %dma_start3A_49 = tpu.memref_squeeze %dma_start3A_48 : memref<1x640x48xf32, #tpu.memory_space<hbm>> -> memref<640x48xf32, #tpu.memory_space<hbm>>
      %dma_start3A_50 = arith.constant 0 : i32
      %dma_start3A_51 = tpu.memref_slice %arg12[%mul3A_43, %dma_start3A_50] : memref<10240x48xf32, #tpu.memory_space<vmem_shared>> -> memref<640x48xf32, #tpu.memory_space<vmem_shared>>
      tpu.enqueue_dma source(%dma_start3A_51 : memref<640x48xf32, #tpu.memory_space<vmem_shared>>) target(%dma_start3A_49 : memref<640x48xf32, #tpu.memory_space<hbm>>) target_semaphore(%run_scoped3A_46 : memref<!tpu.dma_semaphore, #tpu.memory_space<semaphore_mem>>)
      %dma_wait3A = arith.constant 0 : i32
      %dma_wait3A_52 = tpu.memref_slice %arg5[%arg0, %mul3A_45, %dma_wait3A] : memref<2x10240x48xf32, #tpu.memory_space<hbm>> -> memref<1x640x48xf32, #tpu.memory_space<hbm>>
      %dma_wait3A_53 = tpu.memref_squeeze %dma_wait3A_52 : memref<1x640x48xf32, #tpu.memory_space<hbm>> -> memref<640x48xf32, #tpu.memory_space<hbm>>
      %dma_wait3A_54 = arith.constant 0 : i32
      %dma_wait3A_55 = tpu.memref_slice %arg12[%mul3A_43, %dma_wait3A_54] : memref<10240x48xf32, #tpu.memory_space<vmem_shared>> -> memref<640x48xf32, #tpu.memory_space<vmem_shared>>
      tpu.wait_dma2 semaphore(%run_scoped3A_46 : memref<!tpu.dma_semaphore, #tpu.memory_space<semaphore_mem>>) src(%dma_wait3A_55 : memref<640x48xf32, #tpu.memory_space<vmem_shared>>) dst(%dma_wait3A_53 : memref<640x48xf32, #tpu.memory_space<hbm>>)
      tpu.yield
    }) : () -> ()
    return
  }
}

#map = affine_map<(d0, d1) -> (0, 0)>
#map1 = affine_map<(d0, d1) -> (0, 0, 0)>
module attributes {stable_mosaic.version = 14 : i64} {
  func.func @k(%arg0: i32, %arg1: i32, %arg2: memref<10240x32xf32, #tpu.memory_space<hbm>>, %arg3: memref<2x2560x125xi32, #tpu.memory_space<hbm>>, %arg4: memref<10240x32xf32, #tpu.memory_space<hbm>>, %arg5: memref<2x10240x32xf32, #tpu.memory_space<hbm>>, %arg6: memref<80x125xi32, #tpu.memory_space<vmem>>, %arg7: memref<80x125xi32, #tpu.memory_space<vmem>>, %arg8: memref<125x32xf32, #tpu.memory_space<vmem>>, %arg9: memref<125x32xf32, #tpu.memory_space<vmem>>, %arg10: memref<125x32xf32, #tpu.memory_space<vmem>>, %arg11: memref<125x32xf32, #tpu.memory_space<vmem>>, %arg12: memref<10240x32xf32, #tpu.memory_space<vmem_shared>>, %arg13: memref<!tpu.dma_semaphore, #tpu.memory_space<semaphore_mem>>, %arg14: memref<!tpu.dma_semaphore, #tpu.memory_space<semaphore_mem>>, %arg15: memref<!tpu.dma_semaphore, #tpu.memory_space<semaphore_mem>>, %arg16: memref<!tpu.dma_semaphore, #tpu.memory_space<semaphore_mem>>) attributes {dimension_semantics = [#tpu.dimension_semantics<core_parallel>, #tpu.dimension_semantics<subcore_parallel>], iteration_bounds = array<i64: 2, 16>, scalar_prefetch = 0 : i64, scratch_operands = 11 : i64, tpu.core_type = #tpu.core_type<sc_vector_subcore>, window_params = [{transform_indices = #map}, {transform_indices = #map1}, {transform_indices = #map}, {transform_indices = #map1}]} {
    %mul3A = arith.constant 16 : i32
    %mul3A_0 = arith.muli %arg0, %mul3A : i32
    %add3A = arith.addi %mul3A_0, %arg1 : i32
    %mul3A_1 = arith.constant 640 : i32
    %mul3A_2 = arith.muli %arg1, %mul3A_1 : i32
    %mul3A_3 = arith.constant 640 : i32
    %mul3A_4 = arith.muli %arg1, %mul3A_3 : i32
    "tpu.region"() ({
      %run_scoped3A_46 = tpu.sem_alloc : memref<!tpu.dma_semaphore, #tpu.memory_space<semaphore_mem>>
      %dma_start3A_47 = arith.constant 0 : i32
      %dma_start3A_48 = tpu.memref_slice %arg12[%mul3A_4, %dma_start3A_47] : memref<10240x32xf32, #tpu.memory_space<vmem_shared>> -> memref<640x32xf32, #tpu.memory_space<vmem_shared>>
      %dma_start3A_49 = arith.constant 0 : i32
      %dma_start3A_50 = tpu.memref_slice %arg4[%mul3A_2, %dma_start3A_49] : memref<10240x32xf32, #tpu.memory_space<hbm>> -> memref<640x32xf32, #tpu.memory_space<hbm>>
      tpu.enqueue_dma source(%dma_start3A_50 : memref<640x32xf32, #tpu.memory_space<hbm>>) target(%dma_start3A_48 : memref<640x32xf32, #tpu.memory_space<vmem_shared>>) target_semaphore(%run_scoped3A_46 : memref<!tpu.dma_semaphore, #tpu.memory_space<semaphore_mem>>)
      %dma_wait3A = arith.constant 0 : i32
      %dma_wait3A_51 = tpu.memref_slice %arg12[%mul3A_4, %dma_wait3A] : memref<10240x32xf32, #tpu.memory_space<vmem_shared>> -> memref<640x32xf32, #tpu.memory_space<vmem_shared>>
      %dma_wait3A_52 = arith.constant 0 : i32
      %dma_wait3A_53 = tpu.memref_slice %arg4[%mul3A_2, %dma_wait3A_52] : memref<10240x32xf32, #tpu.memory_space<hbm>> -> memref<640x32xf32, #tpu.memory_space<hbm>>
      tpu.wait_dma2 semaphore(%run_scoped3A_46 : memref<!tpu.dma_semaphore, #tpu.memory_space<semaphore_mem>>) src(%dma_wait3A_53 : memref<640x32xf32, #tpu.memory_space<hbm>>) dst(%dma_wait3A_51 : memref<640x32xf32, #tpu.memory_space<vmem_shared>>)
      tpu.yield
    }) : () -> ()
    %mul3A_5 = arith.constant 80 : i32
    %mul3A_6 = arith.muli %add3A, %mul3A_5 : i32
    %run_scoped3A = arith.constant 0 : i32
    "tpu.region"() ({
      %run_scoped3A_46 = tpu.sem_alloc : memref<!tpu.dma_semaphore, #tpu.memory_space<semaphore_mem>>
      %dma_start3A_47 = arith.constant 0 : i32
      %dma_start3A_48 = tpu.memref_slice %arg3[%run_scoped3A, %mul3A_6, %dma_start3A_47] : memref<2x2560x125xi32, #tpu.memory_space<hbm>> -> memref<1x80x125xi32, #tpu.memory_space<hbm>>
      %dma_start3A_49 = tpu.memref_squeeze %dma_start3A_48 : memref<1x80x125xi32, #tpu.memory_space<hbm>> -> memref<80x125xi32, #tpu.memory_space<hbm>>
      %dma_start3A_50 = arith.constant 0 : i32
      %dma_start3A_51 = tpu.memref_slice %arg3[%run_scoped3A, %mul3A_6, %dma_start3A_50] : memref<2x2560x125xi32, #tpu.memory_space<hbm>> -> memref<1x80x125xi32, #tpu.memory_space<hbm>>
      %dma_start3A_52 = tpu.memref_squeeze %dma_start3A_51 : memref<1x80x125xi32, #tpu.memory_space<hbm>> -> memref<80x125xi32, #tpu.memory_space<hbm>>
      tpu.enqueue_dma source(%dma_start3A_52 : memref<80x125xi32, #tpu.memory_space<hbm>>) target(%arg6 : memref<80x125xi32, #tpu.memory_space<vmem>>) target_semaphore(%run_scoped3A_46 : memref<!tpu.dma_semaphore, #tpu.memory_space<semaphore_mem>>)
      %dma_wait3A = arith.constant 0 : i32
      %dma_wait3A_53 = tpu.memref_slice %arg3[%run_scoped3A, %mul3A_6, %dma_wait3A] : memref<2x2560x125xi32, #tpu.memory_space<hbm>> -> memref<1x80x125xi32, #tpu.memory_space<hbm>>
      %dma_wait3A_54 = tpu.memref_squeeze %dma_wait3A_53 : memref<1x80x125xi32, #tpu.memory_space<hbm>> -> memref<80x125xi32, #tpu.memory_space<hbm>>
      %dma_wait3A_55 = arith.constant 0 : i32
      %dma_wait3A_56 = tpu.memref_slice %arg3[%run_scoped3A, %mul3A_6, %dma_wait3A_55] : memref<2x2560x125xi32, #tpu.memory_space<hbm>> -> memref<1x80x125xi32, #tpu.memory_space<hbm>>
      %dma_wait3A_57 = tpu.memref_squeeze %dma_wait3A_56 : memref<1x80x125xi32, #tpu.memory_space<hbm>> -> memref<80x125xi32, #tpu.memory_space<hbm>>
      tpu.wait_dma2 semaphore(%run_scoped3A_46 : memref<!tpu.dma_semaphore, #tpu.memory_space<semaphore_mem>>) src(%dma_wait3A_57 : memref<80x125xi32, #tpu.memory_space<hbm>>) dst(%arg6 : memref<80x125xi32, #tpu.memory_space<vmem>>)
      tpu.yield
    }) : () -> ()
    %mul3A_7 = arith.constant 80 : i32
    %mul3A_8 = arith.muli %add3A, %mul3A_7 : i32
    %run_scoped3A_9 = arith.constant 1 : i32
    "tpu.region"() ({
      %run_scoped3A_46 = tpu.sem_alloc : memref<!tpu.dma_semaphore, #tpu.memory_space<semaphore_mem>>
      %dma_start3A_47 = arith.constant 0 : i32
      %dma_start3A_48 = tpu.memref_slice %arg3[%run_scoped3A_9, %mul3A_8, %dma_start3A_47] : memref<2x2560x125xi32, #tpu.memory_space<hbm>> -> memref<1x80x125xi32, #tpu.memory_space<hbm>>
      %dma_start3A_49 = tpu.memref_squeeze %dma_start3A_48 : memref<1x80x125xi32, #tpu.memory_space<hbm>> -> memref<80x125xi32, #tpu.memory_space<hbm>>
      %dma_start3A_50 = arith.constant 0 : i32
      %dma_start3A_51 = tpu.memref_slice %arg3[%run_scoped3A_9, %mul3A_8, %dma_start3A_50] : memref<2x2560x125xi32, #tpu.memory_space<hbm>> -> memref<1x80x125xi32, #tpu.memory_space<hbm>>
      %dma_start3A_52 = tpu.memref_squeeze %dma_start3A_51 : memref<1x80x125xi32, #tpu.memory_space<hbm>> -> memref<80x125xi32, #tpu.memory_space<hbm>>
      tpu.enqueue_dma source(%dma_start3A_52 : memref<80x125xi32, #tpu.memory_space<hbm>>) target(%arg7 : memref<80x125xi32, #tpu.memory_space<vmem>>) target_semaphore(%run_scoped3A_46 : memref<!tpu.dma_semaphore, #tpu.memory_space<semaphore_mem>>)
      %dma_wait3A = arith.constant 0 : i32
      %dma_wait3A_53 = tpu.memref_slice %arg3[%run_scoped3A_9, %mul3A_8, %dma_wait3A] : memref<2x2560x125xi32, #tpu.memory_space<hbm>> -> memref<1x80x125xi32, #tpu.memory_space<hbm>>
      %dma_wait3A_54 = tpu.memref_squeeze %dma_wait3A_53 : memref<1x80x125xi32, #tpu.memory_space<hbm>> -> memref<80x125xi32, #tpu.memory_space<hbm>>
      %dma_wait3A_55 = arith.constant 0 : i32
      %dma_wait3A_56 = tpu.memref_slice %arg3[%run_scoped3A_9, %mul3A_8, %dma_wait3A_55] : memref<2x2560x125xi32, #tpu.memory_space<hbm>> -> memref<1x80x125xi32, #tpu.memory_space<hbm>>
      %dma_wait3A_57 = tpu.memref_squeeze %dma_wait3A_56 : memref<1x80x125xi32, #tpu.memory_space<hbm>> -> memref<80x125xi32, #tpu.memory_space<hbm>>
      tpu.wait_dma2 semaphore(%run_scoped3A_46 : memref<!tpu.dma_semaphore, #tpu.memory_space<semaphore_mem>>) src(%dma_wait3A_57 : memref<80x125xi32, #tpu.memory_space<hbm>>) dst(%arg7 : memref<80x125xi32, #tpu.memory_space<vmem>>)
      tpu.yield
    }) : () -> ()
    %dma_start3A = arith.constant 0 : i32
    %dma_start3A_10 = arith.constant 0 : i32
    %dma_start3A_11 = tpu.memref_slice %arg6[%dma_start3A, %dma_start3A_10] : memref<80x125xi32, #tpu.memory_space<vmem>> -> memref<1x125xi32, #tpu.memory_space<vmem>>
    %dma_start3A_12 = tpu.memref_squeeze %dma_start3A_11 : memref<1x125xi32, #tpu.memory_space<vmem>> -> memref<125xi32, #tpu.memory_space<vmem>>
    %dma_start3A_13 = arith.constant 0 : i32
    %dma_start3A_14 = arith.constant 0 : i32
    %dma_start3A_15 = tpu.memref_slice %arg2[%dma_start3A_13, %dma_start3A_14] : memref<10240x32xf32, #tpu.memory_space<hbm>> -> memref<10240x32xf32, #tpu.memory_space<hbm>>
    tpu.enqueue_indirect_dma source(%dma_start3A_15 : memref<10240x32xf32, #tpu.memory_space<hbm>>) target(%arg8 : memref<125x32xf32, #tpu.memory_space<vmem>>) offsets(%dma_start3A_12 : memref<125xi32, #tpu.memory_space<vmem>>) semaphore(%arg13 : memref<!tpu.dma_semaphore, #tpu.memory_space<semaphore_mem>>)
    %dma_start3A_16 = arith.constant 1 : i32
    %dma_start3A_17 = arith.constant 0 : i32
    %dma_start3A_18 = tpu.memref_slice %arg6[%dma_start3A_16, %dma_start3A_17] : memref<80x125xi32, #tpu.memory_space<vmem>> -> memref<1x125xi32, #tpu.memory_space<vmem>>
    %dma_start3A_19 = tpu.memref_squeeze %dma_start3A_18 : memref<1x125xi32, #tpu.memory_space<vmem>> -> memref<125xi32, #tpu.memory_space<vmem>>
    %dma_start3A_20 = arith.constant 0 : i32
    %dma_start3A_21 = arith.constant 0 : i32
    %dma_start3A_22 = tpu.memref_slice %arg2[%dma_start3A_20, %dma_start3A_21] : memref<10240x32xf32, #tpu.memory_space<hbm>> -> memref<10240x32xf32, #tpu.memory_space<hbm>>
    tpu.enqueue_indirect_dma source(%dma_start3A_22 : memref<10240x32xf32, #tpu.memory_space<hbm>>) target(%arg9 : memref<125x32xf32, #tpu.memory_space<vmem>>) offsets(%dma_start3A_19 : memref<125xi32, #tpu.memory_space<vmem>>) semaphore(%arg14 : memref<!tpu.dma_semaphore, #tpu.memory_space<semaphore_mem>>)
    %dma_start3A_23 = arith.constant 2 : i32
    %dma_start3A_24 = arith.constant 0 : i32
    %dma_start3A_25 = tpu.memref_slice %arg6[%dma_start3A_23, %dma_start3A_24] : memref<80x125xi32, #tpu.memory_space<vmem>> -> memref<1x125xi32, #tpu.memory_space<vmem>>
    %dma_start3A_26 = tpu.memref_squeeze %dma_start3A_25 : memref<1x125xi32, #tpu.memory_space<vmem>> -> memref<125xi32, #tpu.memory_space<vmem>>
    %dma_start3A_27 = arith.constant 0 : i32
    %dma_start3A_28 = arith.constant 0 : i32
    %dma_start3A_29 = tpu.memref_slice %arg2[%dma_start3A_27, %dma_start3A_28] : memref<10240x32xf32, #tpu.memory_space<hbm>> -> memref<10240x32xf32, #tpu.memory_space<hbm>>
    tpu.enqueue_indirect_dma source(%dma_start3A_29 : memref<10240x32xf32, #tpu.memory_space<hbm>>) target(%arg10 : memref<125x32xf32, #tpu.memory_space<vmem>>) offsets(%dma_start3A_26 : memref<125xi32, #tpu.memory_space<vmem>>) semaphore(%arg15 : memref<!tpu.dma_semaphore, #tpu.memory_space<semaphore_mem>>)
    %dma_start3A_30 = arith.constant 3 : i32
    %dma_start3A_31 = arith.constant 0 : i32
    %dma_start3A_32 = tpu.memref_slice %arg6[%dma_start3A_30, %dma_start3A_31] : memref<80x125xi32, #tpu.memory_space<vmem>> -> memref<1x125xi32, #tpu.memory_space<vmem>>
    %dma_start3A_33 = tpu.memref_squeeze %dma_start3A_32 : memref<1x125xi32, #tpu.memory_space<vmem>> -> memref<125xi32, #tpu.memory_space<vmem>>
    %dma_start3A_34 = arith.constant 0 : i32
    %dma_start3A_35 = arith.constant 0 : i32
    %dma_start3A_36 = tpu.memref_slice %arg2[%dma_start3A_34, %dma_start3A_35] : memref<10240x32xf32, #tpu.memory_space<hbm>> -> memref<10240x32xf32, #tpu.memory_space<hbm>>
    tpu.enqueue_indirect_dma source(%dma_start3A_36 : memref<10240x32xf32, #tpu.memory_space<hbm>>) target(%arg11 : memref<125x32xf32, #tpu.memory_space<vmem>>) offsets(%dma_start3A_33 : memref<125xi32, #tpu.memory_space<vmem>>) semaphore(%arg16 : memref<!tpu.dma_semaphore, #tpu.memory_space<semaphore_mem>>)
    %barrier3A = arith.constant 0 : index
    tpu.barrier barrier_id(%barrier3A)
    %scan3A = arith.constant 0 : i32
    %scan3A_37 = arith.constant 20 : i32
    %scan3A_38 = arith.addi %scan3A, %scan3A_37 : i32
    %scan3A_39 = arith.constant 1 : i32
    scf.for %scan3A_46 = %scan3A to %scan3A_38 step %scan3A_39  : i32 {
      %mul3A_47 = arith.constant 4 : i32
      %mul3A_48 = arith.muli %scan3A_46, %mul3A_47 : i32
      %add3A_49 = arith.constant 0 : i32
      %add3A_50 = arith.addi %add3A_49, %mul3A_48 : i32
      %add3A_51 = arith.constant 0 : i32
      %add3A_52 = arith.addi %add3A_50, %add3A_51 : i32
      %dma_wait3A = arith.constant 0 : i32
      %dma_wait3A_53 = tpu.memref_slice %arg6[%add3A_52, %dma_wait3A] : memref<80x125xi32, #tpu.memory_space<vmem>> -> memref<1x125xi32, #tpu.memory_space<vmem>>
      %dma_wait3A_54 = tpu.memref_squeeze %dma_wait3A_53 : memref<1x125xi32, #tpu.memory_space<vmem>> -> memref<125xi32, #tpu.memory_space<vmem>>
      %dma_wait3A_55 = arith.constant 0 : i32
      %dma_wait3A_56 = arith.constant 0 : i32
      %dma_wait3A_57 = tpu.memref_slice %arg2[%dma_wait3A_55, %dma_wait3A_56] : memref<10240x32xf32, #tpu.memory_space<hbm>> -> memref<10240x32xf32, #tpu.memory_space<hbm>>
      tpu.wait_indirect_dma semaphore(%arg13 : memref<!tpu.dma_semaphore, #tpu.memory_space<semaphore_mem>>) src(%dma_wait3A_57 : memref<10240x32xf32, #tpu.memory_space<hbm>>) dst(%arg8 : memref<125x32xf32, #tpu.memory_space<vmem>>)
      "tpu.region"() ({
        %run_scoped3A_107 = tpu.sem_alloc : memref<!tpu.dma_semaphore, #tpu.memory_space<semaphore_mem>>
        %dma_start3A_108 = arith.constant 0 : i32
        %dma_start3A_109 = tpu.memref_slice %arg7[%add3A_52, %dma_start3A_108] : memref<80x125xi32, #tpu.memory_space<vmem>> -> memref<1x125xi32, #tpu.memory_space<vmem>>
        %dma_start3A_110 = tpu.memref_squeeze %dma_start3A_109 : memref<1x125xi32, #tpu.memory_space<vmem>> -> memref<125xi32, #tpu.memory_space<vmem>>
        %dma_start3A_111 = arith.constant 0 : i32
        %dma_start3A_112 = arith.constant 0 : i32
        %dma_start3A_113 = tpu.memref_slice %arg12[%dma_start3A_111, %dma_start3A_112] : memref<10240x32xf32, #tpu.memory_space<vmem_shared>> -> memref<10240x32xf32, #tpu.memory_space<vmem_shared>>
        tpu.enqueue_indirect_dma source(%arg8 : memref<125x32xf32, #tpu.memory_space<vmem>>) target(%dma_start3A_113 : memref<10240x32xf32, #tpu.memory_space<vmem_shared>>) offsets(%dma_start3A_110 : memref<125xi32, #tpu.memory_space<vmem>>) semaphore(%run_scoped3A_107 : memref<!tpu.dma_semaphore, #tpu.memory_space<semaphore_mem>>) {add = true}
        %dma_wait3A_114 = arith.constant 0 : i32
        %dma_wait3A_115 = tpu.memref_slice %arg7[%add3A_52, %dma_wait3A_114] : memref<80x125xi32, #tpu.memory_space<vmem>> -> memref<1x125xi32, #tpu.memory_space<vmem>>
        %dma_wait3A_116 = tpu.memref_squeeze %dma_wait3A_115 : memref<1x125xi32, #tpu.memory_space<vmem>> -> memref<125xi32, #tpu.memory_space<vmem>>
        %dma_wait3A_117 = arith.constant 0 : i32
        %dma_wait3A_118 = arith.constant 0 : i32
        %dma_wait3A_119 = tpu.memref_slice %arg12[%dma_wait3A_117, %dma_wait3A_118] : memref<10240x32xf32, #tpu.memory_space<vmem_shared>> -> memref<10240x32xf32, #tpu.memory_space<vmem_shared>>
        tpu.wait_indirect_dma semaphore(%run_scoped3A_107 : memref<!tpu.dma_semaphore, #tpu.memory_space<semaphore_mem>>) src(%arg8 : memref<125x32xf32, #tpu.memory_space<vmem>>) dst(%dma_wait3A_119 : memref<10240x32xf32, #tpu.memory_space<vmem_shared>>)
        tpu.yield
      }) : () -> ()
      %add3A_58 = arith.constant 4 : i32
      %add3A_59 = arith.addi %add3A_52, %add3A_58 : i32
      %lt3A = arith.constant 80 : i32
      %lt3A_60 = arith.cmpi slt, %add3A_59, %lt3A : i32
      %convert_element_type3A = arith.extui %lt3A_60 : i1 to i32
      %cond3A = arith.constant 0 : i32
      %cond3A_61 = arith.cmpi ne, %convert_element_type3A, %cond3A : i32
      scf.if %cond3A_61 {
        %dma_start3A_107 = arith.constant 0 : i32
        %dma_start3A_108 = tpu.memref_slice %arg6[%add3A_59, %dma_start3A_107] : memref<80x125xi32, #tpu.memory_space<vmem>> -> memref<1x125xi32, #tpu.memory_space<vmem>>
        %dma_start3A_109 = tpu.memref_squeeze %dma_start3A_108 : memref<1x125xi32, #tpu.memory_space<vmem>> -> memref<125xi32, #tpu.memory_space<vmem>>
        %dma_start3A_110 = arith.constant 0 : i32
        %dma_start3A_111 = arith.constant 0 : i32
        %dma_start3A_112 = tpu.memref_slice %arg2[%dma_start3A_110, %dma_start3A_111] : memref<10240x32xf32, #tpu.memory_space<hbm>> -> memref<10240x32xf32, #tpu.memory_space<hbm>>
        tpu.enqueue_indirect_dma source(%dma_start3A_112 : memref<10240x32xf32, #tpu.memory_space<hbm>>) target(%arg8 : memref<125x32xf32, #tpu.memory_space<vmem>>) offsets(%dma_start3A_109 : memref<125xi32, #tpu.memory_space<vmem>>) semaphore(%arg13 : memref<!tpu.dma_semaphore, #tpu.memory_space<semaphore_mem>>)
      } else {
      }
      %add3A_62 = arith.constant 1 : i32
      %add3A_63 = arith.addi %add3A_50, %add3A_62 : i32
      %dma_wait3A_64 = arith.constant 0 : i32
      %dma_wait3A_65 = tpu.memref_slice %arg6[%add3A_63, %dma_wait3A_64] : memref<80x125xi32, #tpu.memory_space<vmem>> -> memref<1x125xi32, #tpu.memory_space<vmem>>
      %dma_wait3A_66 = tpu.memref_squeeze %dma_wait3A_65 : memref<1x125xi32, #tpu.memory_space<vmem>> -> memref<125xi32, #tpu.memory_space<vmem>>
      %dma_wait3A_67 = arith.constant 0 : i32
      %dma_wait3A_68 = arith.constant 0 : i32
      %dma_wait3A_69 = tpu.memref_slice %arg2[%dma_wait3A_67, %dma_wait3A_68] : memref<10240x32xf32, #tpu.memory_space<hbm>> -> memref<10240x32xf32, #tpu.memory_space<hbm>>
      tpu.wait_indirect_dma semaphore(%arg14 : memref<!tpu.dma_semaphore, #tpu.memory_space<semaphore_mem>>) src(%dma_wait3A_69 : memref<10240x32xf32, #tpu.memory_space<hbm>>) dst(%arg9 : memref<125x32xf32, #tpu.memory_space<vmem>>)
      "tpu.region"() ({
        %run_scoped3A_107 = tpu.sem_alloc : memref<!tpu.dma_semaphore, #tpu.memory_space<semaphore_mem>>
        %dma_start3A_108 = arith.constant 0 : i32
        %dma_start3A_109 = tpu.memref_slice %arg7[%add3A_63, %dma_start3A_108] : memref<80x125xi32, #tpu.memory_space<vmem>> -> memref<1x125xi32, #tpu.memory_space<vmem>>
        %dma_start3A_110 = tpu.memref_squeeze %dma_start3A_109 : memref<1x125xi32, #tpu.memory_space<vmem>> -> memref<125xi32, #tpu.memory_space<vmem>>
        %dma_start3A_111 = arith.constant 0 : i32
        %dma_start3A_112 = arith.constant 0 : i32
        %dma_start3A_113 = tpu.memref_slice %arg12[%dma_start3A_111, %dma_start3A_112] : memref<10240x32xf32, #tpu.memory_space<vmem_shared>> -> memref<10240x32xf32, #tpu.memory_space<vmem_shared>>
        tpu.enqueue_indirect_dma source(%arg9 : memref<125x32xf32, #tpu.memory_space<vmem>>) target(%dma_start3A_113 : memref<10240x32xf32, #tpu.memory_space<vmem_shared>>) offsets(%dma_start3A_110 : memref<125xi32, #tpu.memory_space<vmem>>) semaphore(%run_scoped3A_107 : memref<!tpu.dma_semaphore, #tpu.memory_space<semaphore_mem>>) {add = true}
        %dma_wait3A_114 = arith.constant 0 : i32
        %dma_wait3A_115 = tpu.memref_slice %arg7[%add3A_63, %dma_wait3A_114] : memref<80x125xi32, #tpu.memory_space<vmem>> -> memref<1x125xi32, #tpu.memory_space<vmem>>
        %dma_wait3A_116 = tpu.memref_squeeze %dma_wait3A_115 : memref<1x125xi32, #tpu.memory_space<vmem>> -> memref<125xi32, #tpu.memory_space<vmem>>
        %dma_wait3A_117 = arith.constant 0 : i32
        %dma_wait3A_118 = arith.constant 0 : i32
        %dma_wait3A_119 = tpu.memref_slice %arg12[%dma_wait3A_117, %dma_wait3A_118] : memref<10240x32xf32, #tpu.memory_space<vmem_shared>> -> memref<10240x32xf32, #tpu.memory_space<vmem_shared>>
        tpu.wait_indirect_dma semaphore(%run_scoped3A_107 : memref<!tpu.dma_semaphore, #tpu.memory_space<semaphore_mem>>) src(%arg9 : memref<125x32xf32, #tpu.memory_space<vmem>>) dst(%dma_wait3A_119 : memref<10240x32xf32, #tpu.memory_space<vmem_shared>>)
        tpu.yield
      }) : () -> ()
      %add3A_70 = arith.constant 4 : i32
      %add3A_71 = arith.addi %add3A_63, %add3A_70 : i32
      %lt3A_72 = arith.constant 80 : i32
      %lt3A_73 = arith.cmpi slt, %add3A_71, %lt3A_72 : i32
      %convert_element_type3A_74 = arith.extui %lt3A_73 : i1 to i32
      %cond3A_75 = arith.constant 0 : i32
      %cond3A_76 = arith.cmpi ne, %convert_element_type3A_74, %cond3A_75 : i32
      scf.if %cond3A_76 {
        %dma_start3A_107 = arith.constant 0 : i32
        %dma_start3A_108 = tpu.memref_slice %arg6[%add3A_71, %dma_start3A_107] : memref<80x125xi32, #tpu.memory_space<vmem>> -> memref<1x125xi32, #tpu.memory_space<vmem>>
        %dma_start3A_109 = tpu.memref_squeeze %dma_start3A_108 : memref<1x125xi32, #tpu.memory_space<vmem>> -> memref<125xi32, #tpu.memory_space<vmem>>
        %dma_start3A_110 = arith.constant 0 : i32
        %dma_start3A_111 = arith.constant 0 : i32
        %dma_start3A_112 = tpu.memref_slice %arg2[%dma_start3A_110, %dma_start3A_111] : memref<10240x32xf32, #tpu.memory_space<hbm>> -> memref<10240x32xf32, #tpu.memory_space<hbm>>
        tpu.enqueue_indirect_dma source(%dma_start3A_112 : memref<10240x32xf32, #tpu.memory_space<hbm>>) target(%arg9 : memref<125x32xf32, #tpu.memory_space<vmem>>) offsets(%dma_start3A_109 : memref<125xi32, #tpu.memory_space<vmem>>) semaphore(%arg14 : memref<!tpu.dma_semaphore, #tpu.memory_space<semaphore_mem>>)
      } else {
      }
      %add3A_77 = arith.constant 2 : i32
      %add3A_78 = arith.addi %add3A_50, %add3A_77 : i32
      %dma_wait3A_79 = arith.constant 0 : i32
      %dma_wait3A_80 = tpu.memref_slice %arg6[%add3A_78, %dma_wait3A_79] : memref<80x125xi32, #tpu.memory_space<vmem>> -> memref<1x125xi32, #tpu.memory_space<vmem>>
      %dma_wait3A_81 = tpu.memref_squeeze %dma_wait3A_80 : memref<1x125xi32, #tpu.memory_space<vmem>> -> memref<125xi32, #tpu.memory_space<vmem>>
      %dma_wait3A_82 = arith.constant 0 : i32
      %dma_wait3A_83 = arith.constant 0 : i32
      %dma_wait3A_84 = tpu.memref_slice %arg2[%dma_wait3A_82, %dma_wait3A_83] : memref<10240x32xf32, #tpu.memory_space<hbm>> -> memref<10240x32xf32, #tpu.memory_space<hbm>>
      tpu.wait_indirect_dma semaphore(%arg15 : memref<!tpu.dma_semaphore, #tpu.memory_space<semaphore_mem>>) src(%dma_wait3A_84 : memref<10240x32xf32, #tpu.memory_space<hbm>>) dst(%arg10 : memref<125x32xf32, #tpu.memory_space<vmem>>)
      "tpu.region"() ({
        %run_scoped3A_107 = tpu.sem_alloc : memref<!tpu.dma_semaphore, #tpu.memory_space<semaphore_mem>>
        %dma_start3A_108 = arith.constant 0 : i32
        %dma_start3A_109 = tpu.memref_slice %arg7[%add3A_78, %dma_start3A_108] : memref<80x125xi32, #tpu.memory_space<vmem>> -> memref<1x125xi32, #tpu.memory_space<vmem>>
        %dma_start3A_110 = tpu.memref_squeeze %dma_start3A_109 : memref<1x125xi32, #tpu.memory_space<vmem>> -> memref<125xi32, #tpu.memory_space<vmem>>
        %dma_start3A_111 = arith.constant 0 : i32
        %dma_start3A_112 = arith.constant 0 : i32
        %dma_start3A_113 = tpu.memref_slice %arg12[%dma_start3A_111, %dma_start3A_112] : memref<10240x32xf32, #tpu.memory_space<vmem_shared>> -> memref<10240x32xf32, #tpu.memory_space<vmem_shared>>
        tpu.enqueue_indirect_dma source(%arg10 : memref<125x32xf32, #tpu.memory_space<vmem>>) target(%dma_start3A_113 : memref<10240x32xf32, #tpu.memory_space<vmem_shared>>) offsets(%dma_start3A_110 : memref<125xi32, #tpu.memory_space<vmem>>) semaphore(%run_scoped3A_107 : memref<!tpu.dma_semaphore, #tpu.memory_space<semaphore_mem>>) {add = true}
        %dma_wait3A_114 = arith.constant 0 : i32
        %dma_wait3A_115 = tpu.memref_slice %arg7[%add3A_78, %dma_wait3A_114] : memref<80x125xi32, #tpu.memory_space<vmem>> -> memref<1x125xi32, #tpu.memory_space<vmem>>
        %dma_wait3A_116 = tpu.memref_squeeze %dma_wait3A_115 : memref<1x125xi32, #tpu.memory_space<vmem>> -> memref<125xi32, #tpu.memory_space<vmem>>
        %dma_wait3A_117 = arith.constant 0 : i32
        %dma_wait3A_118 = arith.constant 0 : i32
        %dma_wait3A_119 = tpu.memref_slice %arg12[%dma_wait3A_117, %dma_wait3A_118] : memref<10240x32xf32, #tpu.memory_space<vmem_shared>> -> memref<10240x32xf32, #tpu.memory_space<vmem_shared>>
        tpu.wait_indirect_dma semaphore(%run_scoped3A_107 : memref<!tpu.dma_semaphore, #tpu.memory_space<semaphore_mem>>) src(%arg10 : memref<125x32xf32, #tpu.memory_space<vmem>>) dst(%dma_wait3A_119 : memref<10240x32xf32, #tpu.memory_space<vmem_shared>>)
        tpu.yield
      }) : () -> ()
      %add3A_85 = arith.constant 4 : i32
      %add3A_86 = arith.addi %add3A_78, %add3A_85 : i32
      %lt3A_87 = arith.constant 80 : i32
      %lt3A_88 = arith.cmpi slt, %add3A_86, %lt3A_87 : i32
      %convert_element_type3A_89 = arith.extui %lt3A_88 : i1 to i32
      %cond3A_90 = arith.constant 0 : i32
      %cond3A_91 = arith.cmpi ne, %convert_element_type3A_89, %cond3A_90 : i32
      scf.if %cond3A_91 {
        %dma_start3A_107 = arith.constant 0 : i32
        %dma_start3A_108 = tpu.memref_slice %arg6[%add3A_86, %dma_start3A_107] : memref<80x125xi32, #tpu.memory_space<vmem>> -> memref<1x125xi32, #tpu.memory_space<vmem>>
        %dma_start3A_109 = tpu.memref_squeeze %dma_start3A_108 : memref<1x125xi32, #tpu.memory_space<vmem>> -> memref<125xi32, #tpu.memory_space<vmem>>
        %dma_start3A_110 = arith.constant 0 : i32
        %dma_start3A_111 = arith.constant 0 : i32
        %dma_start3A_112 = tpu.memref_slice %arg2[%dma_start3A_110, %dma_start3A_111] : memref<10240x32xf32, #tpu.memory_space<hbm>> -> memref<10240x32xf32, #tpu.memory_space<hbm>>
        tpu.enqueue_indirect_dma source(%dma_start3A_112 : memref<10240x32xf32, #tpu.memory_space<hbm>>) target(%arg10 : memref<125x32xf32, #tpu.memory_space<vmem>>) offsets(%dma_start3A_109 : memref<125xi32, #tpu.memory_space<vmem>>) semaphore(%arg15 : memref<!tpu.dma_semaphore, #tpu.memory_space<semaphore_mem>>)
      } else {
      }
      %add3A_92 = arith.constant 3 : i32
      %add3A_93 = arith.addi %add3A_50, %add3A_92 : i32
      %dma_wait3A_94 = arith.constant 0 : i32
      %dma_wait3A_95 = tpu.memref_slice %arg6[%add3A_93, %dma_wait3A_94] : memref<80x125xi32, #tpu.memory_space<vmem>> -> memref<1x125xi32, #tpu.memory_space<vmem>>
      %dma_wait3A_96 = tpu.memref_squeeze %dma_wait3A_95 : memref<1x125xi32, #tpu.memory_space<vmem>> -> memref<125xi32, #tpu.memory_space<vmem>>
      %dma_wait3A_97 = arith.constant 0 : i32
      %dma_wait3A_98 = arith.constant 0 : i32
      %dma_wait3A_99 = tpu.memref_slice %arg2[%dma_wait3A_97, %dma_wait3A_98] : memref<10240x32xf32, #tpu.memory_space<hbm>> -> memref<10240x32xf32, #tpu.memory_space<hbm>>
      tpu.wait_indirect_dma semaphore(%arg16 : memref<!tpu.dma_semaphore, #tpu.memory_space<semaphore_mem>>) src(%dma_wait3A_99 : memref<10240x32xf32, #tpu.memory_space<hbm>>) dst(%arg11 : memref<125x32xf32, #tpu.memory_space<vmem>>)
      "tpu.region"() ({
        %run_scoped3A_107 = tpu.sem_alloc : memref<!tpu.dma_semaphore, #tpu.memory_space<semaphore_mem>>
        %dma_start3A_108 = arith.constant 0 : i32
        %dma_start3A_109 = tpu.memref_slice %arg7[%add3A_93, %dma_start3A_108] : memref<80x125xi32, #tpu.memory_space<vmem>> -> memref<1x125xi32, #tpu.memory_space<vmem>>
        %dma_start3A_110 = tpu.memref_squeeze %dma_start3A_109 : memref<1x125xi32, #tpu.memory_space<vmem>> -> memref<125xi32, #tpu.memory_space<vmem>>
        %dma_start3A_111 = arith.constant 0 : i32
        %dma_start3A_112 = arith.constant 0 : i32
        %dma_start3A_113 = tpu.memref_slice %arg12[%dma_start3A_111, %dma_start3A_112] : memref<10240x32xf32, #tpu.memory_space<vmem_shared>> -> memref<10240x32xf32, #tpu.memory_space<vmem_shared>>
        tpu.enqueue_indirect_dma source(%arg11 : memref<125x32xf32, #tpu.memory_space<vmem>>) target(%dma_start3A_113 : memref<10240x32xf32, #tpu.memory_space<vmem_shared>>) offsets(%dma_start3A_110 : memref<125xi32, #tpu.memory_space<vmem>>) semaphore(%run_scoped3A_107 : memref<!tpu.dma_semaphore, #tpu.memory_space<semaphore_mem>>) {add = true}
        %dma_wait3A_114 = arith.constant 0 : i32
        %dma_wait3A_115 = tpu.memref_slice %arg7[%add3A_93, %dma_wait3A_114] : memref<80x125xi32, #tpu.memory_space<vmem>> -> memref<1x125xi32, #tpu.memory_space<vmem>>
        %dma_wait3A_116 = tpu.memref_squeeze %dma_wait3A_115 : memref<1x125xi32, #tpu.memory_space<vmem>> -> memref<125xi32, #tpu.memory_space<vmem>>
        %dma_wait3A_117 = arith.constant 0 : i32
        %dma_wait3A_118 = arith.constant 0 : i32
        %dma_wait3A_119 = tpu.memref_slice %arg12[%dma_wait3A_117, %dma_wait3A_118] : memref<10240x32xf32, #tpu.memory_space<vmem_shared>> -> memref<10240x32xf32, #tpu.memory_space<vmem_shared>>
        tpu.wait_indirect_dma semaphore(%run_scoped3A_107 : memref<!tpu.dma_semaphore, #tpu.memory_space<semaphore_mem>>) src(%arg11 : memref<125x32xf32, #tpu.memory_space<vmem>>) dst(%dma_wait3A_119 : memref<10240x32xf32, #tpu.memory_space<vmem_shared>>)
        tpu.yield
      }) : () -> ()
      %add3A_100 = arith.constant 4 : i32
      %add3A_101 = arith.addi %add3A_93, %add3A_100 : i32
      %lt3A_102 = arith.constant 80 : i32
      %lt3A_103 = arith.cmpi slt, %add3A_101, %lt3A_102 : i32
      %convert_element_type3A_104 = arith.extui %lt3A_103 : i1 to i32
      %cond3A_105 = arith.constant 0 : i32
      %cond3A_106 = arith.cmpi ne, %convert_element_type3A_104, %cond3A_105 : i32
      scf.if %cond3A_106 {
        %dma_start3A_107 = arith.constant 0 : i32
        %dma_start3A_108 = tpu.memref_slice %arg6[%add3A_101, %dma_start3A_107] : memref<80x125xi32, #tpu.memory_space<vmem>> -> memref<1x125xi32, #tpu.memory_space<vmem>>
        %dma_start3A_109 = tpu.memref_squeeze %dma_start3A_108 : memref<1x125xi32, #tpu.memory_space<vmem>> -> memref<125xi32, #tpu.memory_space<vmem>>
        %dma_start3A_110 = arith.constant 0 : i32
        %dma_start3A_111 = arith.constant 0 : i32
        %dma_start3A_112 = tpu.memref_slice %arg2[%dma_start3A_110, %dma_start3A_111] : memref<10240x32xf32, #tpu.memory_space<hbm>> -> memref<10240x32xf32, #tpu.memory_space<hbm>>
        tpu.enqueue_indirect_dma source(%dma_start3A_112 : memref<10240x32xf32, #tpu.memory_space<hbm>>) target(%arg11 : memref<125x32xf32, #tpu.memory_space<vmem>>) offsets(%dma_start3A_109 : memref<125xi32, #tpu.memory_space<vmem>>) semaphore(%arg16 : memref<!tpu.dma_semaphore, #tpu.memory_space<semaphore_mem>>)
      } else {
      }
    }
    %scan3A_40 = arith.constant 20 : i32
    %barrier3A_41 = arith.constant 0 : index
    tpu.barrier barrier_id(%barrier3A_41)
    %mul3A_42 = arith.constant 640 : i32
    %mul3A_43 = arith.muli %arg1, %mul3A_42 : i32
    %mul3A_44 = arith.constant 640 : i32
    %mul3A_45 = arith.muli %arg1, %mul3A_44 : i32
    "tpu.region"() ({
      %run_scoped3A_46 = tpu.sem_alloc : memref<!tpu.dma_semaphore, #tpu.memory_space<semaphore_mem>>
      %dma_start3A_47 = arith.constant 0 : i32
      %dma_start3A_48 = tpu.memref_slice %arg5[%arg0, %mul3A_45, %dma_start3A_47] : memref<2x10240x32xf32, #tpu.memory_space<hbm>> -> memref<1x640x32xf32, #tpu.memory_space<hbm>>
      %dma_start3A_49 = tpu.memref_squeeze %dma_start3A_48 : memref<1x640x32xf32, #tpu.memory_space<hbm>> -> memref<640x32xf32, #tpu.memory_space<hbm>>
      %dma_start3A_50 = arith.constant 0 : i32
      %dma_start3A_51 = tpu.memref_slice %arg12[%mul3A_43, %dma_start3A_50] : memref<10240x32xf32, #tpu.memory_space<vmem_shared>> -> memref<640x32xf32, #tpu.memory_space<vmem_shared>>
      tpu.enqueue_dma source(%dma_start3A_51 : memref<640x32xf32, #tpu.memory_space<vmem_shared>>) target(%dma_start3A_49 : memref<640x32xf32, #tpu.memory_space<hbm>>) target_semaphore(%run_scoped3A_46 : memref<!tpu.dma_semaphore, #tpu.memory_space<semaphore_mem>>)
      %dma_wait3A = arith.constant 0 : i32
      %dma_wait3A_52 = tpu.memref_slice %arg5[%arg0, %mul3A_45, %dma_wait3A] : memref<2x10240x32xf32, #tpu.memory_space<hbm>> -> memref<1x640x32xf32, #tpu.memory_space<hbm>>
      %dma_wait3A_53 = tpu.memref_squeeze %dma_wait3A_52 : memref<1x640x32xf32, #tpu.memory_space<hbm>> -> memref<640x32xf32, #tpu.memory_space<hbm>>
      %dma_wait3A_54 = arith.constant 0 : i32
      %dma_wait3A_55 = tpu.memref_slice %arg12[%mul3A_43, %dma_wait3A_54] : memref<10240x32xf32, #tpu.memory_space<vmem_shared>> -> memref<640x32xf32, #tpu.memory_space<vmem_shared>>
      tpu.wait_dma2 semaphore(%run_scoped3A_46 : memref<!tpu.dma_semaphore, #tpu.memory_space<semaphore_mem>>) src(%dma_wait3A_55 : memref<640x32xf32, #tpu.memory_space<vmem_shared>>) dst(%dma_wait3A_53 : memref<640x32xf32, #tpu.memory_space<hbm>>)
      tpu.yield
    }) : () -> ()
    return
  }
}

#map = affine_map<(d0, d1) -> (0, 0)>
#map1 = affine_map<(d0, d1) -> (0, 0, 0)>
module attributes {stable_mosaic.version = 14 : i64} {
  func.func @k(%arg0: i32, %arg1: i32, %arg2: memref<10240x32xf32, #tpu.memory_space<hbm>>, %arg3: memref<2x2560x125xi32, #tpu.memory_space<hbm>>, %arg4: memref<10240x32xf32, #tpu.memory_space<hbm>>, %arg5: memref<2x10240x32xf32, #tpu.memory_space<hbm>>, %arg6: memref<80x125xi32, #tpu.memory_space<vmem>>, %arg7: memref<80x125xi32, #tpu.memory_space<vmem>>, %arg8: memref<125x32xf32, #tpu.memory_space<vmem>>, %arg9: memref<125x32xf32, #tpu.memory_space<vmem>>, %arg10: memref<125x32xf32, #tpu.memory_space<vmem>>, %arg11: memref<125x32xf32, #tpu.memory_space<vmem>>, %arg12: memref<10240x32xf32, #tpu.memory_space<vmem_shared>>, %arg13: memref<!tpu.dma_semaphore, #tpu.memory_space<semaphore_mem>>, %arg14: memref<!tpu.dma_semaphore, #tpu.memory_space<semaphore_mem>>, %arg15: memref<!tpu.dma_semaphore, #tpu.memory_space<semaphore_mem>>, %arg16: memref<!tpu.dma_semaphore, #tpu.memory_space<semaphore_mem>>) attributes {dimension_semantics = [#tpu.dimension_semantics<core_parallel>, #tpu.dimension_semantics<subcore_parallel>], iteration_bounds = array<i64: 2, 16>, scalar_prefetch = 0 : i64, scratch_operands = 11 : i64, tpu.core_type = #tpu.core_type<sc_vector_subcore>, window_params = [{transform_indices = #map}, {transform_indices = #map1}, {transform_indices = #map}, {transform_indices = #map1}]} {
    %mul3A = arith.constant 16 : i32
    %mul3A_0 = arith.muli %arg0, %mul3A : i32
    %add3A = arith.addi %mul3A_0, %arg1 : i32
    %mul3A_1 = arith.constant 640 : i32
    %mul3A_2 = arith.muli %arg1, %mul3A_1 : i32
    %mul3A_3 = arith.constant 640 : i32
    %mul3A_4 = arith.muli %arg1, %mul3A_3 : i32
    "tpu.region"() ({
      %run_scoped3A_46 = tpu.sem_alloc : memref<!tpu.dma_semaphore, #tpu.memory_space<semaphore_mem>>
      %dma_start3A_47 = arith.constant 0 : i32
      %dma_start3A_48 = tpu.memref_slice %arg12[%mul3A_4, %dma_start3A_47] : memref<10240x32xf32, #tpu.memory_space<vmem_shared>> -> memref<640x32xf32, #tpu.memory_space<vmem_shared>>
      %dma_start3A_49 = arith.constant 0 : i32
      %dma_start3A_50 = tpu.memref_slice %arg4[%mul3A_2, %dma_start3A_49] : memref<10240x32xf32, #tpu.memory_space<hbm>> -> memref<640x32xf32, #tpu.memory_space<hbm>>
      tpu.enqueue_dma source(%dma_start3A_50 : memref<640x32xf32, #tpu.memory_space<hbm>>) target(%dma_start3A_48 : memref<640x32xf32, #tpu.memory_space<vmem_shared>>) target_semaphore(%run_scoped3A_46 : memref<!tpu.dma_semaphore, #tpu.memory_space<semaphore_mem>>)
      %dma_wait3A = arith.constant 0 : i32
      %dma_wait3A_51 = tpu.memref_slice %arg12[%mul3A_4, %dma_wait3A] : memref<10240x32xf32, #tpu.memory_space<vmem_shared>> -> memref<640x32xf32, #tpu.memory_space<vmem_shared>>
      %dma_wait3A_52 = arith.constant 0 : i32
      %dma_wait3A_53 = tpu.memref_slice %arg4[%mul3A_2, %dma_wait3A_52] : memref<10240x32xf32, #tpu.memory_space<hbm>> -> memref<640x32xf32, #tpu.memory_space<hbm>>
      tpu.wait_dma2 semaphore(%run_scoped3A_46 : memref<!tpu.dma_semaphore, #tpu.memory_space<semaphore_mem>>) src(%dma_wait3A_53 : memref<640x32xf32, #tpu.memory_space<hbm>>) dst(%dma_wait3A_51 : memref<640x32xf32, #tpu.memory_space<vmem_shared>>)
      tpu.yield
    }) : () -> ()
    %mul3A_5 = arith.constant 80 : i32
    %mul3A_6 = arith.muli %add3A, %mul3A_5 : i32
    %run_scoped3A = arith.constant 0 : i32
    "tpu.region"() ({
      %run_scoped3A_46 = tpu.sem_alloc : memref<!tpu.dma_semaphore, #tpu.memory_space<semaphore_mem>>
      %dma_start3A_47 = arith.constant 0 : i32
      %dma_start3A_48 = tpu.memref_slice %arg3[%run_scoped3A, %mul3A_6, %dma_start3A_47] : memref<2x2560x125xi32, #tpu.memory_space<hbm>> -> memref<1x80x125xi32, #tpu.memory_space<hbm>>
      %dma_start3A_49 = tpu.memref_squeeze %dma_start3A_48 : memref<1x80x125xi32, #tpu.memory_space<hbm>> -> memref<80x125xi32, #tpu.memory_space<hbm>>
      %dma_start3A_50 = arith.constant 0 : i32
      %dma_start3A_51 = tpu.memref_slice %arg3[%run_scoped3A, %mul3A_6, %dma_start3A_50] : memref<2x2560x125xi32, #tpu.memory_space<hbm>> -> memref<1x80x125xi32, #tpu.memory_space<hbm>>
      %dma_start3A_52 = tpu.memref_squeeze %dma_start3A_51 : memref<1x80x125xi32, #tpu.memory_space<hbm>> -> memref<80x125xi32, #tpu.memory_space<hbm>>
      tpu.enqueue_dma source(%dma_start3A_52 : memref<80x125xi32, #tpu.memory_space<hbm>>) target(%arg6 : memref<80x125xi32, #tpu.memory_space<vmem>>) target_semaphore(%run_scoped3A_46 : memref<!tpu.dma_semaphore, #tpu.memory_space<semaphore_mem>>)
      %dma_wait3A = arith.constant 0 : i32
      %dma_wait3A_53 = tpu.memref_slice %arg3[%run_scoped3A, %mul3A_6, %dma_wait3A] : memref<2x2560x125xi32, #tpu.memory_space<hbm>> -> memref<1x80x125xi32, #tpu.memory_space<hbm>>
      %dma_wait3A_54 = tpu.memref_squeeze %dma_wait3A_53 : memref<1x80x125xi32, #tpu.memory_space<hbm>> -> memref<80x125xi32, #tpu.memory_space<hbm>>
      %dma_wait3A_55 = arith.constant 0 : i32
      %dma_wait3A_56 = tpu.memref_slice %arg3[%run_scoped3A, %mul3A_6, %dma_wait3A_55] : memref<2x2560x125xi32, #tpu.memory_space<hbm>> -> memref<1x80x125xi32, #tpu.memory_space<hbm>>
      %dma_wait3A_57 = tpu.memref_squeeze %dma_wait3A_56 : memref<1x80x125xi32, #tpu.memory_space<hbm>> -> memref<80x125xi32, #tpu.memory_space<hbm>>
      tpu.wait_dma2 semaphore(%run_scoped3A_46 : memref<!tpu.dma_semaphore, #tpu.memory_space<semaphore_mem>>) src(%dma_wait3A_57 : memref<80x125xi32, #tpu.memory_space<hbm>>) dst(%arg6 : memref<80x125xi32, #tpu.memory_space<vmem>>)
      tpu.yield
    }) : () -> ()
    %mul3A_7 = arith.constant 80 : i32
    %mul3A_8 = arith.muli %add3A, %mul3A_7 : i32
    %run_scoped3A_9 = arith.constant 1 : i32
    "tpu.region"() ({
      %run_scoped3A_46 = tpu.sem_alloc : memref<!tpu.dma_semaphore, #tpu.memory_space<semaphore_mem>>
      %dma_start3A_47 = arith.constant 0 : i32
      %dma_start3A_48 = tpu.memref_slice %arg3[%run_scoped3A_9, %mul3A_8, %dma_start3A_47] : memref<2x2560x125xi32, #tpu.memory_space<hbm>> -> memref<1x80x125xi32, #tpu.memory_space<hbm>>
      %dma_start3A_49 = tpu.memref_squeeze %dma_start3A_48 : memref<1x80x125xi32, #tpu.memory_space<hbm>> -> memref<80x125xi32, #tpu.memory_space<hbm>>
      %dma_start3A_50 = arith.constant 0 : i32
      %dma_start3A_51 = tpu.memref_slice %arg3[%run_scoped3A_9, %mul3A_8, %dma_start3A_50] : memref<2x2560x125xi32, #tpu.memory_space<hbm>> -> memref<1x80x125xi32, #tpu.memory_space<hbm>>
      %dma_start3A_52 = tpu.memref_squeeze %dma_start3A_51 : memref<1x80x125xi32, #tpu.memory_space<hbm>> -> memref<80x125xi32, #tpu.memory_space<hbm>>
      tpu.enqueue_dma source(%dma_start3A_52 : memref<80x125xi32, #tpu.memory_space<hbm>>) target(%arg7 : memref<80x125xi32, #tpu.memory_space<vmem>>) target_semaphore(%run_scoped3A_46 : memref<!tpu.dma_semaphore, #tpu.memory_space<semaphore_mem>>)
      %dma_wait3A = arith.constant 0 : i32
      %dma_wait3A_53 = tpu.memref_slice %arg3[%run_scoped3A_9, %mul3A_8, %dma_wait3A] : memref<2x2560x125xi32, #tpu.memory_space<hbm>> -> memref<1x80x125xi32, #tpu.memory_space<hbm>>
      %dma_wait3A_54 = tpu.memref_squeeze %dma_wait3A_53 : memref<1x80x125xi32, #tpu.memory_space<hbm>> -> memref<80x125xi32, #tpu.memory_space<hbm>>
      %dma_wait3A_55 = arith.constant 0 : i32
      %dma_wait3A_56 = tpu.memref_slice %arg3[%run_scoped3A_9, %mul3A_8, %dma_wait3A_55] : memref<2x2560x125xi32, #tpu.memory_space<hbm>> -> memref<1x80x125xi32, #tpu.memory_space<hbm>>
      %dma_wait3A_57 = tpu.memref_squeeze %dma_wait3A_56 : memref<1x80x125xi32, #tpu.memory_space<hbm>> -> memref<80x125xi32, #tpu.memory_space<hbm>>
      tpu.wait_dma2 semaphore(%run_scoped3A_46 : memref<!tpu.dma_semaphore, #tpu.memory_space<semaphore_mem>>) src(%dma_wait3A_57 : memref<80x125xi32, #tpu.memory_space<hbm>>) dst(%arg7 : memref<80x125xi32, #tpu.memory_space<vmem>>)
      tpu.yield
    }) : () -> ()
    %dma_start3A = arith.constant 0 : i32
    %dma_start3A_10 = arith.constant 0 : i32
    %dma_start3A_11 = tpu.memref_slice %arg6[%dma_start3A, %dma_start3A_10] : memref<80x125xi32, #tpu.memory_space<vmem>> -> memref<1x125xi32, #tpu.memory_space<vmem>>
    %dma_start3A_12 = tpu.memref_squeeze %dma_start3A_11 : memref<1x125xi32, #tpu.memory_space<vmem>> -> memref<125xi32, #tpu.memory_space<vmem>>
    %dma_start3A_13 = arith.constant 0 : i32
    %dma_start3A_14 = arith.constant 0 : i32
    %dma_start3A_15 = tpu.memref_slice %arg2[%dma_start3A_13, %dma_start3A_14] : memref<10240x32xf32, #tpu.memory_space<hbm>> -> memref<10240x32xf32, #tpu.memory_space<hbm>>
    tpu.enqueue_indirect_dma source(%dma_start3A_15 : memref<10240x32xf32, #tpu.memory_space<hbm>>) target(%arg8 : memref<125x32xf32, #tpu.memory_space<vmem>>) offsets(%dma_start3A_12 : memref<125xi32, #tpu.memory_space<vmem>>) semaphore(%arg13 : memref<!tpu.dma_semaphore, #tpu.memory_space<semaphore_mem>>)
    %dma_start3A_16 = arith.constant 1 : i32
    %dma_start3A_17 = arith.constant 0 : i32
    %dma_start3A_18 = tpu.memref_slice %arg6[%dma_start3A_16, %dma_start3A_17] : memref<80x125xi32, #tpu.memory_space<vmem>> -> memref<1x125xi32, #tpu.memory_space<vmem>>
    %dma_start3A_19 = tpu.memref_squeeze %dma_start3A_18 : memref<1x125xi32, #tpu.memory_space<vmem>> -> memref<125xi32, #tpu.memory_space<vmem>>
    %dma_start3A_20 = arith.constant 0 : i32
    %dma_start3A_21 = arith.constant 0 : i32
    %dma_start3A_22 = tpu.memref_slice %arg2[%dma_start3A_20, %dma_start3A_21] : memref<10240x32xf32, #tpu.memory_space<hbm>> -> memref<10240x32xf32, #tpu.memory_space<hbm>>
    tpu.enqueue_indirect_dma source(%dma_start3A_22 : memref<10240x32xf32, #tpu.memory_space<hbm>>) target(%arg9 : memref<125x32xf32, #tpu.memory_space<vmem>>) offsets(%dma_start3A_19 : memref<125xi32, #tpu.memory_space<vmem>>) semaphore(%arg14 : memref<!tpu.dma_semaphore, #tpu.memory_space<semaphore_mem>>)
    %dma_start3A_23 = arith.constant 2 : i32
    %dma_start3A_24 = arith.constant 0 : i32
    %dma_start3A_25 = tpu.memref_slice %arg6[%dma_start3A_23, %dma_start3A_24] : memref<80x125xi32, #tpu.memory_space<vmem>> -> memref<1x125xi32, #tpu.memory_space<vmem>>
    %dma_start3A_26 = tpu.memref_squeeze %dma_start3A_25 : memref<1x125xi32, #tpu.memory_space<vmem>> -> memref<125xi32, #tpu.memory_space<vmem>>
    %dma_start3A_27 = arith.constant 0 : i32
    %dma_start3A_28 = arith.constant 0 : i32
    %dma_start3A_29 = tpu.memref_slice %arg2[%dma_start3A_27, %dma_start3A_28] : memref<10240x32xf32, #tpu.memory_space<hbm>> -> memref<10240x32xf32, #tpu.memory_space<hbm>>
    tpu.enqueue_indirect_dma source(%dma_start3A_29 : memref<10240x32xf32, #tpu.memory_space<hbm>>) target(%arg10 : memref<125x32xf32, #tpu.memory_space<vmem>>) offsets(%dma_start3A_26 : memref<125xi32, #tpu.memory_space<vmem>>) semaphore(%arg15 : memref<!tpu.dma_semaphore, #tpu.memory_space<semaphore_mem>>)
    %dma_start3A_30 = arith.constant 3 : i32
    %dma_start3A_31 = arith.constant 0 : i32
    %dma_start3A_32 = tpu.memref_slice %arg6[%dma_start3A_30, %dma_start3A_31] : memref<80x125xi32, #tpu.memory_space<vmem>> -> memref<1x125xi32, #tpu.memory_space<vmem>>
    %dma_start3A_33 = tpu.memref_squeeze %dma_start3A_32 : memref<1x125xi32, #tpu.memory_space<vmem>> -> memref<125xi32, #tpu.memory_space<vmem>>
    %dma_start3A_34 = arith.constant 0 : i32
    %dma_start3A_35 = arith.constant 0 : i32
    %dma_start3A_36 = tpu.memref_slice %arg2[%dma_start3A_34, %dma_start3A_35] : memref<10240x32xf32, #tpu.memory_space<hbm>> -> memref<10240x32xf32, #tpu.memory_space<hbm>>
    tpu.enqueue_indirect_dma source(%dma_start3A_36 : memref<10240x32xf32, #tpu.memory_space<hbm>>) target(%arg11 : memref<125x32xf32, #tpu.memory_space<vmem>>) offsets(%dma_start3A_33 : memref<125xi32, #tpu.memory_space<vmem>>) semaphore(%arg16 : memref<!tpu.dma_semaphore, #tpu.memory_space<semaphore_mem>>)
    %barrier3A = arith.constant 0 : index
    tpu.barrier barrier_id(%barrier3A)
    %scan3A = arith.constant 0 : i32
    %scan3A_37 = arith.constant 20 : i32
    %scan3A_38 = arith.addi %scan3A, %scan3A_37 : i32
    %scan3A_39 = arith.constant 1 : i32
    scf.for %scan3A_46 = %scan3A to %scan3A_38 step %scan3A_39  : i32 {
      %mul3A_47 = arith.constant 4 : i32
      %mul3A_48 = arith.muli %scan3A_46, %mul3A_47 : i32
      %add3A_49 = arith.constant 0 : i32
      %add3A_50 = arith.addi %add3A_49, %mul3A_48 : i32
      %add3A_51 = arith.constant 0 : i32
      %add3A_52 = arith.addi %add3A_50, %add3A_51 : i32
      %dma_wait3A = arith.constant 0 : i32
      %dma_wait3A_53 = tpu.memref_slice %arg6[%add3A_52, %dma_wait3A] : memref<80x125xi32, #tpu.memory_space<vmem>> -> memref<1x125xi32, #tpu.memory_space<vmem>>
      %dma_wait3A_54 = tpu.memref_squeeze %dma_wait3A_53 : memref<1x125xi32, #tpu.memory_space<vmem>> -> memref<125xi32, #tpu.memory_space<vmem>>
      %dma_wait3A_55 = arith.constant 0 : i32
      %dma_wait3A_56 = arith.constant 0 : i32
      %dma_wait3A_57 = tpu.memref_slice %arg2[%dma_wait3A_55, %dma_wait3A_56] : memref<10240x32xf32, #tpu.memory_space<hbm>> -> memref<10240x32xf32, #tpu.memory_space<hbm>>
      tpu.wait_indirect_dma semaphore(%arg13 : memref<!tpu.dma_semaphore, #tpu.memory_space<semaphore_mem>>) src(%dma_wait3A_57 : memref<10240x32xf32, #tpu.memory_space<hbm>>) dst(%arg8 : memref<125x32xf32, #tpu.memory_space<vmem>>)
      "tpu.region"() ({
        %run_scoped3A_107 = tpu.sem_alloc : memref<!tpu.dma_semaphore, #tpu.memory_space<semaphore_mem>>
        %dma_start3A_108 = arith.constant 0 : i32
        %dma_start3A_109 = tpu.memref_slice %arg7[%add3A_52, %dma_start3A_108] : memref<80x125xi32, #tpu.memory_space<vmem>> -> memref<1x125xi32, #tpu.memory_space<vmem>>
        %dma_start3A_110 = tpu.memref_squeeze %dma_start3A_109 : memref<1x125xi32, #tpu.memory_space<vmem>> -> memref<125xi32, #tpu.memory_space<vmem>>
        %dma_start3A_111 = arith.constant 0 : i32
        %dma_start3A_112 = arith.constant 0 : i32
        %dma_start3A_113 = tpu.memref_slice %arg12[%dma_start3A_111, %dma_start3A_112] : memref<10240x32xf32, #tpu.memory_space<vmem_shared>> -> memref<10240x32xf32, #tpu.memory_space<vmem_shared>>
        tpu.enqueue_indirect_dma source(%arg8 : memref<125x32xf32, #tpu.memory_space<vmem>>) target(%dma_start3A_113 : memref<10240x32xf32, #tpu.memory_space<vmem_shared>>) offsets(%dma_start3A_110 : memref<125xi32, #tpu.memory_space<vmem>>) semaphore(%run_scoped3A_107 : memref<!tpu.dma_semaphore, #tpu.memory_space<semaphore_mem>>) {add = true}
        %dma_wait3A_114 = arith.constant 0 : i32
        %dma_wait3A_115 = tpu.memref_slice %arg7[%add3A_52, %dma_wait3A_114] : memref<80x125xi32, #tpu.memory_space<vmem>> -> memref<1x125xi32, #tpu.memory_space<vmem>>
        %dma_wait3A_116 = tpu.memref_squeeze %dma_wait3A_115 : memref<1x125xi32, #tpu.memory_space<vmem>> -> memref<125xi32, #tpu.memory_space<vmem>>
        %dma_wait3A_117 = arith.constant 0 : i32
        %dma_wait3A_118 = arith.constant 0 : i32
        %dma_wait3A_119 = tpu.memref_slice %arg12[%dma_wait3A_117, %dma_wait3A_118] : memref<10240x32xf32, #tpu.memory_space<vmem_shared>> -> memref<10240x32xf32, #tpu.memory_space<vmem_shared>>
        tpu.wait_indirect_dma semaphore(%run_scoped3A_107 : memref<!tpu.dma_semaphore, #tpu.memory_space<semaphore_mem>>) src(%arg8 : memref<125x32xf32, #tpu.memory_space<vmem>>) dst(%dma_wait3A_119 : memref<10240x32xf32, #tpu.memory_space<vmem_shared>>)
        tpu.yield
      }) : () -> ()
      %add3A_58 = arith.constant 4 : i32
      %add3A_59 = arith.addi %add3A_52, %add3A_58 : i32
      %lt3A = arith.constant 80 : i32
      %lt3A_60 = arith.cmpi slt, %add3A_59, %lt3A : i32
      %convert_element_type3A = arith.extui %lt3A_60 : i1 to i32
      %cond3A = arith.constant 0 : i32
      %cond3A_61 = arith.cmpi ne, %convert_element_type3A, %cond3A : i32
      scf.if %cond3A_61 {
        %dma_start3A_107 = arith.constant 0 : i32
        %dma_start3A_108 = tpu.memref_slice %arg6[%add3A_59, %dma_start3A_107] : memref<80x125xi32, #tpu.memory_space<vmem>> -> memref<1x125xi32, #tpu.memory_space<vmem>>
        %dma_start3A_109 = tpu.memref_squeeze %dma_start3A_108 : memref<1x125xi32, #tpu.memory_space<vmem>> -> memref<125xi32, #tpu.memory_space<vmem>>
        %dma_start3A_110 = arith.constant 0 : i32
        %dma_start3A_111 = arith.constant 0 : i32
        %dma_start3A_112 = tpu.memref_slice %arg2[%dma_start3A_110, %dma_start3A_111] : memref<10240x32xf32, #tpu.memory_space<hbm>> -> memref<10240x32xf32, #tpu.memory_space<hbm>>
        tpu.enqueue_indirect_dma source(%dma_start3A_112 : memref<10240x32xf32, #tpu.memory_space<hbm>>) target(%arg8 : memref<125x32xf32, #tpu.memory_space<vmem>>) offsets(%dma_start3A_109 : memref<125xi32, #tpu.memory_space<vmem>>) semaphore(%arg13 : memref<!tpu.dma_semaphore, #tpu.memory_space<semaphore_mem>>)
      } else {
      }
      %add3A_62 = arith.constant 1 : i32
      %add3A_63 = arith.addi %add3A_50, %add3A_62 : i32
      %dma_wait3A_64 = arith.constant 0 : i32
      %dma_wait3A_65 = tpu.memref_slice %arg6[%add3A_63, %dma_wait3A_64] : memref<80x125xi32, #tpu.memory_space<vmem>> -> memref<1x125xi32, #tpu.memory_space<vmem>>
      %dma_wait3A_66 = tpu.memref_squeeze %dma_wait3A_65 : memref<1x125xi32, #tpu.memory_space<vmem>> -> memref<125xi32, #tpu.memory_space<vmem>>
      %dma_wait3A_67 = arith.constant 0 : i32
      %dma_wait3A_68 = arith.constant 0 : i32
      %dma_wait3A_69 = tpu.memref_slice %arg2[%dma_wait3A_67, %dma_wait3A_68] : memref<10240x32xf32, #tpu.memory_space<hbm>> -> memref<10240x32xf32, #tpu.memory_space<hbm>>
      tpu.wait_indirect_dma semaphore(%arg14 : memref<!tpu.dma_semaphore, #tpu.memory_space<semaphore_mem>>) src(%dma_wait3A_69 : memref<10240x32xf32, #tpu.memory_space<hbm>>) dst(%arg9 : memref<125x32xf32, #tpu.memory_space<vmem>>)
      "tpu.region"() ({
        %run_scoped3A_107 = tpu.sem_alloc : memref<!tpu.dma_semaphore, #tpu.memory_space<semaphore_mem>>
        %dma_start3A_108 = arith.constant 0 : i32
        %dma_start3A_109 = tpu.memref_slice %arg7[%add3A_63, %dma_start3A_108] : memref<80x125xi32, #tpu.memory_space<vmem>> -> memref<1x125xi32, #tpu.memory_space<vmem>>
        %dma_start3A_110 = tpu.memref_squeeze %dma_start3A_109 : memref<1x125xi32, #tpu.memory_space<vmem>> -> memref<125xi32, #tpu.memory_space<vmem>>
        %dma_start3A_111 = arith.constant 0 : i32
        %dma_start3A_112 = arith.constant 0 : i32
        %dma_start3A_113 = tpu.memref_slice %arg12[%dma_start3A_111, %dma_start3A_112] : memref<10240x32xf32, #tpu.memory_space<vmem_shared>> -> memref<10240x32xf32, #tpu.memory_space<vmem_shared>>
        tpu.enqueue_indirect_dma source(%arg9 : memref<125x32xf32, #tpu.memory_space<vmem>>) target(%dma_start3A_113 : memref<10240x32xf32, #tpu.memory_space<vmem_shared>>) offsets(%dma_start3A_110 : memref<125xi32, #tpu.memory_space<vmem>>) semaphore(%run_scoped3A_107 : memref<!tpu.dma_semaphore, #tpu.memory_space<semaphore_mem>>) {add = true}
        %dma_wait3A_114 = arith.constant 0 : i32
        %dma_wait3A_115 = tpu.memref_slice %arg7[%add3A_63, %dma_wait3A_114] : memref<80x125xi32, #tpu.memory_space<vmem>> -> memref<1x125xi32, #tpu.memory_space<vmem>>
        %dma_wait3A_116 = tpu.memref_squeeze %dma_wait3A_115 : memref<1x125xi32, #tpu.memory_space<vmem>> -> memref<125xi32, #tpu.memory_space<vmem>>
        %dma_wait3A_117 = arith.constant 0 : i32
        %dma_wait3A_118 = arith.constant 0 : i32
        %dma_wait3A_119 = tpu.memref_slice %arg12[%dma_wait3A_117, %dma_wait3A_118] : memref<10240x32xf32, #tpu.memory_space<vmem_shared>> -> memref<10240x32xf32, #tpu.memory_space<vmem_shared>>
        tpu.wait_indirect_dma semaphore(%run_scoped3A_107 : memref<!tpu.dma_semaphore, #tpu.memory_space<semaphore_mem>>) src(%arg9 : memref<125x32xf32, #tpu.memory_space<vmem>>) dst(%dma_wait3A_119 : memref<10240x32xf32, #tpu.memory_space<vmem_shared>>)
        tpu.yield
      }) : () -> ()
      %add3A_70 = arith.constant 4 : i32
      %add3A_71 = arith.addi %add3A_63, %add3A_70 : i32
      %lt3A_72 = arith.constant 80 : i32
      %lt3A_73 = arith.cmpi slt, %add3A_71, %lt3A_72 : i32
      %convert_element_type3A_74 = arith.extui %lt3A_73 : i1 to i32
      %cond3A_75 = arith.constant 0 : i32
      %cond3A_76 = arith.cmpi ne, %convert_element_type3A_74, %cond3A_75 : i32
      scf.if %cond3A_76 {
        %dma_start3A_107 = arith.constant 0 : i32
        %dma_start3A_108 = tpu.memref_slice %arg6[%add3A_71, %dma_start3A_107] : memref<80x125xi32, #tpu.memory_space<vmem>> -> memref<1x125xi32, #tpu.memory_space<vmem>>
        %dma_start3A_109 = tpu.memref_squeeze %dma_start3A_108 : memref<1x125xi32, #tpu.memory_space<vmem>> -> memref<125xi32, #tpu.memory_space<vmem>>
        %dma_start3A_110 = arith.constant 0 : i32
        %dma_start3A_111 = arith.constant 0 : i32
        %dma_start3A_112 = tpu.memref_slice %arg2[%dma_start3A_110, %dma_start3A_111] : memref<10240x32xf32, #tpu.memory_space<hbm>> -> memref<10240x32xf32, #tpu.memory_space<hbm>>
        tpu.enqueue_indirect_dma source(%dma_start3A_112 : memref<10240x32xf32, #tpu.memory_space<hbm>>) target(%arg9 : memref<125x32xf32, #tpu.memory_space<vmem>>) offsets(%dma_start3A_109 : memref<125xi32, #tpu.memory_space<vmem>>) semaphore(%arg14 : memref<!tpu.dma_semaphore, #tpu.memory_space<semaphore_mem>>)
      } else {
      }
      %add3A_77 = arith.constant 2 : i32
      %add3A_78 = arith.addi %add3A_50, %add3A_77 : i32
      %dma_wait3A_79 = arith.constant 0 : i32
      %dma_wait3A_80 = tpu.memref_slice %arg6[%add3A_78, %dma_wait3A_79] : memref<80x125xi32, #tpu.memory_space<vmem>> -> memref<1x125xi32, #tpu.memory_space<vmem>>
      %dma_wait3A_81 = tpu.memref_squeeze %dma_wait3A_80 : memref<1x125xi32, #tpu.memory_space<vmem>> -> memref<125xi32, #tpu.memory_space<vmem>>
      %dma_wait3A_82 = arith.constant 0 : i32
      %dma_wait3A_83 = arith.constant 0 : i32
      %dma_wait3A_84 = tpu.memref_slice %arg2[%dma_wait3A_82, %dma_wait3A_83] : memref<10240x32xf32, #tpu.memory_space<hbm>> -> memref<10240x32xf32, #tpu.memory_space<hbm>>
      tpu.wait_indirect_dma semaphore(%arg15 : memref<!tpu.dma_semaphore, #tpu.memory_space<semaphore_mem>>) src(%dma_wait3A_84 : memref<10240x32xf32, #tpu.memory_space<hbm>>) dst(%arg10 : memref<125x32xf32, #tpu.memory_space<vmem>>)
      "tpu.region"() ({
        %run_scoped3A_107 = tpu.sem_alloc : memref<!tpu.dma_semaphore, #tpu.memory_space<semaphore_mem>>
        %dma_start3A_108 = arith.constant 0 : i32
        %dma_start3A_109 = tpu.memref_slice %arg7[%add3A_78, %dma_start3A_108] : memref<80x125xi32, #tpu.memory_space<vmem>> -> memref<1x125xi32, #tpu.memory_space<vmem>>
        %dma_start3A_110 = tpu.memref_squeeze %dma_start3A_109 : memref<1x125xi32, #tpu.memory_space<vmem>> -> memref<125xi32, #tpu.memory_space<vmem>>
        %dma_start3A_111 = arith.constant 0 : i32
        %dma_start3A_112 = arith.constant 0 : i32
        %dma_start3A_113 = tpu.memref_slice %arg12[%dma_start3A_111, %dma_start3A_112] : memref<10240x32xf32, #tpu.memory_space<vmem_shared>> -> memref<10240x32xf32, #tpu.memory_space<vmem_shared>>
        tpu.enqueue_indirect_dma source(%arg10 : memref<125x32xf32, #tpu.memory_space<vmem>>) target(%dma_start3A_113 : memref<10240x32xf32, #tpu.memory_space<vmem_shared>>) offsets(%dma_start3A_110 : memref<125xi32, #tpu.memory_space<vmem>>) semaphore(%run_scoped3A_107 : memref<!tpu.dma_semaphore, #tpu.memory_space<semaphore_mem>>) {add = true}
        %dma_wait3A_114 = arith.constant 0 : i32
        %dma_wait3A_115 = tpu.memref_slice %arg7[%add3A_78, %dma_wait3A_114] : memref<80x125xi32, #tpu.memory_space<vmem>> -> memref<1x125xi32, #tpu.memory_space<vmem>>
        %dma_wait3A_116 = tpu.memref_squeeze %dma_wait3A_115 : memref<1x125xi32, #tpu.memory_space<vmem>> -> memref<125xi32, #tpu.memory_space<vmem>>
        %dma_wait3A_117 = arith.constant 0 : i32
        %dma_wait3A_118 = arith.constant 0 : i32
        %dma_wait3A_119 = tpu.memref_slice %arg12[%dma_wait3A_117, %dma_wait3A_118] : memref<10240x32xf32, #tpu.memory_space<vmem_shared>> -> memref<10240x32xf32, #tpu.memory_space<vmem_shared>>
        tpu.wait_indirect_dma semaphore(%run_scoped3A_107 : memref<!tpu.dma_semaphore, #tpu.memory_space<semaphore_mem>>) src(%arg10 : memref<125x32xf32, #tpu.memory_space<vmem>>) dst(%dma_wait3A_119 : memref<10240x32xf32, #tpu.memory_space<vmem_shared>>)
        tpu.yield
      }) : () -> ()
      %add3A_85 = arith.constant 4 : i32
      %add3A_86 = arith.addi %add3A_78, %add3A_85 : i32
      %lt3A_87 = arith.constant 80 : i32
      %lt3A_88 = arith.cmpi slt, %add3A_86, %lt3A_87 : i32
      %convert_element_type3A_89 = arith.extui %lt3A_88 : i1 to i32
      %cond3A_90 = arith.constant 0 : i32
      %cond3A_91 = arith.cmpi ne, %convert_element_type3A_89, %cond3A_90 : i32
      scf.if %cond3A_91 {
        %dma_start3A_107 = arith.constant 0 : i32
        %dma_start3A_108 = tpu.memref_slice %arg6[%add3A_86, %dma_start3A_107] : memref<80x125xi32, #tpu.memory_space<vmem>> -> memref<1x125xi32, #tpu.memory_space<vmem>>
        %dma_start3A_109 = tpu.memref_squeeze %dma_start3A_108 : memref<1x125xi32, #tpu.memory_space<vmem>> -> memref<125xi32, #tpu.memory_space<vmem>>
        %dma_start3A_110 = arith.constant 0 : i32
        %dma_start3A_111 = arith.constant 0 : i32
        %dma_start3A_112 = tpu.memref_slice %arg2[%dma_start3A_110, %dma_start3A_111] : memref<10240x32xf32, #tpu.memory_space<hbm>> -> memref<10240x32xf32, #tpu.memory_space<hbm>>
        tpu.enqueue_indirect_dma source(%dma_start3A_112 : memref<10240x32xf32, #tpu.memory_space<hbm>>) target(%arg10 : memref<125x32xf32, #tpu.memory_space<vmem>>) offsets(%dma_start3A_109 : memref<125xi32, #tpu.memory_space<vmem>>) semaphore(%arg15 : memref<!tpu.dma_semaphore, #tpu.memory_space<semaphore_mem>>)
      } else {
      }
      %add3A_92 = arith.constant 3 : i32
      %add3A_93 = arith.addi %add3A_50, %add3A_92 : i32
      %dma_wait3A_94 = arith.constant 0 : i32
      %dma_wait3A_95 = tpu.memref_slice %arg6[%add3A_93, %dma_wait3A_94] : memref<80x125xi32, #tpu.memory_space<vmem>> -> memref<1x125xi32, #tpu.memory_space<vmem>>
      %dma_wait3A_96 = tpu.memref_squeeze %dma_wait3A_95 : memref<1x125xi32, #tpu.memory_space<vmem>> -> memref<125xi32, #tpu.memory_space<vmem>>
      %dma_wait3A_97 = arith.constant 0 : i32
      %dma_wait3A_98 = arith.constant 0 : i32
      %dma_wait3A_99 = tpu.memref_slice %arg2[%dma_wait3A_97, %dma_wait3A_98] : memref<10240x32xf32, #tpu.memory_space<hbm>> -> memref<10240x32xf32, #tpu.memory_space<hbm>>
      tpu.wait_indirect_dma semaphore(%arg16 : memref<!tpu.dma_semaphore, #tpu.memory_space<semaphore_mem>>) src(%dma_wait3A_99 : memref<10240x32xf32, #tpu.memory_space<hbm>>) dst(%arg11 : memref<125x32xf32, #tpu.memory_space<vmem>>)
      "tpu.region"() ({
        %run_scoped3A_107 = tpu.sem_alloc : memref<!tpu.dma_semaphore, #tpu.memory_space<semaphore_mem>>
        %dma_start3A_108 = arith.constant 0 : i32
        %dma_start3A_109 = tpu.memref_slice %arg7[%add3A_93, %dma_start3A_108] : memref<80x125xi32, #tpu.memory_space<vmem>> -> memref<1x125xi32, #tpu.memory_space<vmem>>
        %dma_start3A_110 = tpu.memref_squeeze %dma_start3A_109 : memref<1x125xi32, #tpu.memory_space<vmem>> -> memref<125xi32, #tpu.memory_space<vmem>>
        %dma_start3A_111 = arith.constant 0 : i32
        %dma_start3A_112 = arith.constant 0 : i32
        %dma_start3A_113 = tpu.memref_slice %arg12[%dma_start3A_111, %dma_start3A_112] : memref<10240x32xf32, #tpu.memory_space<vmem_shared>> -> memref<10240x32xf32, #tpu.memory_space<vmem_shared>>
        tpu.enqueue_indirect_dma source(%arg11 : memref<125x32xf32, #tpu.memory_space<vmem>>) target(%dma_start3A_113 : memref<10240x32xf32, #tpu.memory_space<vmem_shared>>) offsets(%dma_start3A_110 : memref<125xi32, #tpu.memory_space<vmem>>) semaphore(%run_scoped3A_107 : memref<!tpu.dma_semaphore, #tpu.memory_space<semaphore_mem>>) {add = true}
        %dma_wait3A_114 = arith.constant 0 : i32
        %dma_wait3A_115 = tpu.memref_slice %arg7[%add3A_93, %dma_wait3A_114] : memref<80x125xi32, #tpu.memory_space<vmem>> -> memref<1x125xi32, #tpu.memory_space<vmem>>
        %dma_wait3A_116 = tpu.memref_squeeze %dma_wait3A_115 : memref<1x125xi32, #tpu.memory_space<vmem>> -> memref<125xi32, #tpu.memory_space<vmem>>
        %dma_wait3A_117 = arith.constant 0 : i32
        %dma_wait3A_118 = arith.constant 0 : i32
        %dma_wait3A_119 = tpu.memref_slice %arg12[%dma_wait3A_117, %dma_wait3A_118] : memref<10240x32xf32, #tpu.memory_space<vmem_shared>> -> memref<10240x32xf32, #tpu.memory_space<vmem_shared>>
        tpu.wait_indirect_dma semaphore(%run_scoped3A_107 : memref<!tpu.dma_semaphore, #tpu.memory_space<semaphore_mem>>) src(%arg11 : memref<125x32xf32, #tpu.memory_space<vmem>>) dst(%dma_wait3A_119 : memref<10240x32xf32, #tpu.memory_space<vmem_shared>>)
        tpu.yield
      }) : () -> ()
      %add3A_100 = arith.constant 4 : i32
      %add3A_101 = arith.addi %add3A_93, %add3A_100 : i32
      %lt3A_102 = arith.constant 80 : i32
      %lt3A_103 = arith.cmpi slt, %add3A_101, %lt3A_102 : i32
      %convert_element_type3A_104 = arith.extui %lt3A_103 : i1 to i32
      %cond3A_105 = arith.constant 0 : i32
      %cond3A_106 = arith.cmpi ne, %convert_element_type3A_104, %cond3A_105 : i32
      scf.if %cond3A_106 {
        %dma_start3A_107 = arith.constant 0 : i32
        %dma_start3A_108 = tpu.memref_slice %arg6[%add3A_101, %dma_start3A_107] : memref<80x125xi32, #tpu.memory_space<vmem>> -> memref<1x125xi32, #tpu.memory_space<vmem>>
        %dma_start3A_109 = tpu.memref_squeeze %dma_start3A_108 : memref<1x125xi32, #tpu.memory_space<vmem>> -> memref<125xi32, #tpu.memory_space<vmem>>
        %dma_start3A_110 = arith.constant 0 : i32
        %dma_start3A_111 = arith.constant 0 : i32
        %dma_start3A_112 = tpu.memref_slice %arg2[%dma_start3A_110, %dma_start3A_111] : memref<10240x32xf32, #tpu.memory_space<hbm>> -> memref<10240x32xf32, #tpu.memory_space<hbm>>
        tpu.enqueue_indirect_dma source(%dma_start3A_112 : memref<10240x32xf32, #tpu.memory_space<hbm>>) target(%arg11 : memref<125x32xf32, #tpu.memory_space<vmem>>) offsets(%dma_start3A_109 : memref<125xi32, #tpu.memory_space<vmem>>) semaphore(%arg16 : memref<!tpu.dma_semaphore, #tpu.memory_space<semaphore_mem>>)
      } else {
      }
    }
    %scan3A_40 = arith.constant 20 : i32
    %barrier3A_41 = arith.constant 0 : index
    tpu.barrier barrier_id(%barrier3A_41)
    %mul3A_42 = arith.constant 640 : i32
    %mul3A_43 = arith.muli %arg1, %mul3A_42 : i32
    %mul3A_44 = arith.constant 640 : i32
    %mul3A_45 = arith.muli %arg1, %mul3A_44 : i32
    "tpu.region"() ({
      %run_scoped3A_46 = tpu.sem_alloc : memref<!tpu.dma_semaphore, #tpu.memory_space<semaphore_mem>>
      %dma_start3A_47 = arith.constant 0 : i32
      %dma_start3A_48 = tpu.memref_slice %arg5[%arg0, %mul3A_45, %dma_start3A_47] : memref<2x10240x32xf32, #tpu.memory_space<hbm>> -> memref<1x640x32xf32, #tpu.memory_space<hbm>>
      %dma_start3A_49 = tpu.memref_squeeze %dma_start3A_48 : memref<1x640x32xf32, #tpu.memory_space<hbm>> -> memref<640x32xf32, #tpu.memory_space<hbm>>
      %dma_start3A_50 = arith.constant 0 : i32
      %dma_start3A_51 = tpu.memref_slice %arg12[%mul3A_43, %dma_start3A_50] : memref<10240x32xf32, #tpu.memory_space<vmem_shared>> -> memref<640x32xf32, #tpu.memory_space<vmem_shared>>
      tpu.enqueue_dma source(%dma_start3A_51 : memref<640x32xf32, #tpu.memory_space<vmem_shared>>) target(%dma_start3A_49 : memref<640x32xf32, #tpu.memory_space<hbm>>) target_semaphore(%run_scoped3A_46 : memref<!tpu.dma_semaphore, #tpu.memory_space<semaphore_mem>>)
      %dma_wait3A = arith.constant 0 : i32
      %dma_wait3A_52 = tpu.memref_slice %arg5[%arg0, %mul3A_45, %dma_wait3A] : memref<2x10240x32xf32, #tpu.memory_space<hbm>> -> memref<1x640x32xf32, #tpu.memory_space<hbm>>
      %dma_wait3A_53 = tpu.memref_squeeze %dma_wait3A_52 : memref<1x640x32xf32, #tpu.memory_space<hbm>> -> memref<640x32xf32, #tpu.memory_space<hbm>>
      %dma_wait3A_54 = arith.constant 0 : i32
      %dma_wait3A_55 = tpu.memref_slice %arg12[%mul3A_43, %dma_wait3A_54] : memref<10240x32xf32, #tpu.memory_space<vmem_shared>> -> memref<640x32xf32, #tpu.memory_space<vmem_shared>>
      tpu.wait_dma2 semaphore(%run_scoped3A_46 : memref<!tpu.dma_semaphore, #tpu.memory_space<semaphore_mem>>) src(%dma_wait3A_55 : memref<640x32xf32, #tpu.memory_space<vmem_shared>>) dst(%dma_wait3A_53 : memref<640x32xf32, #tpu.memory_space<hbm>>)
      tpu.yield
    }) : () -> ()
    return
  }
}

#map = affine_map<(d0, d1) -> (0, 0)>
#map1 = affine_map<(d0, d1) -> (0, 0, 0)>
module attributes {stable_mosaic.version = 14 : i64} {
  func.func @k(%arg0: i32, %arg1: i32, %arg2: memref<10240x16xf32, #tpu.memory_space<hbm>>, %arg3: memref<32x4x80xi32, #tpu.memory_space<hbm>>, %arg4: memref<32x128x16xf32, #tpu.memory_space<hbm>>, %arg5: memref<1x4x80xi32, #tpu.memory_space<vmem>>, %arg6: memref<320x16xf32, #tpu.memory_space<vmem>>, %arg7: memref<128x16xf32, #tpu.memory_space<vmem>>) attributes {dimension_semantics = [#tpu.dimension_semantics<core_parallel>, #tpu.dimension_semantics<subcore_parallel>], iteration_bounds = array<i64: 2, 16>, scalar_prefetch = 0 : i64, scratch_operands = 3 : i64, tpu.core_type = #tpu.core_type<sc_vector_subcore>, window_params = [{transform_indices = #map}, {transform_indices = #map1}, {transform_indices = #map1}]} {
    %mul3A = arith.constant 16 : i32
    %mul3A_0 = arith.muli %arg0, %mul3A : i32
    %add3A = arith.addi %mul3A_0, %arg1 : i32
    "tpu.region"() ({
      %run_scoped3A = tpu.sem_alloc : memref<!tpu.dma_semaphore, #tpu.memory_space<semaphore_mem>>
      %dma_start3A = arith.constant 0 : i32
      %dma_start3A_13 = arith.constant 0 : i32
      %dma_start3A_14 = tpu.memref_slice %arg3[%add3A, %dma_start3A, %dma_start3A_13] : memref<32x4x80xi32, #tpu.memory_space<hbm>> -> memref<1x4x80xi32, #tpu.memory_space<hbm>>
      %dma_start3A_15 = arith.constant 0 : i32
      %dma_start3A_16 = arith.constant 0 : i32
      %dma_start3A_17 = tpu.memref_slice %arg3[%add3A, %dma_start3A_15, %dma_start3A_16] : memref<32x4x80xi32, #tpu.memory_space<hbm>> -> memref<1x4x80xi32, #tpu.memory_space<hbm>>
      tpu.enqueue_dma source(%dma_start3A_17 : memref<1x4x80xi32, #tpu.memory_space<hbm>>) target(%arg5 : memref<1x4x80xi32, #tpu.memory_space<vmem>>) target_semaphore(%run_scoped3A : memref<!tpu.dma_semaphore, #tpu.memory_space<semaphore_mem>>)
      %dma_wait3A = arith.constant 0 : i32
      %dma_wait3A_18 = arith.constant 0 : i32
      %dma_wait3A_19 = tpu.memref_slice %arg3[%add3A, %dma_wait3A, %dma_wait3A_18] : memref<32x4x80xi32, #tpu.memory_space<hbm>> -> memref<1x4x80xi32, #tpu.memory_space<hbm>>
      %dma_wait3A_20 = arith.constant 0 : i32
      %dma_wait3A_21 = arith.constant 0 : i32
      %dma_wait3A_22 = tpu.memref_slice %arg3[%add3A, %dma_wait3A_20, %dma_wait3A_21] : memref<32x4x80xi32, #tpu.memory_space<hbm>> -> memref<1x4x80xi32, #tpu.memory_space<hbm>>
      tpu.wait_dma2 semaphore(%run_scoped3A : memref<!tpu.dma_semaphore, #tpu.memory_space<semaphore_mem>>) src(%dma_wait3A_22 : memref<1x4x80xi32, #tpu.memory_space<hbm>>) dst(%arg5 : memref<1x4x80xi32, #tpu.memory_space<vmem>>)
      tpu.yield
    }) : () -> ()
    %mul3A_1 = arith.constant 320 : i32
    %mul3A_2 = arith.muli %add3A, %mul3A_1 : i32
    "tpu.region"() ({
      %run_scoped3A = tpu.sem_alloc : memref<!tpu.dma_semaphore, #tpu.memory_space<semaphore_mem>>
      %dma_start3A = arith.constant 0 : i32
      %dma_start3A_13 = tpu.memref_slice %arg2[%mul3A_2, %dma_start3A] : memref<10240x16xf32, #tpu.memory_space<hbm>> -> memref<320x16xf32, #tpu.memory_space<hbm>>
      %dma_start3A_14 = arith.constant 0 : i32
      %dma_start3A_15 = tpu.memref_slice %arg2[%mul3A_2, %dma_start3A_14] : memref<10240x16xf32, #tpu.memory_space<hbm>> -> memref<320x16xf32, #tpu.memory_space<hbm>>
      tpu.enqueue_dma source(%dma_start3A_15 : memref<320x16xf32, #tpu.memory_space<hbm>>) target(%arg6 : memref<320x16xf32, #tpu.memory_space<vmem>>) target_semaphore(%run_scoped3A : memref<!tpu.dma_semaphore, #tpu.memory_space<semaphore_mem>>)
      %dma_wait3A = arith.constant 0 : i32
      %dma_wait3A_16 = tpu.memref_slice %arg2[%mul3A_2, %dma_wait3A] : memref<10240x16xf32, #tpu.memory_space<hbm>> -> memref<320x16xf32, #tpu.memory_space<hbm>>
      %dma_wait3A_17 = arith.constant 0 : i32
      %dma_wait3A_18 = tpu.memref_slice %arg2[%mul3A_2, %dma_wait3A_17] : memref<10240x16xf32, #tpu.memory_space<hbm>> -> memref<320x16xf32, #tpu.memory_space<hbm>>
      tpu.wait_dma2 semaphore(%run_scoped3A : memref<!tpu.dma_semaphore, #tpu.memory_space<semaphore_mem>>) src(%dma_wait3A_18 : memref<320x16xf32, #tpu.memory_space<hbm>>) dst(%arg6 : memref<320x16xf32, #tpu.memory_space<vmem>>)
      tpu.yield
    }) : () -> ()
    %iota3A = tpu.iota {dimensions = array<i32: 0>} : vector<16xi32>
    %broadcast_in_dim3A = arith.constant 0xFF800000 : f32
    %broadcast_in_dim3A_3 = vector.broadcast %broadcast_in_dim3A : f32 to vector<16xf32>
    %scan3A = arith.constant 0 : i32
    %scan3A_4 = arith.constant 128 : i32
    %scan3A_5 = arith.addi %scan3A, %scan3A_4 : i32
    %scan3A_6 = arith.constant 1 : i32
    scf.for %scan3A_13 = %scan3A to %scan3A_5 step %scan3A_6  : i32 {
      %mul3A_14 = arith.constant 1 : i32
      %mul3A_15 = arith.muli %scan3A_13, %mul3A_14 : i32
      %add3A_16 = arith.constant 0 : i32
      %add3A_17 = arith.addi %add3A_16, %mul3A_15 : i32
      %broadcast_in_dim3A_18 = vector.broadcast %add3A_17 : i32 to vector<16xi32>
      tpu.vector_store_idx %arg7[%broadcast_in_dim3A_18, %iota3A], %broadcast_in_dim3A_3 : memref<128x16xf32, #tpu.memory_space<vmem>>[vector<16xi32>, vector<16xi32>], vector<16xf32>,
    }
    %scan3A_7 = arith.constant 128 : i32
    %scan3A_8 = arith.constant 0 : i32
    %scan3A_9 = arith.constant 320 : i32
    %scan3A_10 = arith.addi %scan3A_8, %scan3A_9 : i32
    %scan3A_11 = arith.constant 1 : i32
    scf.for %scan3A_13 = %scan3A_8 to %scan3A_10 step %scan3A_11  : i32 {
      %mul3A_14 = arith.constant 1 : i32
      %mul3A_15 = arith.muli %scan3A_13, %mul3A_14 : i32
      %add3A_16 = arith.constant 0 : i32
      %add3A_17 = arith.addi %add3A_16, %mul3A_15 : i32
      %broadcast_in_dim3A_18 = arith.constant 0 : i32
      %broadcast_in_dim3A_19 = vector.broadcast %broadcast_in_dim3A_18 : i32 to vector<16xi32>
      %jit3A = arith.constant 80 : i32
      %div3A = arith.divsi %add3A_17, %jit3A : i32
      %sign3A = arith.constant 0 : i32
      %sign3A_20 = arith.cmpi sgt, %add3A_17, %sign3A : i32
      %sign3A_21 = arith.extui %sign3A_20 : i1 to i32
      %sign3A_22 = arith.constant 0 : i32
      %sign3A_23 = arith.cmpi slt, %add3A_17, %sign3A_22 : i32
      %sign3A_24 = arith.extui %sign3A_23 : i1 to i32
      %sign3A_25 = arith.subi %sign3A_21, %sign3A_24 : i32
      %sign3A_26 = arith.constant 0 : i32
      %sign3A_27 = arith.cmpi sgt, %jit3A, %sign3A_26 : i32
      %sign3A_28 = arith.extui %sign3A_27 : i1 to i32
      %sign3A_29 = arith.constant 0 : i32
      %sign3A_30 = arith.cmpi slt, %jit3A, %sign3A_29 : i32
      %sign3A_31 = arith.extui %sign3A_30 : i1 to i32
      %sign3A_32 = arith.subi %sign3A_28, %sign3A_31 : i32
      %ne3A = arith.cmpi ne, %sign3A_25, %sign3A_32 : i32
      %rem3A = arith.remsi %add3A_17, %jit3A : i32
      %ne3A_33 = arith.constant 0 : i32
      %ne3A_34 = arith.cmpi ne, %rem3A, %ne3A_33 : i32
      %and3A = arith.andi %ne3A, %ne3A_34 : i1
      %sub3A = arith.constant 1 : i32
      %sub3A_35 = arith.subi %div3A, %sub3A : i32
      %select_n3A = arith.select %and3A, %sub3A_35, %div3A : i32
      %broadcast_in_dim3A_36 = vector.broadcast %select_n3A : i32 to vector<16xi32>
      %jit3A_37 = arith.constant 80 : i32
      %eq3A = arith.constant 0 : i32
      %eq3A_38 = arith.cmpi eq, %jit3A_37, %eq3A : i32
      %jit3A_39 = arith.constant 1 : i32
      %select_n3A_40 = arith.select %eq3A_38, %jit3A_39, %jit3A_37 : i32
      %rem3A_41 = arith.remsi %add3A_17, %select_n3A_40 : i32
      %ne3A_42 = arith.constant 0 : i32
      %ne3A_43 = arith.cmpi ne, %rem3A_41, %ne3A_42 : i32
      %lt3A = arith.constant 0 : i32
      %lt3A_44 = arith.cmpi slt, %rem3A_41, %lt3A : i32
      %lt3A_45 = arith.constant 0 : i32
      %lt3A_46 = arith.cmpi slt, %select_n3A_40, %lt3A_45 : i32
      %ne3A_47 = arith.xori %lt3A_44, %lt3A_46 : i1
      %and3A_48 = arith.andi %ne3A_47, %ne3A_43 : i1
      %add3A_49 = arith.addi %rem3A_41, %select_n3A_40 : i32
      %select_n3A_50 = arith.select %and3A_48, %add3A_49, %rem3A_41 : i32
      %broadcast_in_dim3A_51 = vector.broadcast %select_n3A_50 : i32 to vector<16xi32>
      %gather3A = tpu.vector_load_idx %arg5[%broadcast_in_dim3A_19, %broadcast_in_dim3A_36, %broadcast_in_dim3A_51] : memref<1x4x80xi32, #tpu.memory_space<vmem>>[vector<16xi32>, vector<16xi32>, vector<16xi32>], vector<16xi32>,
      %broadcast_in_dim3A_52 = vector.broadcast %add3A_17 : i32 to vector<16xi32>
      %gather3A_53 = tpu.vector_load_idx %arg6[%broadcast_in_dim3A_52, %iota3A] : memref<320x16xf32, #tpu.memory_space<vmem>>[vector<16xi32>, vector<16xi32>], vector<16xf32>,
      %gather3A_54 = tpu.vector_load_idx %arg7[%gather3A, %iota3A] : memref<128x16xf32, #tpu.memory_space<vmem>>[vector<16xi32>, vector<16xi32>], vector<16xf32>,
      %max3A = arith.maximumf %gather3A_54, %gather3A_53 : vector<16xf32>
      tpu.vector_store_idx %arg7[%gather3A, %iota3A], %max3A : memref<128x16xf32, #tpu.memory_space<vmem>>[vector<16xi32>, vector<16xi32>], vector<16xf32>,
    }
    %scan3A_12 = arith.constant 320 : i32
    "tpu.region"() ({
      %run_scoped3A = tpu.sem_alloc : memref<!tpu.dma_semaphore, #tpu.memory_space<semaphore_mem>>
      %dma_start3A = arith.constant 0 : i32
      %dma_start3A_13 = arith.constant 0 : i32
      %dma_start3A_14 = tpu.memref_slice %arg4[%add3A, %dma_start3A, %dma_start3A_13] : memref<32x128x16xf32, #tpu.memory_space<hbm>> -> memref<1x128x16xf32, #tpu.memory_space<hbm>>
      %dma_start3A_15 = tpu.memref_squeeze %dma_start3A_14 : memref<1x128x16xf32, #tpu.memory_space<hbm>> -> memref<128x16xf32, #tpu.memory_space<hbm>>
      %dma_start3A_16 = arith.constant 0 : i32
      %dma_start3A_17 = arith.constant 0 : i32
      %dma_start3A_18 = tpu.memref_slice %arg4[%add3A, %dma_start3A_16, %dma_start3A_17] : memref<32x128x16xf32, #tpu.memory_space<hbm>> -> memref<1x128x16xf32, #tpu.memory_space<hbm>>
      %dma_start3A_19 = tpu.memref_squeeze %dma_start3A_18 : memref<1x128x16xf32, #tpu.memory_space<hbm>> -> memref<128x16xf32, #tpu.memory_space<hbm>>
      tpu.enqueue_dma source(%arg7 : memref<128x16xf32, #tpu.memory_space<vmem>>) target(%dma_start3A_19 : memref<128x16xf32, #tpu.memory_space<hbm>>) target_semaphore(%run_scoped3A : memref<!tpu.dma_semaphore, #tpu.memory_space<semaphore_mem>>)
      %dma_wait3A = arith.constant 0 : i32
      %dma_wait3A_20 = arith.constant 0 : i32
      %dma_wait3A_21 = tpu.memref_slice %arg4[%add3A, %dma_wait3A, %dma_wait3A_20] : memref<32x128x16xf32, #tpu.memory_space<hbm>> -> memref<1x128x16xf32, #tpu.memory_space<hbm>>
      %dma_wait3A_22 = tpu.memref_squeeze %dma_wait3A_21 : memref<1x128x16xf32, #tpu.memory_space<hbm>> -> memref<128x16xf32, #tpu.memory_space<hbm>>
      %dma_wait3A_23 = arith.constant 0 : i32
      %dma_wait3A_24 = arith.constant 0 : i32
      %dma_wait3A_25 = tpu.memref_slice %arg4[%add3A, %dma_wait3A_23, %dma_wait3A_24] : memref<32x128x16xf32, #tpu.memory_space<hbm>> -> memref<1x128x16xf32, #tpu.memory_space<hbm>>
      %dma_wait3A_26 = tpu.memref_squeeze %dma_wait3A_25 : memref<1x128x16xf32, #tpu.memory_space<hbm>> -> memref<128x16xf32, #tpu.memory_space<hbm>>
      tpu.wait_dma2 semaphore(%run_scoped3A : memref<!tpu.dma_semaphore, #tpu.memory_space<semaphore_mem>>) src(%arg7 : memref<128x16xf32, #tpu.memory_space<vmem>>) dst(%dma_wait3A_26 : memref<128x16xf32, #tpu.memory_space<hbm>>)
      tpu.yield
    }) : () -> ()
    return
  }
}

#map = affine_map<(d0, d1) -> (0, 0)>
#map1 = affine_map<(d0, d1) -> (0, 0, 0)>
module attributes {stable_mosaic.version = 14 : i64} {
  func.func @k(%arg0: i32, %arg1: i32, %arg2: memref<10240x64xf32, #tpu.memory_space<hbm>>, %arg3: memref<32x4x80xi32, #tpu.memory_space<hbm>>, %arg4: memref<128x64xf32, #tpu.memory_space<hbm>>, %arg5: memref<2x128x64xf32, #tpu.memory_space<hbm>>, %arg6: memref<1x4x80xi32, #tpu.memory_space<vmem>>, %arg7: memref<320x64xf32, #tpu.memory_space<vmem>>, %arg8: memref<128x64xf32, #tpu.memory_space<vmem_shared>>) attributes {dimension_semantics = [#tpu.dimension_semantics<core_parallel>, #tpu.dimension_semantics<subcore_parallel>], iteration_bounds = array<i64: 2, 16>, scalar_prefetch = 0 : i64, scratch_operands = 3 : i64, tpu.core_type = #tpu.core_type<sc_vector_subcore>, window_params = [{transform_indices = #map}, {transform_indices = #map1}, {transform_indices = #map}, {transform_indices = #map1}]} {
    %mul3A = arith.constant 16 : i32
    %mul3A_0 = arith.muli %arg0, %mul3A : i32
    %add3A = arith.addi %mul3A_0, %arg1 : i32
    %eq3A = arith.constant 0 : i32
    %eq3A_1 = arith.cmpi eq, %arg1, %eq3A : i32
    %convert_element_type3A = arith.extui %eq3A_1 : i1 to i32
    %cond3A = arith.constant 0 : i32
    %cond3A_2 = arith.cmpi ne, %convert_element_type3A, %cond3A : i32
    scf.if %cond3A_2 {
      "tpu.region"() ({
        %run_scoped3A_18 = tpu.sem_alloc : memref<!tpu.dma_semaphore, #tpu.memory_space<semaphore_mem>>
        tpu.enqueue_dma source(%arg4 : memref<128x64xf32, #tpu.memory_space<hbm>>) target(%arg8 : memref<128x64xf32, #tpu.memory_space<vmem_shared>>) target_semaphore(%run_scoped3A_18 : memref<!tpu.dma_semaphore, #tpu.memory_space<semaphore_mem>>)
        tpu.wait_dma2 semaphore(%run_scoped3A_18 : memref<!tpu.dma_semaphore, #tpu.memory_space<semaphore_mem>>) src(%arg4 : memref<128x64xf32, #tpu.memory_space<hbm>>) dst(%arg8 : memref<128x64xf32, #tpu.memory_space<vmem_shared>>)
        tpu.yield
      }) : () -> ()
    } else {
    }
    "tpu.region"() ({
      %run_scoped3A_18 = tpu.sem_alloc : memref<!tpu.dma_semaphore, #tpu.memory_space<semaphore_mem>>
      %dma_start3A = arith.constant 0 : i32
      %dma_start3A_19 = arith.constant 0 : i32
      %dma_start3A_20 = tpu.memref_slice %arg3[%add3A, %dma_start3A, %dma_start3A_19] : memref<32x4x80xi32, #tpu.memory_space<hbm>> -> memref<1x4x80xi32, #tpu.memory_space<hbm>>
      %dma_start3A_21 = arith.constant 0 : i32
      %dma_start3A_22 = arith.constant 0 : i32
      %dma_start3A_23 = tpu.memref_slice %arg3[%add3A, %dma_start3A_21, %dma_start3A_22] : memref<32x4x80xi32, #tpu.memory_space<hbm>> -> memref<1x4x80xi32, #tpu.memory_space<hbm>>
      tpu.enqueue_dma source(%dma_start3A_23 : memref<1x4x80xi32, #tpu.memory_space<hbm>>) target(%arg6 : memref<1x4x80xi32, #tpu.memory_space<vmem>>) target_semaphore(%run_scoped3A_18 : memref<!tpu.dma_semaphore, #tpu.memory_space<semaphore_mem>>)
      %dma_wait3A = arith.constant 0 : i32
      %dma_wait3A_24 = arith.constant 0 : i32
      %dma_wait3A_25 = tpu.memref_slice %arg3[%add3A, %dma_wait3A, %dma_wait3A_24] : memref<32x4x80xi32, #tpu.memory_space<hbm>> -> memref<1x4x80xi32, #tpu.memory_space<hbm>>
      %dma_wait3A_26 = arith.constant 0 : i32
      %dma_wait3A_27 = arith.constant 0 : i32
      %dma_wait3A_28 = tpu.memref_slice %arg3[%add3A, %dma_wait3A_26, %dma_wait3A_27] : memref<32x4x80xi32, #tpu.memory_space<hbm>> -> memref<1x4x80xi32, #tpu.memory_space<hbm>>
      tpu.wait_dma2 semaphore(%run_scoped3A_18 : memref<!tpu.dma_semaphore, #tpu.memory_space<semaphore_mem>>) src(%dma_wait3A_28 : memref<1x4x80xi32, #tpu.memory_space<hbm>>) dst(%arg6 : memref<1x4x80xi32, #tpu.memory_space<vmem>>)
      tpu.yield
    }) : () -> ()
    %mul3A_3 = arith.constant 320 : i32
    %mul3A_4 = arith.muli %add3A, %mul3A_3 : i32
    "tpu.region"() ({
      %run_scoped3A_18 = tpu.sem_alloc : memref<!tpu.dma_semaphore, #tpu.memory_space<semaphore_mem>>
      %dma_start3A = arith.constant 0 : i32
      %dma_start3A_19 = tpu.memref_slice %arg2[%mul3A_4, %dma_start3A] : memref<10240x64xf32, #tpu.memory_space<hbm>> -> memref<320x64xf32, #tpu.memory_space<hbm>>
      %dma_start3A_20 = arith.constant 0 : i32
      %dma_start3A_21 = tpu.memref_slice %arg2[%mul3A_4, %dma_start3A_20] : memref<10240x64xf32, #tpu.memory_space<hbm>> -> memref<320x64xf32, #tpu.memory_space<hbm>>
      tpu.enqueue_dma source(%dma_start3A_21 : memref<320x64xf32, #tpu.memory_space<hbm>>) target(%arg7 : memref<320x64xf32, #tpu.memory_space<vmem>>) target_semaphore(%run_scoped3A_18 : memref<!tpu.dma_semaphore, #tpu.memory_space<semaphore_mem>>)
      %dma_wait3A = arith.constant 0 : i32
      %dma_wait3A_22 = tpu.memref_slice %arg2[%mul3A_4, %dma_wait3A] : memref<10240x64xf32, #tpu.memory_space<hbm>> -> memref<320x64xf32, #tpu.memory_space<hbm>>
      %dma_wait3A_23 = arith.constant 0 : i32
      %dma_wait3A_24 = tpu.memref_slice %arg2[%mul3A_4, %dma_wait3A_23] : memref<10240x64xf32, #tpu.memory_space<hbm>> -> memref<320x64xf32, #tpu.memory_space<hbm>>
      tpu.wait_dma2 semaphore(%run_scoped3A_18 : memref<!tpu.dma_semaphore, #tpu.memory_space<semaphore_mem>>) src(%dma_wait3A_24 : memref<320x64xf32, #tpu.memory_space<hbm>>) dst(%arg7 : memref<320x64xf32, #tpu.memory_space<vmem>>)
      tpu.yield
    }) : () -> ()
    %barrier3A = arith.constant 0 : index
    tpu.barrier barrier_id(%barrier3A)
    %run_scoped3A = arith.constant 0 : i32
    %run_scoped3A_5 = arith.constant 0 : i32
    "tpu.region"() ({
      %run_scoped3A_18 = tpu.sem_alloc : memref<!tpu.dma_semaphore, #tpu.memory_space<semaphore_mem>>
      %dma_start3A = arith.constant 0 : i32
      %dma_start3A_19 = arith.constant 0 : i32
      %dma_start3A_20 = tpu.memref_slice %arg7[%dma_start3A, %dma_start3A_19] : memref<320x64xf32, #tpu.memory_space<vmem>> -> memref<80x64xf32, #tpu.memory_space<vmem>>
      %dma_start3A_21 = arith.constant 0 : i32
      %dma_start3A_22 = tpu.memref_slice %arg6[%run_scoped3A, %run_scoped3A_5, %dma_start3A_21] : memref<1x4x80xi32, #tpu.memory_space<vmem>> -> memref<1x1x80xi32, #tpu.memory_space<vmem>>
      %dma_start3A_23 = tpu.memref_squeeze %dma_start3A_22 : memref<1x1x80xi32, #tpu.memory_space<vmem>> -> memref<80xi32, #tpu.memory_space<vmem>>
      %dma_start3A_24 = arith.constant 0 : i32
      %dma_start3A_25 = arith.constant 0 : i32
      %dma_start3A_26 = tpu.memref_slice %arg8[%dma_start3A_24, %dma_start3A_25] : memref<128x64xf32, #tpu.memory_space<vmem_shared>> -> memref<128x64xf32, #tpu.memory_space<vmem_shared>>
      tpu.enqueue_indirect_dma source(%dma_start3A_20 : memref<80x64xf32, #tpu.memory_space<vmem>>) target(%dma_start3A_26 : memref<128x64xf32, #tpu.memory_space<vmem_shared>>) offsets(%dma_start3A_23 : memref<80xi32, #tpu.memory_space<vmem>>) semaphore(%run_scoped3A_18 : memref<!tpu.dma_semaphore, #tpu.memory_space<semaphore_mem>>) {add = true}
      %dma_wait3A = arith.constant 0 : i32
      %dma_wait3A_27 = arith.constant 0 : i32
      %dma_wait3A_28 = tpu.memref_slice %arg7[%dma_wait3A, %dma_wait3A_27] : memref<320x64xf32, #tpu.memory_space<vmem>> -> memref<80x64xf32, #tpu.memory_space<vmem>>
      %dma_wait3A_29 = arith.constant 0 : i32
      %dma_wait3A_30 = tpu.memref_slice %arg6[%run_scoped3A, %run_scoped3A_5, %dma_wait3A_29] : memref<1x4x80xi32, #tpu.memory_space<vmem>> -> memref<1x1x80xi32, #tpu.memory_space<vmem>>
      %dma_wait3A_31 = tpu.memref_squeeze %dma_wait3A_30 : memref<1x1x80xi32, #tpu.memory_space<vmem>> -> memref<80xi32, #tpu.memory_space<vmem>>
      %dma_wait3A_32 = arith.constant 0 : i32
      %dma_wait3A_33 = arith.constant 0 : i32
      %dma_wait3A_34 = tpu.memref_slice %arg8[%dma_wait3A_32, %dma_wait3A_33] : memref<128x64xf32, #tpu.memory_space<vmem_shared>> -> memref<128x64xf32, #tpu.memory_space<vmem_shared>>
      tpu.wait_indirect_dma semaphore(%run_scoped3A_18 : memref<!tpu.dma_semaphore, #tpu.memory_space<semaphore_mem>>) src(%dma_wait3A_28 : memref<80x64xf32, #tpu.memory_space<vmem>>) dst(%dma_wait3A_34 : memref<128x64xf32, #tpu.memory_space<vmem_shared>>)
      tpu.yield
    }) : () -> ()
    %run_scoped3A_6 = arith.constant 0 : i32
    %run_scoped3A_7 = arith.constant 1 : i32
    "tpu.region"() ({
      %run_scoped3A_18 = tpu.sem_alloc : memref<!tpu.dma_semaphore, #tpu.memory_space<semaphore_mem>>
      %dma_start3A = arith.constant 80 : i32
      %dma_start3A_19 = arith.constant 0 : i32
      %dma_start3A_20 = tpu.memref_slice %arg7[%dma_start3A, %dma_start3A_19] : memref<320x64xf32, #tpu.memory_space<vmem>> -> memref<80x64xf32, #tpu.memory_space<vmem>>
      %dma_start3A_21 = arith.constant 0 : i32
      %dma_start3A_22 = tpu.memref_slice %arg6[%run_scoped3A_6, %run_scoped3A_7, %dma_start3A_21] : memref<1x4x80xi32, #tpu.memory_space<vmem>> -> memref<1x1x80xi32, #tpu.memory_space<vmem>>
      %dma_start3A_23 = tpu.memref_squeeze %dma_start3A_22 : memref<1x1x80xi32, #tpu.memory_space<vmem>> -> memref<80xi32, #tpu.memory_space<vmem>>
      %dma_start3A_24 = arith.constant 0 : i32
      %dma_start3A_25 = arith.constant 0 : i32
      %dma_start3A_26 = tpu.memref_slice %arg8[%dma_start3A_24, %dma_start3A_25] : memref<128x64xf32, #tpu.memory_space<vmem_shared>> -> memref<128x64xf32, #tpu.memory_space<vmem_shared>>
      tpu.enqueue_indirect_dma source(%dma_start3A_20 : memref<80x64xf32, #tpu.memory_space<vmem>>) target(%dma_start3A_26 : memref<128x64xf32, #tpu.memory_space<vmem_shared>>) offsets(%dma_start3A_23 : memref<80xi32, #tpu.memory_space<vmem>>) semaphore(%run_scoped3A_18 : memref<!tpu.dma_semaphore, #tpu.memory_space<semaphore_mem>>) {add = true}
      %dma_wait3A = arith.constant 80 : i32
      %dma_wait3A_27 = arith.constant 0 : i32
      %dma_wait3A_28 = tpu.memref_slice %arg7[%dma_wait3A, %dma_wait3A_27] : memref<320x64xf32, #tpu.memory_space<vmem>> -> memref<80x64xf32, #tpu.memory_space<vmem>>
      %dma_wait3A_29 = arith.constant 0 : i32
      %dma_wait3A_30 = tpu.memref_slice %arg6[%run_scoped3A_6, %run_scoped3A_7, %dma_wait3A_29] : memref<1x4x80xi32, #tpu.memory_space<vmem>> -> memref<1x1x80xi32, #tpu.memory_space<vmem>>
      %dma_wait3A_31 = tpu.memref_squeeze %dma_wait3A_30 : memref<1x1x80xi32, #tpu.memory_space<vmem>> -> memref<80xi32, #tpu.memory_space<vmem>>
      %dma_wait3A_32 = arith.constant 0 : i32
      %dma_wait3A_33 = arith.constant 0 : i32
      %dma_wait3A_34 = tpu.memref_slice %arg8[%dma_wait3A_32, %dma_wait3A_33] : memref<128x64xf32, #tpu.memory_space<vmem_shared>> -> memref<128x64xf32, #tpu.memory_space<vmem_shared>>
      tpu.wait_indirect_dma semaphore(%run_scoped3A_18 : memref<!tpu.dma_semaphore, #tpu.memory_space<semaphore_mem>>) src(%dma_wait3A_28 : memref<80x64xf32, #tpu.memory_space<vmem>>) dst(%dma_wait3A_34 : memref<128x64xf32, #tpu.memory_space<vmem_shared>>)
      tpu.yield
    }) : () -> ()
    %run_scoped3A_8 = arith.constant 0 : i32
    %run_scoped3A_9 = arith.constant 2 : i32
    "tpu.region"() ({
      %run_scoped3A_18 = tpu.sem_alloc : memref<!tpu.dma_semaphore, #tpu.memory_space<semaphore_mem>>
      %dma_start3A = arith.constant 160 : i32
      %dma_start3A_19 = arith.constant 0 : i32
      %dma_start3A_20 = tpu.memref_slice %arg7[%dma_start3A, %dma_start3A_19] : memref<320x64xf32, #tpu.memory_space<vmem>> -> memref<80x64xf32, #tpu.memory_space<vmem>>
      %dma_start3A_21 = arith.constant 0 : i32
      %dma_start3A_22 = tpu.memref_slice %arg6[%run_scoped3A_8, %run_scoped3A_9, %dma_start3A_21] : memref<1x4x80xi32, #tpu.memory_space<vmem>> -> memref<1x1x80xi32, #tpu.memory_space<vmem>>
      %dma_start3A_23 = tpu.memref_squeeze %dma_start3A_22 : memref<1x1x80xi32, #tpu.memory_space<vmem>> -> memref<80xi32, #tpu.memory_space<vmem>>
      %dma_start3A_24 = arith.constant 0 : i32
      %dma_start3A_25 = arith.constant 0 : i32
      %dma_start3A_26 = tpu.memref_slice %arg8[%dma_start3A_24, %dma_start3A_25] : memref<128x64xf32, #tpu.memory_space<vmem_shared>> -> memref<128x64xf32, #tpu.memory_space<vmem_shared>>
      tpu.enqueue_indirect_dma source(%dma_start3A_20 : memref<80x64xf32, #tpu.memory_space<vmem>>) target(%dma_start3A_26 : memref<128x64xf32, #tpu.memory_space<vmem_shared>>) offsets(%dma_start3A_23 : memref<80xi32, #tpu.memory_space<vmem>>) semaphore(%run_scoped3A_18 : memref<!tpu.dma_semaphore, #tpu.memory_space<semaphore_mem>>) {add = true}
      %dma_wait3A = arith.constant 160 : i32
      %dma_wait3A_27 = arith.constant 0 : i32
      %dma_wait3A_28 = tpu.memref_slice %arg7[%dma_wait3A, %dma_wait3A_27] : memref<320x64xf32, #tpu.memory_space<vmem>> -> memref<80x64xf32, #tpu.memory_space<vmem>>
      %dma_wait3A_29 = arith.constant 0 : i32
      %dma_wait3A_30 = tpu.memref_slice %arg6[%run_scoped3A_8, %run_scoped3A_9, %dma_wait3A_29] : memref<1x4x80xi32, #tpu.memory_space<vmem>> -> memref<1x1x80xi32, #tpu.memory_space<vmem>>
      %dma_wait3A_31 = tpu.memref_squeeze %dma_wait3A_30 : memref<1x1x80xi32, #tpu.memory_space<vmem>> -> memref<80xi32, #tpu.memory_space<vmem>>
      %dma_wait3A_32 = arith.constant 0 : i32
      %dma_wait3A_33 = arith.constant 0 : i32
      %dma_wait3A_34 = tpu.memref_slice %arg8[%dma_wait3A_32, %dma_wait3A_33] : memref<128x64xf32, #tpu.memory_space<vmem_shared>> -> memref<128x64xf32, #tpu.memory_space<vmem_shared>>
      tpu.wait_indirect_dma semaphore(%run_scoped3A_18 : memref<!tpu.dma_semaphore, #tpu.memory_space<semaphore_mem>>) src(%dma_wait3A_28 : memref<80x64xf32, #tpu.memory_space<vmem>>) dst(%dma_wait3A_34 : memref<128x64xf32, #tpu.memory_space<vmem_shared>>)
      tpu.yield
    }) : () -> ()
    %run_scoped3A_10 = arith.constant 0 : i32
    %run_scoped3A_11 = arith.constant 3 : i32
    "tpu.region"() ({
      %run_scoped3A_18 = tpu.sem_alloc : memref<!tpu.dma_semaphore, #tpu.memory_space<semaphore_mem>>
      %dma_start3A = arith.constant 240 : i32
      %dma_start3A_19 = arith.constant 0 : i32
      %dma_start3A_20 = tpu.memref_slice %arg7[%dma_start3A, %dma_start3A_19] : memref<320x64xf32, #tpu.memory_space<vmem>> -> memref<80x64xf32, #tpu.memory_space<vmem>>
      %dma_start3A_21 = arith.constant 0 : i32
      %dma_start3A_22 = tpu.memref_slice %arg6[%run_scoped3A_10, %run_scoped3A_11, %dma_start3A_21] : memref<1x4x80xi32, #tpu.memory_space<vmem>> -> memref<1x1x80xi32, #tpu.memory_space<vmem>>
      %dma_start3A_23 = tpu.memref_squeeze %dma_start3A_22 : memref<1x1x80xi32, #tpu.memory_space<vmem>> -> memref<80xi32, #tpu.memory_space<vmem>>
      %dma_start3A_24 = arith.constant 0 : i32
      %dma_start3A_25 = arith.constant 0 : i32
      %dma_start3A_26 = tpu.memref_slice %arg8[%dma_start3A_24, %dma_start3A_25] : memref<128x64xf32, #tpu.memory_space<vmem_shared>> -> memref<128x64xf32, #tpu.memory_space<vmem_shared>>
      tpu.enqueue_indirect_dma source(%dma_start3A_20 : memref<80x64xf32, #tpu.memory_space<vmem>>) target(%dma_start3A_26 : memref<128x64xf32, #tpu.memory_space<vmem_shared>>) offsets(%dma_start3A_23 : memref<80xi32, #tpu.memory_space<vmem>>) semaphore(%run_scoped3A_18 : memref<!tpu.dma_semaphore, #tpu.memory_space<semaphore_mem>>) {add = true}
      %dma_wait3A = arith.constant 240 : i32
      %dma_wait3A_27 = arith.constant 0 : i32
      %dma_wait3A_28 = tpu.memref_slice %arg7[%dma_wait3A, %dma_wait3A_27] : memref<320x64xf32, #tpu.memory_space<vmem>> -> memref<80x64xf32, #tpu.memory_space<vmem>>
      %dma_wait3A_29 = arith.constant 0 : i32
      %dma_wait3A_30 = tpu.memref_slice %arg6[%run_scoped3A_10, %run_scoped3A_11, %dma_wait3A_29] : memref<1x4x80xi32, #tpu.memory_space<vmem>> -> memref<1x1x80xi32, #tpu.memory_space<vmem>>
      %dma_wait3A_31 = tpu.memref_squeeze %dma_wait3A_30 : memref<1x1x80xi32, #tpu.memory_space<vmem>> -> memref<80xi32, #tpu.memory_space<vmem>>
      %dma_wait3A_32 = arith.constant 0 : i32
      %dma_wait3A_33 = arith.constant 0 : i32
      %dma_wait3A_34 = tpu.memref_slice %arg8[%dma_wait3A_32, %dma_wait3A_33] : memref<128x64xf32, #tpu.memory_space<vmem_shared>> -> memref<128x64xf32, #tpu.memory_space<vmem_shared>>
      tpu.wait_indirect_dma semaphore(%run_scoped3A_18 : memref<!tpu.dma_semaphore, #tpu.memory_space<semaphore_mem>>) src(%dma_wait3A_28 : memref<80x64xf32, #tpu.memory_space<vmem>>) dst(%dma_wait3A_34 : memref<128x64xf32, #tpu.memory_space<vmem_shared>>)
      tpu.yield
    }) : () -> ()
    %barrier3A_12 = arith.constant 0 : index
    tpu.barrier barrier_id(%barrier3A_12)
    %eq3A_13 = arith.constant 0 : i32
    %eq3A_14 = arith.cmpi eq, %arg1, %eq3A_13 : i32
    %convert_element_type3A_15 = arith.extui %eq3A_14 : i1 to i32
    %cond3A_16 = arith.constant 0 : i32
    %cond3A_17 = arith.cmpi ne, %convert_element_type3A_15, %cond3A_16 : i32
    scf.if %cond3A_17 {
      "tpu.region"() ({
        %run_scoped3A_18 = tpu.sem_alloc : memref<!tpu.dma_semaphore, #tpu.memory_space<semaphore_mem>>
        %dma_start3A = arith.constant 0 : i32
        %dma_start3A_19 = arith.constant 0 : i32
        %dma_start3A_20 = tpu.memref_slice %arg5[%arg0, %dma_start3A, %dma_start3A_19] : memref<2x128x64xf32, #tpu.memory_space<hbm>> -> memref<1x128x64xf32, #tpu.memory_space<hbm>>
        %dma_start3A_21 = tpu.memref_squeeze %dma_start3A_20 : memref<1x128x64xf32, #tpu.memory_space<hbm>> -> memref<128x64xf32, #tpu.memory_space<hbm>>
        tpu.enqueue_dma source(%arg8 : memref<128x64xf32, #tpu.memory_space<vmem_shared>>) target(%dma_start3A_21 : memref<128x64xf32, #tpu.memory_space<hbm>>) target_semaphore(%run_scoped3A_18 : memref<!tpu.dma_semaphore, #tpu.memory_space<semaphore_mem>>)
        %dma_wait3A = arith.constant 0 : i32
        %dma_wait3A_22 = arith.constant 0 : i32
        %dma_wait3A_23 = tpu.memref_slice %arg5[%arg0, %dma_wait3A, %dma_wait3A_22] : memref<2x128x64xf32, #tpu.memory_space<hbm>> -> memref<1x128x64xf32, #tpu.memory_space<hbm>>
        %dma_wait3A_24 = tpu.memref_squeeze %dma_wait3A_23 : memref<1x128x64xf32, #tpu.memory_space<hbm>> -> memref<128x64xf32, #tpu.memory_space<hbm>>
        tpu.wait_dma2 semaphore(%run_scoped3A_18 : memref<!tpu.dma_semaphore, #tpu.memory_space<semaphore_mem>>) src(%arg8 : memref<128x64xf32, #tpu.memory_space<vmem_shared>>) dst(%dma_wait3A_24 : memref<128x64xf32, #tpu.memory_space<hbm>>)
        tpu.yield
      }) : () -> ()
    } else {
    }
    return
  }
}

module attributes {stable_mosaic.version = 14 : i64} {
  func.func @_k1_body(%arg0: memref<10000x128xf32, #tpu.memory_space<vmem>>, %arg1: memref<32x128xf32, #tpu.memory_space<vmem>>, %arg2: memref<48x128xf32, #tpu.memory_space<vmem>>, %arg3: memref<10000x48xf32, #tpu.memory_space<vmem>>, %arg4: memref<10000x64xf32, #tpu.memory_space<vmem>>) attributes {dimension_semantics = [], scalar_prefetch = 0 : i64, scratch_operands = 0 : i64, tpu.core_type = #tpu.core_type<tc>} {
    %get3A = arith.constant 0 : index
    %get3A_0 = arith.constant 0 : index
    %get3A_1 = vector.load %arg0[%get3A, %get3A_0] : memref<10000x128xf32, #tpu.memory_space<vmem>>, vector<10000x128xf32>
    %get3A_2 = arith.constant 0 : index
    %get3A_3 = arith.constant 0 : index
    %get3A_4 = vector.load %arg1[%get3A_2, %get3A_3] : memref<32x128xf32, #tpu.memory_space<vmem>>, vector<32x128xf32>
    %dot_general3A = arith.constant dense<0.000000e+00> : vector<10000x32xf32>
    %dot_general3A_5 = tpu.matmul %get3A_1, %get3A_4, %dot_general3A {dimension_numbers = #tpu.dot_dimension_numbers<[1], [1], [0], [0], [0, 0, 1, 0], [], []>, transpose_lhs_hint = false} : vector<10000x128xf32>, vector<32x128xf32>, vector<10000x32xf32> -> vector<10000x32xf32>
    %get3A_6 = arith.constant 0 : index
    %get3A_7 = arith.constant 0 : index
    %get3A_8 = vector.load %arg2[%get3A_6, %get3A_7] : memref<48x128xf32, #tpu.memory_space<vmem>>, vector<48x128xf32>
    %dot_general3A_9 = arith.constant dense<0.000000e+00> : vector<10000x48xf32>
    %dot_general3A_10 = tpu.matmul %get3A_1, %get3A_8, %dot_general3A_9 {dimension_numbers = #tpu.dot_dimension_numbers<[1], [1], [0], [0], [0, 0, 1, 0], [], []>, transpose_lhs_hint = false} : vector<10000x128xf32>, vector<48x128xf32>, vector<10000x48xf32> -> vector<10000x48xf32>
    %broadcast_in_dim3A = arith.constant 1.000000e+00 : f32
    %broadcast_in_dim3A_11 = vector.broadcast %broadcast_in_dim3A : f32 to vector<10000x1xf32>
    %broadcast_in_dim3A_12 = arith.constant 0.000000e+00 : f32
    %broadcast_in_dim3A_13 = vector.broadcast %broadcast_in_dim3A_12 : f32 to vector<10000x15xf32>
    %concatenate3A = tpu.concatenate %dot_general3A_5, %broadcast_in_dim3A_11, %broadcast_in_dim3A_13 in 1 : vector<10000x32xf32>, vector<10000x1xf32>, vector<10000x15xf32> -> vector<10000x48xf32>
    %swap3A = arith.constant 0 : index
    %swap3A_14 = arith.constant 0 : index
    %swap3A_15 = vector.load %arg3[%swap3A, %swap3A_14] : memref<10000x48xf32, #tpu.memory_space<vmem>>, vector<10000x48xf32>
    tpu.vector_store %arg3[%swap3A, %swap3A_14], %concatenate3A {strides = array<i32>} : memref<10000x48xf32, #tpu.memory_space<vmem>>, vector<10000x48xf32>,
    %concatenate3A_16 = tpu.concatenate %dot_general3A_10, %broadcast_in_dim3A_11, %broadcast_in_dim3A_13 in 1 : vector<10000x48xf32>, vector<10000x1xf32>, vector<10000x15xf32> -> vector<10000x64xf32>
    %swap3A_17 = arith.constant 0 : index
    %swap3A_18 = arith.constant 0 : index
    %swap3A_19 = vector.load %arg4[%swap3A_17, %swap3A_18] : memref<10000x64xf32, #tpu.memory_space<vmem>>, vector<10000x64xf32>
    tpu.vector_store %arg4[%swap3A_17, %swap3A_18], %concatenate3A_16 {strides = array<i32>} : memref<10000x64xf32, #tpu.memory_space<vmem>>, vector<10000x64xf32>,
    return
  }
}

module attributes {stable_mosaic.version = 14 : i64} {
  func.func @_k3_first_body(%arg0: memref<10000x48xf32, #tpu.memory_space<vmem>>, %arg1: memref<2x10240x48xf32, #tpu.memory_space<vmem>>, %arg2: memref<10000x64xf32, #tpu.memory_space<vmem>>, %arg3: memref<32x32xf32, #tpu.memory_space<vmem>>, %arg4: memref<32x32xf32, #tpu.memory_space<vmem>>, %arg5: memref<80x32xf32, #tpu.memory_space<vmem>>, %arg6: memref<5x32xf32, #tpu.memory_space<vmem>>, %arg7: memref<2560x128xf32, #tpu.memory_space<vmem>>, %arg8: memref<10000x64xf32, #tpu.memory_space<vmem>>, %arg9: memref<2560x4xf32, #tpu.memory_space<vmem>>) attributes {dimension_semantics = [], scalar_prefetch = 0 : i64, scratch_operands = 0 : i64, tpu.core_type = #tpu.core_type<tc>} {
    %get3A = arith.constant 0 : index
    %get3A_0 = arith.constant 0 : index
    %get3A_1 = arith.constant 0 : index
    %get3A_2 = vector.load %arg1[%get3A, %get3A_0, %get3A_1] : memref<2x10240x48xf32, #tpu.memory_space<vmem>>, vector<1x10240x48xf32>
    %get3A_3 = vector.shape_cast %get3A_2 : vector<1x10240x48xf32> to vector<10240x48xf32>
    %get3A_4 = arith.constant 1 : index
    %get3A_5 = arith.constant 0 : index
    %get3A_6 = arith.constant 0 : index
    %get3A_7 = vector.load %arg1[%get3A_4, %get3A_5, %get3A_6] : memref<2x10240x48xf32, #tpu.memory_space<vmem>>, vector<1x10240x48xf32>
    %get3A_8 = vector.shape_cast %get3A_7 : vector<1x10240x48xf32> to vector<10240x48xf32>
    %add3A = arith.addf %get3A_3, %get3A_8 : vector<10240x48xf32>
    %get3A_9 = arith.constant 0 : index
    %get3A_10 = arith.constant 0 : index
    %get3A_11 = vector.load %arg6[%get3A_9, %get3A_10] : memref<5x32xf32, #tpu.memory_space<vmem>>, vector<5x32xf32>
    %slice3A = vector.extract_strided_slice %add3A {offsets = [0, 32], sizes = [10240, 1], strides = [1, 1]} : vector<10240x48xf32> to vector<10240x1xf32>
    %max3A = arith.constant 1.000000e+00 : f32
    %max3A_12 = vector.broadcast %max3A : f32 to vector<10240x1xf32>
    %max3A_13 = arith.maximumf %slice3A, %max3A_12 : vector<10240x1xf32>
    %div3A = arith.constant 1.000000e+00 : f32
    %div3A_14 = vector.broadcast %div3A : f32 to vector<10240x1xf32>
    %div3A_15 = arith.divf %div3A_14, %max3A_13 : vector<10240x1xf32>
    %slice3A_16 = vector.extract_strided_slice %add3A {offsets = [0, 0], sizes = [10000, 48], strides = [1, 1]} : vector<10240x48xf32> to vector<10000x48xf32>
    %get3A_17 = arith.constant 0 : index
    %get3A_18 = arith.constant 0 : index
    %get3A_19 = vector.load %arg0[%get3A_17, %get3A_18] : memref<10000x48xf32, #tpu.memory_space<vmem>>, vector<10000x32xf32>
    %slice3A_20 = vector.extract_strided_slice %slice3A_16 {offsets = [0, 0], sizes = [10000, 32], strides = [1, 1]} : vector<10000x48xf32> to vector<10000x32xf32>
    %slice3A_21 = vector.extract_strided_slice %div3A_15 {offsets = [0, 0], sizes = [10000, 1], strides = [1, 1]} : vector<10240x1xf32> to vector<10000x1xf32>
    %mul3A = vector.broadcast %slice3A_21 : vector<10000x1xf32> to vector<10000x32xf32>
    %mul3A_22 = arith.mulf %slice3A_20, %mul3A : vector<10000x32xf32>
    %add3A_23 = arith.addf %get3A_19, %mul3A_22 : vector<10000x32xf32>
    %slice3A_24 = vector.extract_strided_slice %get3A_11 {offsets = [0, 0], sizes = [1, 32], strides = [1, 1]} : vector<5x32xf32> to vector<1x32xf32>
    %add3A_25 = vector.broadcast %slice3A_24 : vector<1x32xf32> to vector<10000x32xf32>
    %add3A_26 = arith.addf %add3A_23, %add3A_25 : vector<10000x32xf32>
    %max3A_27 = arith.constant 0.000000e+00 : f32
    %max3A_28 = vector.broadcast %max3A_27 : f32 to vector<10000x32xf32>
    %max3A_29 = arith.maximumf %add3A_26, %max3A_28 : vector<10000x32xf32>
    %get3A_30 = arith.constant 0 : index
    %get3A_31 = arith.constant 0 : index
    %get3A_32 = vector.load %arg3[%get3A_30, %get3A_31] : memref<32x32xf32, #tpu.memory_space<vmem>>, vector<32x32xf32>
    %dot_general3A = arith.constant dense<0.000000e+00> : vector<10000x32xf32>
    %dot_general3A_33 = tpu.matmul %max3A_29, %get3A_32, %dot_general3A {dimension_numbers = #tpu.dot_dimension_numbers<[1], [1], [0], [0], [0, 0, 1, 0], [], []>, transpose_lhs_hint = false} : vector<10000x32xf32>, vector<32x32xf32>, vector<10000x32xf32> -> vector<10000x32xf32>
    %slice3A_34 = vector.extract_strided_slice %get3A_11 {offsets = [1, 0], sizes = [1, 32], strides = [1, 1]} : vector<5x32xf32> to vector<1x32xf32>
    %add3A_35 = vector.broadcast %slice3A_34 : vector<1x32xf32> to vector<10000x32xf32>
    %add3A_36 = arith.addf %dot_general3A_33, %add3A_35 : vector<10000x32xf32>
    %max3A_37 = arith.constant 0.000000e+00 : f32
    %max3A_38 = vector.broadcast %max3A_37 : f32 to vector<10000x32xf32>
    %max3A_39 = arith.maximumf %add3A_36, %max3A_38 : vector<10000x32xf32>
    %get3A_40 = arith.constant 0 : index
    %get3A_41 = arith.constant 0 : index
    %get3A_42 = vector.load %arg4[%get3A_40, %get3A_41] : memref<32x32xf32, #tpu.memory_space<vmem>>, vector<32x32xf32>
    %dot_general3A_43 = arith.constant dense<0.000000e+00> : vector<10000x32xf32>
    %dot_general3A_44 = tpu.matmul %max3A_39, %get3A_42, %dot_general3A_43 {dimension_numbers = #tpu.dot_dimension_numbers<[1], [1], [0], [0], [0, 0, 1, 0], [], []>, transpose_lhs_hint = false} : vector<10000x32xf32>, vector<32x32xf32>, vector<10000x32xf32> -> vector<10000x32xf32>
    %slice3A_45 = vector.extract_strided_slice %get3A_11 {offsets = [2, 0], sizes = [1, 32], strides = [1, 1]} : vector<5x32xf32> to vector<1x32xf32>
    %add3A_46 = vector.broadcast %slice3A_45 : vector<1x32xf32> to vector<10000x32xf32>
    %add3A_47 = arith.addf %dot_general3A_44, %add3A_46 : vector<10000x32xf32>
    %max3A_48 = arith.constant 0.000000e+00 : f32
    %max3A_49 = vector.broadcast %max3A_48 : f32 to vector<10000x32xf32>
    %max3A_50 = arith.maximumf %add3A_47, %max3A_49 : vector<10000x32xf32>
    %slice3A_51 = vector.extract_strided_slice %get3A_11 {offsets = [3, 0], sizes = [1, 32], strides = [1, 1]} : vector<5x32xf32> to vector<1x32xf32>
    %mul3A_52 = vector.broadcast %slice3A_51 : vector<1x32xf32> to vector<10000x32xf32>
    %mul3A_53 = arith.mulf %max3A_50, %mul3A_52 : vector<10000x32xf32>
    %slice3A_54 = vector.extract_strided_slice %get3A_11 {offsets = [4, 0], sizes = [1, 32], strides = [1, 1]} : vector<5x32xf32> to vector<1x32xf32>
    %add3A_55 = vector.broadcast %slice3A_54 : vector<1x32xf32> to vector<10000x32xf32>
    %add3A_56 = arith.addf %mul3A_53, %add3A_55 : vector<10000x32xf32>
    %max3A_57 = arith.constant 0.000000e+00 : f32
    %max3A_58 = vector.broadcast %max3A_57 : f32 to vector<10000x32xf32>
    %max3A_59 = arith.maximumf %add3A_56, %max3A_58 : vector<10000x32xf32>
    %get3A_60 = arith.constant 0 : index
    %get3A_61 = arith.constant 0 : index
    %get3A_62 = vector.load %arg5[%get3A_60, %get3A_61] : memref<80x32xf32, #tpu.memory_space<vmem>>, vector<80x32xf32>
    %dot_general3A_63 = arith.constant dense<0.000000e+00> : vector<10000x80xf32>
    %dot_general3A_64 = tpu.matmul %max3A_59, %get3A_62, %dot_general3A_63 {dimension_numbers = #tpu.dot_dimension_numbers<[1], [1], [0], [0], [0, 0, 1, 0], [], []>, transpose_lhs_hint = false} : vector<10000x32xf32>, vector<80x32xf32>, vector<10000x80xf32> -> vector<10000x80xf32>
    %slice3A_65 = vector.extract_strided_slice %dot_general3A_64 {offsets = [0, 0], sizes = [10000, 32], strides = [1, 1]} : vector<10000x80xf32> to vector<10000x32xf32>
    %broadcast_in_dim3A = arith.constant 0.000000e+00 : f32
    %broadcast_in_dim3A_66 = vector.broadcast %broadcast_in_dim3A : f32 to vector<240x32xf32>
    %concatenate3A = tpu.concatenate %slice3A_65, %broadcast_in_dim3A_66 in 0 : vector<10000x32xf32>, vector<240x32xf32> -> vector<10240x32xf32>
    %slice3A_67 = vector.extract_strided_slice %concatenate3A {offsets = [0, 0], sizes = [2560, 32], strides = [1, 1]} : vector<10240x32xf32> to vector<2560x32xf32>
    %slice3A_68 = vector.extract_strided_slice %concatenate3A {offsets = [2560, 0], sizes = [2560, 32], strides = [1, 1]} : vector<10240x32xf32> to vector<2560x32xf32>
    %slice3A_69 = vector.extract_strided_slice %concatenate3A {offsets = [5120, 0], sizes = [2560, 32], strides = [1, 1]} : vector<10240x32xf32> to vector<2560x32xf32>
    %slice3A_70 = vector.extract_strided_slice %concatenate3A {offsets = [7680, 0], sizes = [2560, 32], strides = [1, 1]} : vector<10240x32xf32> to vector<2560x32xf32>
    %concatenate3A_71 = tpu.concatenate %slice3A_67, %slice3A_68, %slice3A_69, %slice3A_70 in 1 : vector<2560x32xf32>, vector<2560x32xf32>, vector<2560x32xf32>, vector<2560x32xf32> -> vector<2560x128xf32>
    %swap3A = arith.constant 0 : index
    %swap3A_72 = arith.constant 0 : index
    %swap3A_73 = vector.load %arg7[%swap3A, %swap3A_72] : memref<2560x128xf32, #tpu.memory_space<vmem>>, vector<2560x128xf32>
    tpu.vector_store %arg7[%swap3A, %swap3A_72], %concatenate3A_71 {strides = array<i32>} : memref<2560x128xf32, #tpu.memory_space<vmem>>, vector<2560x128xf32>,
    %get3A_74 = arith.constant 0 : index
    %get3A_75 = arith.constant 0 : index
    %get3A_76 = vector.load %arg2[%get3A_74, %get3A_75] : memref<10000x64xf32, #tpu.memory_space<vmem>>, vector<10000x64xf32>
    %slice3A_77 = vector.extract_strided_slice %dot_general3A_64 {offsets = [0, 32], sizes = [10000, 48], strides = [1, 1]} : vector<10000x80xf32> to vector<10000x48xf32>
    %broadcast_in_dim3A_78 = arith.constant 0.000000e+00 : f32
    %broadcast_in_dim3A_79 = vector.broadcast %broadcast_in_dim3A_78 : f32 to vector<10000x16xf32>
    %concatenate3A_80 = tpu.concatenate %slice3A_77, %broadcast_in_dim3A_79 in 1 : vector<10000x48xf32>, vector<10000x16xf32> -> vector<10000x64xf32>
    %add3A_81 = arith.addf %get3A_76, %concatenate3A_80 : vector<10000x64xf32>
    %swap3A_82 = arith.constant 0 : index
    %swap3A_83 = arith.constant 0 : index
    %swap3A_84 = vector.load %arg8[%swap3A_82, %swap3A_83] : memref<10000x64xf32, #tpu.memory_space<vmem>>, vector<10000x64xf32>
    tpu.vector_store %arg8[%swap3A_82, %swap3A_83], %add3A_81 {strides = array<i32>} : memref<10000x64xf32, #tpu.memory_space<vmem>>, vector<10000x64xf32>,
    %slice3A_85 = vector.extract_strided_slice %div3A_15 {offsets = [0, 0], sizes = [2560, 1], strides = [1, 1]} : vector<10240x1xf32> to vector<2560x1xf32>
    %slice3A_86 = vector.extract_strided_slice %div3A_15 {offsets = [2560, 0], sizes = [2560, 1], strides = [1, 1]} : vector<10240x1xf32> to vector<2560x1xf32>
    %slice3A_87 = vector.extract_strided_slice %div3A_15 {offsets = [5120, 0], sizes = [2560, 1], strides = [1, 1]} : vector<10240x1xf32> to vector<2560x1xf32>
    %slice3A_88 = vector.extract_strided_slice %div3A_15 {offsets = [7680, 0], sizes = [2560, 1], strides = [1, 1]} : vector<10240x1xf32> to vector<2560x1xf32>
    %concatenate3A_89 = tpu.concatenate %slice3A_85, %slice3A_86, %slice3A_87, %slice3A_88 in 1 : vector<2560x1xf32>, vector<2560x1xf32>, vector<2560x1xf32>, vector<2560x1xf32> -> vector<2560x4xf32>
    %swap3A_90 = arith.constant 0 : index
    %swap3A_91 = arith.constant 0 : index
    %swap3A_92 = vector.load %arg9[%swap3A_90, %swap3A_91] : memref<2560x4xf32, #tpu.memory_space<vmem>>, vector<2560x4xf32>
    tpu.vector_store %arg9[%swap3A_90, %swap3A_91], %concatenate3A_89 {strides = array<i32>} : memref<2560x4xf32, #tpu.memory_space<vmem>>, vector<2560x4xf32>,
    return
  }
}

module attributes {stable_mosaic.version = 14 : i64} {
  func.func @_k3_mid_body(%arg0: memref<2560x128xf32, #tpu.memory_space<vmem>>, %arg1: memref<2x2560x128xf32, #tpu.memory_space<vmem>>, %arg2: memref<2560x4xf32, #tpu.memory_space<vmem>>, %arg3: memref<10000x64xf32, #tpu.memory_space<vmem>>, %arg4: memref<128x128xf32, #tpu.memory_space<vmem>>, %arg5: memref<128x128xf32, #tpu.memory_space<vmem>>, %arg6: memref<128x320xf32, #tpu.memory_space<vmem>>, %arg7: memref<5x128xf32, #tpu.memory_space<vmem>>, %arg8: memref<2560x128xf32, #tpu.memory_space<vmem>>, %arg9: memref<10000x64xf32, #tpu.memory_space<vmem>>) attributes {dimension_semantics = [], scalar_prefetch = 0 : i64, scratch_operands = 0 : i64, tpu.core_type = #tpu.core_type<tc>} {
    %get3A = arith.constant 0 : index
    %get3A_0 = arith.constant 0 : index
    %get3A_1 = vector.load %arg7[%get3A, %get3A_0] : memref<5x128xf32, #tpu.memory_space<vmem>>, vector<5x128xf32>
    %get3A_2 = arith.constant 0 : index
    %get3A_3 = arith.constant 0 : index
    %get3A_4 = arith.constant 0 : index
    %get3A_5 = vector.load %arg1[%get3A_2, %get3A_3, %get3A_4] : memref<2x2560x128xf32, #tpu.memory_space<vmem>>, vector<1x2560x128xf32>
    %get3A_6 = vector.shape_cast %get3A_5 : vector<1x2560x128xf32> to vector<2560x128xf32>
    %get3A_7 = arith.constant 1 : index
    %get3A_8 = arith.constant 0 : index
    %get3A_9 = arith.constant 0 : index
    %get3A_10 = vector.load %arg1[%get3A_7, %get3A_8, %get3A_9] : memref<2x2560x128xf32, #tpu.memory_space<vmem>>, vector<1x2560x128xf32>
    %get3A_11 = vector.shape_cast %get3A_10 : vector<1x2560x128xf32> to vector<2560x128xf32>
    %add3A = arith.addf %get3A_6, %get3A_11 : vector<2560x128xf32>
    %get3A_12 = arith.constant 0 : index
    %get3A_13 = arith.constant 0 : index
    %get3A_14 = vector.load %arg2[%get3A_12, %get3A_13] : memref<2560x4xf32, #tpu.memory_space<vmem>>, vector<2560x4xf32>
    %slice3A = vector.extract_strided_slice %get3A_14 {offsets = [0, 0], sizes = [2560, 1], strides = [1, 1]} : vector<2560x4xf32> to vector<2560x1xf32>
    %broadcast_in_dim3A = vector.shape_cast %slice3A : vector<2560x1xf32> to vector<2560x1xf32>
    %broadcast_in_dim3A_15 = vector.broadcast %broadcast_in_dim3A : vector<2560x1xf32> to vector<2560x32xf32>
    %slice3A_16 = vector.extract_strided_slice %get3A_14 {offsets = [0, 1], sizes = [2560, 1], strides = [1, 1]} : vector<2560x4xf32> to vector<2560x1xf32>
    %broadcast_in_dim3A_17 = vector.shape_cast %slice3A_16 : vector<2560x1xf32> to vector<2560x1xf32>
    %broadcast_in_dim3A_18 = vector.broadcast %broadcast_in_dim3A_17 : vector<2560x1xf32> to vector<2560x32xf32>
    %slice3A_19 = vector.extract_strided_slice %get3A_14 {offsets = [0, 2], sizes = [2560, 1], strides = [1, 1]} : vector<2560x4xf32> to vector<2560x1xf32>
    %broadcast_in_dim3A_20 = vector.shape_cast %slice3A_19 : vector<2560x1xf32> to vector<2560x1xf32>
    %broadcast_in_dim3A_21 = vector.broadcast %broadcast_in_dim3A_20 : vector<2560x1xf32> to vector<2560x32xf32>
    %slice3A_22 = vector.extract_strided_slice %get3A_14 {offsets = [0, 3], sizes = [2560, 1], strides = [1, 1]} : vector<2560x4xf32> to vector<2560x1xf32>
    %broadcast_in_dim3A_23 = vector.shape_cast %slice3A_22 : vector<2560x1xf32> to vector<2560x1xf32>
    %broadcast_in_dim3A_24 = vector.broadcast %broadcast_in_dim3A_23 : vector<2560x1xf32> to vector<2560x32xf32>
    %concatenate3A = tpu.concatenate %broadcast_in_dim3A_15, %broadcast_in_dim3A_18, %broadcast_in_dim3A_21, %broadcast_in_dim3A_24 in 1 : vector<2560x32xf32>, vector<2560x32xf32>, vector<2560x32xf32>, vector<2560x32xf32> -> vector<2560x128xf32>
    %get3A_25 = arith.constant 0 : index
    %get3A_26 = arith.constant 0 : index
    %get3A_27 = vector.load %arg0[%get3A_25, %get3A_26] : memref<2560x128xf32, #tpu.memory_space<vmem>>, vector<2560x128xf32>
    %mul3A = arith.mulf %add3A, %concatenate3A : vector<2560x128xf32>
    %add3A_28 = arith.addf %get3A_27, %mul3A : vector<2560x128xf32>
    %slice3A_29 = vector.extract_strided_slice %get3A_1 {offsets = [0, 0], sizes = [1, 128], strides = [1, 1]} : vector<5x128xf32> to vector<1x128xf32>
    %add3A_30 = vector.broadcast %slice3A_29 : vector<1x128xf32> to vector<2560x128xf32>
    %add3A_31 = arith.addf %add3A_28, %add3A_30 : vector<2560x128xf32>
    %max3A = arith.constant 0.000000e+00 : f32
    %max3A_32 = vector.broadcast %max3A : f32 to vector<2560x128xf32>
    %max3A_33 = arith.maximumf %add3A_31, %max3A_32 : vector<2560x128xf32>
    %get3A_34 = arith.constant 0 : index
    %get3A_35 = arith.constant 0 : index
    %get3A_36 = vector.load %arg4[%get3A_34, %get3A_35] : memref<128x128xf32, #tpu.memory_space<vmem>>, vector<128x128xf32>
    %dot_general3A = arith.constant dense<0.000000e+00> : vector<2560x128xf32>
    %dot_general3A_37 = tpu.matmul %max3A_33, %get3A_36, %dot_general3A {dimension_numbers = #tpu.dot_dimension_numbers<[1], [0], [0], [1], [0, 0, 1, 1], [], []>, transpose_lhs_hint = false} : vector<2560x128xf32>, vector<128x128xf32>, vector<2560x128xf32> -> vector<2560x128xf32>
    %slice3A_38 = vector.extract_strided_slice %get3A_1 {offsets = [1, 0], sizes = [1, 128], strides = [1, 1]} : vector<5x128xf32> to vector<1x128xf32>
    %add3A_39 = vector.broadcast %slice3A_38 : vector<1x128xf32> to vector<2560x128xf32>
    %add3A_40 = arith.addf %dot_general3A_37, %add3A_39 : vector<2560x128xf32>
    %max3A_41 = arith.constant 0.000000e+00 : f32
    %max3A_42 = vector.broadcast %max3A_41 : f32 to vector<2560x128xf32>
    %max3A_43 = arith.maximumf %add3A_40, %max3A_42 : vector<2560x128xf32>
    %get3A_44 = arith.constant 0 : index
    %get3A_45 = arith.constant 0 : index
    %get3A_46 = vector.load %arg5[%get3A_44, %get3A_45] : memref<128x128xf32, #tpu.memory_space<vmem>>, vector<128x128xf32>
    %dot_general3A_47 = arith.constant dense<0.000000e+00> : vector<2560x128xf32>
    %dot_general3A_48 = tpu.matmul %max3A_43, %get3A_46, %dot_general3A_47 {dimension_numbers = #tpu.dot_dimension_numbers<[1], [0], [0], [1], [0, 0, 1, 1], [], []>, transpose_lhs_hint = false} : vector<2560x128xf32>, vector<128x128xf32>, vector<2560x128xf32> -> vector<2560x128xf32>
    %slice3A_49 = vector.extract_strided_slice %get3A_1 {offsets = [2, 0], sizes = [1, 128], strides = [1, 1]} : vector<5x128xf32> to vector<1x128xf32>
    %add3A_50 = vector.broadcast %slice3A_49 : vector<1x128xf32> to vector<2560x128xf32>
    %add3A_51 = arith.addf %dot_general3A_48, %add3A_50 : vector<2560x128xf32>
    %max3A_52 = arith.constant 0.000000e+00 : f32
    %max3A_53 = vector.broadcast %max3A_52 : f32 to vector<2560x128xf32>
    %max3A_54 = arith.maximumf %add3A_51, %max3A_53 : vector<2560x128xf32>
    %slice3A_55 = vector.extract_strided_slice %get3A_1 {offsets = [3, 0], sizes = [1, 128], strides = [1, 1]} : vector<5x128xf32> to vector<1x128xf32>
    %mul3A_56 = vector.broadcast %slice3A_55 : vector<1x128xf32> to vector<2560x128xf32>
    %mul3A_57 = arith.mulf %max3A_54, %mul3A_56 : vector<2560x128xf32>
    %slice3A_58 = vector.extract_strided_slice %get3A_1 {offsets = [4, 0], sizes = [1, 128], strides = [1, 1]} : vector<5x128xf32> to vector<1x128xf32>
    %add3A_59 = vector.broadcast %slice3A_58 : vector<1x128xf32> to vector<2560x128xf32>
    %add3A_60 = arith.addf %mul3A_57, %add3A_59 : vector<2560x128xf32>
    %max3A_61 = arith.constant 0.000000e+00 : f32
    %max3A_62 = vector.broadcast %max3A_61 : f32 to vector<2560x128xf32>
    %max3A_63 = arith.maximumf %add3A_60, %max3A_62 : vector<2560x128xf32>
    %get3A_64 = arith.constant 0 : index
    %get3A_65 = arith.constant 0 : index
    %get3A_66 = vector.load %arg6[%get3A_64, %get3A_65] : memref<128x320xf32, #tpu.memory_space<vmem>>, vector<128x320xf32>
    %dot_general3A_67 = arith.constant dense<0.000000e+00> : vector<2560x320xf32>
    %dot_general3A_68 = tpu.matmul %max3A_63, %get3A_66, %dot_general3A_67 {dimension_numbers = #tpu.dot_dimension_numbers<[1], [0], [0], [1], [0, 0, 1, 1], [], []>, transpose_lhs_hint = false} : vector<2560x128xf32>, vector<128x320xf32>, vector<2560x320xf32> -> vector<2560x320xf32>
    %slice3A_69 = vector.extract_strided_slice %dot_general3A_68 {offsets = [0, 0], sizes = [2560, 32], strides = [1, 1]} : vector<2560x320xf32> to vector<2560x32xf32>
    %slice3A_70 = vector.extract_strided_slice %dot_general3A_68 {offsets = [0, 80], sizes = [2560, 32], strides = [1, 1]} : vector<2560x320xf32> to vector<2560x32xf32>
    %slice3A_71 = vector.extract_strided_slice %dot_general3A_68 {offsets = [0, 160], sizes = [2560, 32], strides = [1, 1]} : vector<2560x320xf32> to vector<2560x32xf32>
    %slice3A_72 = vector.extract_strided_slice %dot_general3A_68 {offsets = [0, 240], sizes = [2560, 32], strides = [1, 1]} : vector<2560x320xf32> to vector<2560x32xf32>
    %concatenate3A_73 = tpu.concatenate %slice3A_69, %slice3A_70, %slice3A_71, %slice3A_72 in 1 : vector<2560x32xf32>, vector<2560x32xf32>, vector<2560x32xf32>, vector<2560x32xf32> -> vector<2560x128xf32>
    %swap3A = arith.constant 0 : index
    %swap3A_74 = arith.constant 0 : index
    %swap3A_75 = vector.load %arg8[%swap3A, %swap3A_74] : memref<2560x128xf32, #tpu.memory_space<vmem>>, vector<2560x128xf32>
    tpu.vector_store %arg8[%swap3A, %swap3A_74], %concatenate3A_73 {strides = array<i32>} : memref<2560x128xf32, #tpu.memory_space<vmem>>, vector<2560x128xf32>,
    %slice3A_76 = vector.extract_strided_slice %dot_general3A_68 {offsets = [0, 32], sizes = [2560, 48], strides = [1, 1]} : vector<2560x320xf32> to vector<2560x48xf32>
    %slice3A_77 = vector.extract_strided_slice %dot_general3A_68 {offsets = [0, 112], sizes = [2560, 48], strides = [1, 1]} : vector<2560x320xf32> to vector<2560x48xf32>
    %slice3A_78 = vector.extract_strided_slice %dot_general3A_68 {offsets = [0, 192], sizes = [2560, 48], strides = [1, 1]} : vector<2560x320xf32> to vector<2560x48xf32>
    %slice3A_79 = vector.extract_strided_slice %dot_general3A_68 {offsets = [0, 272], sizes = [2560, 48], strides = [1, 1]} : vector<2560x320xf32> to vector<2560x48xf32>
    %concatenate3A_80 = tpu.concatenate %slice3A_76, %slice3A_77, %slice3A_78, %slice3A_79 in 0 : vector<2560x48xf32>, vector<2560x48xf32>, vector<2560x48xf32>, vector<2560x48xf32> -> vector<10240x48xf32>
    %slice3A_81 = vector.extract_strided_slice %concatenate3A_80 {offsets = [0, 0], sizes = [10000, 48], strides = [1, 1]} : vector<10240x48xf32> to vector<10000x48xf32>
    %get3A_82 = arith.constant 0 : index
    %get3A_83 = arith.constant 0 : index
    %get3A_84 = vector.load %arg3[%get3A_82, %get3A_83] : memref<10000x64xf32, #tpu.memory_space<vmem>>, vector<10000x64xf32>
    %broadcast_in_dim3A_85 = arith.constant 0.000000e+00 : f32
    %broadcast_in_dim3A_86 = vector.broadcast %broadcast_in_dim3A_85 : f32 to vector<10000x16xf32>
    %concatenate3A_87 = tpu.concatenate %slice3A_81, %broadcast_in_dim3A_86 in 1 : vector<10000x48xf32>, vector<10000x16xf32> -> vector<10000x64xf32>
    %add3A_88 = arith.addf %get3A_84, %concatenate3A_87 : vector<10000x64xf32>
    %swap3A_89 = arith.constant 0 : index
    %swap3A_90 = arith.constant 0 : index
    %swap3A_91 = vector.load %arg9[%swap3A_89, %swap3A_90] : memref<10000x64xf32, #tpu.memory_space<vmem>>, vector<10000x64xf32>
    tpu.vector_store %arg9[%swap3A_89, %swap3A_90], %add3A_88 {strides = array<i32>} : memref<10000x64xf32, #tpu.memory_space<vmem>>, vector<10000x64xf32>,
    return
  }
}

module attributes {stable_mosaic.version = 14 : i64} {
  func.func @_k3_last_body(%arg0: memref<2560x128xf32, #tpu.memory_space<vmem>>, %arg1: memref<2x2560x128xf32, #tpu.memory_space<vmem>>, %arg2: memref<2560x4xf32, #tpu.memory_space<vmem>>, %arg3: memref<10000x64xf32, #tpu.memory_space<vmem>>, %arg4: memref<128x128xf32, #tpu.memory_space<vmem>>, %arg5: memref<128x128xf32, #tpu.memory_space<vmem>>, %arg6: memref<128x192xf32, #tpu.memory_space<vmem>>, %arg7: memref<5x128xf32, #tpu.memory_space<vmem>>, %arg8: memref<10240x64xf32, #tpu.memory_space<vmem>>) attributes {dimension_semantics = [], scalar_prefetch = 0 : i64, scratch_operands = 0 : i64, tpu.core_type = #tpu.core_type<tc>} {
    %get3A = arith.constant 0 : index
    %get3A_0 = arith.constant 0 : index
    %get3A_1 = vector.load %arg7[%get3A, %get3A_0] : memref<5x128xf32, #tpu.memory_space<vmem>>, vector<5x128xf32>
    %get3A_2 = arith.constant 0 : index
    %get3A_3 = arith.constant 0 : index
    %get3A_4 = arith.constant 0 : index
    %get3A_5 = vector.load %arg1[%get3A_2, %get3A_3, %get3A_4] : memref<2x2560x128xf32, #tpu.memory_space<vmem>>, vector<1x2560x128xf32>
    %get3A_6 = vector.shape_cast %get3A_5 : vector<1x2560x128xf32> to vector<2560x128xf32>
    %get3A_7 = arith.constant 1 : index
    %get3A_8 = arith.constant 0 : index
    %get3A_9 = arith.constant 0 : index
    %get3A_10 = vector.load %arg1[%get3A_7, %get3A_8, %get3A_9] : memref<2x2560x128xf32, #tpu.memory_space<vmem>>, vector<1x2560x128xf32>
    %get3A_11 = vector.shape_cast %get3A_10 : vector<1x2560x128xf32> to vector<2560x128xf32>
    %add3A = arith.addf %get3A_6, %get3A_11 : vector<2560x128xf32>
    %get3A_12 = arith.constant 0 : index
    %get3A_13 = arith.constant 0 : index
    %get3A_14 = vector.load %arg2[%get3A_12, %get3A_13] : memref<2560x4xf32, #tpu.memory_space<vmem>>, vector<2560x4xf32>
    %slice3A = vector.extract_strided_slice %get3A_14 {offsets = [0, 0], sizes = [2560, 1], strides = [1, 1]} : vector<2560x4xf32> to vector<2560x1xf32>
    %broadcast_in_dim3A = vector.shape_cast %slice3A : vector<2560x1xf32> to vector<2560x1xf32>
    %broadcast_in_dim3A_15 = vector.broadcast %broadcast_in_dim3A : vector<2560x1xf32> to vector<2560x32xf32>
    %slice3A_16 = vector.extract_strided_slice %get3A_14 {offsets = [0, 1], sizes = [2560, 1], strides = [1, 1]} : vector<2560x4xf32> to vector<2560x1xf32>
    %broadcast_in_dim3A_17 = vector.shape_cast %slice3A_16 : vector<2560x1xf32> to vector<2560x1xf32>
    %broadcast_in_dim3A_18 = vector.broadcast %broadcast_in_dim3A_17 : vector<2560x1xf32> to vector<2560x32xf32>
    %slice3A_19 = vector.extract_strided_slice %get3A_14 {offsets = [0, 2], sizes = [2560, 1], strides = [1, 1]} : vector<2560x4xf32> to vector<2560x1xf32>
    %broadcast_in_dim3A_20 = vector.shape_cast %slice3A_19 : vector<2560x1xf32> to vector<2560x1xf32>
    %broadcast_in_dim3A_21 = vector.broadcast %broadcast_in_dim3A_20 : vector<2560x1xf32> to vector<2560x32xf32>
    %slice3A_22 = vector.extract_strided_slice %get3A_14 {offsets = [0, 3], sizes = [2560, 1], strides = [1, 1]} : vector<2560x4xf32> to vector<2560x1xf32>
    %broadcast_in_dim3A_23 = vector.shape_cast %slice3A_22 : vector<2560x1xf32> to vector<2560x1xf32>
    %broadcast_in_dim3A_24 = vector.broadcast %broadcast_in_dim3A_23 : vector<2560x1xf32> to vector<2560x32xf32>
    %concatenate3A = tpu.concatenate %broadcast_in_dim3A_15, %broadcast_in_dim3A_18, %broadcast_in_dim3A_21, %broadcast_in_dim3A_24 in 1 : vector<2560x32xf32>, vector<2560x32xf32>, vector<2560x32xf32>, vector<2560x32xf32> -> vector<2560x128xf32>
    %get3A_25 = arith.constant 0 : index
    %get3A_26 = arith.constant 0 : index
    %get3A_27 = vector.load %arg0[%get3A_25, %get3A_26] : memref<2560x128xf32, #tpu.memory_space<vmem>>, vector<2560x128xf32>
    %mul3A = arith.mulf %add3A, %concatenate3A : vector<2560x128xf32>
    %add3A_28 = arith.addf %get3A_27, %mul3A : vector<2560x128xf32>
    %slice3A_29 = vector.extract_strided_slice %get3A_1 {offsets = [0, 0], sizes = [1, 128], strides = [1, 1]} : vector<5x128xf32> to vector<1x128xf32>
    %add3A_30 = vector.broadcast %slice3A_29 : vector<1x128xf32> to vector<2560x128xf32>
    %add3A_31 = arith.addf %add3A_28, %add3A_30 : vector<2560x128xf32>
    %max3A = arith.constant 0.000000e+00 : f32
    %max3A_32 = vector.broadcast %max3A : f32 to vector<2560x128xf32>
    %max3A_33 = arith.maximumf %add3A_31, %max3A_32 : vector<2560x128xf32>
    %get3A_34 = arith.constant 0 : index
    %get3A_35 = arith.constant 0 : index
    %get3A_36 = vector.load %arg4[%get3A_34, %get3A_35] : memref<128x128xf32, #tpu.memory_space<vmem>>, vector<128x128xf32>
    %dot_general3A = arith.constant dense<0.000000e+00> : vector<2560x128xf32>
    %dot_general3A_37 = tpu.matmul %max3A_33, %get3A_36, %dot_general3A {dimension_numbers = #tpu.dot_dimension_numbers<[1], [0], [0], [1], [0, 0, 1, 1], [], []>, transpose_lhs_hint = false} : vector<2560x128xf32>, vector<128x128xf32>, vector<2560x128xf32> -> vector<2560x128xf32>
    %slice3A_38 = vector.extract_strided_slice %get3A_1 {offsets = [1, 0], sizes = [1, 128], strides = [1, 1]} : vector<5x128xf32> to vector<1x128xf32>
    %add3A_39 = vector.broadcast %slice3A_38 : vector<1x128xf32> to vector<2560x128xf32>
    %add3A_40 = arith.addf %dot_general3A_37, %add3A_39 : vector<2560x128xf32>
    %max3A_41 = arith.constant 0.000000e+00 : f32
    %max3A_42 = vector.broadcast %max3A_41 : f32 to vector<2560x128xf32>
    %max3A_43 = arith.maximumf %add3A_40, %max3A_42 : vector<2560x128xf32>
    %get3A_44 = arith.constant 0 : index
    %get3A_45 = arith.constant 0 : index
    %get3A_46 = vector.load %arg5[%get3A_44, %get3A_45] : memref<128x128xf32, #tpu.memory_space<vmem>>, vector<128x128xf32>
    %dot_general3A_47 = arith.constant dense<0.000000e+00> : vector<2560x128xf32>
    %dot_general3A_48 = tpu.matmul %max3A_43, %get3A_46, %dot_general3A_47 {dimension_numbers = #tpu.dot_dimension_numbers<[1], [0], [0], [1], [0, 0, 1, 1], [], []>, transpose_lhs_hint = false} : vector<2560x128xf32>, vector<128x128xf32>, vector<2560x128xf32> -> vector<2560x128xf32>
    %slice3A_49 = vector.extract_strided_slice %get3A_1 {offsets = [2, 0], sizes = [1, 128], strides = [1, 1]} : vector<5x128xf32> to vector<1x128xf32>
    %add3A_50 = vector.broadcast %slice3A_49 : vector<1x128xf32> to vector<2560x128xf32>
    %add3A_51 = arith.addf %dot_general3A_48, %add3A_50 : vector<2560x128xf32>
    %max3A_52 = arith.constant 0.000000e+00 : f32
    %max3A_53 = vector.broadcast %max3A_52 : f32 to vector<2560x128xf32>
    %max3A_54 = arith.maximumf %add3A_51, %max3A_53 : vector<2560x128xf32>
    %slice3A_55 = vector.extract_strided_slice %get3A_1 {offsets = [3, 0], sizes = [1, 128], strides = [1, 1]} : vector<5x128xf32> to vector<1x128xf32>
    %mul3A_56 = vector.broadcast %slice3A_55 : vector<1x128xf32> to vector<2560x128xf32>
    %mul3A_57 = arith.mulf %max3A_54, %mul3A_56 : vector<2560x128xf32>
    %slice3A_58 = vector.extract_strided_slice %get3A_1 {offsets = [4, 0], sizes = [1, 128], strides = [1, 1]} : vector<5x128xf32> to vector<1x128xf32>
    %add3A_59 = vector.broadcast %slice3A_58 : vector<1x128xf32> to vector<2560x128xf32>
    %add3A_60 = arith.addf %mul3A_57, %add3A_59 : vector<2560x128xf32>
    %max3A_61 = arith.constant 0.000000e+00 : f32
    %max3A_62 = vector.broadcast %max3A_61 : f32 to vector<2560x128xf32>
    %max3A_63 = arith.maximumf %add3A_60, %max3A_62 : vector<2560x128xf32>
    %get3A_64 = arith.constant 0 : index
    %get3A_65 = arith.constant 0 : index
    %get3A_66 = vector.load %arg6[%get3A_64, %get3A_65] : memref<128x192xf32, #tpu.memory_space<vmem>>, vector<128x192xf32>
    %dot_general3A_67 = arith.constant dense<0.000000e+00> : vector<2560x192xf32>
    %dot_general3A_68 = tpu.matmul %max3A_63, %get3A_66, %dot_general3A_67 {dimension_numbers = #tpu.dot_dimension_numbers<[1], [0], [0], [1], [0, 0, 1, 1], [], []>, transpose_lhs_hint = false} : vector<2560x128xf32>, vector<128x192xf32>, vector<2560x192xf32> -> vector<2560x192xf32>
    %slice3A_69 = vector.extract_strided_slice %dot_general3A_68 {offsets = [0, 0], sizes = [2560, 48], strides = [1, 1]} : vector<2560x192xf32> to vector<2560x48xf32>
    %slice3A_70 = vector.extract_strided_slice %dot_general3A_68 {offsets = [0, 48], sizes = [2560, 48], strides = [1, 1]} : vector<2560x192xf32> to vector<2560x48xf32>
    %slice3A_71 = vector.extract_strided_slice %dot_general3A_68 {offsets = [0, 96], sizes = [2560, 48], strides = [1, 1]} : vector<2560x192xf32> to vector<2560x48xf32>
    %slice3A_72 = vector.extract_strided_slice %dot_general3A_68 {offsets = [0, 144], sizes = [2560, 48], strides = [1, 1]} : vector<2560x192xf32> to vector<2560x48xf32>
    %concatenate3A_73 = tpu.concatenate %slice3A_69, %slice3A_70, %slice3A_71, %slice3A_72 in 0 : vector<2560x48xf32>, vector<2560x48xf32>, vector<2560x48xf32>, vector<2560x48xf32> -> vector<10240x48xf32>
    %slice3A_74 = vector.extract_strided_slice %concatenate3A_73 {offsets = [0, 0], sizes = [10000, 48], strides = [1, 1]} : vector<10240x48xf32> to vector<10000x48xf32>
    %get3A_75 = arith.constant 0 : index
    %get3A_76 = arith.constant 0 : index
    %get3A_77 = vector.load %arg3[%get3A_75, %get3A_76] : memref<10000x64xf32, #tpu.memory_space<vmem>>, vector<10000x64xf32>
    %broadcast_in_dim3A_78 = arith.constant 0.000000e+00 : f32
    %broadcast_in_dim3A_79 = vector.broadcast %broadcast_in_dim3A_78 : f32 to vector<10000x16xf32>
    %concatenate3A_80 = tpu.concatenate %slice3A_74, %broadcast_in_dim3A_79 in 1 : vector<10000x48xf32>, vector<10000x16xf32> -> vector<10000x64xf32>
    %add3A_81 = arith.addf %get3A_77, %concatenate3A_80 : vector<10000x64xf32>
    %swap3A = arith.constant 0 : index
    %swap3A_82 = arith.constant 0 : index
    %swap3A_83 = vector.load %arg8[%swap3A, %swap3A_82] : memref<10240x64xf32, #tpu.memory_space<vmem>>, vector<10000x64xf32>
    tpu.vector_store %arg8[%swap3A, %swap3A_82], %add3A_81 {strides = array<i32>} : memref<10240x64xf32, #tpu.memory_space<vmem>>, vector<10000x64xf32>,
    %broadcast_in_dim3A_84 = arith.constant 0.000000e+00 : f32
    %broadcast_in_dim3A_85 = vector.broadcast %broadcast_in_dim3A_84 : f32 to vector<240x64xf32>
    %swap3A_86 = arith.constant 10000 : index
    %swap3A_87 = arith.constant 0 : index
    %swap3A_88 = vector.load %arg8[%swap3A_86, %swap3A_87] : memref<10240x64xf32, #tpu.memory_space<vmem>>, vector<240x64xf32>
    tpu.vector_store %arg8[%swap3A_86, %swap3A_87], %broadcast_in_dim3A_85 {strides = array<i32>} : memref<10240x64xf32, #tpu.memory_space<vmem>>, vector<240x64xf32>,
    return
  }
}

module attributes {stable_mosaic.version = 14 : i64} {
  func.func @_k5_body(%arg0: memref<2x128x64xf32, #tpu.memory_space<vmem>>, %arg1: memref<32x128x16xf32, #tpu.memory_space<vmem>>, %arg2: memref<1x48xf32, #tpu.memory_space<vmem>>, %arg3: memref<64x64xf32, #tpu.memory_space<vmem>>, %arg4: memref<1x64xf32, #tpu.memory_space<vmem>>, %arg5: memref<10x64xf32, #tpu.memory_space<vmem>>, %arg6: memref<1x10xf32, #tpu.memory_space<vmem>>, %arg7: memref<128x10xf32, #tpu.memory_space<vmem>>) attributes {dimension_semantics = [], scalar_prefetch = 0 : i64, scratch_operands = 0 : i64, tpu.core_type = #tpu.core_type<tc>} {
    %get3A = arith.constant 0 : index
    %get3A_0 = arith.constant 0 : index
    %get3A_1 = arith.constant 0 : index
    %get3A_2 = vector.load %arg0[%get3A, %get3A_0, %get3A_1] : memref<2x128x64xf32, #tpu.memory_space<vmem>>, vector<1x128x64xf32>
    %get3A_3 = vector.shape_cast %get3A_2 : vector<1x128x64xf32> to vector<128x64xf32>
    %get3A_4 = arith.constant 1 : index
    %get3A_5 = arith.constant 0 : index
    %get3A_6 = arith.constant 0 : index
    %get3A_7 = vector.load %arg0[%get3A_4, %get3A_5, %get3A_6] : memref<2x128x64xf32, #tpu.memory_space<vmem>>, vector<1x128x64xf32>
    %get3A_8 = vector.shape_cast %get3A_7 : vector<1x128x64xf32> to vector<128x64xf32>
    %add3A = arith.addf %get3A_3, %get3A_8 : vector<128x64xf32>
    %slice3A = vector.extract_strided_slice %add3A {offsets = [0, 48], sizes = [128, 1], strides = [1, 1]} : vector<128x64xf32> to vector<128x1xf32>
    %max3A = arith.constant 1.000000e+00 : f32
    %max3A_9 = vector.broadcast %max3A : f32 to vector<128x1xf32>
    %max3A_10 = arith.maximumf %slice3A, %max3A_9 : vector<128x1xf32>
    %slice3A_11 = vector.extract_strided_slice %add3A {offsets = [0, 0], sizes = [128, 48], strides = [1, 1]} : vector<128x64xf32> to vector<128x48xf32>
    %div3A = vector.broadcast %max3A_10 : vector<128x1xf32> to vector<128x48xf32>
    %div3A_12 = arith.divf %slice3A_11, %div3A : vector<128x48xf32>
    %get3A_13 = arith.constant 0 : index
    %get3A_14 = arith.constant 0 : index
    %get3A_15 = vector.load %arg2[%get3A_13, %get3A_14] : memref<1x48xf32, #tpu.memory_space<vmem>>, vector<1x48xf32>
    %add3A_16 = vector.broadcast %get3A_15 : vector<1x48xf32> to vector<128x48xf32>
    %add3A_17 = arith.addf %div3A_12, %add3A_16 : vector<128x48xf32>
    %get3A_18 = arith.constant 0 : index
    %get3A_19 = arith.constant 0 : index
    %get3A_20 = arith.constant 0 : index
    %get3A_21 = vector.load %arg1[%get3A_18, %get3A_19, %get3A_20] : memref<32x128x16xf32, #tpu.memory_space<vmem>>, vector<32x128x16xf32>
    %reduce_max3A = arith.constant dense<0xFF800000> : vector<128x16xf32>
    %reduce_max3A_22 = vector.multi_reduction <maximumf>, %get3A_21, %reduce_max3A [0] : vector<32x128x16xf32> to vector<128x16xf32>
    %is_finite3A = tpu.weird %reduce_max3A_22 : vector<128x16xf32> -> vector<128x16xi1>
    %is_finite3A_23 = arith.constant dense<true> : vector<128x16xi1>
    %is_finite3A_24 = arith.xori %is_finite3A, %is_finite3A_23 : vector<128x16xi1>
    %jit3A = arith.constant 0.000000e+00 : f32
    %broadcast_in_dim3A = vector.broadcast %jit3A : f32 to vector<128x16xf32>
    %select_n3A = arith.select %is_finite3A_24, %reduce_max3A_22, %broadcast_in_dim3A : vector<128x16xi1>, vector<128x16xf32>
    %concatenate3A = tpu.concatenate %add3A_17, %select_n3A in 1 : vector<128x48xf32>, vector<128x16xf32> -> vector<128x64xf32>
    %get3A_25 = arith.constant 0 : index
    %get3A_26 = arith.constant 0 : index
    %get3A_27 = vector.load %arg3[%get3A_25, %get3A_26] : memref<64x64xf32, #tpu.memory_space<vmem>>, vector<64x64xf32>
    %dot_general3A = arith.constant dense<0.000000e+00> : vector<128x64xf32>
    %dot_general3A_28 = tpu.matmul %concatenate3A, %get3A_27, %dot_general3A {dimension_numbers = #tpu.dot_dimension_numbers<[1], [1], [0], [0], [0, 0, 1, 0], [], []>, transpose_lhs_hint = false} : vector<128x64xf32>, vector<64x64xf32>, vector<128x64xf32> -> vector<128x64xf32>
    %get3A_29 = arith.constant 0 : index
    %get3A_30 = arith.constant 0 : index
    %get3A_31 = vector.load %arg4[%get3A_29, %get3A_30] : memref<1x64xf32, #tpu.memory_space<vmem>>, vector<1x64xf32>
    %add3A_32 = vector.broadcast %get3A_31 : vector<1x64xf32> to vector<128x64xf32>
    %add3A_33 = arith.addf %dot_general3A_28, %add3A_32 : vector<128x64xf32>
    %max3A_34 = arith.constant 0.000000e+00 : f32
    %max3A_35 = vector.broadcast %max3A_34 : f32 to vector<128x64xf32>
    %max3A_36 = arith.maximumf %add3A_33, %max3A_35 : vector<128x64xf32>
    %get3A_37 = arith.constant 0 : index
    %get3A_38 = arith.constant 0 : index
    %get3A_39 = vector.load %arg5[%get3A_37, %get3A_38] : memref<10x64xf32, #tpu.memory_space<vmem>>, vector<10x64xf32>
    %dot_general3A_40 = arith.constant dense<0.000000e+00> : vector<128x10xf32>
    %dot_general3A_41 = tpu.matmul %max3A_36, %get3A_39, %dot_general3A_40 {dimension_numbers = #tpu.dot_dimension_numbers<[1], [1], [0], [0], [0, 0, 1, 0], [], []>, transpose_lhs_hint = false} : vector<128x64xf32>, vector<10x64xf32>, vector<128x10xf32> -> vector<128x10xf32>
    %get3A_42 = arith.constant 0 : index
    %get3A_43 = arith.constant 0 : index
    %get3A_44 = vector.load %arg6[%get3A_42, %get3A_43] : memref<1x10xf32, #tpu.memory_space<vmem>>, vector<1x10xf32>
    %add3A_45 = vector.broadcast %get3A_44 : vector<1x10xf32> to vector<128x10xf32>
    %add3A_46 = arith.addf %dot_general3A_41, %add3A_45 : vector<128x10xf32>
    %swap3A = arith.constant 0 : index
    %swap3A_47 = arith.constant 0 : index
    %swap3A_48 = vector.load %arg7[%swap3A, %swap3A_47] : memref<128x10xf32, #tpu.memory_space<vmem>>, vector<128x10xf32>
    tpu.vector_store %arg7[%swap3A, %swap3A_47], %add3A_46 {strides = array<i32>} : memref<128x10xf32, #tpu.memory_space<vmem>>, vector<128x10xf32>,
    return
  }
}

</mosaic_0001>

<sc_bundles>
// kernel: kernel.14.cloned.1.call-start
scs
__scs_entry_jumppad:
0x0: {  	(pc) =	sbr.rel $0x88, $3  }
0x1: {  	(tag) =	ssettag $0x0;
	lr =	simm.s32 $0x1  }
0x2: {  	[smem:$0x3F55] =	sst lr;
	_ =	strace $0xD0000000  }
0x3: {  	_ = 	snop  }
0x4: {  	_ = 	snop  }
0x5: {  	_ = 	snop  }
0x6: {  	_ = 	snop  }
0x7: {  	_ = 	snop  }
__scs_overlays_trampoline_lowered:
0x8: {  	[smem:$0x3F64] =	sst s0  }
0x9: {  	[smem:$0x3F65] =	sst s1  }
0xa: {  	[smem:$0x3F66] =	sst s2  }
0xb: {  	[smem:$0x3F67] =	sst s3  }
0xc: {  	[smem:$0x3F68] =	sst s4  }
0xd: {  	[smem:$0x3F69] =	sst s5  }
0xe: {  	[smem:$0x3F6A] =	sst s6  }
0xf: {  	[smem:$0x3F6B] =	sst s7  }
0x10: {  	[smem:$0x3F6C] =	sst s8  }
0x11: {  	[smem:$0x3F6D] =	sst s9;
	s0 =	simm.s32 @!p0 $0x0  }
0x12: {  	s1 =	sld [smem:$0x3F53];
	s0 =	simm.s32 @p0 $0x1  }
0x13: {  	[smem:$0x3F6E] =	sst s0;
	s0 =	simm.s32 @!p1 $0x0  }
0x14: {  	s2 =	sld [smem:$0x3F52];
	s0 =	simm.s32 @p1 $0x1  }
0x15: {  	[smem:$0x3F6F] =	sst s0;
	s0 =	simm.s32 @!p2 $0x0  }
0x16: {  	s3 =	sld [smem:$0x3FDB];
	s0 =	simm.s32 @p2 $0x1  }
0x17: {  	s4 =	simm.s32 $0x1BF5;
	[smem:$0x3F71] =	sst s0  }
0x18: {  	s0 =	sld [smem:$0x3F54];
	_ =	swait.ge [sflag:s4], $0x0  }
0x19: {  	s7 =	sld [smem:$0x3F55]  }
0x1a: {  	s8 =	sadd.s32 $0xFFFFE003, lr  }
0x1b: {  	s9 =	sadd.s32 $0xFFFFFEF7, lr;
	s5 =	simm.s32 $0xFFFFFFFF;
	p2 =	slt.u32 s8, $0xFFFFF086  }
0x1c: {  	p1 =	slt.u32 s9, $0xF7A;
	s5 =	simm.s32 @!p2 $0x0  }
0x1d: {  	s5 =	simm.s32 @p1 $0x1;
	p0 =	seq.s32 s7, s2  }
0x1e: {  	s7 =	smul.u32 @!p0 $0xF7A, s2;
	p2 =	seq.s32 @!p0 s5, $0x0  }
0x1f: {  	s9 =	smul.u32 $0xF7A, s1;
	s8 =	simm.s32 @!p0 $0x1BF5;
	p2 =	por !p2, p0  }
0x20: {  	[sflag:s8] =	ssyncset.s32 @!p0 $0xFFFFF086;
	s6 =	sadd.s32 @!p0 s3, s7;
	s7 =	simm.s32 @!p0 $0x108  }
0x21: {  	s3 =	sadd.s32 s3, s9;
	s6 =	sadd.s32 @!p0 $0x88, s6;
	s7 =	simm.s32 @p2 $0x1082  }
0x22: {  	[simem:s7], [sflag:s8] =	dma.local @!p0 [hbm:s6], $0xF7A  }
0x23: {  	s9 =	sor.u32 $0xD0000000, s2;
	s6 =	simm.s32 $0x108;
	_ =	swait.ge @!p0 [sflag:s8], $0x0  }
0x24: {  	s3 =	sadd.s32 $0x88, s3;
	s6 =	simm.s32 @!p1 $0x1082;
	[sflag:s4] =	ssyncset.s32 $0xFFFFF086  }
0x25: {  	[simem:s6], [sflag:s4] =	dma.local [hbm:s3], $0xF7A  }
0x26: {  	[smem:$0x3F55] =	sst s1;
	(tag) =	ssettag s2;
	_ =	strace s9  }
0x27: {  	s1 =	sld [smem:$0x3F65]  }
0x28: {  	s2 =	sld [smem:$0x3F66]  }
0x29: {  	s4 =	sld [smem:$0x3F68]  }
0x2a: {  	p0 =	seq.s32 s5, $0x0;
	s5 =	sld [smem:$0x3F69]  }
0x2b: {  	s6 =	sld [smem:$0x3F6A]  }
0x2c: {  	s7 =	sld [smem:$0x3F6B]  }
0x2d: {  	s3 =	simm.s32 $0x108;
	s8 =	sld [smem:$0x3F6C]  }
0x2e: {  	s3 =	simm.s32 @!p0 $0x1082;
	s9 =	sld [smem:$0x3F6D]  }
0x2f: {  	lr =	sadd.s32 s0, s3;
	s0 =	sld [smem:$0x3F64]  }
0x30: {  	s3 =	sld [smem:$0x3F67]  }
0x31: {  	[smem:$0x3F70] =	sst s10  }
0x32: {  	s10 =	sld [smem:$0x3F6E];
	_ =	sdelay $0x3  }
0x33: {  	p0 =	seq.s32 s10, $0x1;
	s10 =	sld [smem:$0x3F70];
	_ =	sdelay $0x3  }
0x34: {  	[smem:$0x3F70] =	sst s10  }
0x35: {  	s10 =	sld [smem:$0x3F6F];
	_ =	sdelay $0x3  }
0x36: {  	p1 =	seq.s32 s10, $0x1;
	s10 =	sld [smem:$0x3F70];
	_ =	sdelay $0x3  }
0x37: {  	[smem:$0x3F70] =	sst s10  }
0x38: {  	s10 =	sld [smem:$0x3F71]  }
0x39: {  	_ = 	snop;
	(pc) =	sbr.ind lr, $3  }
0x3a: {  	_ = 	snop  }
0x3b: {  	_ = 	snop  }
0x3c: {  	p2 =	seq.s32 s10, $0x1;
	s10 =	sld [smem:$0x3F70]  }
0x3d: {  	_ =	shalt  }
0x3e: {  	_ =	shalt  }
0x3f: {  	_ =	shalt  }
0x40: {  	_ =	shalt  }
0x41: {  	_ =	shalt  }
0x42: {  	_ =	shalt  }
0x43: {  	_ =	shalt  }
0x44: {  	_ =	shalt  }
0x45: {  	_ =	shalt  }
0x46: {  	_ =	shalt  }
0x47: {  	_ =	shalt  }
0x48: {  	_ =	shalt  }
0x49: {  	_ =	shalt  }
0x4a: {  	_ =	shalt  }
0x4b: {  	_ =	shalt  }
0x4c: {  	_ =	shalt  }
0x4d: {  	_ =	shalt  }
0x4e: {  	_ =	shalt  }
0x4f: {  	_ =	shalt  }
0x50: {  	_ =	shalt  }
0x51: {  	_ =	shalt  }
0x52: {  	_ =	shalt  }
0x53: {  	_ =	shalt  }
0x54: {  	_ =	shalt  }
0x55: {  	_ =	shalt  }
0x56: {  	_ =	shalt  }
0x57: {  	_ =	shalt  }
0x58: {  	_ =	shalt  }
0x59: {  	_ =	shalt  }
0x5a: {  	_ =	shalt  }
0x5b: {  	_ =	shalt  }
0x5c: {  	_ =	shalt  }
0x5d: {  	_ =	shalt  }
0x5e: {  	_ =	shalt  }
0x5f: {  	_ =	shalt  }
0x60: {  	_ =	shalt  }
0x61: {  	_ =	shalt  }
0x62: {  	_ =	shalt  }
0x63: {  	_ =	shalt  }
0x64: {  	_ =	shalt  }
0x65: {  	_ =	shalt  }
0x66: {  	_ =	shalt  }
0x67: {  	_ =	shalt  }
0x68: {  	_ =	shalt  }
0x69: {  	_ =	shalt  }
0x6a: {  	_ =	shalt  }
0x6b: {  	_ =	shalt  }
0x6c: {  	_ =	shalt  }
0x6d: {  	_ =	shalt  }
0x6e: {  	_ =	shalt  }
0x6f: {  	_ =	shalt  }
0x70: {  	_ =	shalt  }
0x71: {  	_ =	shalt  }
0x72: {  	_ =	shalt  }
0x73: {  	_ =	shalt  }
0x74: {  	_ =	shalt  }
0x75: {  	_ =	shalt  }
0x76: {  	_ =	shalt  }
0x77: {  	_ =	shalt  }
0x78: {  	_ =	shalt  }
0x79: {  	_ =	shalt  }
0x7a: {  	_ =	shalt  }
0x7b: {  	_ =	shalt  }
0x7c: {  	_ =	shalt  }
0x7d: {  	_ =	shalt  }
0x7e: {  	_ =	shalt  }
0x7f: {  	_ =	shalt  }
0x80: {  	_ =	shalt  }
0x81: {  	_ =	shalt  }
0x82: {  	_ =	shalt  }
0x83: {  	_ =	shalt  }
0x84: {  	_ =	shalt  }
0x85: {  	_ =	shalt  }
0x86: {  	_ =	shalt  }
0x87: {  	_ =	shalt  }
.Lfunc_end0:
.L_simem_size_0:
called_computation_lowered:
.L_overlay_start_0:
0x88: {  	s2 =	sld [smem:$0x3FD9]  }
0x89: {  	s3 =	sld [smem:$0x3FFE];
	_ =	sdelay $0x1  }
0x8a: {  	s1 =	srdreg.scid  }
0x8b: {  	s0 =	sand.u32 $0x1, s1  }
0x8c: {  	s17 =	sshll.u32 s0, $0xA;
	s2 =	sadd.s32 s3, s2  }
0x8d: {  	s2 =	sadd.s32 s2, s17  }
0x8e: {  	[smem:$0x3F7C] =	sst s2  }
0x8f: {  	_ = 	snop  }
0x90: {  	(tm) =	ssettm $0x1  }
0x91: {  	s18 =	sld [smem:$0x3FFB];
	_ =	sdelay $0x3  }
0x92: {  	_ =	strace s18  }
0x93: {  	s2 =	sld [smem:$0x3FFC];
	_ =	sdelay $0x3  }
0x94: {  	_ =	strace s2  }
0x95: {  	s2 =	sld [smem:$0x3FFD];
	_ =	sdelay $0x3  }
0x96: {  	_ =	strace s2  }
0x97: {  	_ =	strace $0x8FFFFFFF  }
0x98: {  	s19 =	sld [smem:$0x3FDB];
	_ =	sdelay $0x1  }
0x99: {  	s20 =	simm.s32 $_scs_section_size  }
0x9a: {  	s4 =	simm.s32 $_size__tile_overlayer_lowered;
	s5 =	simm.s32 $_tile_overlayer_lowered  }
0x9b: {  	s6 =	simm.s32 $0x1BFF;
	s21 =	sshll.u32 s5, $0x1;
	s3 =	sadd.s32 s20, s19  }
0x9c: {  	s22 =	simm.s32 $0x0;
	s4 =	sshll.u32 s4, $0x1;
	s5 =	sadd.s32 s21, s3  }
0x9d: {  	[timem:s22], [sflag:s6] =	dma.local [hbm:s5], s4  }
0x9e: {  	_ =	swait.ge [sflag:s6], s4  }
0x9f: {  	s4 =	ssub.s32 $0x0, s4;
	[sflag:s6] =	ssyncset.done $0x0  }
0xa0: {  	[sflag:s6] =	ssyncadd.s32 s4;
	_ =	sdelay $0x1  }
0xa1: {  	s23 =	simm.s32 $0x1B8B  }
0xa2: {  	_ =	swait.ge [sflag:s23], $0x1  }
0xa3: {  	[sflag:s23] =	ssyncset.done $0x0  }
0xa4: {  	[sflag:s23] =	ssyncadd.s32 $0xFFFFFFFF  }
0xa5: {  	s4 =	sld [smem:$0x0]  }
0xa6: {  	s5 =	sand.u32 $0xFFFFFFFE, s1  }
0xa7: {  	p0 =	sne.s32 s1, s5  }
0xa8: {  	s5 =	sshll.u32 @p0 s5, $0xE  }
0xa9: {  	s5 =	sadd.s32 @p0 $0x11B8D, s5;
	s6 =	sshll.u32 @p0 s4, $0x11  }
0xaa: {  	s5 =	sor.u32 @p0 s6, s5  }
0xab: {  	[sflag:s5] =	ssyncadd.remote.s32 @p0 $0x1;
	_ =	sdelay $0x1  }
0xac: {  	s5 =	simm.s32 @p0 $0x1B8D  }
0xad: {  	_ =	swait.eq @p0 [sflag:s5], $0x1  }
0xae: {  	[sflag:s5] =	ssyncadd.s32 @p0 $0xFFFFFFFF  }
0xaf: {  	s6 =	sshll.u32 @!p0 s1, $0xE  }
0xb0: {  	s6 =	sor.u32 @!p0 $0x4000, s6;
	s5 =	simm.s32 @!p0 $0x1B8D  }
0xb1: {  	s4 =	sshll.u32 @!p0 s4, $0x11;
	s6 =	sadd.s32 @!p0 $0x11B8D, s6;
	_ =	swait.eq @!p0 [sflag:s5], $0x1  }
0xb2: {  	s4 =	sor.u32 @!p0 s4, s6;
	[sflag:s5] =	ssyncadd.s32 @!p0 $0xFFFFFFFF  }
0xb3: {  	s25 =	simm.s32 $0x1B8E;
	s24 =	sld [smem:$0x3FFE];
	[sflag:s4] =	ssyncadd.remote.s32 @!p0 $0x1  }
0xb4: {  	s26 =	simm.s32 $execute0_lowered;
	[smem:$0x3FD2] =	sst s25  }
0xb5: {  	s5 =	sshll.u32 s26, $0x1;
	_ =	strace $0x80000052;
	[dreg:$0x1] =	wrdreg $0xFFFFFFFF  }
0xb6: {  	s28 =	simm.s32 $_size_execute0_lowered;
	s3 =	sadd.s32 s3, s5;
	[dreg:$0x0] =	wrdreg $0x0  }
0xb7: {  	s5 =	sshll.u32 s28, $0x1;
	[dreg:$0x2] =	wrdreg s3  }
0xb8: {  	[dreg:$0x3] =	wrdreg s5  }
0xb9: {  	[dreg:$0x4] =	wrdreg $0xC0  }
0xba: {  	_ =	task [dreg:s22], $0x5FFFF  }
0xbb: {  	[dreg:$0x1] =	wrdreg $0xFFFFFFFF  }
0xbc: {  	[dreg:$0x0] =	wrdreg $0x60  }
0xbd: {  	[dreg:$0x2] =	wrdreg s24  }
0xbe: {  	[dreg:$0x3] =	wrdreg $0x9  }
0xbf: {  	_ =	task.clear_ibuf [dreg:s22], $0x4FFFF;
	_ =	strace $0x90000052  }
0xc0: {  	s29 =	simm.s32 $0x9;
	_ =	strace $0x80000054  }
0xc1: {  	_ =	swait.ge [sflag:s29], $0x1  }
0xc2: {  	[sflag:s29] =	ssyncadd.s32 $0xFFFFFFFF  }
0xc3: {  	_ =	strace $0x90000054  }
0xc4: {  	_ =	sfence  }
0xc5: {  	s30 =	sld [smem:$0x0];
	_ =	sdelay $0x2  }
0xc6: {  	s31 =	sshll.u32 s1, $0xD;
	s1 =	sshrl.u32 s1, $0x2  }
0xc7: {  	s4 =	sand.u32 $0x4000, s31;
	s1 =	sadd.s32 s1, s30  }
0xc8: {  	s0 =	sor.u32 s4, s0;
	s1 =	sshll.u32 s1, $0x11  }
0xc9: {  	s0 =	sor.u32 s1, s0  }
0xca: {  	s0 =	sadd.s32 $0x8F2B, s0  }
0xcb: {  	[sflag:s0] =	ssyncadd.remote.s32 $0x1  }
0xcc: {  	_ =	sfence.sel $0xFFFF  }
0xcd: {  	[dreg:$0x0] =	wrdreg $0xFFFFFFFF;
	(pc) =	sbr.abs _section_cstart, $3  }
0xce: {  	[dreg:$0x1] =	wrdreg $0xFFFFFFFF  }
0xcf: {  	_ =	task.clear_ibuf [dreg:s22], $0x2FFFF;
	_ =	strace $0x9FFFFFFF  }
0xd0: {  	(tm) =	ssettm $0x7FFFFFFF  }
0xd1: {  	_ =	shalt  }
tec
execute0_lowered:
.L_overlay_start_1:
0x0: {  	(tag) =	ssettag $0x1  }
0x1: {  	s0 =	srdreg.scid  }
0x2: {  	s4 =	rddreg [dreg:$0x0];
	s3 =	sand.u32 $0x1, s0  }
0x3: {  	s1 =	stileid.u32;
	s2 =	simm.s32 $0x0;
	s5 =	sshll.u32 s3, $0x4  }
0x4: {  	s9 =	simm.s32 $0x1540;
	s10 =	simm.s32 $0x0;
	s5 =	sor.u32 s1, s5  }
0x5: {  	s0 =	rddreg [dreg:$0x1];
	s3 =	ssub.s32 $0x2, s3;
	s6 =	smul.u32 $0x280, s5  }
0x6: {  	[smem:$0x7FF] =	sst s2;
	s31 =	sshrl.u32 s3, $0x1;
	s7 =	smul.u32 $0x28, s5  }
0x7: {  	_ =	strace $0x80000053;
	s5 =	sshll.u32 s5, $0x8;
	s8 =	ssub.s32 s3, s31  }
0x8: {  	s5 =	sadd.s32 s5, s4;
	s6 =	sadd.s32 s6, s4;
	s7 =	sadd.s32 s7, s4  }
0x9: {  	s5 =	sadd.s32 $0xA9200, s5;
	s3 =	sadd.s32 $0x8AE00, s7;
	s4 =	sadd.s32 $0x85E00, s6  }
0xa: {  	v0 =	vlaneseq.u32;
	v1 =	vimm.f32 $-Inf;
	s6 =	smax.u32 s8, $0x1;
	s7 =	simm.s32 $0x1;
	s8 =	simm.s32 $0x140  }
.LBB2_1:
0xb: {  	[tilespmem:s2], [sflag:$0x1] =	stream.linear.gather [hbm4b:s3+s2], $0x140, $0x38;
	[tilespmem:$0x1D40] =	vst v63  }
0xc: {  	_ =	swait.ge [sflag:s7], $0x140  }
0xd: {  	[sflag:s7] =	ssyncset.done $0x0  }
0xe: {  	[sflag:s7] =	ssyncadd.s32 $0xFFFFFEC0  }
0xf: {  	[tilespmem:s8], [sflag:$0x1] =	stream.linear.gather [hbm4b:s4+s2], $0x1400, $0x38;
	[tilespmem:$0x1D40] =	vst v63  }
0x10: {  	_ =	swait.ge [sflag:s7], $0x1400  }
0x11: {  	[sflag:s7] =	ssyncset.done $0x0  }
0x12: {  	s11 =	simm.s32 $0x0;
	[sflag:s7] =	ssyncadd.s32 $0xFFFFEC00  }
.LBB2_2:
0x13: {  	s12 =	sshll.u32 s11, $0x4  }
0x14: {  	p0 =	sne.s32 s11, $0x7F;
	v2 =	vor.u32 s12, v0  }
.Ltmp0:
0x15: {  	_ = 	snop;
	(pc) =	sbr.rel @p0 .LBB2_2-.Ltmp0, $2  }
0x16: {  	_ =	sdelay $0x2  }
0x17: {  	s11 =	sadd.s32 $0x1, s11;
	[tilespmem:v2+s9+$0x0] =	vst.idx.msk $0xffff, v1  }
0x18: {  	s11 =	simm.s32 $0x0  }
0x19: {  	s11 =	smul.u32 $0xCCCD, s11;
	_ =	sdelay $0x1  }
0x1a: {  	s11 =	sshrl.u32 s11, $0x16  }
0x1b: {  	s12 =	smul.u32 $0x50, s11  }
0x1c: {  	v2 =	vmov s11  }
0x1d: {  	v2 =	vmul.u32 $0x50, v2;
	s31 =	ssub.s32 $0x0, s12  }
0x1e: {  	s11 =	sand.u32 $0xFFFF, s31  }
0x1f: {  	v2 =	vbroadcast v2, $0x0;
	v3 =	vmov s11  }
0x20: {  	v4 =	vand.u32 $0x78, v3  }
0x21: {  	v3 =	vand.u32 $0x7, v3;
	v2 =	vadd.s32 v4, v2  }
0x22: {  	v2 =	vor.u32 v3, v2;
	_ =	sdelay $0x4  }
0x23: {  	v2 =	vld.idx.msk [tilespmem:v2+s2+$0x0], $0xffff;
	_ =	sdelay $0x2  }
0x24: {  	s11 =	simm.s32 $0x1  }
0x25: {  	s14 =	simm.s32 $0x0;
	s12 =	simm.s32 $0x2;
	s13 =	smul.u32 $0xCCCD, s11  }
.LBB2_4:
0x26: {  	p0 =	sne.s32 s12, $0x13F;
	v3 =	vor.u32 s14, v0;
	v2 =	vshll.u32 v2, $0x4;
	s14 =	smov.u32 s11;
	s11 =	smov.u32 s12  }
0x27: {  	s13 =	sshrl.u32 s13, $0x16;
	v2 =	vor.u32 v0, v2  }
0x28: {  	s15 =	smul.u32 $0x50, s13  }
0x29: {  	v4 =	vmov s13  }
0x2a: {  	v4 =	vmul.u32 $0x50, v4;
	s13 =	ssub.s32 s14, s15  }
0x2b: {  	s13 =	sand.u32 $0xFFFF, s13;
	v3 =	vld.idx.msk [tilespmem:v3+s8+$0x0], $0xffff  }
0x2c: {  	v4 =	vbroadcast v4, $0x0;
	v5 =	vmov s13;
	v6 =	vld.idx.msk [tilespmem:v2+s9+$0x0], $0xffff  }
0x2d: {  	v7 =	vand.u32 $0x78, v5  }
0x2e: {  	v5 =	vand.u32 $0x7, v5;
	v4 =	vadd.s32 v7, v4  }
0x2f: {  	v4 =	vor.u32 v5, v4;
	_ =	sdelay $0x2  }
0x30: {  	v3 =	vmax.f32 v6, v3  }
0x31: {  	[tilespmem:v2+s9+$0x0] =	vst.idx.msk $0xffff, v3  }
0x32: {  	v2 =	vld.idx.msk [tilespmem:v4+s2+$0x0], $0xffff  }
.Ltmp1:
0x33: {  	(pc) =	sbr.rel @p0 .LBB2_4-.Ltmp1, $2  }
0x34: {  	_ =	sdelay $0x2  }
0x35: {  	s12 =	sadd.s32 $0x1, s12;
	s14 =	sshll.u32 s14, $0x4;
	s13 =	smul.u32 $0xCCCD, s11  }
0x36: {  	_ = 	snop  }
0x37: {  	v3 =	vor.u32 s14, v0;
	v2 =	vshll.u32 v2, $0x4;
	s12 =	sshrl.u32 s13, $0x16  }
0x38: {  	v2 =	vor.u32 v0, v2;
	s13 =	smul.u32 $0x50, s12  }
0x39: {  	v4 =	vmov s12  }
0x3a: {  	v4 =	vmul.u32 $0x50, v4;
	s30 =	ssub.s32 s11, s13  }
0x3b: {  	s12 =	sand.u32 $0xFFFF, s30  }
0x3c: {  	v3 =	vld.idx.msk [tilespmem:v3+s8+$0x0], $0xffff;
	v4 =	vbroadcast v4, $0x0;
	v5 =	vmov s12  }
0x3d: {  	v6 =	vld.idx.msk [tilespmem:v2+s9+$0x0], $0xffff;
	v7 =	vand.u32 $0x78, v5  }
0x3e: {  	v5 =	vand.u32 $0x7, v5;
	v4 =	vadd.s32 v7, v4  }
0x3f: {  	v4 =	vor.u32 v5, v4;
	_ =	sdelay $0x2  }
0x40: {  	v3 =	vmax.f32 v6, v3  }
0x41: {  	[tilespmem:v2+s9+$0x0] =	vst.idx.msk $0xffff, v3  }
0x42: {  	v2 =	vld.idx.msk [tilespmem:v4+s2+$0x0], $0xffff;
	_ =	sdelay $0x3  }
0x43: {  	s31 =	sshll.u32 s11, $0x4  }
0x44: {  	v3 =	vor.u32 s31, v0;
	v2 =	vshll.u32 v2, $0x4  }
0x45: {  	v2 =	vor.u32 v0, v2;
	_ =	sdelay $0x3  }
0x46: {  	v3 =	vld.idx.msk [tilespmem:v3+s8+$0x0], $0xffff  }
0x47: {  	v63 =	vld.idx.msk [tilespmem:v2+s9+$0x0], $0xffff;
	_ =	sdelay $0x3  }
0x48: {  	s10 =	sadd.s32 $0x1, s10  }
0x49: {  	p0 =	sne.s32 s10, s6;
	v3 =	vmax.f32 v63, v3  }
.Ltmp2:
0x4a: {  	[tilespmem:v2+s9+$0x0] =	vst.idx.msk $0xffff, v3;
	(pc) =	sbr.rel @p0 .LBB2_1-.Ltmp2, $4  }
0x4b: {  	[hbm4b:s5+s2] =	stream.linear.scatter [tilespmem:s9], [sflag:$0x1], $0x800, $0x38;
	[tilespmem:$0x1D40] =	vst v63  }
0x4c: {  	_ =	swait.ge [sflag:s7], $0x800  }
0x4d: {  	[sflag:s7] =	ssyncset.done $0x0  }
0x4e: {  	[sflag:s7] =	ssyncadd.s32 $0xFFFFF800  }
0x4f: {  	_ =	sfence.sel $0x180000  }
0x50: {  	[bflag:$0x0] =	sbarrier.arrive $0xFFFF  }
0x51: {  	p0 =	sne.s32 s1, $0x0;
	_ =	strace $0x90000053  }
0x52: {  	s0 =	sadd.s32 @!p0 $0x100000, s0;
	[bflag:$0x2] =	sbarrier.arrive $0xFFFF  }
0x53: {  	[sflag:s0] =	ssyncadd.tile.s32 @!p0 $0x1;
	_ =	shalt  }
.Lfunc_end2:
_tile_overlayer_lowered:
.L_overlay_start_2:
0x54: {  	(tag) =	ssettag $0x2  }
0x55: {  	s0 =	rddreg [dreg:$0x0];
	s2 =	stileid.u32  }
0x56: {  	s1 =	rddreg [dreg:$0x1];
	p0 =	sne.s32 s2, $0x0  }
0x57: {  	s3 =	rddreg [dreg:$0x2];
	[bflag:$0x3] =	sbarrier.arrive $0xFFFF;
	s2 =	simm.s32 @!p0 $0x1C01  }
0x58: {  	[timem:s3], [sflag:s2] =	dma.local @!p0 [hbm:s0], s1  }
0x59: {  	s0 =	simm.s32 @!p0 $0x1  }
0x5a: {  	_ =	swait.ge @!p0 [sflag:s0], s1  }
0x5b: {  	s1 =	ssub.s32 @!p0 $0x0, s1;
	[sflag:s0] =	ssyncset.done @!p0 $0x0  }
0x5c: {  	[sflag:s0] =	ssyncadd.s32 @!p0 s1  }
0x5d: {  	[bflag:$0x3] =	sbarrier.arrive $0xFFFF  }
0x5e: {  	_ =	shalt  }

// kernel: kernel.17.cloned.1.call-start
scs
__scs_entry_jumppad:
0x0: {  	(pc) =	sbr.rel $0x88, $3  }
0x1: {  	(tag) =	ssettag $0x0;
	lr =	simm.s32 $0x1  }
0x2: {  	[smem:$0x3F55] =	sst lr;
	_ =	strace $0xD0000000  }
0x3: {  	_ = 	snop  }
0x4: {  	_ = 	snop  }
0x5: {  	_ = 	snop  }
0x6: {  	_ = 	snop  }
0x7: {  	_ = 	snop  }
__scs_overlays_trampoline_lowered:
0x8: {  	[smem:$0x3F64] =	sst s0  }
0x9: {  	[smem:$0x3F65] =	sst s1  }
0xa: {  	[smem:$0x3F66] =	sst s2  }
0xb: {  	[smem:$0x3F67] =	sst s3  }
0xc: {  	[smem:$0x3F68] =	sst s4  }
0xd: {  	[smem:$0x3F69] =	sst s5  }
0xe: {  	[smem:$0x3F6A] =	sst s6  }
0xf: {  	[smem:$0x3F6B] =	sst s7  }
0x10: {  	[smem:$0x3F6C] =	sst s8  }
0x11: {  	[smem:$0x3F6D] =	sst s9;
	s0 =	simm.s32 @!p0 $0x0  }
0x12: {  	s1 =	sld [smem:$0x3F53];
	s0 =	simm.s32 @p0 $0x1  }
0x13: {  	[smem:$0x3F6E] =	sst s0;
	s0 =	simm.s32 @!p1 $0x0  }
0x14: {  	s2 =	sld [smem:$0x3F52];
	s0 =	simm.s32 @p1 $0x1  }
0x15: {  	[smem:$0x3F6F] =	sst s0;
	s0 =	simm.s32 @!p2 $0x0  }
0x16: {  	s3 =	sld [smem:$0x3FDB];
	s0 =	simm.s32 @p2 $0x1  }
0x17: {  	s4 =	simm.s32 $0x1BF5;
	[smem:$0x3F71] =	sst s0  }
0x18: {  	s0 =	sld [smem:$0x3F54];
	_ =	swait.ge [sflag:s4], $0x0  }
0x19: {  	s7 =	sld [smem:$0x3F55]  }
0x1a: {  	s8 =	sadd.s32 $0xFFFFE003, lr  }
0x1b: {  	s9 =	sadd.s32 $0xFFFFFEF7, lr;
	s5 =	simm.s32 $0xFFFFFFFF;
	p2 =	slt.u32 s8, $0xFFFFF086  }
0x1c: {  	p1 =	slt.u32 s9, $0xF7A;
	s5 =	simm.s32 @!p2 $0x0  }
0x1d: {  	s5 =	simm.s32 @p1 $0x1;
	p0 =	seq.s32 s7, s2  }
0x1e: {  	s7 =	smul.u32 @!p0 $0xF7A, s2;
	p2 =	seq.s32 @!p0 s5, $0x0  }
0x1f: {  	s9 =	smul.u32 $0xF7A, s1;
	s8 =	simm.s32 @!p0 $0x1BF5;
	p2 =	por !p2, p0  }
0x20: {  	[sflag:s8] =	ssyncset.s32 @!p0 $0xFFFFF086;
	s6 =	sadd.s32 @!p0 s3, s7;
	s7 =	simm.s32 @!p0 $0x108  }
0x21: {  	s3 =	sadd.s32 s3, s9;
	s6 =	sadd.s32 @!p0 $0x88, s6;
	s7 =	simm.s32 @p2 $0x1082  }
0x22: {  	[simem:s7], [sflag:s8] =	dma.local @!p0 [hbm:s6], $0xF7A  }
0x23: {  	s9 =	sor.u32 $0xD0000000, s2;
	s6 =	simm.s32 $0x108;
	_ =	swait.ge @!p0 [sflag:s8], $0x0  }
0x24: {  	s3 =	sadd.s32 $0x88, s3;
	s6 =	simm.s32 @!p1 $0x1082;
	[sflag:s4] =	ssyncset.s32 $0xFFFFF086  }
0x25: {  	[simem:s6], [sflag:s4] =	dma.local [hbm:s3], $0xF7A  }
0x26: {  	[smem:$0x3F55] =	sst s1;
	(tag) =	ssettag s2;
	_ =	strace s9  }
0x27: {  	s1 =	sld [smem:$0x3F65]  }
0x28: {  	s2 =	sld [smem:$0x3F66]  }
0x29: {  	s4 =	sld [smem:$0x3F68]  }
0x2a: {  	p0 =	seq.s32 s5, $0x0;
	s5 =	sld [smem:$0x3F69]  }
0x2b: {  	s6 =	sld [smem:$0x3F6A]  }
0x2c: {  	s7 =	sld [smem:$0x3F6B]  }
0x2d: {  	s3 =	simm.s32 $0x108;
	s8 =	sld [smem:$0x3F6C]  }
0x2e: {  	s3 =	simm.s32 @!p0 $0x1082;
	s9 =	sld [smem:$0x3F6D]  }
0x2f: {  	lr =	sadd.s32 s0, s3;
	s0 =	sld [smem:$0x3F64]  }
0x30: {  	s3 =	sld [smem:$0x3F67]  }
0x31: {  	[smem:$0x3F70] =	sst s10  }
0x32: {  	s10 =	sld [smem:$0x3F6E];
	_ =	sdelay $0x3  }
0x33: {  	p0 =	seq.s32 s10, $0x1;
	s10 =	sld [smem:$0x3F70];
	_ =	sdelay $0x3  }
0x34: {  	[smem:$0x3F70] =	sst s10  }
0x35: {  	s10 =	sld [smem:$0x3F6F];
	_ =	sdelay $0x3  }
0x36: {  	p1 =	seq.s32 s10, $0x1;
	s10 =	sld [smem:$0x3F70];
	_ =	sdelay $0x3  }
0x37: {  	[smem:$0x3F70] =	sst s10  }
0x38: {  	s10 =	sld [smem:$0x3F71]  }
0x39: {  	_ = 	snop;
	(pc) =	sbr.ind lr, $3  }
0x3a: {  	_ = 	snop  }
0x3b: {  	_ = 	snop  }
0x3c: {  	p2 =	seq.s32 s10, $0x1;
	s10 =	sld [smem:$0x3F70]  }
0x3d: {  	_ =	shalt  }
0x3e: {  	_ =	shalt  }
0x3f: {  	_ =	shalt  }
0x40: {  	_ =	shalt  }
0x41: {  	_ =	shalt  }
0x42: {  	_ =	shalt  }
0x43: {  	_ =	shalt  }
0x44: {  	_ =	shalt  }
0x45: {  	_ =	shalt  }
0x46: {  	_ =	shalt  }
0x47: {  	_ =	shalt  }
0x48: {  	_ =	shalt  }
0x49: {  	_ =	shalt  }
0x4a: {  	_ =	shalt  }
0x4b: {  	_ =	shalt  }
0x4c: {  	_ =	shalt  }
0x4d: {  	_ =	shalt  }
0x4e: {  	_ =	shalt  }
0x4f: {  	_ =	shalt  }
0x50: {  	_ =	shalt  }
0x51: {  	_ =	shalt  }
0x52: {  	_ =	shalt  }
0x53: {  	_ =	shalt  }
0x54: {  	_ =	shalt  }
0x55: {  	_ =	shalt  }
0x56: {  	_ =	shalt  }
0x57: {  	_ =	shalt  }
0x58: {  	_ =	shalt  }
0x59: {  	_ =	shalt  }
0x5a: {  	_ =	shalt  }
0x5b: {  	_ =	shalt  }
0x5c: {  	_ =	shalt  }
0x5d: {  	_ =	shalt  }
0x5e: {  	_ =	shalt  }
0x5f: {  	_ =	shalt  }
0x60: {  	_ =	shalt  }
0x61: {  	_ =	shalt  }
0x62: {  	_ =	shalt  }
0x63: {  	_ =	shalt  }
0x64: {  	_ =	shalt  }
0x65: {  	_ =	shalt  }
0x66: {  	_ =	shalt  }
0x67: {  	_ =	shalt  }
0x68: {  	_ =	shalt  }
0x69: {  	_ =	shalt  }
0x6a: {  	_ =	shalt  }
0x6b: {  	_ =	shalt  }
0x6c: {  	_ =	shalt  }
0x6d: {  	_ =	shalt  }
0x6e: {  	_ =	shalt  }
0x6f: {  	_ =	shalt  }
0x70: {  	_ =	shalt  }
0x71: {  	_ =	shalt  }
0x72: {  	_ =	shalt  }
0x73: {  	_ =	shalt  }
0x74: {  	_ =	shalt  }
0x75: {  	_ =	shalt  }
0x76: {  	_ =	shalt  }
0x77: {  	_ =	shalt  }
0x78: {  	_ =	shalt  }
0x79: {  	_ =	shalt  }
0x7a: {  	_ =	shalt  }
0x7b: {  	_ =	shalt  }
0x7c: {  	_ =	shalt  }
0x7d: {  	_ =	shalt  }
0x7e: {  	_ =	shalt  }
0x7f: {  	_ =	shalt  }
0x80: {  	_ =	shalt  }
0x81: {  	_ =	shalt  }
0x82: {  	_ =	shalt  }
0x83: {  	_ =	shalt  }
0x84: {  	_ =	shalt  }
0x85: {  	_ =	shalt  }
0x86: {  	_ =	shalt  }
0x87: {  	_ =	shalt  }
.Lfunc_end0:
.L_simem_size_0:
called_computation.1_lowered:
.L_overlay_start_0:
0x88: {  	s2 =	sld [smem:$0x3FD9]  }
0x89: {  	s3 =	sld [smem:$0x3FFE];
	_ =	sdelay $0x1  }
0x8a: {  	s1 =	srdreg.scid  }
0x8b: {  	s0 =	sand.u32 $0x1, s1  }
0x8c: {  	s16 =	sshll.u32 s0, $0xA;
	s2 =	sadd.s32 s3, s2  }
0x8d: {  	s2 =	sadd.s32 s2, s16  }
0x8e: {  	[smem:$0x3F7C] =	sst s2  }
0x8f: {  	_ = 	snop  }
0x90: {  	(tm) =	ssettm $0x1  }
0x91: {  	s17 =	sld [smem:$0x3FFB];
	_ =	sdelay $0x3  }
0x92: {  	_ =	strace s17  }
0x93: {  	s2 =	sld [smem:$0x3FFC];
	_ =	sdelay $0x3  }
0x94: {  	_ =	strace s2  }
0x95: {  	s2 =	sld [smem:$0x3FFD];
	_ =	sdelay $0x3  }
0x96: {  	_ =	strace s2  }
0x97: {  	_ =	strace $0x8FFFFFFF  }
0x98: {  	s18 =	sld [smem:$0x3FDB];
	_ =	sdelay $0x1  }
0x99: {  	s19 =	simm.s32 $_scs_section_size  }
0x9a: {  	s4 =	simm.s32 $_size__tile_overlayer_lowered;
	s5 =	simm.s32 $_tile_overlayer_lowered  }
0x9b: {  	s22 =	simm.s32 $0x1BFF;
	s21 =	sshll.u32 s5, $0x1;
	s2 =	sadd.s32 s19, s18  }
0x9c: {  	s6 =	simm.s32 $0x0;
	s20 =	sshll.u32 s4, $0x1;
	s4 =	sadd.s32 s21, s2  }
0x9d: {  	[timem:s6], [sflag:s22] =	dma.local [hbm:s4], s20  }
0x9e: {  	_ =	swait.ge [sflag:s22], s20  }
0x9f: {  	s3 =	ssub.s32 $0x0, s20;
	[sflag:s22] =	ssyncset.done $0x0  }
0xa0: {  	[sflag:s22] =	ssyncadd.s32 s3;
	_ =	sdelay $0x1  }
0xa1: {  	s23 =	simm.s32 $0x1B8B  }
0xa2: {  	_ =	swait.ge [sflag:s23], $0x1  }
0xa3: {  	[sflag:s23] =	ssyncset.done $0x0  }
0xa4: {  	s25 =	simm.s32 $0x1B8E;
	s24 =	sld [smem:$0x3FFE];
	[sflag:s23] =	ssyncadd.s32 $0xFFFFFFFF  }
0xa5: {  	s26 =	simm.s32 $execute0_lowered;
	[smem:$0x3FD2] =	sst s25  }
0xa6: {  	s4 =	sshll.u32 s26, $0x1;
	_ =	strace $0x80000046;
	[dreg:$0x1] =	wrdreg $0xFFFFFFFF  }
0xa7: {  	s28 =	simm.s32 $_size_execute0_lowered;
	s2 =	sadd.s32 s2, s4;
	[dreg:$0x0] =	wrdreg $0x0  }
0xa8: {  	s4 =	sshll.u32 s28, $0x1;
	[dreg:$0x2] =	wrdreg s2  }
0xa9: {  	[dreg:$0x3] =	wrdreg s4  }
0xaa: {  	[dreg:$0x4] =	wrdreg $0xC0  }
0xab: {  	_ =	task [dreg:s6], $0x5FFFF  }
0xac: {  	[dreg:$0x1] =	wrdreg $0xFFFFFFFF  }
0xad: {  	[dreg:$0x0] =	wrdreg $0x60  }
0xae: {  	[dreg:$0x2] =	wrdreg s24  }
0xaf: {  	[dreg:$0x3] =	wrdreg $0xADC00  }
0xb0: {  	[dreg:$0x4] =	wrdreg $0x9  }
0xb1: {  	_ =	task.clear_ibuf [dreg:s6], $0x5FFFF;
	_ =	strace $0x90000046  }
0xb2: {  	s29 =	simm.s32 $0x9;
	_ =	strace $0x80000048  }
0xb3: {  	_ =	swait.ge [sflag:s29], $0x1  }
0xb4: {  	[sflag:s29] =	ssyncadd.s32 $0xFFFFFFFF  }
0xb5: {  	_ =	strace $0x90000048  }
0xb6: {  	_ =	sfence  }
0xb7: {  	s30 =	sld [smem:$0x0];
	_ =	sdelay $0x2  }
0xb8: {  	s31 =	sshll.u32 s1, $0xD;
	s1 =	sshrl.u32 s1, $0x2  }
0xb9: {  	s3 =	sand.u32 $0x4000, s31;
	s1 =	sadd.s32 s1, s30  }
0xba: {  	s0 =	sor.u32 s3, s0;
	s1 =	sshll.u32 s1, $0x11  }
0xbb: {  	s0 =	sor.u32 s1, s0  }
0xbc: {  	s0 =	sadd.s32 $0x8F2B, s0  }
0xbd: {  	[sflag:s0] =	ssyncadd.remote.s32 $0x1  }
0xbe: {  	_ =	sfence.sel $0xFFFF  }
0xbf: {  	[dreg:$0x0] =	wrdreg $0xFFFFFFFF;
	(pc) =	sbr.abs _section_cstart, $3  }
0xc0: {  	[dreg:$0x1] =	wrdreg $0xFFFFFFFF  }
0xc1: {  	_ =	task.clear_ibuf [dreg:s6], $0x2FFFF;
	_ =	strace $0x9FFFFFFF  }
0xc2: {  	(tm) =	ssettm $0x7FFFFFFF  }
0xc3: {  	_ =	shalt  }
tec
execute0_lowered:
.L_overlay_start_1:
0x0: {  	(tag) =	ssettag $0x1  }
0x1: {  	s0 =	srdreg.scid  }
0x2: {  	s11 =	stileid.u32;
	s5 =	rddreg [dreg:$0x0]  }
0x3: {  	s2 =	rddreg [dreg:$0x1];
	s3 =	simm.s32 $0x0;
	s12 =	simm.s32 $0x5  }
0x4: {  	s14 =	simm.s32 $0x7D;
	s15 =	simm.s32 $0x5000;
	s16 =	simm.s32 $0x80  }
0x5: {  	s17 =	simm.s32 $0x6770;
	s18 =	simm.s32 $0x100;
	s19 =	simm.s32 $0x7EE0  }
0x6: {  	s20 =	simm.s32 $0x180;
	s21 =	simm.s32 $0x9650;
	s22 =	simm.s32 $0x1  }
0x7: {  	s23 =	simm.s32 $0x2;
	s24 =	simm.s32 $0x3;
	s28 =	simm.s32 $0x4E80  }
0x8: {  	s29 =	simm.s32 $0x4F00;
	s30 =	simm.s32 $0x4F80;
	s31 =	simm.s32 $0x0  }
0x9: {  	s0 =	sand.u32 $0x1, s0;
	s6 =	smul.u32 $0x7800, s11;
	[smem:$0x7FF] =	sst s3  }
0xa: {  	s4 =	sadd.s32 $0x5C000, s5;
	s25 =	sshll.u32 s11, $0x6;
	s1 =	sshll.u32 s0, $0x4  }
0xb: {  	s7 =	smul.u32 $0x78000, s0;
	_ =	strace $0x80000047;
	s0 =	ssub.s32 $0x2, s0  }
0xc: {  	s1 =	sor.u32 s11, s1;
	s8 =	sshrl.u32 s6, $0x3;
	s9 =	sshrl.u32 s0, $0x1  }
0xd: {  	s26 =	sadd.s32 s6, s2;
	s1 =	smul.u32 $0x2800, s1;
	s7 =	sadd.s32 s6, s7  }
0xe: {  	s8 =	sadd.s32 s8, s5;
	s0 =	ssub.s32 s0, s9;
	s6 =	sor.u32 $0x1C05, s25  }
0xf: {  	s11 =	sshrl.u32 s26, $0x3;
	s25 =	simm.s32 $0x4;
	s7 =	sshrl.u32 s7, $0x3  }
0x10: {  	s26 =	simm.s32 $0x4E00;
	s1 =	sshrl.u32 s1, $0x3;
	s10 =	sadd.s32 s7, s5  }
0x11: {  	s1 =	sadd.s32 s1, s5;
	s5 =	sadd.s32 $0x7EC00, s8;
	s9 =	sadd.s32 $0x8DC00, s10  }
0x12: {  	s10 =	smax.u32 s0, $0x1;
	s7 =	sadd.s32 $0x6AC00, s1;
	s8 =	sadd.s32 $0x74C00, s1  }
.LBB2_1:
0x13: {  	[spmem:s11], [sflag:s6] =	dma.local [hbm:s5], $0xF00  }
0x14: {  	_ =	swait.ge [sflag:s12], $0xF00  }
0x15: {  	[sflag:s12] =	ssyncset.done $0x0  }
0x16: {  	[sflag:s12] =	ssyncadd.s32 $0xFFFFF100  }
0x17: {  	[tilespmem:s3], [sflag:$0x5] =	stream.linear.gather [hbm4b:s7+s3], $0x2800, $0x38;
	[tilespmem:$0x125C0] =	vst v63  }
0x18: {  	_ =	swait.ge [sflag:s12], $0x2800  }
0x19: {  	[sflag:s12] =	ssyncset.done $0x0  }
0x1a: {  	s0 =	simm.s32 $0x2800;
	[sflag:s12] =	ssyncadd.s32 $0xFFFFD800  }
0x1b: {  	[tilespmem:s0], [sflag:$0x5] =	stream.linear.gather [hbm4b:s8+s3], $0x2800, $0x38;
	[tilespmem:$0x125C0] =	vst v63  }
0x1c: {  	_ =	swait.ge [sflag:s12], $0x2800  }
0x1d: {  	[sflag:s12] =	ssyncset.done $0x0  }
0x1e: {  	[sflag:s12] =	ssyncadd.s32 $0xFFFFD800  }
0x1f: {  	[tilespmem:s15], [sflag:$0x1] =	stream.indirect.gather [hbm4b:s4+s14], $0x30, s3, s14, $0xb8;
	[tilespmem:$0x125C0] =	vst v63  }
0x20: {  	_ = 	snop  }
0x21: {  	[tilespmem:s17], [sflag:$0x2] =	stream.indirect.gather [hbm4b:s4+s14], $0x30, s16, s14, $0xb8;
	[tilespmem:$0x125C0] =	vst v63  }
0x22: {  	_ = 	snop  }
0x23: {  	[tilespmem:s19], [sflag:$0x3] =	stream.indirect.gather [hbm4b:s4+s14], $0x30, s18, s14, $0xb8;
	[tilespmem:$0x125C0] =	vst v63  }
0x24: {  	_ = 	snop  }
0x25: {  	[tilespmem:s21], [sflag:$0x4] =	stream.indirect.gather [hbm4b:s4+s14], $0x30, s20, s14, $0xb8;
	[tilespmem:$0x125C0] =	vst v63  }
0x26: {  	[bflag:$0x0] =	sbarrier.arrive $0xFFFF  }
0x27: {  	_ =	swait.ge [sflag:s22], $0x1770  }
0x28: {  	[sflag:s22] =	ssyncset.done $0x0  }
0x29: {  	s13 =	simm.s32 $0x2800;
	[sflag:s22] =	ssyncadd.s32 $0xFFFFE890  }
0x2a: {  	[spmem:s2] =	stream.indirect.scatter.add.f32 [tilespmem:s15], [sflag:$0x5], $0x30, s13, s14, $0xb8;
	[tilespmem:$0x125C0] =	vst v63  }
0x2b: {  	_ =	swait.ge [sflag:s12], $0x1770  }
0x2c: {  	[sflag:s12] =	ssyncset.done $0x0  }
0x2d: {  	s1 =	simm.s32 $0x200;
	[sflag:s12] =	ssyncadd.s32 $0xFFFFE890  }
0x2e: {  	[tilespmem:s15], [sflag:$0x1] =	stream.indirect.gather [hbm4b:s4+s14], $0x30, s1, s14, $0xb8;
	[tilespmem:$0x125C0] =	vst v63  }
0x2f: {  	_ =	swait.ge [sflag:s23], $0x1770  }
0x30: {  	[sflag:s23] =	ssyncset.done $0x0  }
0x31: {  	s13 =	simm.s32 $0x2880;
	[sflag:s23] =	ssyncadd.s32 $0xFFFFE890  }
0x32: {  	[spmem:s2] =	stream.indirect.scatter.add.f32 [tilespmem:s17], [sflag:$0x5], $0x30, s13, s14, $0xb8;
	[tilespmem:$0x125C0] =	vst v63  }
0x33: {  	_ =	swait.ge [sflag:s12], $0x1770  }
0x34: {  	[sflag:s12] =	ssyncset.done $0x0  }
0x35: {  	s1 =	simm.s32 $0x280;
	[sflag:s12] =	ssyncadd.s32 $0xFFFFE890  }
0x36: {  	[tilespmem:s17], [sflag:$0x2] =	stream.indirect.gather [hbm4b:s4+s14], $0x30, s1, s14, $0xb8;
	[tilespmem:$0x125C0] =	vst v63  }
0x37: {  	_ =	swait.ge [sflag:s24], $0x1770  }
0x38: {  	[sflag:s24] =	ssyncset.done $0x0  }
0x39: {  	s13 =	simm.s32 $0x2900;
	[sflag:s24] =	ssyncadd.s32 $0xFFFFE890  }
0x3a: {  	[spmem:s2] =	stream.indirect.scatter.add.f32 [tilespmem:s19], [sflag:$0x5], $0x30, s13, s14, $0xb8;
	[tilespmem:$0x125C0] =	vst v63  }
0x3b: {  	_ =	swait.ge [sflag:s12], $0x1770  }
0x3c: {  	[sflag:s12] =	ssyncset.done $0x0  }
0x3d: {  	s1 =	simm.s32 $0x300;
	[sflag:s12] =	ssyncadd.s32 $0xFFFFE890  }
0x3e: {  	[tilespmem:s19], [sflag:$0x3] =	stream.indirect.gather [hbm4b:s4+s14], $0x30, s1, s14, $0xb8;
	[tilespmem:$0x125C0] =	vst v63  }
0x3f: {  	_ =	swait.ge [sflag:s25], $0x1770  }
0x40: {  	[sflag:s25] =	ssyncset.done $0x0  }
0x41: {  	s13 =	simm.s32 $0x2980;
	[sflag:s25] =	ssyncadd.s32 $0xFFFFE890  }
0x42: {  	[spmem:s2] =	stream.indirect.scatter.add.f32 [tilespmem:s21], [sflag:$0x5], $0x30, s13, s14, $0xb8;
	[tilespmem:$0x125C0] =	vst v63  }
0x43: {  	_ =	swait.ge [sflag:s12], $0x1770  }
0x44: {  	[sflag:s12] =	ssyncset.done $0x0  }
0x45: {  	s0 =	simm.s32 $0x380;
	s1 =	simm.s32 $0x800;
	[sflag:s12] =	ssyncadd.s32 $0xFFFFE890  }
.LBB2_2:
0x46: {  	[tilespmem:s21], [sflag:$0x4] =	stream.indirect.gather [hbm4b:s4+s14], $0x30, s0, s14, $0xb8;
	[tilespmem:$0x125C0] =	vst v63  }
0x47: {  	s0 =	smov.u32 s1  }
0x48: {  	p0 =	sne.s32 s1, $0x9000;
	s1 =	sadd.s32 $0x800, s1;
	_ =	swait.ge [sflag:s22], $0x1770  }
0x49: {  	s0 =	sshra.s32 s0, $0x2;
	[sflag:s22] =	ssyncset.done $0x0  }
0x4a: {  	s13 =	sadd.s32 $0x2800, s0;
	[sflag:s22] =	ssyncadd.s32 $0xFFFFE890  }
0x4b: {  	[spmem:s2] =	stream.indirect.scatter.add.f32 [tilespmem:s15], [sflag:$0x5], $0x30, s13, s14, $0xb8;
	[tilespmem:$0x125C0] =	vst v63  }
0x4c: {  	_ =	swait.ge [sflag:s12], $0x1770  }
0x4d: {  	[sflag:s12] =	ssyncset.done $0x0  }
0x4e: {  	s13 =	sadd.s32 $0x200, s0;
	[sflag:s12] =	ssyncadd.s32 $0xFFFFE890  }
0x4f: {  	[tilespmem:s15], [sflag:$0x1] =	stream.indirect.gather [hbm4b:s4+s14], $0x30, s13, s14, $0xb8;
	[tilespmem:$0x125C0] =	vst v63  }
0x50: {  	_ =	swait.ge [sflag:s23], $0x1770  }
0x51: {  	[sflag:s23] =	ssyncset.done $0x0  }
0x52: {  	s13 =	sadd.s32 $0x2880, s0;
	[sflag:s23] =	ssyncadd.s32 $0xFFFFE890  }
0x53: {  	[spmem:s2] =	stream.indirect.scatter.add.f32 [tilespmem:s17], [sflag:$0x5], $0x30, s13, s14, $0xb8;
	[tilespmem:$0x125C0] =	vst v63  }
0x54: {  	_ =	swait.ge [sflag:s12], $0x1770  }
0x55: {  	[sflag:s12] =	ssyncset.done $0x0  }
0x56: {  	s13 =	sadd.s32 $0x280, s0;
	[sflag:s12] =	ssyncadd.s32 $0xFFFFE890  }
0x57: {  	[tilespmem:s17], [sflag:$0x2] =	stream.indirect.gather [hbm4b:s4+s14], $0x30, s13, s14, $0xb8;
	[tilespmem:$0x125C0] =	vst v63  }
0x58: {  	_ =	swait.ge [sflag:s24], $0x1770  }
0x59: {  	[sflag:s24] =	ssyncset.done $0x0  }
0x5a: {  	s13 =	sadd.s32 $0x2900, s0;
	[sflag:s24] =	ssyncadd.s32 $0xFFFFE890  }
0x5b: {  	[spmem:s2] =	stream.indirect.scatter.add.f32 [tilespmem:s19], [sflag:$0x5], $0x30, s13, s14, $0xb8;
	[tilespmem:$0x125C0] =	vst v63  }
0x5c: {  	_ =	swait.ge [sflag:s12], $0x1770  }
0x5d: {  	[sflag:s12] =	ssyncset.done $0x0  }
0x5e: {  	s13 =	sadd.s32 $0x300, s0;
	[sflag:s12] =	ssyncadd.s32 $0xFFFFE890  }
0x5f: {  	[tilespmem:s19], [sflag:$0x3] =	stream.indirect.gather [hbm4b:s4+s14], $0x30, s13, s14, $0xb8;
	[tilespmem:$0x125C0] =	vst v63  }
0x60: {  	_ =	swait.ge [sflag:s25], $0x1770  }
0x61: {  	[sflag:s25] =	ssyncset.done $0x0  }
.Ltmp0:
0x62: {  	s13 =	sadd.s32 $0x2980, s0;
	[sflag:s25] =	ssyncadd.s32 $0xFFFFE890;
	(pc) =	sbr.rel @p0 .LBB2_2-.Ltmp0, $4  }
0x63: {  	[spmem:s2] =	stream.indirect.scatter.add.f32 [tilespmem:s21], [sflag:$0x5], $0x30, s13, s14, $0xb8;
	[tilespmem:$0x125C0] =	vst v63  }
0x64: {  	_ =	swait.ge [sflag:s12], $0x1770  }
0x65: {  	[sflag:s12] =	ssyncset.done $0x0  }
0x66: {  	s0 =	sadd.s32 $0x380, s0;
	[sflag:s12] =	ssyncadd.s32 $0xFFFFE890  }
0x67: {  	[tilespmem:s21], [sflag:$0x4] =	stream.indirect.gather [hbm4b:s4+s14], $0x30, s0, s14, $0xb8;
	[tilespmem:$0x125C0] =	vst v63  }
0x68: {  	_ =	swait.ge [sflag:s22], $0x1770  }
0x69: {  	[sflag:s22] =	ssyncset.done $0x0  }
0x6a: {  	[sflag:s22] =	ssyncadd.s32 $0xFFFFE890  }
0x6b: {  	[spmem:s2] =	stream.indirect.scatter.add.f32 [tilespmem:s15], [sflag:$0x5], $0x30, s26, s14, $0xb8;
	[tilespmem:$0x125C0] =	vst v63  }
0x6c: {  	_ =	swait.ge [sflag:s12], $0x1770  }
0x6d: {  	[sflag:s12] =	ssyncset.done $0x0  }
0x6e: {  	[sflag:s12] =	ssyncadd.s32 $0xFFFFE890  }
0x6f: {  	_ =	swait.ge [sflag:s23], $0x1770  }
0x70: {  	[sflag:s23] =	ssyncset.done $0x0  }
0x71: {  	[sflag:s23] =	ssyncadd.s32 $0xFFFFE890  }
0x72: {  	[spmem:s2] =	stream.indirect.scatter.add.f32 [tilespmem:s17], [sflag:$0x5], $0x30, s28, s14, $0xb8;
	[tilespmem:$0x125C0] =	vst v63  }
0x73: {  	_ =	swait.ge [sflag:s12], $0x1770  }
0x74: {  	[sflag:s12] =	ssyncset.done $0x0  }
0x75: {  	[sflag:s12] =	ssyncadd.s32 $0xFFFFE890  }
0x76: {  	_ =	swait.ge [sflag:s24], $0x1770  }
0x77: {  	[sflag:s24] =	ssyncset.done $0x0  }
0x78: {  	[sflag:s24] =	ssyncadd.s32 $0xFFFFE890  }
0x79: {  	[spmem:s2] =	stream.indirect.scatter.add.f32 [tilespmem:s19], [sflag:$0x5], $0x30, s29, s14, $0xb8;
	[tilespmem:$0x125C0] =	vst v63  }
0x7a: {  	_ =	swait.ge [sflag:s12], $0x1770  }
0x7b: {  	[sflag:s12] =	ssyncset.done $0x0  }
0x7c: {  	[sflag:s12] =	ssyncadd.s32 $0xFFFFE890  }
0x7d: {  	_ =	swait.ge [sflag:s25], $0x1770  }
0x7e: {  	[sflag:s25] =	ssyncset.done $0x0  }
0x7f: {  	[sflag:s25] =	ssyncadd.s32 $0xFFFFE890  }
0x80: {  	[spmem:s2] =	stream.indirect.scatter.add.f32 [tilespmem:s21], [sflag:$0x5], $0x30, s30, s14, $0xb8;
	[tilespmem:$0x125C0] =	vst v63  }
0x81: {  	_ =	swait.ge [sflag:s12], $0x1770  }
0x82: {  	s31 =	sadd.s32 $0x1, s31;
	[sflag:s12] =	ssyncset.done $0x0  }
0x83: {  	p0 =	sne.s32 s31, s10;
	[sflag:s12] =	ssyncadd.s32 $0xFFFFE890  }
.Ltmp1:
0x84: {  	[bflag:$0x0] =	sbarrier.arrive $0xFFFF;
	(pc) =	sbr.rel @p0 .LBB2_1-.Ltmp1, $4  }
0x85: {  	[hbm:s9], [sflag:s6] =	dma.local [spmem:s11], $0xF00  }
0x86: {  	_ =	swait.ge [sflag:s12], $0xF00  }
0x87: {  	[sflag:s12] =	ssyncset.done $0x0  }
0x88: {  	[sflag:s12] =	ssyncadd.s32 $0xFFFFF100  }
0x89: {  	_ =	sfence.sel $0x180000  }
0x8a: {  	[bflag:$0x0] =	sbarrier.arrive $0xFFFF  }
0x8b: {  	_ =	strace $0x90000047  }
0x8c: {  	s0 =	stileid.u32;
	[bflag:$0x2] =	sbarrier.arrive $0xFFFF  }
0x8d: {  	p0 =	sne.s32 s0, $0x0;
	s0 =	rddreg [dreg:$0x2]  }
0x8e: {  	s0 =	sadd.s32 @!p0 $0x100000, s0  }
0x8f: {  	[sflag:s0] =	ssyncadd.tile.s32 @!p0 $0x1;
	_ =	shalt  }
.Lfunc_end2:
_tile_overlayer_lowered:
.L_overlay_start_2:
0x90: {  	(tag) =	ssettag $0x2  }
0x91: {  	s0 =	rddreg [dreg:$0x0];
	s2 =	stileid.u32  }
0x92: {  	s1 =	rddreg [dreg:$0x1];
	p0 =	sne.s32 s2, $0x0  }
0x93: {  	s3 =	rddreg [dreg:$0x2];
	[bflag:$0x3] =	sbarrier.arrive $0xFFFF;
	s2 =	simm.s32 @!p0 $0x1C05  }
0x94: {  	[timem:s3], [sflag:s2] =	dma.local @!p0 [hbm:s0], s1  }
0x95: {  	s0 =	simm.s32 @!p0 $0x5  }
0x96: {  	_ =	swait.ge @!p0 [sflag:s0], s1  }
0x97: {  	s1 =	ssub.s32 @!p0 $0x0, s1;
	[sflag:s0] =	ssyncset.done @!p0 $0x0  }
0x98: {  	[sflag:s0] =	ssyncadd.s32 @!p0 s1  }
0x99: {  	[bflag:$0x3] =	sbarrier.arrive $0xFFFF  }
0x9a: {  	_ =	shalt  }

// kernel: kernel.20.cloned.1.call-start
scs
__scs_entry_jumppad:
0x0: {  	(pc) =	sbr.rel $0x88, $3  }
0x1: {  	(tag) =	ssettag $0x0;
	lr =	simm.s32 $0x1  }
0x2: {  	[smem:$0x3F55] =	sst lr;
	_ =	strace $0xD0000000  }
0x3: {  	_ = 	snop  }
0x4: {  	_ = 	snop  }
0x5: {  	_ = 	snop  }
0x6: {  	_ = 	snop  }
0x7: {  	_ = 	snop  }
__scs_overlays_trampoline_lowered:
0x8: {  	[smem:$0x3F64] =	sst s0  }
0x9: {  	[smem:$0x3F65] =	sst s1  }
0xa: {  	[smem:$0x3F66] =	sst s2  }
0xb: {  	[smem:$0x3F67] =	sst s3  }
0xc: {  	[smem:$0x3F68] =	sst s4  }
0xd: {  	[smem:$0x3F69] =	sst s5  }
0xe: {  	[smem:$0x3F6A] =	sst s6  }
0xf: {  	[smem:$0x3F6B] =	sst s7  }
0x10: {  	[smem:$0x3F6C] =	sst s8  }
0x11: {  	[smem:$0x3F6D] =	sst s9;
	s0 =	simm.s32 @!p0 $0x0  }
0x12: {  	s1 =	sld [smem:$0x3F53];
	s0 =	simm.s32 @p0 $0x1  }
0x13: {  	[smem:$0x3F6E] =	sst s0;
	s0 =	simm.s32 @!p1 $0x0  }
0x14: {  	s2 =	sld [smem:$0x3F52];
	s0 =	simm.s32 @p1 $0x1  }
0x15: {  	[smem:$0x3F6F] =	sst s0;
	s0 =	simm.s32 @!p2 $0x0  }
0x16: {  	s3 =	sld [smem:$0x3FDB];
	s0 =	simm.s32 @p2 $0x1  }
0x17: {  	s4 =	simm.s32 $0x1BF5;
	[smem:$0x3F71] =	sst s0  }
0x18: {  	s0 =	sld [smem:$0x3F54];
	_ =	swait.ge [sflag:s4], $0x0  }
0x19: {  	s7 =	sld [smem:$0x3F55]  }
0x1a: {  	s8 =	sadd.s32 $0xFFFFE003, lr  }
0x1b: {  	s9 =	sadd.s32 $0xFFFFFEF7, lr;
	s5 =	simm.s32 $0xFFFFFFFF;
	p2 =	slt.u32 s8, $0xFFFFF086  }
0x1c: {  	p1 =	slt.u32 s9, $0xF7A;
	s5 =	simm.s32 @!p2 $0x0  }
0x1d: {  	s5 =	simm.s32 @p1 $0x1;
	p0 =	seq.s32 s7, s2  }
0x1e: {  	s7 =	smul.u32 @!p0 $0xF7A, s2;
	p2 =	seq.s32 @!p0 s5, $0x0  }
0x1f: {  	s9 =	smul.u32 $0xF7A, s1;
	s8 =	simm.s32 @!p0 $0x1BF5;
	p2 =	por !p2, p0  }
0x20: {  	[sflag:s8] =	ssyncset.s32 @!p0 $0xFFFFF086;
	s6 =	sadd.s32 @!p0 s3, s7;
	s7 =	simm.s32 @!p0 $0x108  }
0x21: {  	s3 =	sadd.s32 s3, s9;
	s6 =	sadd.s32 @!p0 $0x88, s6;
	s7 =	simm.s32 @p2 $0x1082  }
0x22: {  	[simem:s7], [sflag:s8] =	dma.local @!p0 [hbm:s6], $0xF7A  }
0x23: {  	s9 =	sor.u32 $0xD0000000, s2;
	s6 =	simm.s32 $0x108;
	_ =	swait.ge @!p0 [sflag:s8], $0x0  }
0x24: {  	s3 =	sadd.s32 $0x88, s3;
	s6 =	simm.s32 @!p1 $0x1082;
	[sflag:s4] =	ssyncset.s32 $0xFFFFF086  }
0x25: {  	[simem:s6], [sflag:s4] =	dma.local [hbm:s3], $0xF7A  }
0x26: {  	[smem:$0x3F55] =	sst s1;
	(tag) =	ssettag s2;
	_ =	strace s9  }
0x27: {  	s1 =	sld [smem:$0x3F65]  }
0x28: {  	s2 =	sld [smem:$0x3F66]  }
0x29: {  	s4 =	sld [smem:$0x3F68]  }
0x2a: {  	p0 =	seq.s32 s5, $0x0;
	s5 =	sld [smem:$0x3F69]  }
0x2b: {  	s6 =	sld [smem:$0x3F6A]  }
0x2c: {  	s7 =	sld [smem:$0x3F6B]  }
0x2d: {  	s3 =	simm.s32 $0x108;
	s8 =	sld [smem:$0x3F6C]  }
0x2e: {  	s3 =	simm.s32 @!p0 $0x1082;
	s9 =	sld [smem:$0x3F6D]  }
0x2f: {  	lr =	sadd.s32 s0, s3;
	s0 =	sld [smem:$0x3F64]  }
0x30: {  	s3 =	sld [smem:$0x3F67]  }
0x31: {  	[smem:$0x3F70] =	sst s10  }
0x32: {  	s10 =	sld [smem:$0x3F6E];
	_ =	sdelay $0x3  }
0x33: {  	p0 =	seq.s32 s10, $0x1;
	s10 =	sld [smem:$0x3F70];
	_ =	sdelay $0x3  }
0x34: {  	[smem:$0x3F70] =	sst s10  }
0x35: {  	s10 =	sld [smem:$0x3F6F];
	_ =	sdelay $0x3  }
0x36: {  	p1 =	seq.s32 s10, $0x1;
	s10 =	sld [smem:$0x3F70];
	_ =	sdelay $0x3  }
0x37: {  	[smem:$0x3F70] =	sst s10  }
0x38: {  	s10 =	sld [smem:$0x3F71]  }
0x39: {  	_ = 	snop;
	(pc) =	sbr.ind lr, $3  }
0x3a: {  	_ = 	snop  }
0x3b: {  	_ = 	snop  }
0x3c: {  	p2 =	seq.s32 s10, $0x1;
	s10 =	sld [smem:$0x3F70]  }
0x3d: {  	_ =	shalt  }
0x3e: {  	_ =	shalt  }
0x3f: {  	_ =	shalt  }
0x40: {  	_ =	shalt  }
0x41: {  	_ =	shalt  }
0x42: {  	_ =	shalt  }
0x43: {  	_ =	shalt  }
0x44: {  	_ =	shalt  }
0x45: {  	_ =	shalt  }
0x46: {  	_ =	shalt  }
0x47: {  	_ =	shalt  }
0x48: {  	_ =	shalt  }
0x49: {  	_ =	shalt  }
0x4a: {  	_ =	shalt  }
0x4b: {  	_ =	shalt  }
0x4c: {  	_ =	shalt  }
0x4d: {  	_ =	shalt  }
0x4e: {  	_ =	shalt  }
0x4f: {  	_ =	shalt  }
0x50: {  	_ =	shalt  }
0x51: {  	_ =	shalt  }
0x52: {  	_ =	shalt  }
0x53: {  	_ =	shalt  }
0x54: {  	_ =	shalt  }
0x55: {  	_ =	shalt  }
0x56: {  	_ =	shalt  }
0x57: {  	_ =	shalt  }
0x58: {  	_ =	shalt  }
0x59: {  	_ =	shalt  }
0x5a: {  	_ =	shalt  }
0x5b: {  	_ =	shalt  }
0x5c: {  	_ =	shalt  }
0x5d: {  	_ =	shalt  }
0x5e: {  	_ =	shalt  }
0x5f: {  	_ =	shalt  }
0x60: {  	_ =	shalt  }
0x61: {  	_ =	shalt  }
0x62: {  	_ =	shalt  }
0x63: {  	_ =	shalt  }
0x64: {  	_ =	shalt  }
0x65: {  	_ =	shalt  }
0x66: {  	_ =	shalt  }
0x67: {  	_ =	shalt  }
0x68: {  	_ =	shalt  }
0x69: {  	_ =	shalt  }
0x6a: {  	_ =	shalt  }
0x6b: {  	_ =	shalt  }
0x6c: {  	_ =	shalt  }
0x6d: {  	_ =	shalt  }
0x6e: {  	_ =	shalt  }
0x6f: {  	_ =	shalt  }
0x70: {  	_ =	shalt  }
0x71: {  	_ =	shalt  }
0x72: {  	_ =	shalt  }
0x73: {  	_ =	shalt  }
0x74: {  	_ =	shalt  }
0x75: {  	_ =	shalt  }
0x76: {  	_ =	shalt  }
0x77: {  	_ =	shalt  }
0x78: {  	_ =	shalt  }
0x79: {  	_ =	shalt  }
0x7a: {  	_ =	shalt  }
0x7b: {  	_ =	shalt  }
0x7c: {  	_ =	shalt  }
0x7d: {  	_ =	shalt  }
0x7e: {  	_ =	shalt  }
0x7f: {  	_ =	shalt  }
0x80: {  	_ =	shalt  }
0x81: {  	_ =	shalt  }
0x82: {  	_ =	shalt  }
0x83: {  	_ =	shalt  }
0x84: {  	_ =	shalt  }
0x85: {  	_ =	shalt  }
0x86: {  	_ =	shalt  }
0x87: {  	_ =	shalt  }
.Lfunc_end0:
.L_simem_size_0:
called_computation.2_lowered:
.L_overlay_start_0:
0x88: {  	s2 =	sld [smem:$0x3FD9]  }
0x89: {  	s3 =	sld [smem:$0x3FFE];
	_ =	sdelay $0x1  }
0x8a: {  	s1 =	srdreg.scid  }
0x8b: {  	s0 =	sand.u32 $0x1, s1  }
0x8c: {  	s16 =	sshll.u32 s0, $0xA;
	s2 =	sadd.s32 s3, s2  }
0x8d: {  	s2 =	sadd.s32 s2, s16  }
0x8e: {  	[smem:$0x3F7C] =	sst s2  }
0x8f: {  	_ = 	snop  }
0x90: {  	(tm) =	ssettm $0x1  }
0x91: {  	s17 =	sld [smem:$0x3FFB];
	_ =	sdelay $0x3  }
0x92: {  	_ =	strace s17  }
0x93: {  	s2 =	sld [smem:$0x3FFC];
	_ =	sdelay $0x3  }
0x94: {  	_ =	strace s2  }
0x95: {  	s2 =	sld [smem:$0x3FFD];
	_ =	sdelay $0x3  }
0x96: {  	_ =	strace s2  }
0x97: {  	_ =	strace $0x8FFFFFFF  }
0x98: {  	s18 =	sld [smem:$0x3FDB];
	_ =	sdelay $0x1  }
0x99: {  	s19 =	simm.s32 $_scs_section_size  }
0x9a: {  	s4 =	simm.s32 $_size__tile_overlayer_lowered;
	s5 =	simm.s32 $_tile_overlayer_lowered  }
0x9b: {  	s22 =	simm.s32 $0x1BFF;
	s21 =	sshll.u32 s5, $0x1;
	s2 =	sadd.s32 s19, s18  }
0x9c: {  	s6 =	simm.s32 $0x0;
	s20 =	sshll.u32 s4, $0x1;
	s4 =	sadd.s32 s21, s2  }
0x9d: {  	[timem:s6], [sflag:s22] =	dma.local [hbm:s4], s20  }
0x9e: {  	_ =	swait.ge [sflag:s22], s20  }
0x9f: {  	s3 =	ssub.s32 $0x0, s20;
	[sflag:s22] =	ssyncset.done $0x0  }
0xa0: {  	[sflag:s22] =	ssyncadd.s32 s3;
	_ =	sdelay $0x1  }
0xa1: {  	s23 =	simm.s32 $0x1B8B  }
0xa2: {  	_ =	swait.ge [sflag:s23], $0x1  }
0xa3: {  	[sflag:s23] =	ssyncset.done $0x0  }
0xa4: {  	s25 =	simm.s32 $0x1B8E;
	s24 =	sld [smem:$0x3FFE];
	[sflag:s23] =	ssyncadd.s32 $0xFFFFFFFF  }
0xa5: {  	s26 =	simm.s32 $execute0_lowered;
	[smem:$0x3FD2] =	sst s25  }
0xa6: {  	s4 =	sshll.u32 s26, $0x1;
	_ =	strace $0x80000049;
	[dreg:$0x1] =	wrdreg $0xFFFFFFFF  }
0xa7: {  	s28 =	simm.s32 $_size_execute0_lowered;
	s2 =	sadd.s32 s2, s4;
	[dreg:$0x0] =	wrdreg $0x0  }
0xa8: {  	s4 =	sshll.u32 s28, $0x1;
	[dreg:$0x2] =	wrdreg s2  }
0xa9: {  	[dreg:$0x3] =	wrdreg s4  }
0xaa: {  	[dreg:$0x4] =	wrdreg $0xC0  }
0xab: {  	_ =	task [dreg:s6], $0x5FFFF  }
0xac: {  	[dreg:$0x1] =	wrdreg $0xFFFFFFFF  }
0xad: {  	[dreg:$0x0] =	wrdreg $0x60  }
0xae: {  	[dreg:$0x2] =	wrdreg s24  }
0xaf: {  	[dreg:$0x3] =	wrdreg $0x8E800  }
0xb0: {  	[dreg:$0x4] =	wrdreg $0x9  }
0xb1: {  	_ =	task.clear_ibuf [dreg:s6], $0x5FFFF;
	_ =	strace $0x90000049  }
0xb2: {  	s29 =	simm.s32 $0x9;
	_ =	strace $0x8000004B  }
0xb3: {  	_ =	swait.ge [sflag:s29], $0x1  }
0xb4: {  	[sflag:s29] =	ssyncadd.s32 $0xFFFFFFFF  }
0xb5: {  	_ =	strace $0x9000004B  }
0xb6: {  	_ =	sfence  }
0xb7: {  	s30 =	sld [smem:$0x0];
	_ =	sdelay $0x2  }
0xb8: {  	s31 =	sshll.u32 s1, $0xD;
	s1 =	sshrl.u32 s1, $0x2  }
0xb9: {  	s3 =	sand.u32 $0x4000, s31;
	s1 =	sadd.s32 s1, s30  }
0xba: {  	s0 =	sor.u32 s3, s0;
	s1 =	sshll.u32 s1, $0x11  }
0xbb: {  	s0 =	sor.u32 s1, s0  }
0xbc: {  	s0 =	sadd.s32 $0x8F2B, s0  }
0xbd: {  	[sflag:s0] =	ssyncadd.remote.s32 $0x1  }
0xbe: {  	_ =	sfence.sel $0xFFFF  }
0xbf: {  	[dreg:$0x0] =	wrdreg $0xFFFFFFFF;
	(pc) =	sbr.abs _section_cstart, $3  }
0xc0: {  	[dreg:$0x1] =	wrdreg $0xFFFFFFFF  }
0xc1: {  	_ =	task.clear_ibuf [dreg:s6], $0x2FFFF;
	_ =	strace $0x9FFFFFFF  }
0xc2: {  	(tm) =	ssettm $0x7FFFFFFF  }
0xc3: {  	_ =	shalt  }
tec
execute0_lowered:
.L_overlay_start_1:
0x0: {  	(tag) =	ssettag $0x1  }
0x1: {  	s0 =	srdreg.scid  }
0x2: {  	s11 =	stileid.u32;
	s5 =	rddreg [dreg:$0x0]  }
0x3: {  	s2 =	rddreg [dreg:$0x1];
	s3 =	simm.s32 $0x0;
	s12 =	simm.s32 $0x5  }
0x4: {  	s14 =	simm.s32 $0x7D;
	s15 =	simm.s32 $0x5000;
	s16 =	simm.s32 $0x80  }
0x5: {  	s17 =	simm.s32 $0x5FA0;
	s18 =	simm.s32 $0x100;
	s19 =	simm.s32 $0x6F40  }
0x6: {  	s20 =	simm.s32 $0x180;
	s21 =	simm.s32 $0x7EE0;
	s22 =	simm.s32 $0x1  }
0x7: {  	s23 =	simm.s32 $0x2;
	s24 =	simm.s32 $0x3;
	s28 =	simm.s32 $0x4E80  }
0x8: {  	s29 =	simm.s32 $0x4F00;
	s30 =	simm.s32 $0x4F80;
	s31 =	simm.s32 $0x0  }
0x9: {  	s0 =	sand.u32 $0x1, s0;
	s6 =	smul.u32 $0x5000, s11;
	[smem:$0x7FF] =	sst s3  }
0xa: {  	s4 =	sadd.s32 $0x5C000, s5;
	s25 =	sshll.u32 s11, $0x6;
	s1 =	sshll.u32 s0, $0x4  }
0xb: {  	s7 =	smul.u32 $0x50000, s0;
	_ =	strace $0x8000004A;
	s0 =	ssub.s32 $0x2, s0  }
0xc: {  	s1 =	sor.u32 s11, s1;
	s8 =	sshrl.u32 s6, $0x3;
	s9 =	sshrl.u32 s0, $0x1  }
0xd: {  	s26 =	sadd.s32 s6, s2;
	s1 =	smul.u32 $0x2800, s1;
	s7 =	sadd.s32 s6, s7  }
0xe: {  	s8 =	sadd.s32 s8, s5;
	s0 =	ssub.s32 s0, s9;
	s6 =	sor.u32 $0x1C05, s25  }
0xf: {  	s11 =	sshrl.u32 s26, $0x3;
	s25 =	simm.s32 $0x4;
	s7 =	sshrl.u32 s7, $0x3  }
0x10: {  	s26 =	simm.s32 $0x4E00;
	s1 =	sshrl.u32 s1, $0x3;
	s10 =	sadd.s32 s7, s5  }
0x11: {  	s1 =	sadd.s32 s1, s5;
	s5 =	sadd.s32 $0x97200, s8;
	s9 =	sadd.s32 $0xDA00, s10  }
0x12: {  	s10 =	smax.u32 s0, $0x1;
	s7 =	sadd.s32 $0xAC200, s1;
	s8 =	sadd.s32 $0xB6200, s1  }
.LBB2_1:
0x13: {  	[spmem:s11], [sflag:s6] =	dma.local [hbm:s5], $0xA00  }
0x14: {  	_ =	swait.ge [sflag:s12], $0xA00  }
0x15: {  	[sflag:s12] =	ssyncset.done $0x0  }
0x16: {  	[sflag:s12] =	ssyncadd.s32 $0xFFFFF600  }
0x17: {  	[tilespmem:s3], [sflag:$0x5] =	stream.linear.gather [hbm4b:s7+s3], $0x2800, $0x38;
	[tilespmem:$0xDE80] =	vst v63  }
0x18: {  	_ =	swait.ge [sflag:s12], $0x2800  }
0x19: {  	[sflag:s12] =	ssyncset.done $0x0  }
0x1a: {  	s0 =	simm.s32 $0x2800;
	[sflag:s12] =	ssyncadd.s32 $0xFFFFD800  }
0x1b: {  	[tilespmem:s0], [sflag:$0x5] =	stream.linear.gather [hbm4b:s8+s3], $0x2800, $0x38;
	[tilespmem:$0xDE80] =	vst v63  }
0x1c: {  	_ =	swait.ge [sflag:s12], $0x2800  }
0x1d: {  	[sflag:s12] =	ssyncset.done $0x0  }
0x1e: {  	[sflag:s12] =	ssyncadd.s32 $0xFFFFD800  }
0x1f: {  	[tilespmem:s15], [sflag:$0x1] =	stream.indirect.gather [hbm4b:s4+s14], $0x20, s3, s14, $0xb8;
	[tilespmem:$0xDE80] =	vst v63  }
0x20: {  	_ = 	snop  }
0x21: {  	[tilespmem:s17], [sflag:$0x2] =	stream.indirect.gather [hbm4b:s4+s14], $0x20, s16, s14, $0xb8;
	[tilespmem:$0xDE80] =	vst v63  }
0x22: {  	_ = 	snop  }
0x23: {  	[tilespmem:s19], [sflag:$0x3] =	stream.indirect.gather [hbm4b:s4+s14], $0x20, s18, s14, $0xb8;
	[tilespmem:$0xDE80] =	vst v63  }
0x24: {  	_ = 	snop  }
0x25: {  	[tilespmem:s21], [sflag:$0x4] =	stream.indirect.gather [hbm4b:s4+s14], $0x20, s20, s14, $0xb8;
	[tilespmem:$0xDE80] =	vst v63  }
0x26: {  	[bflag:$0x0] =	sbarrier.arrive $0xFFFF  }
0x27: {  	_ =	swait.ge [sflag:s22], $0xFA0  }
0x28: {  	[sflag:s22] =	ssyncset.done $0x0  }
0x29: {  	s13 =	simm.s32 $0x2800;
	[sflag:s22] =	ssyncadd.s32 $0xFFFFF060  }
0x2a: {  	[spmem:s2] =	stream.indirect.scatter.add.f32 [tilespmem:s15], [sflag:$0x5], $0x20, s13, s14, $0xb8;
	[tilespmem:$0xDE80] =	vst v63  }
0x2b: {  	_ =	swait.ge [sflag:s12], $0xFA0  }
0x2c: {  	[sflag:s12] =	ssyncset.done $0x0  }
0x2d: {  	s1 =	simm.s32 $0x200;
	[sflag:s12] =	ssyncadd.s32 $0xFFFFF060  }
0x2e: {  	[tilespmem:s15], [sflag:$0x1] =	stream.indirect.gather [hbm4b:s4+s14], $0x20, s1, s14, $0xb8;
	[tilespmem:$0xDE80] =	vst v63  }
0x2f: {  	_ =	swait.ge [sflag:s23], $0xFA0  }
0x30: {  	[sflag:s23] =	ssyncset.done $0x0  }
0x31: {  	s13 =	simm.s32 $0x2880;
	[sflag:s23] =	ssyncadd.s32 $0xFFFFF060  }
0x32: {  	[spmem:s2] =	stream.indirect.scatter.add.f32 [tilespmem:s17], [sflag:$0x5], $0x20, s13, s14, $0xb8;
	[tilespmem:$0xDE80] =	vst v63  }
0x33: {  	_ =	swait.ge [sflag:s12], $0xFA0  }
0x34: {  	[sflag:s12] =	ssyncset.done $0x0  }
0x35: {  	s1 =	simm.s32 $0x280;
	[sflag:s12] =	ssyncadd.s32 $0xFFFFF060  }
0x36: {  	[tilespmem:s17], [sflag:$0x2] =	stream.indirect.gather [hbm4b:s4+s14], $0x20, s1, s14, $0xb8;
	[tilespmem:$0xDE80] =	vst v63  }
0x37: {  	_ =	swait.ge [sflag:s24], $0xFA0  }
0x38: {  	[sflag:s24] =	ssyncset.done $0x0  }
0x39: {  	s13 =	simm.s32 $0x2900;
	[sflag:s24] =	ssyncadd.s32 $0xFFFFF060  }
0x3a: {  	[spmem:s2] =	stream.indirect.scatter.add.f32 [tilespmem:s19], [sflag:$0x5], $0x20, s13, s14, $0xb8;
	[tilespmem:$0xDE80] =	vst v63  }
0x3b: {  	_ =	swait.ge [sflag:s12], $0xFA0  }
0x3c: {  	[sflag:s12] =	ssyncset.done $0x0  }
0x3d: {  	s1 =	simm.s32 $0x300;
	[sflag:s12] =	ssyncadd.s32 $0xFFFFF060  }
0x3e: {  	[tilespmem:s19], [sflag:$0x3] =	stream.indirect.gather [hbm4b:s4+s14], $0x20, s1, s14, $0xb8;
	[tilespmem:$0xDE80] =	vst v63  }
0x3f: {  	_ =	swait.ge [sflag:s25], $0xFA0  }
0x40: {  	[sflag:s25] =	ssyncset.done $0x0  }
0x41: {  	s13 =	simm.s32 $0x2980;
	[sflag:s25] =	ssyncadd.s32 $0xFFFFF060  }
0x42: {  	[spmem:s2] =	stream.indirect.scatter.add.f32 [tilespmem:s21], [sflag:$0x5], $0x20, s13, s14, $0xb8;
	[tilespmem:$0xDE80] =	vst v63  }
0x43: {  	_ =	swait.ge [sflag:s12], $0xFA0  }
0x44: {  	[sflag:s12] =	ssyncset.done $0x0  }
0x45: {  	s0 =	simm.s32 $0x380;
	s1 =	simm.s32 $0x800;
	[sflag:s12] =	ssyncadd.s32 $0xFFFFF060  }
.LBB2_2:
0x46: {  	[tilespmem:s21], [sflag:$0x4] =	stream.indirect.gather [hbm4b:s4+s14], $0x20, s0, s14, $0xb8;
	[tilespmem:$0xDE80] =	vst v63  }
0x47: {  	s0 =	smov.u32 s1  }
0x48: {  	p0 =	sne.s32 s1, $0x9000;
	s1 =	sadd.s32 $0x800, s1;
	_ =	swait.ge [sflag:s22], $0xFA0  }
0x49: {  	s0 =	sshra.s32 s0, $0x2;
	[sflag:s22] =	ssyncset.done $0x0  }
0x4a: {  	s13 =	sadd.s32 $0x2800, s0;
	[sflag:s22] =	ssyncadd.s32 $0xFFFFF060  }
0x4b: {  	[spmem:s2] =	stream.indirect.scatter.add.f32 [tilespmem:s15], [sflag:$0x5], $0x20, s13, s14, $0xb8;
	[tilespmem:$0xDE80] =	vst v63  }
0x4c: {  	_ =	swait.ge [sflag:s12], $0xFA0  }
0x4d: {  	[sflag:s12] =	ssyncset.done $0x0  }
0x4e: {  	s13 =	sadd.s32 $0x200, s0;
	[sflag:s12] =	ssyncadd.s32 $0xFFFFF060  }
0x4f: {  	[tilespmem:s15], [sflag:$0x1] =	stream.indirect.gather [hbm4b:s4+s14], $0x20, s13, s14, $0xb8;
	[tilespmem:$0xDE80] =	vst v63  }
0x50: {  	_ =	swait.ge [sflag:s23], $0xFA0  }
0x51: {  	[sflag:s23] =	ssyncset.done $0x0  }
0x52: {  	s13 =	sadd.s32 $0x2880, s0;
	[sflag:s23] =	ssyncadd.s32 $0xFFFFF060  }
0x53: {  	[spmem:s2] =	stream.indirect.scatter.add.f32 [tilespmem:s17], [sflag:$0x5], $0x20, s13, s14, $0xb8;
	[tilespmem:$0xDE80] =	vst v63  }
0x54: {  	_ =	swait.ge [sflag:s12], $0xFA0  }
0x55: {  	[sflag:s12] =	ssyncset.done $0x0  }
0x56: {  	s13 =	sadd.s32 $0x280, s0;
	[sflag:s12] =	ssyncadd.s32 $0xFFFFF060  }
0x57: {  	[tilespmem:s17], [sflag:$0x2] =	stream.indirect.gather [hbm4b:s4+s14], $0x20, s13, s14, $0xb8;
	[tilespmem:$0xDE80] =	vst v63  }
0x58: {  	_ =	swait.ge [sflag:s24], $0xFA0  }
0x59: {  	[sflag:s24] =	ssyncset.done $0x0  }
0x5a: {  	s13 =	sadd.s32 $0x2900, s0;
	[sflag:s24] =	ssyncadd.s32 $0xFFFFF060  }
0x5b: {  	[spmem:s2] =	stream.indirect.scatter.add.f32 [tilespmem:s19], [sflag:$0x5], $0x20, s13, s14, $0xb8;
	[tilespmem:$0xDE80] =	vst v63  }
0x5c: {  	_ =	swait.ge [sflag:s12], $0xFA0  }
0x5d: {  	[sflag:s12] =	ssyncset.done $0x0  }
0x5e: {  	s13 =	sadd.s32 $0x300, s0;
	[sflag:s12] =	ssyncadd.s32 $0xFFFFF060  }
0x5f: {  	[tilespmem:s19], [sflag:$0x3] =	stream.indirect.gather [hbm4b:s4+s14], $0x20, s13, s14, $0xb8;
	[tilespmem:$0xDE80] =	vst v63  }
0x60: {  	_ =	swait.ge [sflag:s25], $0xFA0  }
0x61: {  	[sflag:s25] =	ssyncset.done $0x0  }
.Ltmp0:
0x62: {  	s13 =	sadd.s32 $0x2980, s0;
	[sflag:s25] =	ssyncadd.s32 $0xFFFFF060;
	(pc) =	sbr.rel @p0 .LBB2_2-.Ltmp0, $4  }
0x63: {  	[spmem:s2] =	stream.indirect.scatter.add.f32 [tilespmem:s21], [sflag:$0x5], $0x20, s13, s14, $0xb8;
	[tilespmem:$0xDE80] =	vst v63  }
0x64: {  	_ =	swait.ge [sflag:s12], $0xFA0  }
0x65: {  	[sflag:s12] =	ssyncset.done $0x0  }
0x66: {  	s0 =	sadd.s32 $0x380, s0;
	[sflag:s12] =	ssyncadd.s32 $0xFFFFF060  }
0x67: {  	[tilespmem:s21], [sflag:$0x4] =	stream.indirect.gather [hbm4b:s4+s14], $0x20, s0, s14, $0xb8;
	[tilespmem:$0xDE80] =	vst v63  }
0x68: {  	_ =	swait.ge [sflag:s22], $0xFA0  }
0x69: {  	[sflag:s22] =	ssyncset.done $0x0  }
0x6a: {  	[sflag:s22] =	ssyncadd.s32 $0xFFFFF060  }
0x6b: {  	[spmem:s2] =	stream.indirect.scatter.add.f32 [tilespmem:s15], [sflag:$0x5], $0x20, s26, s14, $0xb8;
	[tilespmem:$0xDE80] =	vst v63  }
0x6c: {  	_ =	swait.ge [sflag:s12], $0xFA0  }
0x6d: {  	[sflag:s12] =	ssyncset.done $0x0  }
0x6e: {  	[sflag:s12] =	ssyncadd.s32 $0xFFFFF060  }
0x6f: {  	_ =	swait.ge [sflag:s23], $0xFA0  }
0x70: {  	[sflag:s23] =	ssyncset.done $0x0  }
0x71: {  	[sflag:s23] =	ssyncadd.s32 $0xFFFFF060  }
0x72: {  	[spmem:s2] =	stream.indirect.scatter.add.f32 [tilespmem:s17], [sflag:$0x5], $0x20, s28, s14, $0xb8;
	[tilespmem:$0xDE80] =	vst v63  }
0x73: {  	_ =	swait.ge [sflag:s12], $0xFA0  }
0x74: {  	[sflag:s12] =	ssyncset.done $0x0  }
0x75: {  	[sflag:s12] =	ssyncadd.s32 $0xFFFFF060  }
0x76: {  	_ =	swait.ge [sflag:s24], $0xFA0  }
0x77: {  	[sflag:s24] =	ssyncset.done $0x0  }
0x78: {  	[sflag:s24] =	ssyncadd.s32 $0xFFFFF060  }
0x79: {  	[spmem:s2] =	stream.indirect.scatter.add.f32 [tilespmem:s19], [sflag:$0x5], $0x20, s29, s14, $0xb8;
	[tilespmem:$0xDE80] =	vst v63  }
0x7a: {  	_ =	swait.ge [sflag:s12], $0xFA0  }
0x7b: {  	[sflag:s12] =	ssyncset.done $0x0  }
0x7c: {  	[sflag:s12] =	ssyncadd.s32 $0xFFFFF060  }
0x7d: {  	_ =	swait.ge [sflag:s25], $0xFA0  }
0x7e: {  	[sflag:s25] =	ssyncset.done $0x0  }
0x7f: {  	[sflag:s25] =	ssyncadd.s32 $0xFFFFF060  }
0x80: {  	[spmem:s2] =	stream.indirect.scatter.add.f32 [tilespmem:s21], [sflag:$0x5], $0x20, s30, s14, $0xb8;
	[tilespmem:$0xDE80] =	vst v63  }
0x81: {  	_ =	swait.ge [sflag:s12], $0xFA0  }
0x82: {  	s31 =	sadd.s32 $0x1, s31;
	[sflag:s12] =	ssyncset.done $0x0  }
0x83: {  	p0 =	sne.s32 s31, s10;
	[sflag:s12] =	ssyncadd.s32 $0xFFFFF060  }
.Ltmp1:
0x84: {  	[bflag:$0x0] =	sbarrier.arrive $0xFFFF;
	(pc) =	sbr.rel @p0 .LBB2_1-.Ltmp1, $4  }
0x85: {  	[hbm:s9], [sflag:s6] =	dma.local [spmem:s11], $0xA00  }
0x86: {  	_ =	swait.ge [sflag:s12], $0xA00  }
0x87: {  	[sflag:s12] =	ssyncset.done $0x0  }
0x88: {  	[sflag:s12] =	ssyncadd.s32 $0xFFFFF600  }
0x89: {  	_ =	sfence.sel $0x180000  }
0x8a: {  	[bflag:$0x0] =	sbarrier.arrive $0xFFFF  }
0x8b: {  	_ =	strace $0x9000004A  }
0x8c: {  	s0 =	stileid.u32;
	[bflag:$0x2] =	sbarrier.arrive $0xFFFF  }
0x8d: {  	p0 =	sne.s32 s0, $0x0;
	s0 =	rddreg [dreg:$0x2]  }
0x8e: {  	s0 =	sadd.s32 @!p0 $0x100000, s0  }
0x8f: {  	[sflag:s0] =	ssyncadd.tile.s32 @!p0 $0x1;
	_ =	shalt  }
.Lfunc_end2:
_tile_overlayer_lowered:
.L_overlay_start_2:
0x90: {  	(tag) =	ssettag $0x2  }
0x91: {  	s0 =	rddreg [dreg:$0x0];
	s2 =	stileid.u32  }
0x92: {  	s1 =	rddreg [dreg:$0x1];
	p0 =	sne.s32 s2, $0x0  }
0x93: {  	s3 =	rddreg [dreg:$0x2];
	[bflag:$0x3] =	sbarrier.arrive $0xFFFF;
	s2 =	simm.s32 @!p0 $0x1C05  }
0x94: {  	[timem:s3], [sflag:s2] =	dma.local @!p0 [hbm:s0], s1  }
0x95: {  	s0 =	simm.s32 @!p0 $0x5  }
0x96: {  	_ =	swait.ge @!p0 [sflag:s0], s1  }
0x97: {  	s1 =	ssub.s32 @!p0 $0x0, s1;
	[sflag:s0] =	ssyncset.done @!p0 $0x0  }
0x98: {  	[sflag:s0] =	ssyncadd.s32 @!p0 s1  }
0x99: {  	[bflag:$0x3] =	sbarrier.arrive $0xFFFF  }
0x9a: {  	_ =	shalt  }

// kernel: kernel.23.cloned.1.call-start
scs
__scs_entry_jumppad:
0x0: {  	(pc) =	sbr.rel $0x88, $3  }
0x1: {  	(tag) =	ssettag $0x0;
	lr =	simm.s32 $0x1  }
0x2: {  	[smem:$0x3F55] =	sst lr;
	_ =	strace $0xD0000000  }
0x3: {  	_ = 	snop  }
0x4: {  	_ = 	snop  }
0x5: {  	_ = 	snop  }
0x6: {  	_ = 	snop  }
0x7: {  	_ = 	snop  }
__scs_overlays_trampoline_lowered:
0x8: {  	[smem:$0x3F64] =	sst s0  }
0x9: {  	[smem:$0x3F65] =	sst s1  }
0xa: {  	[smem:$0x3F66] =	sst s2  }
0xb: {  	[smem:$0x3F67] =	sst s3  }
0xc: {  	[smem:$0x3F68] =	sst s4  }
0xd: {  	[smem:$0x3F69] =	sst s5  }
0xe: {  	[smem:$0x3F6A] =	sst s6  }
0xf: {  	[smem:$0x3F6B] =	sst s7  }
0x10: {  	[smem:$0x3F6C] =	sst s8  }
0x11: {  	[smem:$0x3F6D] =	sst s9;
	s0 =	simm.s32 @!p0 $0x0  }
0x12: {  	s1 =	sld [smem:$0x3F53];
	s0 =	simm.s32 @p0 $0x1  }
0x13: {  	[smem:$0x3F6E] =	sst s0;
	s0 =	simm.s32 @!p1 $0x0  }
0x14: {  	s2 =	sld [smem:$0x3F52];
	s0 =	simm.s32 @p1 $0x1  }
0x15: {  	[smem:$0x3F6F] =	sst s0;
	s0 =	simm.s32 @!p2 $0x0  }
0x16: {  	s3 =	sld [smem:$0x3FDB];
	s0 =	simm.s32 @p2 $0x1  }
0x17: {  	s4 =	simm.s32 $0x1BF5;
	[smem:$0x3F71] =	sst s0  }
0x18: {  	s0 =	sld [smem:$0x3F54];
	_ =	swait.ge [sflag:s4], $0x0  }
0x19: {  	s7 =	sld [smem:$0x3F55]  }
0x1a: {  	s8 =	sadd.s32 $0xFFFFE003, lr  }
0x1b: {  	s9 =	sadd.s32 $0xFFFFFEF7, lr;
	s5 =	simm.s32 $0xFFFFFFFF;
	p2 =	slt.u32 s8, $0xFFFFF086  }
0x1c: {  	p1 =	slt.u32 s9, $0xF7A;
	s5 =	simm.s32 @!p2 $0x0  }
0x1d: {  	s5 =	simm.s32 @p1 $0x1;
	p0 =	seq.s32 s7, s2  }
0x1e: {  	s7 =	smul.u32 @!p0 $0xF7A, s2;
	p2 =	seq.s32 @!p0 s5, $0x0  }
0x1f: {  	s9 =	smul.u32 $0xF7A, s1;
	s8 =	simm.s32 @!p0 $0x1BF5;
	p2 =	por !p2, p0  }
0x20: {  	[sflag:s8] =	ssyncset.s32 @!p0 $0xFFFFF086;
	s6 =	sadd.s32 @!p0 s3, s7;
	s7 =	simm.s32 @!p0 $0x108  }
0x21: {  	s3 =	sadd.s32 s3, s9;
	s6 =	sadd.s32 @!p0 $0x88, s6;
	s7 =	simm.s32 @p2 $0x1082  }
0x22: {  	[simem:s7], [sflag:s8] =	dma.local @!p0 [hbm:s6], $0xF7A  }
0x23: {  	s9 =	sor.u32 $0xD0000000, s2;
	s6 =	simm.s32 $0x108;
	_ =	swait.ge @!p0 [sflag:s8], $0x0  }
0x24: {  	s3 =	sadd.s32 $0x88, s3;
	s6 =	simm.s32 @!p1 $0x1082;
	[sflag:s4] =	ssyncset.s32 $0xFFFFF086  }
0x25: {  	[simem:s6], [sflag:s4] =	dma.local [hbm:s3], $0xF7A  }
0x26: {  	[smem:$0x3F55] =	sst s1;
	(tag) =	ssettag s2;
	_ =	strace s9  }
0x27: {  	s1 =	sld [smem:$0x3F65]  }
0x28: {  	s2 =	sld [smem:$0x3F66]  }
0x29: {  	s4 =	sld [smem:$0x3F68]  }
0x2a: {  	p0 =	seq.s32 s5, $0x0;
	s5 =	sld [smem:$0x3F69]  }
0x2b: {  	s6 =	sld [smem:$0x3F6A]  }
0x2c: {  	s7 =	sld [smem:$0x3F6B]  }
0x2d: {  	s3 =	simm.s32 $0x108;
	s8 =	sld [smem:$0x3F6C]  }
0x2e: {  	s3 =	simm.s32 @!p0 $0x1082;
	s9 =	sld [smem:$0x3F6D]  }
0x2f: {  	lr =	sadd.s32 s0, s3;
	s0 =	sld [smem:$0x3F64]  }
0x30: {  	s3 =	sld [smem:$0x3F67]  }
0x31: {  	[smem:$0x3F70] =	sst s10  }
0x32: {  	s10 =	sld [smem:$0x3F6E];
	_ =	sdelay $0x3  }
0x33: {  	p0 =	seq.s32 s10, $0x1;
	s10 =	sld [smem:$0x3F70];
	_ =	sdelay $0x3  }
0x34: {  	[smem:$0x3F70] =	sst s10  }
0x35: {  	s10 =	sld [smem:$0x3F6F];
	_ =	sdelay $0x3  }
0x36: {  	p1 =	seq.s32 s10, $0x1;
	s10 =	sld [smem:$0x3F70];
	_ =	sdelay $0x3  }
0x37: {  	[smem:$0x3F70] =	sst s10  }
0x38: {  	s10 =	sld [smem:$0x3F71]  }
0x39: {  	_ = 	snop;
	(pc) =	sbr.ind lr, $3  }
0x3a: {  	_ = 	snop  }
0x3b: {  	_ = 	snop  }
0x3c: {  	p2 =	seq.s32 s10, $0x1;
	s10 =	sld [smem:$0x3F70]  }
0x3d: {  	_ =	shalt  }
0x3e: {  	_ =	shalt  }
0x3f: {  	_ =	shalt  }
0x40: {  	_ =	shalt  }
0x41: {  	_ =	shalt  }
0x42: {  	_ =	shalt  }
0x43: {  	_ =	shalt  }
0x44: {  	_ =	shalt  }
0x45: {  	_ =	shalt  }
0x46: {  	_ =	shalt  }
0x47: {  	_ =	shalt  }
0x48: {  	_ =	shalt  }
0x49: {  	_ =	shalt  }
0x4a: {  	_ =	shalt  }
0x4b: {  	_ =	shalt  }
0x4c: {  	_ =	shalt  }
0x4d: {  	_ =	shalt  }
0x4e: {  	_ =	shalt  }
0x4f: {  	_ =	shalt  }
0x50: {  	_ =	shalt  }
0x51: {  	_ =	shalt  }
0x52: {  	_ =	shalt  }
0x53: {  	_ =	shalt  }
0x54: {  	_ =	shalt  }
0x55: {  	_ =	shalt  }
0x56: {  	_ =	shalt  }
0x57: {  	_ =	shalt  }
0x58: {  	_ =	shalt  }
0x59: {  	_ =	shalt  }
0x5a: {  	_ =	shalt  }
0x5b: {  	_ =	shalt  }
0x5c: {  	_ =	shalt  }
0x5d: {  	_ =	shalt  }
0x5e: {  	_ =	shalt  }
0x5f: {  	_ =	shalt  }
0x60: {  	_ =	shalt  }
0x61: {  	_ =	shalt  }
0x62: {  	_ =	shalt  }
0x63: {  	_ =	shalt  }
0x64: {  	_ =	shalt  }
0x65: {  	_ =	shalt  }
0x66: {  	_ =	shalt  }
0x67: {  	_ =	shalt  }
0x68: {  	_ =	shalt  }
0x69: {  	_ =	shalt  }
0x6a: {  	_ =	shalt  }
0x6b: {  	_ =	shalt  }
0x6c: {  	_ =	shalt  }
0x6d: {  	_ =	shalt  }
0x6e: {  	_ =	shalt  }
0x6f: {  	_ =	shalt  }
0x70: {  	_ =	shalt  }
0x71: {  	_ =	shalt  }
0x72: {  	_ =	shalt  }
0x73: {  	_ =	shalt  }
0x74: {  	_ =	shalt  }
0x75: {  	_ =	shalt  }
0x76: {  	_ =	shalt  }
0x77: {  	_ =	shalt  }
0x78: {  	_ =	shalt  }
0x79: {  	_ =	shalt  }
0x7a: {  	_ =	shalt  }
0x7b: {  	_ =	shalt  }
0x7c: {  	_ =	shalt  }
0x7d: {  	_ =	shalt  }
0x7e: {  	_ =	shalt  }
0x7f: {  	_ =	shalt  }
0x80: {  	_ =	shalt  }
0x81: {  	_ =	shalt  }
0x82: {  	_ =	shalt  }
0x83: {  	_ =	shalt  }
0x84: {  	_ =	shalt  }
0x85: {  	_ =	shalt  }
0x86: {  	_ =	shalt  }
0x87: {  	_ =	shalt  }
.Lfunc_end0:
.L_simem_size_0:
called_computation.3_lowered:
.L_overlay_start_0:
0x88: {  	s2 =	sld [smem:$0x3FD9]  }
0x89: {  	s3 =	sld [smem:$0x3FFE];
	_ =	sdelay $0x1  }
0x8a: {  	s1 =	srdreg.scid  }
0x8b: {  	s0 =	sand.u32 $0x1, s1  }
0x8c: {  	s16 =	sshll.u32 s0, $0xA;
	s2 =	sadd.s32 s3, s2  }
0x8d: {  	s2 =	sadd.s32 s2, s16  }
0x8e: {  	[smem:$0x3F7C] =	sst s2  }
0x8f: {  	_ = 	snop  }
0x90: {  	(tm) =	ssettm $0x1  }
0x91: {  	s17 =	sld [smem:$0x3FFB];
	_ =	sdelay $0x3  }
0x92: {  	_ =	strace s17  }
0x93: {  	s2 =	sld [smem:$0x3FFC];
	_ =	sdelay $0x3  }
0x94: {  	_ =	strace s2  }
0x95: {  	s2 =	sld [smem:$0x3FFD];
	_ =	sdelay $0x3  }
0x96: {  	_ =	strace s2  }
0x97: {  	_ =	strace $0x8FFFFFFF  }
0x98: {  	s18 =	sld [smem:$0x3FDB];
	_ =	sdelay $0x1  }
0x99: {  	s19 =	simm.s32 $_scs_section_size  }
0x9a: {  	s4 =	simm.s32 $_size__tile_overlayer_lowered;
	s5 =	simm.s32 $_tile_overlayer_lowered  }
0x9b: {  	s22 =	simm.s32 $0x1BFF;
	s21 =	sshll.u32 s5, $0x1;
	s2 =	sadd.s32 s19, s18  }
0x9c: {  	s6 =	simm.s32 $0x0;
	s20 =	sshll.u32 s4, $0x1;
	s4 =	sadd.s32 s21, s2  }
0x9d: {  	[timem:s6], [sflag:s22] =	dma.local [hbm:s4], s20  }
0x9e: {  	_ =	swait.ge [sflag:s22], s20  }
0x9f: {  	s3 =	ssub.s32 $0x0, s20;
	[sflag:s22] =	ssyncset.done $0x0  }
0xa0: {  	[sflag:s22] =	ssyncadd.s32 s3;
	_ =	sdelay $0x1  }
0xa1: {  	s23 =	simm.s32 $0x1B8B  }
0xa2: {  	_ =	swait.ge [sflag:s23], $0x1  }
0xa3: {  	[sflag:s23] =	ssyncset.done $0x0  }
0xa4: {  	s25 =	simm.s32 $0x1B8E;
	s24 =	sld [smem:$0x3FFE];
	[sflag:s23] =	ssyncadd.s32 $0xFFFFFFFF  }
0xa5: {  	s26 =	simm.s32 $execute0_lowered;
	[smem:$0x3FD2] =	sst s25  }
0xa6: {  	s4 =	sshll.u32 s26, $0x1;
	_ =	strace $0x8000004C;
	[dreg:$0x1] =	wrdreg $0xFFFFFFFF  }
0xa7: {  	s28 =	simm.s32 $_size_execute0_lowered;
	s2 =	sadd.s32 s2, s4;
	[dreg:$0x0] =	wrdreg $0x0  }
0xa8: {  	s4 =	sshll.u32 s28, $0x1;
	[dreg:$0x2] =	wrdreg s2  }
0xa9: {  	[dreg:$0x3] =	wrdreg s4  }
0xaa: {  	[dreg:$0x4] =	wrdreg $0xC0  }
0xab: {  	_ =	task [dreg:s6], $0x5FFFF  }
0xac: {  	[dreg:$0x1] =	wrdreg $0xFFFFFFFF  }
0xad: {  	[dreg:$0x0] =	wrdreg $0x60  }
0xae: {  	[dreg:$0x2] =	wrdreg s24  }
0xaf: {  	[dreg:$0x3] =	wrdreg $0x8E800  }
0xb0: {  	[dreg:$0x4] =	wrdreg $0x9  }
0xb1: {  	_ =	task.clear_ibuf [dreg:s6], $0x5FFFF;
	_ =	strace $0x9000004C  }
0xb2: {  	s29 =	simm.s32 $0x9;
	_ =	strace $0x8000004E  }
0xb3: {  	_ =	swait.ge [sflag:s29], $0x1  }
0xb4: {  	[sflag:s29] =	ssyncadd.s32 $0xFFFFFFFF  }
0xb5: {  	_ =	strace $0x9000004E  }
0xb6: {  	_ =	sfence  }
0xb7: {  	s30 =	sld [smem:$0x0];
	_ =	sdelay $0x2  }
0xb8: {  	s31 =	sshll.u32 s1, $0xD;
	s1 =	sshrl.u32 s1, $0x2  }
0xb9: {  	s3 =	sand.u32 $0x4000, s31;
	s1 =	sadd.s32 s1, s30  }
0xba: {  	s0 =	sor.u32 s3, s0;
	s1 =	sshll.u32 s1, $0x11  }
0xbb: {  	s0 =	sor.u32 s1, s0  }
0xbc: {  	s0 =	sadd.s32 $0x8F2B, s0  }
0xbd: {  	[sflag:s0] =	ssyncadd.remote.s32 $0x1  }
0xbe: {  	_ =	sfence.sel $0xFFFF  }
0xbf: {  	[dreg:$0x0] =	wrdreg $0xFFFFFFFF;
	(pc) =	sbr.abs _section_cstart, $3  }
0xc0: {  	[dreg:$0x1] =	wrdreg $0xFFFFFFFF  }
0xc1: {  	_ =	task.clear_ibuf [dreg:s6], $0x2FFFF;
	_ =	strace $0x9FFFFFFF  }
0xc2: {  	(tm) =	ssettm $0x7FFFFFFF  }
0xc3: {  	_ =	shalt  }
tec
execute0_lowered:
.L_overlay_start_1:
0x0: {  	(tag) =	ssettag $0x1  }
0x1: {  	s0 =	srdreg.scid  }
0x2: {  	s11 =	stileid.u32;
	s5 =	rddreg [dreg:$0x0]  }
0x3: {  	s2 =	rddreg [dreg:$0x1];
	s3 =	simm.s32 $0x0;
	s12 =	simm.s32 $0x5  }
0x4: {  	s14 =	simm.s32 $0x7D;
	s15 =	simm.s32 $0x5000;
	s16 =	simm.s32 $0x80  }
0x5: {  	s17 =	simm.s32 $0x5FA0;
	s18 =	simm.s32 $0x100;
	s19 =	simm.s32 $0x6F40  }
0x6: {  	s20 =	simm.s32 $0x180;
	s21 =	simm.s32 $0x7EE0;
	s22 =	simm.s32 $0x1  }
0x7: {  	s23 =	simm.s32 $0x2;
	s24 =	simm.s32 $0x3;
	s28 =	simm.s32 $0x4E80  }
0x8: {  	s29 =	simm.s32 $0x4F00;
	s30 =	simm.s32 $0x4F80;
	s31 =	simm.s32 $0x0  }
0x9: {  	s0 =	sand.u32 $0x1, s0;
	s6 =	smul.u32 $0x5000, s11;
	[smem:$0x7FF] =	sst s3  }
0xa: {  	s4 =	sadd.s32 $0x23A00, s5;
	s25 =	sshll.u32 s11, $0x6;
	s1 =	sshll.u32 s0, $0x4  }
0xb: {  	s7 =	smul.u32 $0x50000, s0;
	_ =	strace $0x8000004D;
	s0 =	ssub.s32 $0x2, s0  }
0xc: {  	s1 =	sor.u32 s11, s1;
	s8 =	sshrl.u32 s6, $0x3;
	s9 =	sshrl.u32 s0, $0x1  }
0xd: {  	s26 =	sadd.s32 s6, s2;
	s1 =	smul.u32 $0x2800, s1;
	s7 =	sadd.s32 s6, s7  }
0xe: {  	s8 =	sadd.s32 s8, s5;
	s0 =	ssub.s32 s0, s9;
	s6 =	sor.u32 $0x1C05, s25  }
0xf: {  	s11 =	sshrl.u32 s26, $0x3;
	s25 =	simm.s32 $0x4;
	s7 =	sshrl.u32 s7, $0x3  }
0x10: {  	s26 =	simm.s32 $0x4E00;
	s1 =	sshrl.u32 s1, $0x3;
	s10 =	sadd.s32 s7, s5  }
0x11: {  	s1 =	sadd.s32 s1, s5;
	s5 =	sadd.s32 $0x97200, s8;
	s9 =	sadd.s32 $0xDA00, s10  }
0x12: {  	s10 =	smax.u32 s0, $0x1;
	s7 =	sadd.s32 $0xAC200, s1;
	s8 =	sadd.s32 $0xB6200, s1  }
.LBB2_1:
0x13: {  	[spmem:s11], [sflag:s6] =	dma.local [hbm:s5], $0xA00  }
0x14: {  	_ =	swait.ge [sflag:s12], $0xA00  }
0x15: {  	[sflag:s12] =	ssyncset.done $0x0  }
0x16: {  	[sflag:s12] =	ssyncadd.s32 $0xFFFFF600  }
0x17: {  	[tilespmem:s3], [sflag:$0x5] =	stream.linear.gather [hbm4b:s7+s3], $0x2800, $0x38;
	[tilespmem:$0xDE80] =	vst v63  }
0x18: {  	_ =	swait.ge [sflag:s12], $0x2800  }
0x19: {  	[sflag:s12] =	ssyncset.done $0x0  }
0x1a: {  	s0 =	simm.s32 $0x2800;
	[sflag:s12] =	ssyncadd.s32 $0xFFFFD800  }
0x1b: {  	[tilespmem:s0], [sflag:$0x5] =	stream.linear.gather [hbm4b:s8+s3], $0x2800, $0x38;
	[tilespmem:$0xDE80] =	vst v63  }
0x1c: {  	_ =	swait.ge [sflag:s12], $0x2800  }
0x1d: {  	[sflag:s12] =	ssyncset.done $0x0  }
0x1e: {  	[sflag:s12] =	ssyncadd.s32 $0xFFFFD800  }
0x1f: {  	[tilespmem:s15], [sflag:$0x1] =	stream.indirect.gather [hbm4b:s4+s14], $0x20, s3, s14, $0xb8;
	[tilespmem:$0xDE80] =	vst v63  }
0x20: {  	_ = 	snop  }
0x21: {  	[tilespmem:s17], [sflag:$0x2] =	stream.indirect.gather [hbm4b:s4+s14], $0x20, s16, s14, $0xb8;
	[tilespmem:$0xDE80] =	vst v63  }
0x22: {  	_ = 	snop  }
0x23: {  	[tilespmem:s19], [sflag:$0x3] =	stream.indirect.gather [hbm4b:s4+s14], $0x20, s18, s14, $0xb8;
	[tilespmem:$0xDE80] =	vst v63  }
0x24: {  	_ = 	snop  }
0x25: {  	[tilespmem:s21], [sflag:$0x4] =	stream.indirect.gather [hbm4b:s4+s14], $0x20, s20, s14, $0xb8;
	[tilespmem:$0xDE80] =	vst v63  }
0x26: {  	[bflag:$0x0] =	sbarrier.arrive $0xFFFF  }
0x27: {  	_ =	swait.ge [sflag:s22], $0xFA0  }
0x28: {  	[sflag:s22] =	ssyncset.done $0x0  }
0x29: {  	s13 =	simm.s32 $0x2800;
	[sflag:s22] =	ssyncadd.s32 $0xFFFFF060  }
0x2a: {  	[spmem:s2] =	stream.indirect.scatter.add.f32 [tilespmem:s15], [sflag:$0x5], $0x20, s13, s14, $0xb8;
	[tilespmem:$0xDE80] =	vst v63  }
0x2b: {  	_ =	swait.ge [sflag:s12], $0xFA0  }
0x2c: {  	[sflag:s12] =	ssyncset.done $0x0  }
0x2d: {  	s1 =	simm.s32 $0x200;
	[sflag:s12] =	ssyncadd.s32 $0xFFFFF060  }
0x2e: {  	[tilespmem:s15], [sflag:$0x1] =	stream.indirect.gather [hbm4b:s4+s14], $0x20, s1, s14, $0xb8;
	[tilespmem:$0xDE80] =	vst v63  }
0x2f: {  	_ =	swait.ge [sflag:s23], $0xFA0  }
0x30: {  	[sflag:s23] =	ssyncset.done $0x0  }
0x31: {  	s13 =	simm.s32 $0x2880;
	[sflag:s23] =	ssyncadd.s32 $0xFFFFF060  }
0x32: {  	[spmem:s2] =	stream.indirect.scatter.add.f32 [tilespmem:s17], [sflag:$0x5], $0x20, s13, s14, $0xb8;
	[tilespmem:$0xDE80] =	vst v63  }
0x33: {  	_ =	swait.ge [sflag:s12], $0xFA0  }
0x34: {  	[sflag:s12] =	ssyncset.done $0x0  }
0x35: {  	s1 =	simm.s32 $0x280;
	[sflag:s12] =	ssyncadd.s32 $0xFFFFF060  }
0x36: {  	[tilespmem:s17], [sflag:$0x2] =	stream.indirect.gather [hbm4b:s4+s14], $0x20, s1, s14, $0xb8;
	[tilespmem:$0xDE80] =	vst v63  }
0x37: {  	_ =	swait.ge [sflag:s24], $0xFA0  }
0x38: {  	[sflag:s24] =	ssyncset.done $0x0  }
0x39: {  	s13 =	simm.s32 $0x2900;
	[sflag:s24] =	ssyncadd.s32 $0xFFFFF060  }
0x3a: {  	[spmem:s2] =	stream.indirect.scatter.add.f32 [tilespmem:s19], [sflag:$0x5], $0x20, s13, s14, $0xb8;
	[tilespmem:$0xDE80] =	vst v63  }
0x3b: {  	_ =	swait.ge [sflag:s12], $0xFA0  }
0x3c: {  	[sflag:s12] =	ssyncset.done $0x0  }
0x3d: {  	s1 =	simm.s32 $0x300;
	[sflag:s12] =	ssyncadd.s32 $0xFFFFF060  }
0x3e: {  	[tilespmem:s19], [sflag:$0x3] =	stream.indirect.gather [hbm4b:s4+s14], $0x20, s1, s14, $0xb8;
	[tilespmem:$0xDE80] =	vst v63  }
0x3f: {  	_ =	swait.ge [sflag:s25], $0xFA0  }
0x40: {  	[sflag:s25] =	ssyncset.done $0x0  }
0x41: {  	s13 =	simm.s32 $0x2980;
	[sflag:s25] =	ssyncadd.s32 $0xFFFFF060  }
0x42: {  	[spmem:s2] =	stream.indirect.scatter.add.f32 [tilespmem:s21], [sflag:$0x5], $0x20, s13, s14, $0xb8;
	[tilespmem:$0xDE80] =	vst v63  }
0x43: {  	_ =	swait.ge [sflag:s12], $0xFA0  }
0x44: {  	[sflag:s12] =	ssyncset.done $0x0  }
0x45: {  	s0 =	simm.s32 $0x380;
	s1 =	simm.s32 $0x800;
	[sflag:s12] =	ssyncadd.s32 $0xFFFFF060  }
.LBB2_2:
0x46: {  	[tilespmem:s21], [sflag:$0x4] =	stream.indirect.gather [hbm4b:s4+s14], $0x20, s0, s14, $0xb8;
	[tilespmem:$0xDE80] =	vst v63  }
0x47: {  	s0 =	smov.u32 s1  }
0x48: {  	p0 =	sne.s32 s1, $0x9000;
	s1 =	sadd.s32 $0x800, s1;
	_ =	swait.ge [sflag:s22], $0xFA0  }
0x49: {  	s0 =	sshra.s32 s0, $0x2;
	[sflag:s22] =	ssyncset.done $0x0  }
0x4a: {  	s13 =	sadd.s32 $0x2800, s0;
	[sflag:s22] =	ssyncadd.s32 $0xFFFFF060  }
0x4b: {  	[spmem:s2] =	stream.indirect.scatter.add.f32 [tilespmem:s15], [sflag:$0x5], $0x20, s13, s14, $0xb8;
	[tilespmem:$0xDE80] =	vst v63  }
0x4c: {  	_ =	swait.ge [sflag:s12], $0xFA0  }
0x4d: {  	[sflag:s12] =	ssyncset.done $0x0  }
0x4e: {  	s13 =	sadd.s32 $0x200, s0;
	[sflag:s12] =	ssyncadd.s32 $0xFFFFF060  }
0x4f: {  	[tilespmem:s15], [sflag:$0x1] =	stream.indirect.gather [hbm4b:s4+s14], $0x20, s13, s14, $0xb8;
	[tilespmem:$0xDE80] =	vst v63  }
0x50: {  	_ =	swait.ge [sflag:s23], $0xFA0  }
0x51: {  	[sflag:s23] =	ssyncset.done $0x0  }
0x52: {  	s13 =	sadd.s32 $0x2880, s0;
	[sflag:s23] =	ssyncadd.s32 $0xFFFFF060  }
0x53: {  	[spmem:s2] =	stream.indirect.scatter.add.f32 [tilespmem:s17], [sflag:$0x5], $0x20, s13, s14, $0xb8;
	[tilespmem:$0xDE80] =	vst v63  }
0x54: {  	_ =	swait.ge [sflag:s12], $0xFA0  }
0x55: {  	[sflag:s12] =	ssyncset.done $0x0  }
0x56: {  	s13 =	sadd.s32 $0x280, s0;
	[sflag:s12] =	ssyncadd.s32 $0xFFFFF060  }
0x57: {  	[tilespmem:s17], [sflag:$0x2] =	stream.indirect.gather [hbm4b:s4+s14], $0x20, s13, s14, $0xb8;
	[tilespmem:$0xDE80] =	vst v63  }
0x58: {  	_ =	swait.ge [sflag:s24], $0xFA0  }
0x59: {  	[sflag:s24] =	ssyncset.done $0x0  }
0x5a: {  	s13 =	sadd.s32 $0x2900, s0;
	[sflag:s24] =	ssyncadd.s32 $0xFFFFF060  }
0x5b: {  	[spmem:s2] =	stream.indirect.scatter.add.f32 [tilespmem:s19], [sflag:$0x5], $0x20, s13, s14, $0xb8;
	[tilespmem:$0xDE80] =	vst v63  }
0x5c: {  	_ =	swait.ge [sflag:s12], $0xFA0  }
0x5d: {  	[sflag:s12] =	ssyncset.done $0x0  }
0x5e: {  	s13 =	sadd.s32 $0x300, s0;
	[sflag:s12] =	ssyncadd.s32 $0xFFFFF060  }
0x5f: {  	[tilespmem:s19], [sflag:$0x3] =	stream.indirect.gather [hbm4b:s4+s14], $0x20, s13, s14, $0xb8;
	[tilespmem:$0xDE80] =	vst v63  }
0x60: {  	_ =	swait.ge [sflag:s25], $0xFA0  }
0x61: {  	[sflag:s25] =	ssyncset.done $0x0  }
.Ltmp0:
0x62: {  	s13 =	sadd.s32 $0x2980, s0;
	[sflag:s25] =	ssyncadd.s32 $0xFFFFF060;
	(pc) =	sbr.rel @p0 .LBB2_2-.Ltmp0, $4  }
0x63: {  	[spmem:s2] =	stream.indirect.scatter.add.f32 [tilespmem:s21], [sflag:$0x5], $0x20, s13, s14, $0xb8;
	[tilespmem:$0xDE80] =	vst v63  }
0x64: {  	_ =	swait.ge [sflag:s12], $0xFA0  }
0x65: {  	[sflag:s12] =	ssyncset.done $0x0  }
0x66: {  	s0 =	sadd.s32 $0x380, s0;
	[sflag:s12] =	ssyncadd.s32 $0xFFFFF060  }
0x67: {  	[tilespmem:s21], [sflag:$0x4] =	stream.indirect.gather [hbm4b:s4+s14], $0x20, s0, s14, $0xb8;
	[tilespmem:$0xDE80] =	vst v63  }
0x68: {  	_ =	swait.ge [sflag:s22], $0xFA0  }
0x69: {  	[sflag:s22] =	ssyncset.done $0x0  }
0x6a: {  	[sflag:s22] =	ssyncadd.s32 $0xFFFFF060  }
0x6b: {  	[spmem:s2] =	stream.indirect.scatter.add.f32 [tilespmem:s15], [sflag:$0x5], $0x20, s26, s14, $0xb8;
	[tilespmem:$0xDE80] =	vst v63  }
0x6c: {  	_ =	swait.ge [sflag:s12], $0xFA0  }
0x6d: {  	[sflag:s12] =	ssyncset.done $0x0  }
0x6e: {  	[sflag:s12] =	ssyncadd.s32 $0xFFFFF060  }
0x6f: {  	_ =	swait.ge [sflag:s23], $0xFA0  }
0x70: {  	[sflag:s23] =	ssyncset.done $0x0  }
0x71: {  	[sflag:s23] =	ssyncadd.s32 $0xFFFFF060  }
0x72: {  	[spmem:s2] =	stream.indirect.scatter.add.f32 [tilespmem:s17], [sflag:$0x5], $0x20, s28, s14, $0xb8;
	[tilespmem:$0xDE80] =	vst v63  }
0x73: {  	_ =	swait.ge [sflag:s12], $0xFA0  }
0x74: {  	[sflag:s12] =	ssyncset.done $0x0  }
0x75: {  	[sflag:s12] =	ssyncadd.s32 $0xFFFFF060  }
0x76: {  	_ =	swait.ge [sflag:s24], $0xFA0  }
0x77: {  	[sflag:s24] =	ssyncset.done $0x0  }
0x78: {  	[sflag:s24] =	ssyncadd.s32 $0xFFFFF060  }
0x79: {  	[spmem:s2] =	stream.indirect.scatter.add.f32 [tilespmem:s19], [sflag:$0x5], $0x20, s29, s14, $0xb8;
	[tilespmem:$0xDE80] =	vst v63  }
0x7a: {  	_ =	swait.ge [sflag:s12], $0xFA0  }
0x7b: {  	[sflag:s12] =	ssyncset.done $0x0  }
0x7c: {  	[sflag:s12] =	ssyncadd.s32 $0xFFFFF060  }
0x7d: {  	_ =	swait.ge [sflag:s25], $0xFA0  }
0x7e: {  	[sflag:s25] =	ssyncset.done $0x0  }
0x7f: {  	[sflag:s25] =	ssyncadd.s32 $0xFFFFF060  }
0x80: {  	[spmem:s2] =	stream.indirect.scatter.add.f32 [tilespmem:s21], [sflag:$0x5], $0x20, s30, s14, $0xb8;
	[tilespmem:$0xDE80] =	vst v63  }
0x81: {  	_ =	swait.ge [sflag:s12], $0xFA0  }
0x82: {  	s31 =	sadd.s32 $0x1, s31;
	[sflag:s12] =	ssyncset.done $0x0  }
0x83: {  	p0 =	sne.s32 s31, s10;
	[sflag:s12] =	ssyncadd.s32 $0xFFFFF060  }
.Ltmp1:
0x84: {  	[bflag:$0x0] =	sbarrier.arrive $0xFFFF;
	(pc) =	sbr.rel @p0 .LBB2_1-.Ltmp1, $4  }
0x85: {  	[hbm:s9], [sflag:s6] =	dma.local [spmem:s11], $0xA00  }
0x86: {  	_ =	swait.ge [sflag:s12], $0xA00  }
0x87: {  	[sflag:s12] =	ssyncset.done $0x0  }
0x88: {  	[sflag:s12] =	ssyncadd.s32 $0xFFFFF600  }
0x89: {  	_ =	sfence.sel $0x180000  }
0x8a: {  	[bflag:$0x0] =	sbarrier.arrive $0xFFFF  }
0x8b: {  	_ =	strace $0x9000004D  }
0x8c: {  	s0 =	stileid.u32;
	[bflag:$0x2] =	sbarrier.arrive $0xFFFF  }
0x8d: {  	p0 =	sne.s32 s0, $0x0;
	s0 =	rddreg [dreg:$0x2]  }
0x8e: {  	s0 =	sadd.s32 @!p0 $0x100000, s0  }
0x8f: {  	[sflag:s0] =	ssyncadd.tile.s32 @!p0 $0x1;
	_ =	shalt  }
.Lfunc_end2:
_tile_overlayer_lowered:
.L_overlay_start_2:
0x90: {  	(tag) =	ssettag $0x2  }
0x91: {  	s0 =	rddreg [dreg:$0x0];
	s2 =	stileid.u32  }
0x92: {  	s1 =	rddreg [dreg:$0x1];
	p0 =	sne.s32 s2, $0x0  }
0x93: {  	s3 =	rddreg [dreg:$0x2];
	[bflag:$0x3] =	sbarrier.arrive $0xFFFF;
	s2 =	simm.s32 @!p0 $0x1C05  }
0x94: {  	[timem:s3], [sflag:s2] =	dma.local @!p0 [hbm:s0], s1  }
0x95: {  	s0 =	simm.s32 @!p0 $0x5  }
0x96: {  	_ =	swait.ge @!p0 [sflag:s0], s1  }
0x97: {  	s1 =	ssub.s32 @!p0 $0x0, s1;
	[sflag:s0] =	ssyncset.done @!p0 $0x0  }
0x98: {  	[sflag:s0] =	ssyncadd.s32 @!p0 s1  }
0x99: {  	[bflag:$0x3] =	sbarrier.arrive $0xFFFF  }
0x9a: {  	_ =	shalt  }

// kernel: kernel.26.cloned.1.call-start
scs
__scs_entry_jumppad:
0x0: {  	(pc) =	sbr.rel $0x88, $3  }
0x1: {  	(tag) =	ssettag $0x0;
	lr =	simm.s32 $0x1  }
0x2: {  	[smem:$0x3F55] =	sst lr;
	_ =	strace $0xD0000000  }
0x3: {  	_ = 	snop  }
0x4: {  	_ = 	snop  }
0x5: {  	_ = 	snop  }
0x6: {  	_ = 	snop  }
0x7: {  	_ = 	snop  }
__scs_overlays_trampoline_lowered:
0x8: {  	[smem:$0x3F64] =	sst s0  }
0x9: {  	[smem:$0x3F65] =	sst s1  }
0xa: {  	[smem:$0x3F66] =	sst s2  }
0xb: {  	[smem:$0x3F67] =	sst s3  }
0xc: {  	[smem:$0x3F68] =	sst s4  }
0xd: {  	[smem:$0x3F69] =	sst s5  }
0xe: {  	[smem:$0x3F6A] =	sst s6  }
0xf: {  	[smem:$0x3F6B] =	sst s7  }
0x10: {  	[smem:$0x3F6C] =	sst s8  }
0x11: {  	[smem:$0x3F6D] =	sst s9;
	s0 =	simm.s32 @!p0 $0x0  }
0x12: {  	s1 =	sld [smem:$0x3F53];
	s0 =	simm.s32 @p0 $0x1  }
0x13: {  	[smem:$0x3F6E] =	sst s0;
	s0 =	simm.s32 @!p1 $0x0  }
0x14: {  	s2 =	sld [smem:$0x3F52];
	s0 =	simm.s32 @p1 $0x1  }
0x15: {  	[smem:$0x3F6F] =	sst s0;
	s0 =	simm.s32 @!p2 $0x0  }
0x16: {  	s3 =	sld [smem:$0x3FDB];
	s0 =	simm.s32 @p2 $0x1  }
0x17: {  	s4 =	simm.s32 $0x1BF5;
	[smem:$0x3F71] =	sst s0  }
0x18: {  	s0 =	sld [smem:$0x3F54];
	_ =	swait.ge [sflag:s4], $0x0  }
0x19: {  	s7 =	sld [smem:$0x3F55]  }
0x1a: {  	s8 =	sadd.s32 $0xFFFFE003, lr  }
0x1b: {  	s9 =	sadd.s32 $0xFFFFFEF7, lr;
	s5 =	simm.s32 $0xFFFFFFFF;
	p2 =	slt.u32 s8, $0xFFFFF086  }
0x1c: {  	p1 =	slt.u32 s9, $0xF7A;
	s5 =	simm.s32 @!p2 $0x0  }
0x1d: {  	s5 =	simm.s32 @p1 $0x1;
	p0 =	seq.s32 s7, s2  }
0x1e: {  	s7 =	smul.u32 @!p0 $0xF7A, s2;
	p2 =	seq.s32 @!p0 s5, $0x0  }
0x1f: {  	s9 =	smul.u32 $0xF7A, s1;
	s8 =	simm.s32 @!p0 $0x1BF5;
	p2 =	por !p2, p0  }
0x20: {  	[sflag:s8] =	ssyncset.s32 @!p0 $0xFFFFF086;
	s6 =	sadd.s32 @!p0 s3, s7;
	s7 =	simm.s32 @!p0 $0x108  }
0x21: {  	s3 =	sadd.s32 s3, s9;
	s6 =	sadd.s32 @!p0 $0x88, s6;
	s7 =	simm.s32 @p2 $0x1082  }
0x22: {  	[simem:s7], [sflag:s8] =	dma.local @!p0 [hbm:s6], $0xF7A  }
0x23: {  	s9 =	sor.u32 $0xD0000000, s2;
	s6 =	simm.s32 $0x108;
	_ =	swait.ge @!p0 [sflag:s8], $0x0  }
0x24: {  	s3 =	sadd.s32 $0x88, s3;
	s6 =	simm.s32 @!p1 $0x1082;
	[sflag:s4] =	ssyncset.s32 $0xFFFFF086  }
0x25: {  	[simem:s6], [sflag:s4] =	dma.local [hbm:s3], $0xF7A  }
0x26: {  	[smem:$0x3F55] =	sst s1;
	(tag) =	ssettag s2;
	_ =	strace s9  }
0x27: {  	s1 =	sld [smem:$0x3F65]  }
0x28: {  	s2 =	sld [smem:$0x3F66]  }
0x29: {  	s4 =	sld [smem:$0x3F68]  }
0x2a: {  	p0 =	seq.s32 s5, $0x0;
	s5 =	sld [smem:$0x3F69]  }
0x2b: {  	s6 =	sld [smem:$0x3F6A]  }
0x2c: {  	s7 =	sld [smem:$0x3F6B]  }
0x2d: {  	s3 =	simm.s32 $0x108;
	s8 =	sld [smem:$0x3F6C]  }
0x2e: {  	s3 =	simm.s32 @!p0 $0x1082;
	s9 =	sld [smem:$0x3F6D]  }
0x2f: {  	lr =	sadd.s32 s0, s3;
	s0 =	sld [smem:$0x3F64]  }
0x30: {  	s3 =	sld [smem:$0x3F67]  }
0x31: {  	[smem:$0x3F70] =	sst s10  }
0x32: {  	s10 =	sld [smem:$0x3F6E];
	_ =	sdelay $0x3  }
0x33: {  	p0 =	seq.s32 s10, $0x1;
	s10 =	sld [smem:$0x3F70];
	_ =	sdelay $0x3  }
0x34: {  	[smem:$0x3F70] =	sst s10  }
0x35: {  	s10 =	sld [smem:$0x3F6F];
	_ =	sdelay $0x3  }
0x36: {  	p1 =	seq.s32 s10, $0x1;
	s10 =	sld [smem:$0x3F70];
	_ =	sdelay $0x3  }
0x37: {  	[smem:$0x3F70] =	sst s10  }
0x38: {  	s10 =	sld [smem:$0x3F71]  }
0x39: {  	_ = 	snop;
	(pc) =	sbr.ind lr, $3  }
0x3a: {  	_ = 	snop  }
0x3b: {  	_ = 	snop  }
0x3c: {  	p2 =	seq.s32 s10, $0x1;
	s10 =	sld [smem:$0x3F70]  }
0x3d: {  	_ =	shalt  }
0x3e: {  	_ =	shalt  }
0x3f: {  	_ =	shalt  }
0x40: {  	_ =	shalt  }
0x41: {  	_ =	shalt  }
0x42: {  	_ =	shalt  }
0x43: {  	_ =	shalt  }
0x44: {  	_ =	shalt  }
0x45: {  	_ =	shalt  }
0x46: {  	_ =	shalt  }
0x47: {  	_ =	shalt  }
0x48: {  	_ =	shalt  }
0x49: {  	_ =	shalt  }
0x4a: {  	_ =	shalt  }
0x4b: {  	_ =	shalt  }
0x4c: {  	_ =	shalt  }
0x4d: {  	_ =	shalt  }
0x4e: {  	_ =	shalt  }
0x4f: {  	_ =	shalt  }
0x50: {  	_ =	shalt  }
0x51: {  	_ =	shalt  }
0x52: {  	_ =	shalt  }
0x53: {  	_ =	shalt  }
0x54: {  	_ =	shalt  }
0x55: {  	_ =	shalt  }
0x56: {  	_ =	shalt  }
0x57: {  	_ =	shalt  }
0x58: {  	_ =	shalt  }
0x59: {  	_ =	shalt  }
0x5a: {  	_ =	shalt  }
0x5b: {  	_ =	shalt  }
0x5c: {  	_ =	shalt  }
0x5d: {  	_ =	shalt  }
0x5e: {  	_ =	shalt  }
0x5f: {  	_ =	shalt  }
0x60: {  	_ =	shalt  }
0x61: {  	_ =	shalt  }
0x62: {  	_ =	shalt  }
0x63: {  	_ =	shalt  }
0x64: {  	_ =	shalt  }
0x65: {  	_ =	shalt  }
0x66: {  	_ =	shalt  }
0x67: {  	_ =	shalt  }
0x68: {  	_ =	shalt  }
0x69: {  	_ =	shalt  }
0x6a: {  	_ =	shalt  }
0x6b: {  	_ =	shalt  }
0x6c: {  	_ =	shalt  }
0x6d: {  	_ =	shalt  }
0x6e: {  	_ =	shalt  }
0x6f: {  	_ =	shalt  }
0x70: {  	_ =	shalt  }
0x71: {  	_ =	shalt  }
0x72: {  	_ =	shalt  }
0x73: {  	_ =	shalt  }
0x74: {  	_ =	shalt  }
0x75: {  	_ =	shalt  }
0x76: {  	_ =	shalt  }
0x77: {  	_ =	shalt  }
0x78: {  	_ =	shalt  }
0x79: {  	_ =	shalt  }
0x7a: {  	_ =	shalt  }
0x7b: {  	_ =	shalt  }
0x7c: {  	_ =	shalt  }
0x7d: {  	_ =	shalt  }
0x7e: {  	_ =	shalt  }
0x7f: {  	_ =	shalt  }
0x80: {  	_ =	shalt  }
0x81: {  	_ =	shalt  }
0x82: {  	_ =	shalt  }
0x83: {  	_ =	shalt  }
0x84: {  	_ =	shalt  }
0x85: {  	_ =	shalt  }
0x86: {  	_ =	shalt  }
0x87: {  	_ =	shalt  }
.Lfunc_end0:
.L_simem_size_0:
called_computation.4_lowered:
.L_overlay_start_0:
0x88: {  	s2 =	sld [smem:$0x3FD9]  }
0x89: {  	s3 =	sld [smem:$0x3FFE];
	_ =	sdelay $0x1  }
0x8a: {  	s1 =	srdreg.scid  }
0x8b: {  	s0 =	sand.u32 $0x1, s1  }
0x8c: {  	s16 =	sshll.u32 s0, $0xA;
	s2 =	sadd.s32 s3, s2  }
0x8d: {  	s2 =	sadd.s32 s2, s16  }
0x8e: {  	[smem:$0x3F7C] =	sst s2  }
0x8f: {  	_ = 	snop  }
0x90: {  	(tm) =	ssettm $0x1  }
0x91: {  	s17 =	sld [smem:$0x3FFB];
	_ =	sdelay $0x3  }
0x92: {  	_ =	strace s17  }
0x93: {  	s2 =	sld [smem:$0x3FFC];
	_ =	sdelay $0x3  }
0x94: {  	_ =	strace s2  }
0x95: {  	s2 =	sld [smem:$0x3FFD];
	_ =	sdelay $0x3  }
0x96: {  	_ =	strace s2  }
0x97: {  	_ =	strace $0x8FFFFFFF  }
0x98: {  	s18 =	sld [smem:$0x3FDB];
	_ =	sdelay $0x1  }
0x99: {  	s19 =	simm.s32 $_scs_section_size  }
0x9a: {  	s4 =	simm.s32 $_size__tile_overlayer_lowered;
	s5 =	simm.s32 $_tile_overlayer_lowered  }
0x9b: {  	s22 =	simm.s32 $0x1BFF;
	s21 =	sshll.u32 s5, $0x1;
	s2 =	sadd.s32 s19, s18  }
0x9c: {  	s6 =	simm.s32 $0x0;
	s20 =	sshll.u32 s4, $0x1;
	s4 =	sadd.s32 s21, s2  }
0x9d: {  	[timem:s6], [sflag:s22] =	dma.local [hbm:s4], s20  }
0x9e: {  	_ =	swait.ge [sflag:s22], s20  }
0x9f: {  	s3 =	ssub.s32 $0x0, s20;
	[sflag:s22] =	ssyncset.done $0x0  }
0xa0: {  	[sflag:s22] =	ssyncadd.s32 s3;
	_ =	sdelay $0x1  }
0xa1: {  	s23 =	simm.s32 $0x1B8B  }
0xa2: {  	_ =	swait.ge [sflag:s23], $0x1  }
0xa3: {  	[sflag:s23] =	ssyncset.done $0x0  }
0xa4: {  	s25 =	simm.s32 $0x1B8E;
	s24 =	sld [smem:$0x3FFE];
	[sflag:s23] =	ssyncadd.s32 $0xFFFFFFFF  }
0xa5: {  	s26 =	simm.s32 $execute0_lowered;
	[smem:$0x3FD2] =	sst s25  }
0xa6: {  	s4 =	sshll.u32 s26, $0x1;
	_ =	strace $0x8000004F;
	[dreg:$0x1] =	wrdreg $0xFFFFFFFF  }
0xa7: {  	s28 =	simm.s32 $_size_execute0_lowered;
	s2 =	sadd.s32 s2, s4;
	[dreg:$0x0] =	wrdreg $0x0  }
0xa8: {  	s4 =	sshll.u32 s28, $0x1;
	[dreg:$0x2] =	wrdreg s2  }
0xa9: {  	[dreg:$0x3] =	wrdreg s4  }
0xaa: {  	[dreg:$0x4] =	wrdreg $0xC0  }
0xab: {  	_ =	task [dreg:s6], $0x5FFFF  }
0xac: {  	[dreg:$0x1] =	wrdreg $0xFFFFFFFF  }
0xad: {  	[dreg:$0x0] =	wrdreg $0x60  }
0xae: {  	[dreg:$0x2] =	wrdreg s24  }
0xaf: {  	[dreg:$0x3] =	wrdreg $0x8E800  }
0xb0: {  	[dreg:$0x4] =	wrdreg $0xA  }
0xb1: {  	_ =	task.clear_ibuf [dreg:s6], $0x5FFFF;
	_ =	strace $0x9000004F  }
0xb2: {  	s29 =	simm.s32 $0xA;
	_ =	strace $0x80000051  }
0xb3: {  	_ =	swait.ge [sflag:s29], $0x1  }
0xb4: {  	[sflag:s29] =	ssyncadd.s32 $0xFFFFFFFF  }
0xb5: {  	_ =	strace $0x90000051  }
0xb6: {  	_ =	sfence  }
0xb7: {  	s30 =	sld [smem:$0x0];
	_ =	sdelay $0x2  }
0xb8: {  	s31 =	sshll.u32 s1, $0xD;
	s1 =	sshrl.u32 s1, $0x2  }
0xb9: {  	s3 =	sand.u32 $0x4000, s31;
	s1 =	sadd.s32 s1, s30  }
0xba: {  	s0 =	sor.u32 s3, s0;
	s1 =	sshll.u32 s1, $0x11  }
0xbb: {  	s0 =	sor.u32 s1, s0  }
0xbc: {  	s0 =	sadd.s32 $0x8F2B, s0  }
0xbd: {  	[sflag:s0] =	ssyncadd.remote.s32 $0x1  }
0xbe: {  	_ =	sfence.sel $0xFFFF  }
0xbf: {  	[dreg:$0x0] =	wrdreg $0xFFFFFFFF;
	(pc) =	sbr.abs _section_cstart, $3  }
0xc0: {  	[dreg:$0x1] =	wrdreg $0xFFFFFFFF  }
0xc1: {  	_ =	task.clear_ibuf [dreg:s6], $0x2FFFF;
	_ =	strace $0x9FFFFFFF  }
0xc2: {  	(tm) =	ssettm $0x7FFFFFFF  }
0xc3: {  	_ =	shalt  }
tec
execute0_lowered:
.L_overlay_start_1:
0x0: {  	(tag) =	ssettag $0x1  }
0x1: {  	s0 =	srdreg.scid  }
0x2: {  	s11 =	stileid.u32;
	s5 =	rddreg [dreg:$0x0]  }
0x3: {  	s2 =	rddreg [dreg:$0x1];
	s3 =	simm.s32 $0x0;
	s12 =	simm.s32 $0x5  }
0x4: {  	s14 =	simm.s32 $0x7D;
	s15 =	simm.s32 $0x5000;
	s16 =	simm.s32 $0x80  }
0x5: {  	s17 =	simm.s32 $0x5FA0;
	s18 =	simm.s32 $0x100;
	s19 =	simm.s32 $0x6F40  }
0x6: {  	s20 =	simm.s32 $0x180;
	s21 =	simm.s32 $0x7EE0;
	s22 =	simm.s32 $0x1  }
0x7: {  	s23 =	simm.s32 $0x2;
	s24 =	simm.s32 $0x3;
	s28 =	simm.s32 $0x4E80  }
0x8: {  	s29 =	simm.s32 $0x4F00;
	s30 =	simm.s32 $0x4F80;
	s31 =	simm.s32 $0x0  }
0x9: {  	s0 =	sand.u32 $0x1, s0;
	s6 =	smul.u32 $0x5000, s11;
	[smem:$0x7FF] =	sst s3  }
0xa: {  	s4 =	sadd.s32 $0x54C00, s5;
	s25 =	sshll.u32 s11, $0x6;
	s1 =	sshll.u32 s0, $0x4  }
0xb: {  	s7 =	smul.u32 $0x50000, s0;
	_ =	strace $0x80000050;
	s0 =	ssub.s32 $0x2, s0  }
0xc: {  	s1 =	sor.u32 s11, s1;
	s8 =	sshrl.u32 s6, $0x3;
	s9 =	sshrl.u32 s0, $0x1  }
0xd: {  	s26 =	sadd.s32 s6, s2;
	s1 =	smul.u32 $0x2800, s1;
	s7 =	sadd.s32 s6, s7  }
0xe: {  	s8 =	sadd.s32 s8, s5;
	s0 =	ssub.s32 s0, s9;
	s6 =	sor.u32 $0x1C05, s25  }
0xf: {  	s11 =	sshrl.u32 s26, $0x3;
	s25 =	simm.s32 $0x4;
	s7 =	sshrl.u32 s7, $0x3  }
0x10: {  	s26 =	simm.s32 $0x4E00;
	s1 =	sshrl.u32 s1, $0x3;
	s10 =	sadd.s32 s7, s5  }
0x11: {  	s1 =	sadd.s32 s1, s5;
	s5 =	sadd.s32 $0x97200, s8;
	s9 =	sadd.s32 $0xDA00, s10  }
0x12: {  	s10 =	smax.u32 s0, $0x1;
	s7 =	sadd.s32 $0xAC200, s1;
	s8 =	sadd.s32 $0xB6200, s1  }
.LBB2_1:
0x13: {  	[spmem:s11], [sflag:s6] =	dma.local [hbm:s5], $0xA00  }
0x14: {  	_ =	swait.ge [sflag:s12], $0xA00  }
0x15: {  	[sflag:s12] =	ssyncset.done $0x0  }
0x16: {  	[sflag:s12] =	ssyncadd.s32 $0xFFFFF600  }
0x17: {  	[tilespmem:s3], [sflag:$0x5] =	stream.linear.gather [hbm4b:s7+s3], $0x2800, $0x38;
	[tilespmem:$0xDE80] =	vst v63  }
0x18: {  	_ =	swait.ge [sflag:s12], $0x2800  }
0x19: {  	[sflag:s12] =	ssyncset.done $0x0  }
0x1a: {  	s0 =	simm.s32 $0x2800;
	[sflag:s12] =	ssyncadd.s32 $0xFFFFD800  }
0x1b: {  	[tilespmem:s0], [sflag:$0x5] =	stream.linear.gather [hbm4b:s8+s3], $0x2800, $0x38;
	[tilespmem:$0xDE80] =	vst v63  }
0x1c: {  	_ =	swait.ge [sflag:s12], $0x2800  }
0x1d: {  	[sflag:s12] =	ssyncset.done $0x0  }
0x1e: {  	[sflag:s12] =	ssyncadd.s32 $0xFFFFD800  }
0x1f: {  	[tilespmem:s15], [sflag:$0x1] =	stream.indirect.gather [hbm4b:s4+s14], $0x20, s3, s14, $0xb8;
	[tilespmem:$0xDE80] =	vst v63  }
0x20: {  	_ = 	snop  }
0x21: {  	[tilespmem:s17], [sflag:$0x2] =	stream.indirect.gather [hbm4b:s4+s14], $0x20, s16, s14, $0xb8;
	[tilespmem:$0xDE80] =	vst v63  }
0x22: {  	_ = 	snop  }
0x23: {  	[tilespmem:s19], [sflag:$0x3] =	stream.indirect.gather [hbm4b:s4+s14], $0x20, s18, s14, $0xb8;
	[tilespmem:$0xDE80] =	vst v63  }
0x24: {  	_ = 	snop  }
0x25: {  	[tilespmem:s21], [sflag:$0x4] =	stream.indirect.gather [hbm4b:s4+s14], $0x20, s20, s14, $0xb8;
	[tilespmem:$0xDE80] =	vst v63  }
0x26: {  	[bflag:$0x0] =	sbarrier.arrive $0xFFFF  }
0x27: {  	_ =	swait.ge [sflag:s22], $0xFA0  }
0x28: {  	[sflag:s22] =	ssyncset.done $0x0  }
0x29: {  	s13 =	simm.s32 $0x2800;
	[sflag:s22] =	ssyncadd.s32 $0xFFFFF060  }
0x2a: {  	[spmem:s2] =	stream.indirect.scatter.add.f32 [tilespmem:s15], [sflag:$0x5], $0x20, s13, s14, $0xb8;
	[tilespmem:$0xDE80] =	vst v63  }
0x2b: {  	_ =	swait.ge [sflag:s12], $0xFA0  }
0x2c: {  	[sflag:s12] =	ssyncset.done $0x0  }
0x2d: {  	s1 =	simm.s32 $0x200;
	[sflag:s12] =	ssyncadd.s32 $0xFFFFF060  }
0x2e: {  	[tilespmem:s15], [sflag:$0x1] =	stream.indirect.gather [hbm4b:s4+s14], $0x20, s1, s14, $0xb8;
	[tilespmem:$0xDE80] =	vst v63  }
0x2f: {  	_ =	swait.ge [sflag:s23], $0xFA0  }
0x30: {  	[sflag:s23] =	ssyncset.done $0x0  }
0x31: {  	s13 =	simm.s32 $0x2880;
	[sflag:s23] =	ssyncadd.s32 $0xFFFFF060  }
0x32: {  	[spmem:s2] =	stream.indirect.scatter.add.f32 [tilespmem:s17], [sflag:$0x5], $0x20, s13, s14, $0xb8;
	[tilespmem:$0xDE80] =	vst v63  }
0x33: {  	_ =	swait.ge [sflag:s12], $0xFA0  }
0x34: {  	[sflag:s12] =	ssyncset.done $0x0  }
0x35: {  	s1 =	simm.s32 $0x280;
	[sflag:s12] =	ssyncadd.s32 $0xFFFFF060  }
0x36: {  	[tilespmem:s17], [sflag:$0x2] =	stream.indirect.gather [hbm4b:s4+s14], $0x20, s1, s14, $0xb8;
	[tilespmem:$0xDE80] =	vst v63  }
0x37: {  	_ =	swait.ge [sflag:s24], $0xFA0  }
0x38: {  	[sflag:s24] =	ssyncset.done $0x0  }
0x39: {  	s13 =	simm.s32 $0x2900;
	[sflag:s24] =	ssyncadd.s32 $0xFFFFF060  }
0x3a: {  	[spmem:s2] =	stream.indirect.scatter.add.f32 [tilespmem:s19], [sflag:$0x5], $0x20, s13, s14, $0xb8;
	[tilespmem:$0xDE80] =	vst v63  }
0x3b: {  	_ =	swait.ge [sflag:s12], $0xFA0  }
0x3c: {  	[sflag:s12] =	ssyncset.done $0x0  }
0x3d: {  	s1 =	simm.s32 $0x300;
	[sflag:s12] =	ssyncadd.s32 $0xFFFFF060  }
0x3e: {  	[tilespmem:s19], [sflag:$0x3] =	stream.indirect.gather [hbm4b:s4+s14], $0x20, s1, s14, $0xb8;
	[tilespmem:$0xDE80] =	vst v63  }
0x3f: {  	_ =	swait.ge [sflag:s25], $0xFA0  }
0x40: {  	[sflag:s25] =	ssyncset.done $0x0  }
0x41: {  	s13 =	simm.s32 $0x2980;
	[sflag:s25] =	ssyncadd.s32 $0xFFFFF060  }
0x42: {  	[spmem:s2] =	stream.indirect.scatter.add.f32 [tilespmem:s21], [sflag:$0x5], $0x20, s13, s14, $0xb8;
	[tilespmem:$0xDE80] =	vst v63  }
0x43: {  	_ =	swait.ge [sflag:s12], $0xFA0  }
0x44: {  	[sflag:s12] =	ssyncset.done $0x0  }
0x45: {  	s0 =	simm.s32 $0x380;
	s1 =	simm.s32 $0x800;
	[sflag:s12] =	ssyncadd.s32 $0xFFFFF060  }
.LBB2_2:
0x46: {  	[tilespmem:s21], [sflag:$0x4] =	stream.indirect.gather [hbm4b:s4+s14], $0x20, s0, s14, $0xb8;
	[tilespmem:$0xDE80] =	vst v63  }
0x47: {  	s0 =	smov.u32 s1  }
0x48: {  	p0 =	sne.s32 s1, $0x9000;
	s1 =	sadd.s32 $0x800, s1;
	_ =	swait.ge [sflag:s22], $0xFA0  }
0x49: {  	s0 =	sshra.s32 s0, $0x2;
	[sflag:s22] =	ssyncset.done $0x0  }
0x4a: {  	s13 =	sadd.s32 $0x2800, s0;
	[sflag:s22] =	ssyncadd.s32 $0xFFFFF060  }
0x4b: {  	[spmem:s2] =	stream.indirect.scatter.add.f32 [tilespmem:s15], [sflag:$0x5], $0x20, s13, s14, $0xb8;
	[tilespmem:$0xDE80] =	vst v63  }
0x4c: {  	_ =	swait.ge [sflag:s12], $0xFA0  }
0x4d: {  	[sflag:s12] =	ssyncset.done $0x0  }
0x4e: {  	s13 =	sadd.s32 $0x200, s0;
	[sflag:s12] =	ssyncadd.s32 $0xFFFFF060  }
0x4f: {  	[tilespmem:s15], [sflag:$0x1] =	stream.indirect.gather [hbm4b:s4+s14], $0x20, s13, s14, $0xb8;
	[tilespmem:$0xDE80] =	vst v63  }
0x50: {  	_ =	swait.ge [sflag:s23], $0xFA0  }
0x51: {  	[sflag:s23] =	ssyncset.done $0x0  }
0x52: {  	s13 =	sadd.s32 $0x2880, s0;
	[sflag:s23] =	ssyncadd.s32 $0xFFFFF060  }
0x53: {  	[spmem:s2] =	stream.indirect.scatter.add.f32 [tilespmem:s17], [sflag:$0x5], $0x20, s13, s14, $0xb8;
	[tilespmem:$0xDE80] =	vst v63  }
0x54: {  	_ =	swait.ge [sflag:s12], $0xFA0  }
0x55: {  	[sflag:s12] =	ssyncset.done $0x0  }
0x56: {  	s13 =	sadd.s32 $0x280, s0;
	[sflag:s12] =	ssyncadd.s32 $0xFFFFF060  }
0x57: {  	[tilespmem:s17], [sflag:$0x2] =	stream.indirect.gather [hbm4b:s4+s14], $0x20, s13, s14, $0xb8;
	[tilespmem:$0xDE80] =	vst v63  }
0x58: {  	_ =	swait.ge [sflag:s24], $0xFA0  }
0x59: {  	[sflag:s24] =	ssyncset.done $0x0  }
0x5a: {  	s13 =	sadd.s32 $0x2900, s0;
	[sflag:s24] =	ssyncadd.s32 $0xFFFFF060  }
0x5b: {  	[spmem:s2] =	stream.indirect.scatter.add.f32 [tilespmem:s19], [sflag:$0x5], $0x20, s13, s14, $0xb8;
	[tilespmem:$0xDE80] =	vst v63  }
0x5c: {  	_ =	swait.ge [sflag:s12], $0xFA0  }
0x5d: {  	[sflag:s12] =	ssyncset.done $0x0  }
0x5e: {  	s13 =	sadd.s32 $0x300, s0;
	[sflag:s12] =	ssyncadd.s32 $0xFFFFF060  }
0x5f: {  	[tilespmem:s19], [sflag:$0x3] =	stream.indirect.gather [hbm4b:s4+s14], $0x20, s13, s14, $0xb8;
	[tilespmem:$0xDE80] =	vst v63  }
0x60: {  	_ =	swait.ge [sflag:s25], $0xFA0  }
0x61: {  	[sflag:s25] =	ssyncset.done $0x0  }
.Ltmp0:
0x62: {  	s13 =	sadd.s32 $0x2980, s0;
	[sflag:s25] =	ssyncadd.s32 $0xFFFFF060;
	(pc) =	sbr.rel @p0 .LBB2_2-.Ltmp0, $4  }
0x63: {  	[spmem:s2] =	stream.indirect.scatter.add.f32 [tilespmem:s21], [sflag:$0x5], $0x20, s13, s14, $0xb8;
	[tilespmem:$0xDE80] =	vst v63  }
0x64: {  	_ =	swait.ge [sflag:s12], $0xFA0  }
0x65: {  	[sflag:s12] =	ssyncset.done $0x0  }
0x66: {  	s0 =	sadd.s32 $0x380, s0;
	[sflag:s12] =	ssyncadd.s32 $0xFFFFF060  }
0x67: {  	[tilespmem:s21], [sflag:$0x4] =	stream.indirect.gather [hbm4b:s4+s14], $0x20, s0, s14, $0xb8;
	[tilespmem:$0xDE80] =	vst v63  }
0x68: {  	_ =	swait.ge [sflag:s22], $0xFA0  }
0x69: {  	[sflag:s22] =	ssyncset.done $0x0  }
0x6a: {  	[sflag:s22] =	ssyncadd.s32 $0xFFFFF060  }
0x6b: {  	[spmem:s2] =	stream.indirect.scatter.add.f32 [tilespmem:s15], [sflag:$0x5], $0x20, s26, s14, $0xb8;
	[tilespmem:$0xDE80] =	vst v63  }
0x6c: {  	_ =	swait.ge [sflag:s12], $0xFA0  }
0x6d: {  	[sflag:s12] =	ssyncset.done $0x0  }
0x6e: {  	[sflag:s12] =	ssyncadd.s32 $0xFFFFF060  }
0x6f: {  	_ =	swait.ge [sflag:s23], $0xFA0  }
0x70: {  	[sflag:s23] =	ssyncset.done $0x0  }
0x71: {  	[sflag:s23] =	ssyncadd.s32 $0xFFFFF060  }
0x72: {  	[spmem:s2] =	stream.indirect.scatter.add.f32 [tilespmem:s17], [sflag:$0x5], $0x20, s28, s14, $0xb8;
	[tilespmem:$0xDE80] =	vst v63  }
0x73: {  	_ =	swait.ge [sflag:s12], $0xFA0  }
0x74: {  	[sflag:s12] =	ssyncset.done $0x0  }
0x75: {  	[sflag:s12] =	ssyncadd.s32 $0xFFFFF060  }
0x76: {  	_ =	swait.ge [sflag:s24], $0xFA0  }
0x77: {  	[sflag:s24] =	ssyncset.done $0x0  }
0x78: {  	[sflag:s24] =	ssyncadd.s32 $0xFFFFF060  }
0x79: {  	[spmem:s2] =	stream.indirect.scatter.add.f32 [tilespmem:s19], [sflag:$0x5], $0x20, s29, s14, $0xb8;
	[tilespmem:$0xDE80] =	vst v63  }
0x7a: {  	_ =	swait.ge [sflag:s12], $0xFA0  }
0x7b: {  	[sflag:s12] =	ssyncset.done $0x0  }
0x7c: {  	[sflag:s12] =	ssyncadd.s32 $0xFFFFF060  }
0x7d: {  	_ =	swait.ge [sflag:s25], $0xFA0  }
0x7e: {  	[sflag:s25] =	ssyncset.done $0x0  }
0x7f: {  	[sflag:s25] =	ssyncadd.s32 $0xFFFFF060  }
0x80: {  	[spmem:s2] =	stream.indirect.scatter.add.f32 [tilespmem:s21], [sflag:$0x5], $0x20, s30, s14, $0xb8;
	[tilespmem:$0xDE80] =	vst v63  }
0x81: {  	_ =	swait.ge [sflag:s12], $0xFA0  }
0x82: {  	s31 =	sadd.s32 $0x1, s31;
	[sflag:s12] =	ssyncset.done $0x0  }
0x83: {  	p0 =	sne.s32 s31, s10;
	[sflag:s12] =	ssyncadd.s32 $0xFFFFF060  }
.Ltmp1:
0x84: {  	[bflag:$0x0] =	sbarrier.arrive $0xFFFF;
	(pc) =	sbr.rel @p0 .LBB2_1-.Ltmp1, $4  }
0x85: {  	[hbm:s9], [sflag:s6] =	dma.local [spmem:s11], $0xA00  }
0x86: {  	_ =	swait.ge [sflag:s12], $0xA00  }
0x87: {  	[sflag:s12] =	ssyncset.done $0x0  }
0x88: {  	[sflag:s12] =	ssyncadd.s32 $0xFFFFF600  }
0x89: {  	_ =	sfence.sel $0x180000  }
0x8a: {  	[bflag:$0x0] =	sbarrier.arrive $0xFFFF  }
0x8b: {  	_ =	strace $0x90000050  }
0x8c: {  	s0 =	stileid.u32;
	[bflag:$0x2] =	sbarrier.arrive $0xFFFF  }
0x8d: {  	p0 =	sne.s32 s0, $0x0;
	s0 =	rddreg [dreg:$0x2]  }
0x8e: {  	s0 =	sadd.s32 @!p0 $0x100000, s0  }
0x8f: {  	[sflag:s0] =	ssyncadd.tile.s32 @!p0 $0x1;
	_ =	shalt  }
.Lfunc_end2:
_tile_overlayer_lowered:
.L_overlay_start_2:
0x90: {  	(tag) =	ssettag $0x2  }
0x91: {  	s0 =	rddreg [dreg:$0x0];
	s2 =	stileid.u32  }
0x92: {  	s1 =	rddreg [dreg:$0x1];
	p0 =	sne.s32 s2, $0x0  }
0x93: {  	s3 =	rddreg [dreg:$0x2];
	[bflag:$0x3] =	sbarrier.arrive $0xFFFF;
	s2 =	simm.s32 @!p0 $0x1C05  }
0x94: {  	[timem:s3], [sflag:s2] =	dma.local @!p0 [hbm:s0], s1  }
0x95: {  	s0 =	simm.s32 @!p0 $0x5  }
0x96: {  	_ =	swait.ge @!p0 [sflag:s0], s1  }
0x97: {  	s1 =	ssub.s32 @!p0 $0x0, s1;
	[sflag:s0] =	ssyncset.done @!p0 $0x0  }
0x98: {  	[sflag:s0] =	ssyncadd.s32 @!p0 s1  }
0x99: {  	[bflag:$0x3] =	sbarrier.arrive $0xFFFF  }
0x9a: {  	_ =	shalt  }

// kernel: kernel.29.cloned.1.call-start
scs
__scs_entry_jumppad:
0x0: {  	(pc) =	sbr.rel $0x88, $3  }
0x1: {  	(tag) =	ssettag $0x0;
	lr =	simm.s32 $0x1  }
0x2: {  	[smem:$0x3F55] =	sst lr;
	_ =	strace $0xD0000000  }
0x3: {  	_ = 	snop  }
0x4: {  	_ = 	snop  }
0x5: {  	_ = 	snop  }
0x6: {  	_ = 	snop  }
0x7: {  	_ = 	snop  }
__scs_overlays_trampoline_lowered:
0x8: {  	[smem:$0x3F64] =	sst s0  }
0x9: {  	[smem:$0x3F65] =	sst s1  }
0xa: {  	[smem:$0x3F66] =	sst s2  }
0xb: {  	[smem:$0x3F67] =	sst s3  }
0xc: {  	[smem:$0x3F68] =	sst s4  }
0xd: {  	[smem:$0x3F69] =	sst s5  }
0xe: {  	[smem:$0x3F6A] =	sst s6  }
0xf: {  	[smem:$0x3F6B] =	sst s7  }
0x10: {  	[smem:$0x3F6C] =	sst s8  }
0x11: {  	[smem:$0x3F6D] =	sst s9;
	s0 =	simm.s32 @!p0 $0x0  }
0x12: {  	s1 =	sld [smem:$0x3F53];
	s0 =	simm.s32 @p0 $0x1  }
0x13: {  	[smem:$0x3F6E] =	sst s0;
	s0 =	simm.s32 @!p1 $0x0  }
0x14: {  	s2 =	sld [smem:$0x3F52];
	s0 =	simm.s32 @p1 $0x1  }
0x15: {  	[smem:$0x3F6F] =	sst s0;
	s0 =	simm.s32 @!p2 $0x0  }
0x16: {  	s3 =	sld [smem:$0x3FDB];
	s0 =	simm.s32 @p2 $0x1  }
0x17: {  	s4 =	simm.s32 $0x1BF5;
	[smem:$0x3F71] =	sst s0  }
0x18: {  	s0 =	sld [smem:$0x3F54];
	_ =	swait.ge [sflag:s4], $0x0  }
0x19: {  	s7 =	sld [smem:$0x3F55]  }
0x1a: {  	s8 =	sadd.s32 $0xFFFFE003, lr  }
0x1b: {  	s9 =	sadd.s32 $0xFFFFFEF7, lr;
	s5 =	simm.s32 $0xFFFFFFFF;
	p2 =	slt.u32 s8, $0xFFFFF086  }
0x1c: {  	p1 =	slt.u32 s9, $0xF7A;
	s5 =	simm.s32 @!p2 $0x0  }
0x1d: {  	s5 =	simm.s32 @p1 $0x1;
	p0 =	seq.s32 s7, s2  }
0x1e: {  	s7 =	smul.u32 @!p0 $0xF7A, s2;
	p2 =	seq.s32 @!p0 s5, $0x0  }
0x1f: {  	s9 =	smul.u32 $0xF7A, s1;
	s8 =	simm.s32 @!p0 $0x1BF5;
	p2 =	por !p2, p0  }
0x20: {  	[sflag:s8] =	ssyncset.s32 @!p0 $0xFFFFF086;
	s6 =	sadd.s32 @!p0 s3, s7;
	s7 =	simm.s32 @!p0 $0x108  }
0x21: {  	s3 =	sadd.s32 s3, s9;
	s6 =	sadd.s32 @!p0 $0x88, s6;
	s7 =	simm.s32 @p2 $0x1082  }
0x22: {  	[simem:s7], [sflag:s8] =	dma.local @!p0 [hbm:s6], $0xF7A  }
0x23: {  	s9 =	sor.u32 $0xD0000000, s2;
	s6 =	simm.s32 $0x108;
	_ =	swait.ge @!p0 [sflag:s8], $0x0  }
0x24: {  	s3 =	sadd.s32 $0x88, s3;
	s6 =	simm.s32 @!p1 $0x1082;
	[sflag:s4] =	ssyncset.s32 $0xFFFFF086  }
0x25: {  	[simem:s6], [sflag:s4] =	dma.local [hbm:s3], $0xF7A  }
0x26: {  	[smem:$0x3F55] =	sst s1;
	(tag) =	ssettag s2;
	_ =	strace s9  }
0x27: {  	s1 =	sld [smem:$0x3F65]  }
0x28: {  	s2 =	sld [smem:$0x3F66]  }
0x29: {  	s4 =	sld [smem:$0x3F68]  }
0x2a: {  	p0 =	seq.s32 s5, $0x0;
	s5 =	sld [smem:$0x3F69]  }
0x2b: {  	s6 =	sld [smem:$0x3F6A]  }
0x2c: {  	s7 =	sld [smem:$0x3F6B]  }
0x2d: {  	s3 =	simm.s32 $0x108;
	s8 =	sld [smem:$0x3F6C]  }
0x2e: {  	s3 =	simm.s32 @!p0 $0x1082;
	s9 =	sld [smem:$0x3F6D]  }
0x2f: {  	lr =	sadd.s32 s0, s3;
	s0 =	sld [smem:$0x3F64]  }
0x30: {  	s3 =	sld [smem:$0x3F67]  }
0x31: {  	[smem:$0x3F70] =	sst s10  }
0x32: {  	s10 =	sld [smem:$0x3F6E];
	_ =	sdelay $0x3  }
0x33: {  	p0 =	seq.s32 s10, $0x1;
	s10 =	sld [smem:$0x3F70];
	_ =	sdelay $0x3  }
0x34: {  	[smem:$0x3F70] =	sst s10  }
0x35: {  	s10 =	sld [smem:$0x3F6F];
	_ =	sdelay $0x3  }
0x36: {  	p1 =	seq.s32 s10, $0x1;
	s10 =	sld [smem:$0x3F70];
	_ =	sdelay $0x3  }
0x37: {  	[smem:$0x3F70] =	sst s10  }
0x38: {  	s10 =	sld [smem:$0x3F71]  }
0x39: {  	_ = 	snop;
	(pc) =	sbr.ind lr, $3  }
0x3a: {  	_ = 	snop  }
0x3b: {  	_ = 	snop  }
0x3c: {  	p2 =	seq.s32 s10, $0x1;
	s10 =	sld [smem:$0x3F70]  }
0x3d: {  	_ =	shalt  }
0x3e: {  	_ =	shalt  }
0x3f: {  	_ =	shalt  }
0x40: {  	_ =	shalt  }
0x41: {  	_ =	shalt  }
0x42: {  	_ =	shalt  }
0x43: {  	_ =	shalt  }
0x44: {  	_ =	shalt  }
0x45: {  	_ =	shalt  }
0x46: {  	_ =	shalt  }
0x47: {  	_ =	shalt  }
0x48: {  	_ =	shalt  }
0x49: {  	_ =	shalt  }
0x4a: {  	_ =	shalt  }
0x4b: {  	_ =	shalt  }
0x4c: {  	_ =	shalt  }
0x4d: {  	_ =	shalt  }
0x4e: {  	_ =	shalt  }
0x4f: {  	_ =	shalt  }
0x50: {  	_ =	shalt  }
0x51: {  	_ =	shalt  }
0x52: {  	_ =	shalt  }
0x53: {  	_ =	shalt  }
0x54: {  	_ =	shalt  }
0x55: {  	_ =	shalt  }
0x56: {  	_ =	shalt  }
0x57: {  	_ =	shalt  }
0x58: {  	_ =	shalt  }
0x59: {  	_ =	shalt  }
0x5a: {  	_ =	shalt  }
0x5b: {  	_ =	shalt  }
0x5c: {  	_ =	shalt  }
0x5d: {  	_ =	shalt  }
0x5e: {  	_ =	shalt  }
0x5f: {  	_ =	shalt  }
0x60: {  	_ =	shalt  }
0x61: {  	_ =	shalt  }
0x62: {  	_ =	shalt  }
0x63: {  	_ =	shalt  }
0x64: {  	_ =	shalt  }
0x65: {  	_ =	shalt  }
0x66: {  	_ =	shalt  }
0x67: {  	_ =	shalt  }
0x68: {  	_ =	shalt  }
0x69: {  	_ =	shalt  }
0x6a: {  	_ =	shalt  }
0x6b: {  	_ =	shalt  }
0x6c: {  	_ =	shalt  }
0x6d: {  	_ =	shalt  }
0x6e: {  	_ =	shalt  }
0x6f: {  	_ =	shalt  }
0x70: {  	_ =	shalt  }
0x71: {  	_ =	shalt  }
0x72: {  	_ =	shalt  }
0x73: {  	_ =	shalt  }
0x74: {  	_ =	shalt  }
0x75: {  	_ =	shalt  }
0x76: {  	_ =	shalt  }
0x77: {  	_ =	shalt  }
0x78: {  	_ =	shalt  }
0x79: {  	_ =	shalt  }
0x7a: {  	_ =	shalt  }
0x7b: {  	_ =	shalt  }
0x7c: {  	_ =	shalt  }
0x7d: {  	_ =	shalt  }
0x7e: {  	_ =	shalt  }
0x7f: {  	_ =	shalt  }
0x80: {  	_ =	shalt  }
0x81: {  	_ =	shalt  }
0x82: {  	_ =	shalt  }
0x83: {  	_ =	shalt  }
0x84: {  	_ =	shalt  }
0x85: {  	_ =	shalt  }
0x86: {  	_ =	shalt  }
0x87: {  	_ =	shalt  }
.Lfunc_end0:
.L_simem_size_0:
called_computation.5_lowered:
.L_overlay_start_0:
0x88: {  	s2 =	sld [smem:$0x3FD9]  }
0x89: {  	s3 =	sld [smem:$0x3FFE];
	_ =	sdelay $0x1  }
0x8a: {  	s1 =	srdreg.scid  }
0x8b: {  	s0 =	sand.u32 $0x1, s1  }
0x8c: {  	s17 =	sshll.u32 s0, $0xA;
	s2 =	sadd.s32 s3, s2  }
0x8d: {  	s2 =	sadd.s32 s2, s17  }
0x8e: {  	[smem:$0x3F7C] =	sst s2  }
0x8f: {  	_ = 	snop  }
0x90: {  	(tm) =	ssettm $0x1  }
0x91: {  	s18 =	sld [smem:$0x3FFB];
	_ =	sdelay $0x3  }
0x92: {  	_ =	strace s18  }
0x93: {  	s2 =	sld [smem:$0x3FFC];
	_ =	sdelay $0x3  }
0x94: {  	_ =	strace s2  }
0x95: {  	s2 =	sld [smem:$0x3FFD];
	_ =	sdelay $0x3  }
0x96: {  	_ =	strace s2  }
0x97: {  	_ =	strace $0x8FFFFFFF  }
0x98: {  	s19 =	sld [smem:$0x3FDB];
	_ =	sdelay $0x1  }
0x99: {  	s20 =	simm.s32 $_scs_section_size  }
0x9a: {  	s4 =	simm.s32 $_size__tile_overlayer_lowered;
	s5 =	simm.s32 $_tile_overlayer_lowered  }
0x9b: {  	s6 =	simm.s32 $0x1BFF;
	s21 =	sshll.u32 s5, $0x1;
	s3 =	sadd.s32 s20, s19  }
0x9c: {  	s22 =	simm.s32 $0x0;
	s4 =	sshll.u32 s4, $0x1;
	s5 =	sadd.s32 s21, s3  }
0x9d: {  	[timem:s22], [sflag:s6] =	dma.local [hbm:s5], s4  }
0x9e: {  	_ =	swait.ge [sflag:s6], s4  }
0x9f: {  	s4 =	ssub.s32 $0x0, s4;
	[sflag:s6] =	ssyncset.done $0x0  }
0xa0: {  	[sflag:s6] =	ssyncadd.s32 s4;
	_ =	sdelay $0x1  }
0xa1: {  	s23 =	simm.s32 $0x1B8B  }
0xa2: {  	_ =	swait.ge [sflag:s23], $0x1  }
0xa3: {  	[sflag:s23] =	ssyncset.done $0x0  }
0xa4: {  	[sflag:s23] =	ssyncadd.s32 $0xFFFFFFFF  }
0xa5: {  	s4 =	sld [smem:$0x0]  }
0xa6: {  	s5 =	sand.u32 $0xFFFFFFFE, s1  }
0xa7: {  	p0 =	sne.s32 s1, s5  }
0xa8: {  	s5 =	sshll.u32 @p0 s5, $0xE  }
0xa9: {  	s5 =	sadd.s32 @p0 $0x11B8D, s5;
	s6 =	sshll.u32 @p0 s4, $0x11  }
0xaa: {  	s5 =	sor.u32 @p0 s6, s5  }
0xab: {  	[sflag:s5] =	ssyncadd.remote.s32 @p0 $0x1;
	_ =	sdelay $0x1  }
0xac: {  	s5 =	simm.s32 @p0 $0x1B8D  }
0xad: {  	_ =	swait.eq @p0 [sflag:s5], $0x1  }
0xae: {  	[sflag:s5] =	ssyncadd.s32 @p0 $0xFFFFFFFF  }
0xaf: {  	s6 =	sshll.u32 @!p0 s1, $0xE  }
0xb0: {  	s6 =	sor.u32 @!p0 $0x4000, s6;
	s5 =	simm.s32 @!p0 $0x1B8D  }
0xb1: {  	s4 =	sshll.u32 @!p0 s4, $0x11;
	s6 =	sadd.s32 @!p0 $0x11B8D, s6;
	_ =	swait.eq @!p0 [sflag:s5], $0x1  }
0xb2: {  	s4 =	sor.u32 @!p0 s4, s6;
	[sflag:s5] =	ssyncadd.s32 @!p0 $0xFFFFFFFF  }
0xb3: {  	s25 =	simm.s32 $0x1B8E;
	s24 =	sld [smem:$0x3FFE];
	[sflag:s4] =	ssyncadd.remote.s32 @!p0 $0x1  }
0xb4: {  	s26 =	simm.s32 $execute0_lowered;
	[smem:$0x3FD2] =	sst s25  }
0xb5: {  	s5 =	sshll.u32 s26, $0x1;
	_ =	strace $0x80000055;
	[dreg:$0x1] =	wrdreg $0xFFFFFFFF  }
0xb6: {  	s28 =	simm.s32 $_size_execute0_lowered;
	s3 =	sadd.s32 s3, s5;
	[dreg:$0x0] =	wrdreg $0x0  }
0xb7: {  	s5 =	sshll.u32 s28, $0x1;
	[dreg:$0x2] =	wrdreg s3  }
0xb8: {  	[dreg:$0x3] =	wrdreg s5  }
0xb9: {  	[dreg:$0x4] =	wrdreg $0xC0  }
0xba: {  	_ =	task [dreg:s22], $0x5FFFF  }
0xbb: {  	[dreg:$0x1] =	wrdreg $0xFFFFFFFF  }
0xbc: {  	[dreg:$0x0] =	wrdreg $0x60  }
0xbd: {  	[dreg:$0x2] =	wrdreg s24  }
0xbe: {  	[dreg:$0x3] =	wrdreg $0x51400  }
0xbf: {  	[dreg:$0x4] =	wrdreg $0xA  }
0xc0: {  	_ =	task.clear_ibuf [dreg:s22], $0x5FFFF;
	_ =	strace $0x90000055  }
0xc1: {  	s29 =	simm.s32 $0xA;
	_ =	strace $0x80000057  }
0xc2: {  	_ =	swait.ge [sflag:s29], $0x1  }
0xc3: {  	[sflag:s29] =	ssyncadd.s32 $0xFFFFFFFF  }
0xc4: {  	_ =	strace $0x90000057  }
0xc5: {  	_ =	sfence  }
0xc6: {  	s30 =	sld [smem:$0x0];
	_ =	sdelay $0x2  }
0xc7: {  	s31 =	sshll.u32 s1, $0xD;
	s1 =	sshrl.u32 s1, $0x2  }
0xc8: {  	s4 =	sand.u32 $0x4000, s31;
	s1 =	sadd.s32 s1, s30  }
0xc9: {  	s0 =	sor.u32 s4, s0;
	s1 =	sshll.u32 s1, $0x11  }
0xca: {  	s0 =	sor.u32 s1, s0  }
0xcb: {  	s0 =	sadd.s32 $0x8F2B, s0  }
0xcc: {  	[sflag:s0] =	ssyncadd.remote.s32 $0x1  }
0xcd: {  	_ =	sfence.sel $0xFFFF  }
0xce: {  	[dreg:$0x0] =	wrdreg $0xFFFFFFFF;
	(pc) =	sbr.abs _section_cstart, $3  }
0xcf: {  	[dreg:$0x1] =	wrdreg $0xFFFFFFFF  }
0xd0: {  	_ =	task.clear_ibuf [dreg:s22], $0x2FFFF;
	_ =	strace $0x9FFFFFFF  }
0xd1: {  	(tm) =	ssettm $0x7FFFFFFF  }
tec
execute0_lowered:
.L_overlay_start_1:
0x0: {  	(tag) =	ssettag $0x1  }
0x1: {  	s0 =	srdreg.scid  }
0x2: {  	s2 =	sand.u32 $0x1, s0  }
0x3: {  	s5 =	stileid.u32;
	s0 =	sshll.u32 s2, $0x4  }
0x4: {  	s6 =	sor.u32 s5, s0  }
0x5: {  	s4 =	rddreg [dreg:$0x0];
	s7 =	smul.u32 $0xA00, s6  }
0x6: {  	s8 =	sshll.u32 s2, $0xA;
	s2 =	ssub.s32 $0x2, s2;
	s6 =	smul.u32 $0x28, s6  }
0x7: {  	s14 =	sadd.s32 $0x8B400, s4;
	s30 =	sshrl.u32 s2, $0x1;
	s7 =	sadd.s32 s7, s4  }
0x8: {  	s6 =	sadd.s32 s6, s4;
	s4 =	sadd.s32 s8, s4;
	s8 =	ssub.s32 s2, s30  }
0x9: {  	s1 =	rddreg [dreg:$0x1];
	s31 =	smax.u32 s8, $0x1  }
0xa: {  	s3 =	simm.s32 $0x0;
	s13 =	simm.s32 $0x140;
	s18 =	sadd.s32 $0xFFFFFFFF, s31  }
0xb: {  	s11 =	simm.s32 $0x1540;
	s10 =	simm.s32 $0x2940;
	p2 =	sne.s32 s18, $0x0  }
.Ltmp0:
0xc: {  	s9 =	simm.s32 $0x3D40;
	[smem:$0x7FF] =	sst s3;
	(pc) =	sbr.rel @!p2 .LBB2_3-.Ltmp0, $4  }
0xd: {  	p1 =	por $0x0, $0x0;
	p0 =	sne.s32 s5, $0x0;
	s0 =	rddreg [dreg:$0x2]  }
0xe: {  	_ =	strace $0x80000056;
	s5 =	simm.s32 $0x1;
	s15 =	sadd.s32 $0x8AE00, s6  }
0xf: {  	s12 =	sadd.s32 $0xDA00, s7;
	s2 =	sadd.s32 $0x8B800, s4;
	s4 =	sshrl.u32 @!p0 s1, $0x3  }
0x10: {  	s6 =	simm.s32 $0x50;
	s8 =	simm.s32 $0xA0;
	s7 =	simm.s32 $0xF0  }
0x11: {  	s17 =	simm.s32 @!p0 $0x1C01;
	s16 =	simm.s32 @!p0 $0x1  }
0x12: {  	[spmem:s4], [sflag:s17] =	dma.local @!p0 [hbm:s14], $0x400  }
0x13: {  	_ =	swait.ge @!p0 [sflag:s16], $0x400  }
0x14: {  	[sflag:s16] =	ssyncset.done @!p0 $0x0  }
0x15: {  	[sflag:s16] =	ssyncadd.s32 @!p0 $0xFFFFFC00  }
0x16: {  	[tilespmem:s3], [sflag:$0x1] =	stream.linear.gather [hbm4b:s15+s3], $0x140, $0x38;
	[tilespmem:$0x5340] =	vst v63  }
0x17: {  	_ =	swait.ge [sflag:s5], $0x140  }
0x18: {  	[sflag:s5] =	ssyncset.done $0x0  }
0x19: {  	[sflag:s5] =	ssyncadd.s32 $0xFFFFFEC0  }
0x1a: {  	[tilespmem:s13], [sflag:$0x1] =	stream.linear.gather [hbm4b:s12+s3], $0x5000, $0x38;
	[tilespmem:$0x5340] =	vst v63  }
0x1b: {  	_ =	swait.ge [sflag:s5], $0x5000  }
0x1c: {  	[sflag:s5] =	ssyncset.done $0x0  }
0x1d: {  	[sflag:s5] =	ssyncadd.s32 $0xFFFFB000  }
0x1e: {  	[bflag:$0x0] =	sbarrier.arrive $0xFFFF  }
0x1f: {  	[spmem:s1] =	stream.indirect.scatter.add.f32 [tilespmem:s13], [sflag:$0x1], $0x40, s3, s6, $0xb8;
	[tilespmem:$0x5340] =	vst v63  }
0x20: {  	_ =	swait.ge [sflag:s5], $0x1400  }
0x21: {  	[sflag:s5] =	ssyncset.done $0x0  }
0x22: {  	[sflag:s5] =	ssyncadd.s32 $0xFFFFEC00  }
0x23: {  	[spmem:s1] =	stream.indirect.scatter.add.f32 [tilespmem:s11], [sflag:$0x1], $0x40, s6, s6, $0xb8;
	[tilespmem:$0x5340] =	vst v63  }
0x24: {  	_ =	swait.ge [sflag:s5], $0x1400  }
0x25: {  	[sflag:s5] =	ssyncset.done $0x0  }
0x26: {  	[sflag:s5] =	ssyncadd.s32 $0xFFFFEC00  }
0x27: {  	[spmem:s1] =	stream.indirect.scatter.add.f32 [tilespmem:s10], [sflag:$0x1], $0x40, s8, s6, $0xb8;
	[tilespmem:$0x5340] =	vst v63  }
0x28: {  	_ =	swait.ge [sflag:s5], $0x1400  }
0x29: {  	[sflag:s5] =	ssyncset.done $0x0  }
0x2a: {  	[sflag:s5] =	ssyncadd.s32 $0xFFFFEC00  }
0x2b: {  	[spmem:s1] =	stream.indirect.scatter.add.f32 [tilespmem:s9], [sflag:$0x1], $0x40, s7, s6, $0xb8;
	[tilespmem:$0x5340] =	vst v63  }
0x2c: {  	s18 =	sadd.s32 $0xFFFFFFFF, s18;
	_ =	swait.ge [sflag:s5], $0x1400  }
0x2d: {  	p2 =	sne.s32 s18, $0x0;
	[sflag:s5] =	ssyncset.done $0x0  }
.Ltmp1:
0x2e: {  	[sflag:s5] =	ssyncadd.s32 $0xFFFFEC00;
	(pc) =	sbr.rel @!p2 .LBB2_3-.Ltmp1, $4  }
0x2f: {  	[bflag:$0x0] =	sbarrier.arrive $0xFFFF  }
0x30: {  	[hbm:s2], [sflag:s17] =	dma.local @!p0 [spmem:s4], $0x400  }
0x31: {  	_ =	swait.ge @!p0 [sflag:s16], $0x400  }
0x32: {  	p1 =	por $0x1, $0x1;
	[sflag:s16] =	ssyncset.done @!p0 $0x0  }
.LBB2_2:
0x33: {  	[sflag:s16] =	ssyncadd.s32 @!p0 $0xFFFFFC00  }
0x34: {  	[spmem:s4], [sflag:s17] =	dma.local @!p0 [hbm:s14], $0x400  }
0x35: {  	s18 =	sadd.s32 $0xFFFFFFFF, s18;
	_ =	swait.ge @!p0 [sflag:s16], $0x400  }
0x36: {  	p2 =	sne.s32 s18, $0x0;
	[sflag:s16] =	ssyncset.done @!p0 $0x0  }
0x37: {  	[sflag:s16] =	ssyncadd.s32 @!p0 $0xFFFFFC00  }
0x38: {  	[tilespmem:s3], [sflag:$0x1] =	stream.linear.gather [hbm4b:s15+s3], $0x140, $0x38;
	[tilespmem:$0x5340] =	vst v63  }
0x39: {  	_ =	swait.ge [sflag:s5], $0x140  }
0x3a: {  	[sflag:s5] =	ssyncset.done $0x0  }
0x3b: {  	[sflag:s5] =	ssyncadd.s32 $0xFFFFFEC0  }
0x3c: {  	[tilespmem:s13], [sflag:$0x1] =	stream.linear.gather [hbm4b:s12+s3], $0x5000, $0x38;
	[tilespmem:$0x5340] =	vst v63  }
0x3d: {  	_ =	swait.ge [sflag:s5], $0x5000  }
0x3e: {  	[sflag:s5] =	ssyncset.done $0x0  }
0x3f: {  	[sflag:s5] =	ssyncadd.s32 $0xFFFFB000  }
0x40: {  	[bflag:$0x0] =	sbarrier.arrive $0xFFFF  }
0x41: {  	[spmem:s1] =	stream.indirect.scatter.add.f32 [tilespmem:s13], [sflag:$0x1], $0x40, s3, s6, $0xb8;
	[tilespmem:$0x5340] =	vst v63  }
0x42: {  	_ =	swait.ge [sflag:s5], $0x1400  }
0x43: {  	[sflag:s5] =	ssyncset.done $0x0  }
0x44: {  	[sflag:s5] =	ssyncadd.s32 $0xFFFFEC00  }
0x45: {  	[spmem:s1] =	stream.indirect.scatter.add.f32 [tilespmem:s11], [sflag:$0x1], $0x40, s6, s6, $0xb8;
	[tilespmem:$0x5340] =	vst v63  }
0x46: {  	_ =	swait.ge [sflag:s5], $0x1400  }
0x47: {  	[sflag:s5] =	ssyncset.done $0x0  }
0x48: {  	[sflag:s5] =	ssyncadd.s32 $0xFFFFEC00  }
0x49: {  	[spmem:s1] =	stream.indirect.scatter.add.f32 [tilespmem:s10], [sflag:$0x1], $0x40, s8, s6, $0xb8;
	[tilespmem:$0x5340] =	vst v63  }
0x4a: {  	_ =	swait.ge [sflag:s5], $0x1400  }
0x4b: {  	[sflag:s5] =	ssyncset.done $0x0  }
0x4c: {  	[sflag:s5] =	ssyncadd.s32 $0xFFFFEC00  }
0x4d: {  	[spmem:s1] =	stream.indirect.scatter.add.f32 [tilespmem:s9], [sflag:$0x1], $0x40, s7, s6, $0xb8;
	[tilespmem:$0x5340] =	vst v63  }
0x4e: {  	_ =	swait.ge [sflag:s5], $0x1400  }
0x4f: {  	[sflag:s5] =	ssyncset.done $0x0  }
.Ltmp2:
0x50: {  	[sflag:s5] =	ssyncadd.s32 $0xFFFFEC00;
	(pc) =	sbr.rel @p2 .LBB2_2-.Ltmp2, $4  }
0x51: {  	[bflag:$0x0] =	sbarrier.arrive $0xFFFF  }
0x52: {  	[hbm:s2], [sflag:s17] =	dma.local @!p0 [spmem:s4], $0x400  }
0x53: {  	_ =	swait.ge @!p0 [sflag:s16], $0x400  }
0x54: {  	[sflag:s16] =	ssyncset.done @!p0 $0x0  }
.LBB2_3:
0x55: {  	p1 =	por p0, !p1  }
0x56: {  	s17 =	simm.s32 @!p0 $0x1C01;
	s18 =	simm.s32 @!p0 $0x1;
	[sflag:s16] =	ssyncadd.s32 @!p1 $0xFFFFFC00  }
0x57: {  	[spmem:s4], [sflag:s17] =	dma.local @!p0 [hbm:s14], $0x400  }
0x58: {  	_ =	swait.ge @!p0 [sflag:s18], $0x400  }
0x59: {  	[sflag:s18] =	ssyncset.done @!p0 $0x0  }
0x5a: {  	[sflag:s18] =	ssyncadd.s32 @!p0 $0xFFFFFC00  }
0x5b: {  	[tilespmem:s3], [sflag:$0x1] =	stream.linear.gather [hbm4b:s15+s3], $0x140, $0x38;
	[tilespmem:$0x5340] =	vst v63  }
0x5c: {  	_ =	swait.ge [sflag:s5], $0x140  }
0x5d: {  	[sflag:s5] =	ssyncset.done $0x0  }
0x5e: {  	[sflag:s5] =	ssyncadd.s32 $0xFFFFFEC0  }
0x5f: {  	[tilespmem:s13], [sflag:$0x1] =	stream.linear.gather [hbm4b:s12+s3], $0x5000, $0x38;
	[tilespmem:$0x5340] =	vst v63  }
0x60: {  	_ =	swait.ge [sflag:s5], $0x5000  }
0x61: {  	[sflag:s5] =	ssyncset.done $0x0  }
0x62: {  	[sflag:s5] =	ssyncadd.s32 $0xFFFFB000  }
0x63: {  	[bflag:$0x0] =	sbarrier.arrive $0xFFFF  }
0x64: {  	[spmem:s1] =	stream.indirect.scatter.add.f32 [tilespmem:s13], [sflag:$0x1], $0x40, s3, s6, $0xb8;
	[tilespmem:$0x5340] =	vst v63  }
0x65: {  	_ =	swait.ge [sflag:s5], $0x1400  }
0x66: {  	[sflag:s5] =	ssyncset.done $0x0  }
0x67: {  	[sflag:s5] =	ssyncadd.s32 $0xFFFFEC00  }
0x68: {  	[spmem:s1] =	stream.indirect.scatter.add.f32 [tilespmem:s11], [sflag:$0x1], $0x40, s6, s6, $0xb8;
	[tilespmem:$0x5340] =	vst v63  }
0x69: {  	_ =	swait.ge [sflag:s5], $0x1400  }
0x6a: {  	[sflag:s5] =	ssyncset.done $0x0  }
0x6b: {  	[sflag:s5] =	ssyncadd.s32 $0xFFFFEC00  }
0x6c: {  	[spmem:s1] =	stream.indirect.scatter.add.f32 [tilespmem:s10], [sflag:$0x1], $0x40, s8, s6, $0xb8;
	[tilespmem:$0x5340] =	vst v63  }
0x6d: {  	_ =	swait.ge [sflag:s5], $0x1400  }
0x6e: {  	[sflag:s5] =	ssyncset.done $0x0  }
0x6f: {  	[sflag:s5] =	ssyncadd.s32 $0xFFFFEC00  }
0x70: {  	[spmem:s1] =	stream.indirect.scatter.add.f32 [tilespmem:s9], [sflag:$0x1], $0x40, s7, s6, $0xb8;
	[tilespmem:$0x5340] =	vst v63  }
0x71: {  	_ =	swait.ge [sflag:s5], $0x1400  }
0x72: {  	[sflag:s5] =	ssyncset.done $0x0  }
0x73: {  	[sflag:s5] =	ssyncadd.s32 $0xFFFFEC00  }
0x74: {  	[bflag:$0x0] =	sbarrier.arrive $0xFFFF  }
0x75: {  	[hbm:s2], [sflag:s17] =	dma.local @!p0 [spmem:s4], $0x400  }
0x76: {  	_ =	swait.ge @!p0 [sflag:s18], $0x400  }
0x77: {  	[sflag:s18] =	ssyncset.done @!p0 $0x0  }
0x78: {  	[sflag:s18] =	ssyncadd.s32 @!p0 $0xFFFFFC00  }
0x79: {  	_ =	sfence.sel $0x180000  }
0x7a: {  	[bflag:$0x0] =	sbarrier.arrive $0xFFFF  }
0x7b: {  	_ =	strace $0x90000056  }
0x7c: {  	s0 =	sadd.s32 @!p0 $0x100000, s0;
	[bflag:$0x2] =	sbarrier.arrive $0xFFFF  }
0x7d: {  	[sflag:s0] =	ssyncadd.tile.s32 @!p0 $0x1;
	_ =	shalt  }
.Lfunc_end2:
_tile_overlayer_lowered:
.L_overlay_start_2:
0x7e: {  	(tag) =	ssettag $0x2  }
0x7f: {  	s0 =	rddreg [dreg:$0x0];
	s2 =	stileid.u32  }
0x80: {  	s1 =	rddreg [dreg:$0x1];
	p0 =	sne.s32 s2, $0x0  }
0x81: {  	s3 =	rddreg [dreg:$0x2];
	[bflag:$0x3] =	sbarrier.arrive $0xFFFF;
	s2 =	simm.s32 @!p0 $0x1C01  }
0x82: {  	[timem:s3], [sflag:s2] =	dma.local @!p0 [hbm:s0], s1  }
0x83: {  	s0 =	simm.s32 @!p0 $0x1  }
0x84: {  	_ =	swait.ge @!p0 [sflag:s0], s1  }
0x85: {  	s1 =	ssub.s32 @!p0 $0x0, s1;
	[sflag:s0] =	ssyncset.done @!p0 $0x0  }
0x86: {  	[sflag:s0] =	ssyncadd.s32 @!p0 s1  }
0x87: {  	[bflag:$0x3] =	sbarrier.arrive $0xFFFF  }
0x88: {  	_ =	shalt  }

</sc_bundles>
